<compile_context>
chip_gen: v7x
topology: tpu7x:2x2x1
jax: 0.10.2.dev20260603
libtpu: 0.0.44.dev20260713+nightly
codegen_flags: <defaults>
</compile_context>

<pallas_src>
import functools

import jax
import jax.numpy as jnp
from jax import lax
from jax.experimental import pallas as pl
from jax.experimental.pallas import tpu as pltpu
from jax.experimental.pallas import tpu_sc as plsc

D = 256
KNN = 10



def _knn_body(xt_ref, xb_ref, w1_ref, h1_ref, idx_ref, *, R, B, TB, OFF):
    t = pl.program_id(0)
    base = (t % TB) * R
    boff = (t // TB) * B + OFF
    xt = xt_ref[...]
    xb = xb_ref[...]
    sq_t = jnp.sum(xt * xt, axis=1)
    sq_b = jnp.sum(xb * xb, axis=1)
    g = jnp.dot(xt, xb.T, preferred_element_type=jnp.float32)
    d2 = sq_t[:, None] + sq_b[None, :] - 2.0 * g
    row_iota = lax.broadcasted_iota(jnp.int32, (R, B), 0)
    col_iota = lax.broadcasted_iota(jnp.int32, (R, B), 1)
    d2 = jnp.where(col_iota == row_iota + base, d2 + 1e9, d2)
    adj = jnp.zeros((R, B), jnp.float32)
    js = []
    for _ in range(KNN):
        m = jnp.min(d2, axis=1)
        cand = jnp.where(d2 == m[:, None], col_iota, B)
        j = jnp.min(cand, axis=1)
        sel = col_iota == j[:, None]
        adj = adj + sel.astype(jnp.float32)
        d2 = jnp.where(sel, jnp.float32(1e30), d2)
        js.append(j)
    idx_ref[...] = jnp.stack(js, axis=1) + boff
    agg = (jnp.dot(adj, xb, preferred_element_type=jnp.float32) + xt) / 11.0
    h1_ref[...] = jnp.maximum(
        jnp.dot(agg, w1_ref[...], preferred_element_type=jnp.float32), 0.0)


def _knn(x, w1, B, R, OFF):
    N = x.shape[0]
    TB = B // R
    return pl.pallas_call(
        functools.partial(_knn_body, R=R, B=B, TB=TB, OFF=OFF),
        grid=(N // R,),
        in_specs=[
            pl.BlockSpec((R, D), lambda t: (t, 0)),
            pl.BlockSpec((B, D), lambda t: (t // TB, 0)),
            pl.BlockSpec((D, D), lambda t: (0, 0)),
        ],
        out_specs=[
            pl.BlockSpec((R, D), lambda t: (t, 0)),
            pl.BlockSpec((R, KNN), lambda t: (t, 0)),
        ],
        out_shape=[
            jax.ShapeDtypeStruct((N, D), jnp.float32),
            jax.ShapeDtypeStruct((N, KNN), jnp.int32),
        ],
    )(x, x, w1)



def _sc_agg(table, idx_flat):
    N = table.shape[0]
    NW = 32
    PER_W = N // NW
    P = 8
    G = P * KNN
    STEPS = PER_W // P
    mesh = plsc.VectorSubcoreMesh(core_axis_name="c", subcore_axis_name="s",
                                  num_cores=2, num_subcores=16)

    @functools.partial(
        pl.kernel,
        mesh=mesh,
        out_type=jax.ShapeDtypeStruct((N, D), jnp.float32),
        scratch_types=[
            pltpu.VMEM((PER_W * KNN,), jnp.int32),
            pltpu.VMEM((G, D), jnp.float32),
            pltpu.VMEM((G, D), jnp.float32),
            pltpu.VMEM((P, D), jnp.float32),
            pltpu.SemaphoreType.DMA,
            pltpu.SemaphoreType.DMA,
        ],
    )
    def k(tab_hbm, idx_hbm, out_hbm, idx_v, rows0, rows1, acc_v, sem0, sem1):
        wid = lax.axis_index("s") * 2 + lax.axis_index("c")
        base = wid * PER_W
        pltpu.sync_copy(idx_hbm.at[pl.ds(base * KNN, PER_W * KNN)], idx_v)
        rows = (rows0, rows1)
        sems = (sem0, sem1)
        NB = 2

        def fire(st, b):
            off = pl.multiple_of(st * G, 8)
            pltpu.async_copy(tab_hbm.at[idx_v.at[pl.ds(off, G)]], rows[b],
                             sems[b])

        def drain(b):
            pltpu.make_async_copy(tab_hbm.at[idx_v.at[pl.ds(0, G)]], rows[b],
                                  sems[b]).wait()

        fire(0, 0)

        def gbody(gi, carry):
            for b in range(NB):
                st = gi * NB + b
                drain(b)

                @pl.when(st + 1 < STEPS)
                def _():
                    fire(st + 1, 1 - b)

                rv = rows[b]

                def pbody(p, c2):
                    r0 = p * KNN
                    for dc in range(D // 16):
                        sl = pl.ds(dc * 16, 16)
                        acc = rv[r0, sl]
                        for j in range(1, KNN):
                            acc = acc + rv[r0 + j, sl]
                        acc_v[p, sl] = acc
                    return c2

                lax.fori_loop(0, P, pbody, 0)
                node0 = pl.multiple_of(base + st * P, 8)
                pltpu.sync_copy(acc_v, out_hbm.at[pl.ds(node0, P)])
            return carry

        lax.fori_loop(0, STEPS // NB, gbody, 0)

    return k(table, idx_flat)



def _norm_body(x_ref, hn_ref):
    x = x_ref[...]
    hn_ref[...] = x / (jnp.sqrt(jnp.sum(x * x, axis=1, keepdims=True)) + 1e-12)


def _norm(x, R=512):
    N = x.shape[0]
    return pl.pallas_call(
        _norm_body,
        grid=(N // R,),
        in_specs=[pl.BlockSpec((R, D), lambda t: (t, 0))],
        out_specs=pl.BlockSpec((R, D), lambda t: (t, 0)),
        out_shape=jax.ShapeDtypeStruct((N, D), jnp.float32),
    )(x)


def _gcn2_body(x_ref, agg_ref, w_ref, hn2_ref):
    x = x_ref[...]
    h = (agg_ref[...] + x) / 11.0
    h = jnp.maximum(jnp.dot(h, w_ref[...], preferred_element_type=jnp.float32),
                    0.0)
    hn2_ref[...] = h / (jnp.sqrt(jnp.sum(h * h, axis=1, keepdims=True)) + 1e-12)


def _gcn2(x, agg, w, R=512):
    N = x.shape[0]
    return pl.pallas_call(
        _gcn2_body,
        grid=(N // R,),
        in_specs=[
            pl.BlockSpec((R, D), lambda t: (t, 0)),
            pl.BlockSpec((R, D), lambda t: (t, 0)),
            pl.BlockSpec((D, D), lambda t: (0, 0)),
        ],
        out_specs=pl.BlockSpec((R, D), lambda t: (t, 0)),
        out_shape=jax.ShapeDtypeStruct((N, D), jnp.float32),
    )(x, agg, w)



def _sim1_body(q_ref, g_ref, s_ref):
    s_ref[...] = jnp.dot(q_ref[...], g_ref[...].T,
                         preferred_element_type=jnp.float32)


def _sim1(qn, gn, TQ=512, TG=2048):
    NQ, NG = qn.shape[0], gn.shape[0]
    return pl.pallas_call(
        _sim1_body,
        grid=(NQ // TQ, NG // TG),
        in_specs=[
            pl.BlockSpec((TQ, D), lambda i, j: (i, 0)),
            pl.BlockSpec((TG, D), lambda i, j: (j, 0)),
        ],
        out_specs=pl.BlockSpec((TQ, TG), lambda i, j: (i, j)),
        out_shape=jax.ShapeDtypeStruct((NQ, NG), jnp.float32),
    )(qn, gn)


def kernel(qf, gf, W1, W2):
    NQ = qf.shape[0]
    qh1, qidx = _knn(qf, W1, B=1024, R=256, OFF=0)
    gh1, gidx = _knn(gf, W1, B=4096, R=256, OFF=NQ)
    h1 = jnp.concatenate([qh1, gh1], axis=0)
    idx_flat = jnp.concatenate([qidx, gidx], axis=0).reshape(-1)
    agg2 = _sc_agg(h1, idx_flat)
    hn1 = _norm(h1)
    S0 = _sim1(hn1[:NQ], hn1[NQ:])
    hn2 = _gcn2(h1, agg2, W2)
    SL = _sim1(hn2[:NQ], hn2[NQ:])
    return S0, SL

# --- scband reference (transcript-rebuilt; emitter-appended) ---
"""Pipeline reference for scband-graph-test-21560735825923 (READ-ONLY COPY).

The authoritative reference and input builder live on the scoring server;
editing this copy changes nothing except your own understanding.
"""

import jax, jax.numpy as jnp
import numpy as np

D = 256
K = 10
Q_BATCH = 1024
G_BATCH = 4096
Q_NUM = 2048
G_NUM = 8192


def setup_inputs(seed: int = 0) -> dict:
    key = jax.random.key(seed)
    k1, k2, k3, k4 = jax.random.split(key, 4)
    qf = jax.random.normal(k1, (Q_NUM, D), dtype=jnp.float32)
    gf = jax.random.normal(k2, (G_NUM, D), dtype=jnp.float32)
    W1 = jax.random.normal(k3, (D, D), dtype=jnp.float32) * 0.05
    W2 = jax.random.normal(k4, (D, D), dtype=jnp.float32) * 0.05
    return {"qf": qf, "gf": gf, "W1": W1, "W2": W2}


def knn_edge_index(feat, k):
    # Compute_edge_no_weight: kNN graph from pairwise euclidean distances
    sq = jnp.sum(feat * feat, axis=1)
    d2 = sq[:, None] + sq[None, :] - 2.0 * (feat @ feat.T)
    n = feat.shape[0]
    d2 = d2 + jnp.eye(n, dtype=feat.dtype) * 1e9  # exclude self-loops
    _, idx = jax.lax.top_k(-d2, k)  # [n, k] nearest neighbor indices
    src = idx.reshape(-1)
    dst = jnp.repeat(jnp.arange(n), k)
    return jnp.stack([src, dst], axis=0)  # [2, n*k]


def gcn_layer(x, edge_index, W):
    # mean-aggregation graph conv (stand-in for self.model GCN layer)
    src, dst = edge_index[0], edge_index[1]
    n = x.shape[0]
    agg = jax.ops.segment_sum(x[src], dst, num_segments=n)
    deg = jax.ops.segment_sum(jnp.ones(src.shape, x.dtype), dst, num_segments=n)
    agg = (agg + x) / (deg + 1.0)[:, None]
    return jax.nn.relu(agg @ W)


def l2norm(x):
    return x / (jnp.linalg.norm(x, axis=1, keepdims=True) + 1e-12)


def reference(qf, gf, W1, W2):
    q_num, g_num = qf.shape[0], gf.shape[0]
    S0 = jnp.zeros((q_num, g_num), jnp.float32)
    SL = jnp.zeros((q_num, g_num), jnp.float32)
    # deterministic batching (random.shuffle replaced by identity order)
    q_ids = np.arange(q_num).reshape(-1, Q_BATCH)
    g_ids = np.arange(g_num).reshape(-1, G_BATCH)
    for qb in q_ids:
        qf_b = qf[qb]
        eq = knn_edge_index(qf_b, K)
        qf1 = gcn_layer(qf_b, eq, W1)
        for gb in g_ids:
            gf_b = gf[gb]
            eg = knn_edge_index(gf_b, K)
            gf1 = gcn_layer(gf_b, eg, W1)
            s0 = l2norm(qf1) @ l2norm(gf1).T
            qf2 = gcn_layer(qf1, eq, W2)
            gf2 = gcn_layer(gf1, eg, W2)
            sl = l2norm(qf2) @ l2norm(gf2).T
            S0 = S0.at[qb[:, None], gb[None, :]].set(s0)
            SL = SL.at[qb[:, None], gb[None, :]].set(sl)
    return S0, SL

if __name__ == "__main__":
    import jax
    _d = setup_inputs()
    print(jax.jit(kernel)(*tuple(_d.values())))

</pallas_src>

<mosaic_0001>
#map = affine_map<(d0, d1) -> (0, 0)>
#map1 = affine_map<(d0, d1) -> (0)>
module attributes {stable_mosaic.version = 14 : i64} {
  func.func @k(%arg0: i32, %arg1: i32, %arg2: memref<10240x256xf32, #tpu.memory_space<hbm>>, %arg3: memref<102400xi32, #tpu.memory_space<hbm>>, %arg4: memref<10240x256xf32, #tpu.memory_space<hbm>>, %arg5: memref<3200xi32, #tpu.memory_space<vmem>>, %arg6: memref<80x256xf32, #tpu.memory_space<vmem>>, %arg7: memref<80x256xf32, #tpu.memory_space<vmem>>, %arg8: memref<8x256xf32, #tpu.memory_space<vmem>>, %arg9: memref<!tpu.dma_semaphore, #tpu.memory_space<semaphore_mem>>, %arg10: memref<!tpu.dma_semaphore, #tpu.memory_space<semaphore_mem>>) attributes {dimension_semantics = [#tpu.dimension_semantics<core_parallel>, #tpu.dimension_semantics<subcore_parallel>], iteration_bounds = array<i64: 2, 16>, scalar_prefetch = 0 : i64, scratch_operands = 6 : i64, tpu.core_type = #tpu.core_type<sc_vector_subcore>, window_params = [{transform_indices = #map}, {transform_indices = #map1}, {transform_indices = #map}]} {
    %mul3A = arith.constant 2 : i32
    %mul3A_0 = arith.muli %arg1, %mul3A : i32
    %add3A = arith.addi %mul3A_0, %arg0 : i32
    %mul3A_1 = arith.constant 320 : i32
    %mul3A_2 = arith.muli %add3A, %mul3A_1 : i32
    %mul3A_3 = arith.constant 10 : i32
    %mul3A_4 = arith.muli %mul3A_2, %mul3A_3 : i32
    "tpu.region"() ({
      %run_scoped3A = tpu.sem_alloc : memref<!tpu.dma_semaphore, #tpu.memory_space<semaphore_mem>>
      %dma_start3A_14 = tpu.memref_slice %arg3[%mul3A_4] : memref<102400xi32, #tpu.memory_space<hbm>> -> memref<3200xi32, #tpu.memory_space<hbm>>
      %dma_start3A_15 = tpu.memref_slice %arg3[%mul3A_4] : memref<102400xi32, #tpu.memory_space<hbm>> -> memref<3200xi32, #tpu.memory_space<hbm>>
      tpu.enqueue_dma source(%dma_start3A_15 : memref<3200xi32, #tpu.memory_space<hbm>>) target(%arg5 : memref<3200xi32, #tpu.memory_space<vmem>>) target_semaphore(%run_scoped3A : memref<!tpu.dma_semaphore, #tpu.memory_space<semaphore_mem>>)
      %dma_wait3A = tpu.memref_slice %arg3[%mul3A_4] : memref<102400xi32, #tpu.memory_space<hbm>> -> memref<3200xi32, #tpu.memory_space<hbm>>
      %dma_wait3A_16 = tpu.memref_slice %arg3[%mul3A_4] : memref<102400xi32, #tpu.memory_space<hbm>> -> memref<3200xi32, #tpu.memory_space<hbm>>
      tpu.wait_dma2 semaphore(%run_scoped3A : memref<!tpu.dma_semaphore, #tpu.memory_space<semaphore_mem>>) src(%dma_wait3A_16 : memref<3200xi32, #tpu.memory_space<hbm>>) dst(%arg5 : memref<3200xi32, #tpu.memory_space<vmem>>)
      tpu.yield
    }) : () -> ()
    %multiple_of3A = arith.constant 0 : i32
    %multiple_of3A_5 = tpu.assume_multiple %multiple_of3A, 8 : i32
    %dma_start3A = tpu.memref_slice %arg5[%multiple_of3A_5] : memref<3200xi32, #tpu.memory_space<vmem>> -> memref<80xi32, #tpu.memory_space<vmem>>
    %dma_start3A_6 = arith.constant 0 : i32
    %dma_start3A_7 = arith.constant 0 : i32
    %dma_start3A_8 = tpu.memref_slice %arg2[%dma_start3A_6, %dma_start3A_7] : memref<10240x256xf32, #tpu.memory_space<hbm>> -> memref<10240x256xf32, #tpu.memory_space<hbm>>
    tpu.enqueue_indirect_dma source(%dma_start3A_8 : memref<10240x256xf32, #tpu.memory_space<hbm>>) target(%arg6 : memref<80x256xf32, #tpu.memory_space<vmem>>) offsets(%dma_start3A : memref<80xi32, #tpu.memory_space<vmem>>) semaphore(%arg9 : memref<!tpu.dma_semaphore, #tpu.memory_space<semaphore_mem>>)
    %scan3A = arith.constant 0 : i32
    %scan3A_9 = arith.constant 0 : i32
    %scan3A_10 = arith.constant 20 : i32
    %scan3A_11 = arith.addi %scan3A_9, %scan3A_10 : i32
    %scan3A_12 = arith.constant 1 : i32
    scf.for %scan3A_14 = %scan3A_9 to %scan3A_11 step %scan3A_12  : i32 {
      %mul3A_15 = arith.constant 2 : i32
      %mul3A_16 = arith.muli %scan3A_14, %mul3A_15 : i32
      %add3A_17 = arith.constant 0 : i32
      %add3A_18 = arith.addi %mul3A_16, %add3A_17 : i32
      %dma_wait3A = arith.constant 0 : i32
      %dma_wait3A_19 = tpu.memref_slice %arg5[%dma_wait3A] : memref<3200xi32, #tpu.memory_space<vmem>> -> memref<80xi32, #tpu.memory_space<vmem>>
      %dma_wait3A_20 = arith.constant 0 : i32
      %dma_wait3A_21 = arith.constant 0 : i32
      %dma_wait3A_22 = tpu.memref_slice %arg2[%dma_wait3A_20, %dma_wait3A_21] : memref<10240x256xf32, #tpu.memory_space<hbm>> -> memref<10240x256xf32, #tpu.memory_space<hbm>>
      tpu.wait_indirect_dma semaphore(%arg9 : memref<!tpu.dma_semaphore, #tpu.memory_space<semaphore_mem>>) src(%dma_wait3A_22 : memref<10240x256xf32, #tpu.memory_space<hbm>>) dst(%arg6 : memref<80x256xf32, #tpu.memory_space<vmem>>)
      %add3A_23 = arith.constant 1 : i32
      %add3A_24 = arith.addi %add3A_18, %add3A_23 : i32
      %lt3A = arith.constant 40 : i32
      %lt3A_25 = arith.cmpi slt, %add3A_24, %lt3A : i32
      %convert_element_type3A = arith.extui %lt3A_25 : i1 to i32
      %cond3A = arith.constant 0 : i32
      %cond3A_26 = arith.cmpi ne, %convert_element_type3A, %cond3A : i32
      scf.if %cond3A_26 {
        %add3A_63 = arith.constant 1 : i32
        %add3A_64 = arith.addi %add3A_18, %add3A_63 : i32
        %mul3A_65 = arith.constant 80 : i32
        %mul3A_66 = arith.muli %add3A_64, %mul3A_65 : i32
        %multiple_of3A_67 = tpu.assume_multiple %mul3A_66, 8 : i32
        %dma_start3A_68 = tpu.memref_slice %arg5[%multiple_of3A_67] : memref<3200xi32, #tpu.memory_space<vmem>> -> memref<80xi32, #tpu.memory_space<vmem>>
        %dma_start3A_69 = arith.constant 0 : i32
        %dma_start3A_70 = arith.constant 0 : i32
        %dma_start3A_71 = tpu.memref_slice %arg2[%dma_start3A_69, %dma_start3A_70] : memref<10240x256xf32, #tpu.memory_space<hbm>> -> memref<10240x256xf32, #tpu.memory_space<hbm>>
        tpu.enqueue_indirect_dma source(%dma_start3A_71 : memref<10240x256xf32, #tpu.memory_space<hbm>>) target(%arg7 : memref<80x256xf32, #tpu.memory_space<vmem>>) offsets(%dma_start3A_68 : memref<80xi32, #tpu.memory_space<vmem>>) semaphore(%arg10 : memref<!tpu.dma_semaphore, #tpu.memory_space<semaphore_mem>>)
      } else {
      }
      %scan3A_27 = arith.constant 0 : i32
      %scan3A_28 = arith.constant 0 : i32
      %scan3A_29 = arith.constant 8 : i32
      %scan3A_30 = arith.addi %scan3A_28, %scan3A_29 : i32
      %scan3A_31 = arith.constant 1 : i32
      scf.for %scan3A_63 = %scan3A_28 to %scan3A_30 step %scan3A_31  : i32 {
        %mul3A_64 = arith.constant 10 : i32
        %mul3A_65 = arith.muli %scan3A_63, %mul3A_64 : i32
        %get3A = arith.index_cast %mul3A_65 : i32 to index
        %get3A_66 = arith.constant 0 : index
        %get3A_67 = tpu.vector_load %arg6[%get3A, %get3A_66] {strides = array<i32>} : memref<80x256xf32, #tpu.memory_space<vmem>>, vector<1x16xf32>,
        %get3A_68 = vector.shape_cast %get3A_67 : vector<1x16xf32> to vector<16xf32>
        %add3A_69 = arith.constant 1 : i32
        %add3A_70 = arith.addi %mul3A_65, %add3A_69 : i32
        %get3A_71 = arith.index_cast %add3A_70 : i32 to index
        %get3A_72 = arith.constant 0 : index
        %get3A_73 = tpu.vector_load %arg6[%get3A_71, %get3A_72] {strides = array<i32>} : memref<80x256xf32, #tpu.memory_space<vmem>>, vector<1x16xf32>,
        %get3A_74 = vector.shape_cast %get3A_73 : vector<1x16xf32> to vector<16xf32>
        %add3A_75 = arith.addf %get3A_68, %get3A_74 : vector<16xf32>
        %add3A_76 = arith.constant 2 : i32
        %add3A_77 = arith.addi %mul3A_65, %add3A_76 : i32
        %get3A_78 = arith.index_cast %add3A_77 : i32 to index
        %get3A_79 = arith.constant 0 : index
        %get3A_80 = tpu.vector_load %arg6[%get3A_78, %get3A_79] {strides = array<i32>} : memref<80x256xf32, #tpu.memory_space<vmem>>, vector<1x16xf32>,
        %get3A_81 = vector.shape_cast %get3A_80 : vector<1x16xf32> to vector<16xf32>
        %add3A_82 = arith.addf %add3A_75, %get3A_81 : vector<16xf32>
        %add3A_83 = arith.constant 3 : i32
        %add3A_84 = arith.addi %mul3A_65, %add3A_83 : i32
        %get3A_85 = arith.index_cast %add3A_84 : i32 to index
        %get3A_86 = arith.constant 0 : index
        %get3A_87 = tpu.vector_load %arg6[%get3A_85, %get3A_86] {strides = array<i32>} : memref<80x256xf32, #tpu.memory_space<vmem>>, vector<1x16xf32>,
        %get3A_88 = vector.shape_cast %get3A_87 : vector<1x16xf32> to vector<16xf32>
        %add3A_89 = arith.addf %add3A_82, %get3A_88 : vector<16xf32>
        %add3A_90 = arith.constant 4 : i32
        %add3A_91 = arith.addi %mul3A_65, %add3A_90 : i32
        %get3A_92 = arith.index_cast %add3A_91 : i32 to index
        %get3A_93 = arith.constant 0 : index
        %get3A_94 = tpu.vector_load %arg6[%get3A_92, %get3A_93] {strides = array<i32>} : memref<80x256xf32, #tpu.memory_space<vmem>>, vector<1x16xf32>,
        %get3A_95 = vector.shape_cast %get3A_94 : vector<1x16xf32> to vector<16xf32>
        %add3A_96 = arith.addf %add3A_89, %get3A_95 : vector<16xf32>
        %add3A_97 = arith.constant 5 : i32
        %add3A_98 = arith.addi %mul3A_65, %add3A_97 : i32
        %get3A_99 = arith.index_cast %add3A_98 : i32 to index
        %get3A_100 = arith.constant 0 : index
        %get3A_101 = tpu.vector_load %arg6[%get3A_99, %get3A_100] {strides = array<i32>} : memref<80x256xf32, #tpu.memory_space<vmem>>, vector<1x16xf32>,
        %get3A_102 = vector.shape_cast %get3A_101 : vector<1x16xf32> to vector<16xf32>
        %add3A_103 = arith.addf %add3A_96, %get3A_102 : vector<16xf32>
        %add3A_104 = arith.constant 6 : i32
        %add3A_105 = arith.addi %mul3A_65, %add3A_104 : i32
        %get3A_106 = arith.index_cast %add3A_105 : i32 to index
        %get3A_107 = arith.constant 0 : index
        %get3A_108 = tpu.vector_load %arg6[%get3A_106, %get3A_107] {strides = array<i32>} : memref<80x256xf32, #tpu.memory_space<vmem>>, vector<1x16xf32>,
        %get3A_109 = vector.shape_cast %get3A_108 : vector<1x16xf32> to vector<16xf32>
        %add3A_110 = arith.addf %add3A_103, %get3A_109 : vector<16xf32>
        %add3A_111 = arith.constant 7 : i32
        %add3A_112 = arith.addi %mul3A_65, %add3A_111 : i32
        %get3A_113 = arith.index_cast %add3A_112 : i32 to index
        %get3A_114 = arith.constant 0 : index
        %get3A_115 = tpu.vector_load %arg6[%get3A_113, %get3A_114] {strides = array<i32>} : memref<80x256xf32, #tpu.memory_space<vmem>>, vector<1x16xf32>,
        %get3A_116 = vector.shape_cast %get3A_115 : vector<1x16xf32> to vector<16xf32>
        %add3A_117 = arith.addf %add3A_110, %get3A_116 : vector<16xf32>
        %add3A_118 = arith.constant 8 : i32
        %add3A_119 = arith.addi %mul3A_65, %add3A_118 : i32
        %get3A_120 = arith.index_cast %add3A_119 : i32 to index
        %get3A_121 = arith.constant 0 : index
        %get3A_122 = tpu.vector_load %arg6[%get3A_120, %get3A_121] {strides = array<i32>} : memref<80x256xf32, #tpu.memory_space<vmem>>, vector<1x16xf32>,
        %get3A_123 = vector.shape_cast %get3A_122 : vector<1x16xf32> to vector<16xf32>
        %add3A_124 = arith.addf %add3A_117, %get3A_123 : vector<16xf32>
        %add3A_125 = arith.constant 9 : i32
        %add3A_126 = arith.addi %mul3A_65, %add3A_125 : i32
        %get3A_127 = arith.index_cast %add3A_126 : i32 to index
        %get3A_128 = arith.constant 0 : index
        %get3A_129 = tpu.vector_load %arg6[%get3A_127, %get3A_128] {strides = array<i32>} : memref<80x256xf32, #tpu.memory_space<vmem>>, vector<1x16xf32>,
        %get3A_130 = vector.shape_cast %get3A_129 : vector<1x16xf32> to vector<16xf32>
        %add3A_131 = arith.addf %add3A_124, %get3A_130 : vector<16xf32>
        %swap3A = arith.index_cast %scan3A_63 : i32 to index
        %swap3A_132 = arith.constant 0 : index
        %swap3A_133 = tpu.vector_load %arg8[%swap3A, %swap3A_132] {strides = array<i32>} : memref<8x256xf32, #tpu.memory_space<vmem>>, vector<1x16xf32>,
        %swap3A_134 = vector.shape_cast %swap3A_133 : vector<1x16xf32> to vector<16xf32>
        %swap3A_135 = vector.shape_cast %add3A_131 : vector<16xf32> to vector<1x16xf32>
        tpu.vector_store %arg8[%swap3A, %swap3A_132], %swap3A_135 {strides = array<i32>} : memref<8x256xf32, #tpu.memory_space<vmem>>, vector<1x16xf32>,
        %get3A_136 = arith.index_cast %mul3A_65 : i32 to index
        %get3A_137 = arith.constant 16 : index
        %get3A_138 = tpu.vector_load %arg6[%get3A_136, %get3A_137] {strides = array<i32>} : memref<80x256xf32, #tpu.memory_space<vmem>>, vector<1x16xf32>,
        %get3A_139 = vector.shape_cast %get3A_138 : vector<1x16xf32> to vector<16xf32>
        %add3A_140 = arith.constant 1 : i32
        %add3A_141 = arith.addi %mul3A_65, %add3A_140 : i32
        %get3A_142 = arith.index_cast %add3A_141 : i32 to index
        %get3A_143 = arith.constant 16 : index
        %get3A_144 = tpu.vector_load %arg6[%get3A_142, %get3A_143] {strides = array<i32>} : memref<80x256xf32, #tpu.memory_space<vmem>>, vector<1x16xf32>,
        %get3A_145 = vector.shape_cast %get3A_144 : vector<1x16xf32> to vector<16xf32>
        %add3A_146 = arith.addf %get3A_139, %get3A_145 : vector<16xf32>
        %add3A_147 = arith.constant 2 : i32
        %add3A_148 = arith.addi %mul3A_65, %add3A_147 : i32
        %get3A_149 = arith.index_cast %add3A_148 : i32 to index
        %get3A_150 = arith.constant 16 : index
        %get3A_151 = tpu.vector_load %arg6[%get3A_149, %get3A_150] {strides = array<i32>} : memref<80x256xf32, #tpu.memory_space<vmem>>, vector<1x16xf32>,
        %get3A_152 = vector.shape_cast %get3A_151 : vector<1x16xf32> to vector<16xf32>
        %add3A_153 = arith.addf %add3A_146, %get3A_152 : vector<16xf32>
        %add3A_154 = arith.constant 3 : i32
        %add3A_155 = arith.addi %mul3A_65, %add3A_154 : i32
        %get3A_156 = arith.index_cast %add3A_155 : i32 to index
        %get3A_157 = arith.constant 16 : index
        %get3A_158 = tpu.vector_load %arg6[%get3A_156, %get3A_157] {strides = array<i32>} : memref<80x256xf32, #tpu.memory_space<vmem>>, vector<1x16xf32>,
        %get3A_159 = vector.shape_cast %get3A_158 : vector<1x16xf32> to vector<16xf32>
        %add3A_160 = arith.addf %add3A_153, %get3A_159 : vector<16xf32>
        %add3A_161 = arith.constant 4 : i32
        %add3A_162 = arith.addi %mul3A_65, %add3A_161 : i32
        %get3A_163 = arith.index_cast %add3A_162 : i32 to index
        %get3A_164 = arith.constant 16 : index
        %get3A_165 = tpu.vector_load %arg6[%get3A_163, %get3A_164] {strides = array<i32>} : memref<80x256xf32, #tpu.memory_space<vmem>>, vector<1x16xf32>,
        %get3A_166 = vector.shape_cast %get3A_165 : vector<1x16xf32> to vector<16xf32>
        %add3A_167 = arith.addf %add3A_160, %get3A_166 : vector<16xf32>
        %add3A_168 = arith.constant 5 : i32
        %add3A_169 = arith.addi %mul3A_65, %add3A_168 : i32
        %get3A_170 = arith.index_cast %add3A_169 : i32 to index
        %get3A_171 = arith.constant 16 : index
        %get3A_172 = tpu.vector_load %arg6[%get3A_170, %get3A_171] {strides = array<i32>} : memref<80x256xf32, #tpu.memory_space<vmem>>, vector<1x16xf32>,
        %get3A_173 = vector.shape_cast %get3A_172 : vector<1x16xf32> to vector<16xf32>
        %add3A_174 = arith.addf %add3A_167, %get3A_173 : vector<16xf32>
        %add3A_175 = arith.constant 6 : i32
        %add3A_176 = arith.addi %mul3A_65, %add3A_175 : i32
        %get3A_177 = arith.index_cast %add3A_176 : i32 to index
        %get3A_178 = arith.constant 16 : index
        %get3A_179 = tpu.vector_load %arg6[%get3A_177, %get3A_178] {strides = array<i32>} : memref<80x256xf32, #tpu.memory_space<vmem>>, vector<1x16xf32>,
        %get3A_180 = vector.shape_cast %get3A_179 : vector<1x16xf32> to vector<16xf32>
        %add3A_181 = arith.addf %add3A_174, %get3A_180 : vector<16xf32>
        %add3A_182 = arith.constant 7 : i32
        %add3A_183 = arith.addi %mul3A_65, %add3A_182 : i32
        %get3A_184 = arith.index_cast %add3A_183 : i32 to index
        %get3A_185 = arith.constant 16 : index
        %get3A_186 = tpu.vector_load %arg6[%get3A_184, %get3A_185] {strides = array<i32>} : memref<80x256xf32, #tpu.memory_space<vmem>>, vector<1x16xf32>,
        %get3A_187 = vector.shape_cast %get3A_186 : vector<1x16xf32> to vector<16xf32>
        %add3A_188 = arith.addf %add3A_181, %get3A_187 : vector<16xf32>
        %add3A_189 = arith.constant 8 : i32
        %add3A_190 = arith.addi %mul3A_65, %add3A_189 : i32
        %get3A_191 = arith.index_cast %add3A_190 : i32 to index
        %get3A_192 = arith.constant 16 : index
        %get3A_193 = tpu.vector_load %arg6[%get3A_191, %get3A_192] {strides = array<i32>} : memref<80x256xf32, #tpu.memory_space<vmem>>, vector<1x16xf32>,
        %get3A_194 = vector.shape_cast %get3A_193 : vector<1x16xf32> to vector<16xf32>
        %add3A_195 = arith.addf %add3A_188, %get3A_194 : vector<16xf32>
        %add3A_196 = arith.constant 9 : i32
        %add3A_197 = arith.addi %mul3A_65, %add3A_196 : i32
        %get3A_198 = arith.index_cast %add3A_197 : i32 to index
        %get3A_199 = arith.constant 16 : index
        %get3A_200 = tpu.vector_load %arg6[%get3A_198, %get3A_199] {strides = array<i32>} : memref<80x256xf32, #tpu.memory_space<vmem>>, vector<1x16xf32>,
        %get3A_201 = vector.shape_cast %get3A_200 : vector<1x16xf32> to vector<16xf32>
        %add3A_202 = arith.addf %add3A_195, %get3A_201 : vector<16xf32>
        %swap3A_203 = arith.index_cast %scan3A_63 : i32 to index
        %swap3A_204 = arith.constant 16 : index
        %swap3A_205 = tpu.vector_load %arg8[%swap3A_203, %swap3A_204] {strides = array<i32>} : memref<8x256xf32, #tpu.memory_space<vmem>>, vector<1x16xf32>,
        %swap3A_206 = vector.shape_cast %swap3A_205 : vector<1x16xf32> to vector<16xf32>
        %swap3A_207 = vector.shape_cast %add3A_202 : vector<16xf32> to vector<1x16xf32>
        tpu.vector_store %arg8[%swap3A_203, %swap3A_204], %swap3A_207 {strides = array<i32>} : memref<8x256xf32, #tpu.memory_space<vmem>>, vector<1x16xf32>,
        %get3A_208 = arith.index_cast %mul3A_65 : i32 to index
        %get3A_209 = arith.constant 32 : index
        %get3A_210 = tpu.vector_load %arg6[%get3A_208, %get3A_209] {strides = array<i32>} : memref<80x256xf32, #tpu.memory_space<vmem>>, vector<1x16xf32>,
        %get3A_211 = vector.shape_cast %get3A_210 : vector<1x16xf32> to vector<16xf32>
        %add3A_212 = arith.constant 1 : i32
        %add3A_213 = arith.addi %mul3A_65, %add3A_212 : i32
        %get3A_214 = arith.index_cast %add3A_213 : i32 to index
        %get3A_215 = arith.constant 32 : index
        %get3A_216 = tpu.vector_load %arg6[%get3A_214, %get3A_215] {strides = array<i32>} : memref<80x256xf32, #tpu.memory_space<vmem>>, vector<1x16xf32>,
        %get3A_217 = vector.shape_cast %get3A_216 : vector<1x16xf32> to vector<16xf32>
        %add3A_218 = arith.addf %get3A_211, %get3A_217 : vector<16xf32>
        %add3A_219 = arith.constant 2 : i32
        %add3A_220 = arith.addi %mul3A_65, %add3A_219 : i32
        %get3A_221 = arith.index_cast %add3A_220 : i32 to index
        %get3A_222 = arith.constant 32 : index
        %get3A_223 = tpu.vector_load %arg6[%get3A_221, %get3A_222] {strides = array<i32>} : memref<80x256xf32, #tpu.memory_space<vmem>>, vector<1x16xf32>,
        %get3A_224 = vector.shape_cast %get3A_223 : vector<1x16xf32> to vector<16xf32>
        %add3A_225 = arith.addf %add3A_218, %get3A_224 : vector<16xf32>
        %add3A_226 = arith.constant 3 : i32
        %add3A_227 = arith.addi %mul3A_65, %add3A_226 : i32
        %get3A_228 = arith.index_cast %add3A_227 : i32 to index
        %get3A_229 = arith.constant 32 : index
        %get3A_230 = tpu.vector_load %arg6[%get3A_228, %get3A_229] {strides = array<i32>} : memref<80x256xf32, #tpu.memory_space<vmem>>, vector<1x16xf32>,
        %get3A_231 = vector.shape_cast %get3A_230 : vector<1x16xf32> to vector<16xf32>
        %add3A_232 = arith.addf %add3A_225, %get3A_231 : vector<16xf32>
        %add3A_233 = arith.constant 4 : i32
        %add3A_234 = arith.addi %mul3A_65, %add3A_233 : i32
        %get3A_235 = arith.index_cast %add3A_234 : i32 to index
        %get3A_236 = arith.constant 32 : index
        %get3A_237 = tpu.vector_load %arg6[%get3A_235, %get3A_236] {strides = array<i32>} : memref<80x256xf32, #tpu.memory_space<vmem>>, vector<1x16xf32>,
        %get3A_238 = vector.shape_cast %get3A_237 : vector<1x16xf32> to vector<16xf32>
        %add3A_239 = arith.addf %add3A_232, %get3A_238 : vector<16xf32>
        %add3A_240 = arith.constant 5 : i32
        %add3A_241 = arith.addi %mul3A_65, %add3A_240 : i32
        %get3A_242 = arith.index_cast %add3A_241 : i32 to index
        %get3A_243 = arith.constant 32 : index
        %get3A_244 = tpu.vector_load %arg6[%get3A_242, %get3A_243] {strides = array<i32>} : memref<80x256xf32, #tpu.memory_space<vmem>>, vector<1x16xf32>,
        %get3A_245 = vector.shape_cast %get3A_244 : vector<1x16xf32> to vector<16xf32>
        %add3A_246 = arith.addf %add3A_239, %get3A_245 : vector<16xf32>
        %add3A_247 = arith.constant 6 : i32
        %add3A_248 = arith.addi %mul3A_65, %add3A_247 : i32
        %get3A_249 = arith.index_cast %add3A_248 : i32 to index
        %get3A_250 = arith.constant 32 : index
        %get3A_251 = tpu.vector_load %arg6[%get3A_249, %get3A_250] {strides = array<i32>} : memref<80x256xf32, #tpu.memory_space<vmem>>, vector<1x16xf32>,
        %get3A_252 = vector.shape_cast %get3A_251 : vector<1x16xf32> to vector<16xf32>
        %add3A_253 = arith.addf %add3A_246, %get3A_252 : vector<16xf32>
        %add3A_254 = arith.constant 7 : i32
        %add3A_255 = arith.addi %mul3A_65, %add3A_254 : i32
        %get3A_256 = arith.index_cast %add3A_255 : i32 to index
        %get3A_257 = arith.constant 32 : index
        %get3A_258 = tpu.vector_load %arg6[%get3A_256, %get3A_257] {strides = array<i32>} : memref<80x256xf32, #tpu.memory_space<vmem>>, vector<1x16xf32>,
        %get3A_259 = vector.shape_cast %get3A_258 : vector<1x16xf32> to vector<16xf32>
        %add3A_260 = arith.addf %add3A_253, %get3A_259 : vector<16xf32>
        %add3A_261 = arith.constant 8 : i32
        %add3A_262 = arith.addi %mul3A_65, %add3A_261 : i32
        %get3A_263 = arith.index_cast %add3A_262 : i32 to index
        %get3A_264 = arith.constant 32 : index
        %get3A_265 = tpu.vector_load %arg6[%get3A_263, %get3A_264] {strides = array<i32>} : memref<80x256xf32, #tpu.memory_space<vmem>>, vector<1x16xf32>,
        %get3A_266 = vector.shape_cast %get3A_265 : vector<1x16xf32> to vector<16xf32>
        %add3A_267 = arith.addf %add3A_260, %get3A_266 : vector<16xf32>
        %add3A_268 = arith.constant 9 : i32
        %add3A_269 = arith.addi %mul3A_65, %add3A_268 : i32
        %get3A_270 = arith.index_cast %add3A_269 : i32 to index
        %get3A_271 = arith.constant 32 : index
        %get3A_272 = tpu.vector_load %arg6[%get3A_270, %get3A_271] {strides = array<i32>} : memref<80x256xf32, #tpu.memory_space<vmem>>, vector<1x16xf32>,
        %get3A_273 = vector.shape_cast %get3A_272 : vector<1x16xf32> to vector<16xf32>
        %add3A_274 = arith.addf %add3A_267, %get3A_273 : vector<16xf32>
        %swap3A_275 = arith.index_cast %scan3A_63 : i32 to index
        %swap3A_276 = arith.constant 32 : index
        %swap3A_277 = tpu.vector_load %arg8[%swap3A_275, %swap3A_276] {strides = array<i32>} : memref<8x256xf32, #tpu.memory_space<vmem>>, vector<1x16xf32>,
        %swap3A_278 = vector.shape_cast %swap3A_277 : vector<1x16xf32> to vector<16xf32>
        %swap3A_279 = vector.shape_cast %add3A_274 : vector<16xf32> to vector<1x16xf32>
        tpu.vector_store %arg8[%swap3A_275, %swap3A_276], %swap3A_279 {strides = array<i32>} : memref<8x256xf32, #tpu.memory_space<vmem>>, vector<1x16xf32>,
        %get3A_280 = arith.index_cast %mul3A_65 : i32 to index
        %get3A_281 = arith.constant 48 : index
        %get3A_282 = tpu.vector_load %arg6[%get3A_280, %get3A_281] {strides = array<i32>} : memref<80x256xf32, #tpu.memory_space<vmem>>, vector<1x16xf32>,
        %get3A_283 = vector.shape_cast %get3A_282 : vector<1x16xf32> to vector<16xf32>
        %add3A_284 = arith.constant 1 : i32
        %add3A_285 = arith.addi %mul3A_65, %add3A_284 : i32
        %get3A_286 = arith.index_cast %add3A_285 : i32 to index
        %get3A_287 = arith.constant 48 : index
        %get3A_288 = tpu.vector_load %arg6[%get3A_286, %get3A_287] {strides = array<i32>} : memref<80x256xf32, #tpu.memory_space<vmem>>, vector<1x16xf32>,
        %get3A_289 = vector.shape_cast %get3A_288 : vector<1x16xf32> to vector<16xf32>
        %add3A_290 = arith.addf %get3A_283, %get3A_289 : vector<16xf32>
        %add3A_291 = arith.constant 2 : i32
        %add3A_292 = arith.addi %mul3A_65, %add3A_291 : i32
        %get3A_293 = arith.index_cast %add3A_292 : i32 to index
        %get3A_294 = arith.constant 48 : index
        %get3A_295 = tpu.vector_load %arg6[%get3A_293, %get3A_294] {strides = array<i32>} : memref<80x256xf32, #tpu.memory_space<vmem>>, vector<1x16xf32>,
        %get3A_296 = vector.shape_cast %get3A_295 : vector<1x16xf32> to vector<16xf32>
        %add3A_297 = arith.addf %add3A_290, %get3A_296 : vector<16xf32>
        %add3A_298 = arith.constant 3 : i32
        %add3A_299 = arith.addi %mul3A_65, %add3A_298 : i32
        %get3A_300 = arith.index_cast %add3A_299 : i32 to index
        %get3A_301 = arith.constant 48 : index
        %get3A_302 = tpu.vector_load %arg6[%get3A_300, %get3A_301] {strides = array<i32>} : memref<80x256xf32, #tpu.memory_space<vmem>>, vector<1x16xf32>,
        %get3A_303 = vector.shape_cast %get3A_302 : vector<1x16xf32> to vector<16xf32>
        %add3A_304 = arith.addf %add3A_297, %get3A_303 : vector<16xf32>
        %add3A_305 = arith.constant 4 : i32
        %add3A_306 = arith.addi %mul3A_65, %add3A_305 : i32
        %get3A_307 = arith.index_cast %add3A_306 : i32 to index
        %get3A_308 = arith.constant 48 : index
        %get3A_309 = tpu.vector_load %arg6[%get3A_307, %get3A_308] {strides = array<i32>} : memref<80x256xf32, #tpu.memory_space<vmem>>, vector<1x16xf32>,
        %get3A_310 = vector.shape_cast %get3A_309 : vector<1x16xf32> to vector<16xf32>
        %add3A_311 = arith.addf %add3A_304, %get3A_310 : vector<16xf32>
        %add3A_312 = arith.constant 5 : i32
        %add3A_313 = arith.addi %mul3A_65, %add3A_312 : i32
        %get3A_314 = arith.index_cast %add3A_313 : i32 to index
        %get3A_315 = arith.constant 48 : index
        %get3A_316 = tpu.vector_load %arg6[%get3A_314, %get3A_315] {strides = array<i32>} : memref<80x256xf32, #tpu.memory_space<vmem>>, vector<1x16xf32>,
        %get3A_317 = vector.shape_cast %get3A_316 : vector<1x16xf32> to vector<16xf32>
        %add3A_318 = arith.addf %add3A_311, %get3A_317 : vector<16xf32>
        %add3A_319 = arith.constant 6 : i32
        %add3A_320 = arith.addi %mul3A_65, %add3A_319 : i32
        %get3A_321 = arith.index_cast %add3A_320 : i32 to index
        %get3A_322 = arith.constant 48 : index
        %get3A_323 = tpu.vector_load %arg6[%get3A_321, %get3A_322] {strides = array<i32>} : memref<80x256xf32, #tpu.memory_space<vmem>>, vector<1x16xf32>,
        %get3A_324 = vector.shape_cast %get3A_323 : vector<1x16xf32> to vector<16xf32>
        %add3A_325 = arith.addf %add3A_318, %get3A_324 : vector<16xf32>
        %add3A_326 = arith.constant 7 : i32
        %add3A_327 = arith.addi %mul3A_65, %add3A_326 : i32
        %get3A_328 = arith.index_cast %add3A_327 : i32 to index
        %get3A_329 = arith.constant 48 : index
        %get3A_330 = tpu.vector_load %arg6[%get3A_328, %get3A_329] {strides = array<i32>} : memref<80x256xf32, #tpu.memory_space<vmem>>, vector<1x16xf32>,
        %get3A_331 = vector.shape_cast %get3A_330 : vector<1x16xf32> to vector<16xf32>
        %add3A_332 = arith.addf %add3A_325, %get3A_331 : vector<16xf32>
        %add3A_333 = arith.constant 8 : i32
        %add3A_334 = arith.addi %mul3A_65, %add3A_333 : i32
        %get3A_335 = arith.index_cast %add3A_334 : i32 to index
        %get3A_336 = arith.constant 48 : index
        %get3A_337 = tpu.vector_load %arg6[%get3A_335, %get3A_336] {strides = array<i32>} : memref<80x256xf32, #tpu.memory_space<vmem>>, vector<1x16xf32>,
        %get3A_338 = vector.shape_cast %get3A_337 : vector<1x16xf32> to vector<16xf32>
        %add3A_339 = arith.addf %add3A_332, %get3A_338 : vector<16xf32>
        %add3A_340 = arith.constant 9 : i32
        %add3A_341 = arith.addi %mul3A_65, %add3A_340 : i32
        %get3A_342 = arith.index_cast %add3A_341 : i32 to index
        %get3A_343 = arith.constant 48 : index
        %get3A_344 = tpu.vector_load %arg6[%get3A_342, %get3A_343] {strides = array<i32>} : memref<80x256xf32, #tpu.memory_space<vmem>>, vector<1x16xf32>,
        %get3A_345 = vector.shape_cast %get3A_344 : vector<1x16xf32> to vector<16xf32>
        %add3A_346 = arith.addf %add3A_339, %get3A_345 : vector<16xf32>
        %swap3A_347 = arith.index_cast %scan3A_63 : i32 to index
        %swap3A_348 = arith.constant 48 : index
        %swap3A_349 = tpu.vector_load %arg8[%swap3A_347, %swap3A_348] {strides = array<i32>} : memref<8x256xf32, #tpu.memory_space<vmem>>, vector<1x16xf32>,
        %swap3A_350 = vector.shape_cast %swap3A_349 : vector<1x16xf32> to vector<16xf32>
        %swap3A_351 = vector.shape_cast %add3A_346 : vector<16xf32> to vector<1x16xf32>
        tpu.vector_store %arg8[%swap3A_347, %swap3A_348], %swap3A_351 {strides = array<i32>} : memref<8x256xf32, #tpu.memory_space<vmem>>, vector<1x16xf32>,
        %get3A_352 = arith.index_cast %mul3A_65 : i32 to index
        %get3A_353 = arith.constant 64 : index
        %get3A_354 = tpu.vector_load %arg6[%get3A_352, %get3A_353] {strides = array<i32>} : memref<80x256xf32, #tpu.memory_space<vmem>>, vector<1x16xf32>,
        %get3A_355 = vector.shape_cast %get3A_354 : vector<1x16xf32> to vector<16xf32>
        %add3A_356 = arith.constant 1 : i32
        %add3A_357 = arith.addi %mul3A_65, %add3A_356 : i32
        %get3A_358 = arith.index_cast %add3A_357 : i32 to index
        %get3A_359 = arith.constant 64 : index
        %get3A_360 = tpu.vector_load %arg6[%get3A_358, %get3A_359] {strides = array<i32>} : memref<80x256xf32, #tpu.memory_space<vmem>>, vector<1x16xf32>,
        %get3A_361 = vector.shape_cast %get3A_360 : vector<1x16xf32> to vector<16xf32>
        %add3A_362 = arith.addf %get3A_355, %get3A_361 : vector<16xf32>
        %add3A_363 = arith.constant 2 : i32
        %add3A_364 = arith.addi %mul3A_65, %add3A_363 : i32
        %get3A_365 = arith.index_cast %add3A_364 : i32 to index
        %get3A_366 = arith.constant 64 : index
        %get3A_367 = tpu.vector_load %arg6[%get3A_365, %get3A_366] {strides = array<i32>} : memref<80x256xf32, #tpu.memory_space<vmem>>, vector<1x16xf32>,
        %get3A_368 = vector.shape_cast %get3A_367 : vector<1x16xf32> to vector<16xf32>
        %add3A_369 = arith.addf %add3A_362, %get3A_368 : vector<16xf32>
        %add3A_370 = arith.constant 3 : i32
        %add3A_371 = arith.addi %mul3A_65, %add3A_370 : i32
        %get3A_372 = arith.index_cast %add3A_371 : i32 to index
        %get3A_373 = arith.constant 64 : index
        %get3A_374 = tpu.vector_load %arg6[%get3A_372, %get3A_373] {strides = array<i32>} : memref<80x256xf32, #tpu.memory_space<vmem>>, vector<1x16xf32>,
        %get3A_375 = vector.shape_cast %get3A_374 : vector<1x16xf32> to vector<16xf32>
        %add3A_376 = arith.addf %add3A_369, %get3A_375 : vector<16xf32>
        %add3A_377 = arith.constant 4 : i32
        %add3A_378 = arith.addi %mul3A_65, %add3A_377 : i32
        %get3A_379 = arith.index_cast %add3A_378 : i32 to index
        %get3A_380 = arith.constant 64 : index
        %get3A_381 = tpu.vector_load %arg6[%get3A_379, %get3A_380] {strides = array<i32>} : memref<80x256xf32, #tpu.memory_space<vmem>>, vector<1x16xf32>,
        %get3A_382 = vector.shape_cast %get3A_381 : vector<1x16xf32> to vector<16xf32>
        %add3A_383 = arith.addf %add3A_376, %get3A_382 : vector<16xf32>
        %add3A_384 = arith.constant 5 : i32
        %add3A_385 = arith.addi %mul3A_65, %add3A_384 : i32
        %get3A_386 = arith.index_cast %add3A_385 : i32 to index
        %get3A_387 = arith.constant 64 : index
        %get3A_388 = tpu.vector_load %arg6[%get3A_386, %get3A_387] {strides = array<i32>} : memref<80x256xf32, #tpu.memory_space<vmem>>, vector<1x16xf32>,
        %get3A_389 = vector.shape_cast %get3A_388 : vector<1x16xf32> to vector<16xf32>
        %add3A_390 = arith.addf %add3A_383, %get3A_389 : vector<16xf32>
        %add3A_391 = arith.constant 6 : i32
        %add3A_392 = arith.addi %mul3A_65, %add3A_391 : i32
        %get3A_393 = arith.index_cast %add3A_392 : i32 to index
        %get3A_394 = arith.constant 64 : index
        %get3A_395 = tpu.vector_load %arg6[%get3A_393, %get3A_394] {strides = array<i32>} : memref<80x256xf32, #tpu.memory_space<vmem>>, vector<1x16xf32>,
        %get3A_396 = vector.shape_cast %get3A_395 : vector<1x16xf32> to vector<16xf32>
        %add3A_397 = arith.addf %add3A_390, %get3A_396 : vector<16xf32>
        %add3A_398 = arith.constant 7 : i32
        %add3A_399 = arith.addi %mul3A_65, %add3A_398 : i32
        %get3A_400 = arith.index_cast %add3A_399 : i32 to index
        %get3A_401 = arith.constant 64 : index
        %get3A_402 = tpu.vector_load %arg6[%get3A_400, %get3A_401] {strides = array<i32>} : memref<80x256xf32, #tpu.memory_space<vmem>>, vector<1x16xf32>,
        %get3A_403 = vector.shape_cast %get3A_402 : vector<1x16xf32> to vector<16xf32>
        %add3A_404 = arith.addf %add3A_397, %get3A_403 : vector<16xf32>
        %add3A_405 = arith.constant 8 : i32
        %add3A_406 = arith.addi %mul3A_65, %add3A_405 : i32
        %get3A_407 = arith.index_cast %add3A_406 : i32 to index
        %get3A_408 = arith.constant 64 : index
        %get3A_409 = tpu.vector_load %arg6[%get3A_407, %get3A_408] {strides = array<i32>} : memref<80x256xf32, #tpu.memory_space<vmem>>, vector<1x16xf32>,
        %get3A_410 = vector.shape_cast %get3A_409 : vector<1x16xf32> to vector<16xf32>
        %add3A_411 = arith.addf %add3A_404, %get3A_410 : vector<16xf32>
        %add3A_412 = arith.constant 9 : i32
        %add3A_413 = arith.addi %mul3A_65, %add3A_412 : i32
        %get3A_414 = arith.index_cast %add3A_413 : i32 to index
        %get3A_415 = arith.constant 64 : index
        %get3A_416 = tpu.vector_load %arg6[%get3A_414, %get3A_415] {strides = array<i32>} : memref<80x256xf32, #tpu.memory_space<vmem>>, vector<1x16xf32>,
        %get3A_417 = vector.shape_cast %get3A_416 : vector<1x16xf32> to vector<16xf32>
        %add3A_418 = arith.addf %add3A_411, %get3A_417 : vector<16xf32>
        %swap3A_419 = arith.index_cast %scan3A_63 : i32 to index
        %swap3A_420 = arith.constant 64 : index
        %swap3A_421 = tpu.vector_load %arg8[%swap3A_419, %swap3A_420] {strides = array<i32>} : memref<8x256xf32, #tpu.memory_space<vmem>>, vector<1x16xf32>,
        %swap3A_422 = vector.shape_cast %swap3A_421 : vector<1x16xf32> to vector<16xf32>
        %swap3A_423 = vector.shape_cast %add3A_418 : vector<16xf32> to vector<1x16xf32>
        tpu.vector_store %arg8[%swap3A_419, %swap3A_420], %swap3A_423 {strides = array<i32>} : memref<8x256xf32, #tpu.memory_space<vmem>>, vector<1x16xf32>,
        %get3A_424 = arith.index_cast %mul3A_65 : i32 to index
        %get3A_425 = arith.constant 80 : index
        %get3A_426 = tpu.vector_load %arg6[%get3A_424, %get3A_425] {strides = array<i32>} : memref<80x256xf32, #tpu.memory_space<vmem>>, vector<1x16xf32>,
        %get3A_427 = vector.shape_cast %get3A_426 : vector<1x16xf32> to vector<16xf32>
        %add3A_428 = arith.constant 1 : i32
        %add3A_429 = arith.addi %mul3A_65, %add3A_428 : i32
        %get3A_430 = arith.index_cast %add3A_429 : i32 to index
        %get3A_431 = arith.constant 80 : index
        %get3A_432 = tpu.vector_load %arg6[%get3A_430, %get3A_431] {strides = array<i32>} : memref<80x256xf32, #tpu.memory_space<vmem>>, vector<1x16xf32>,
        %get3A_433 = vector.shape_cast %get3A_432 : vector<1x16xf32> to vector<16xf32>
        %add3A_434 = arith.addf %get3A_427, %get3A_433 : vector<16xf32>
        %add3A_435 = arith.constant 2 : i32
        %add3A_436 = arith.addi %mul3A_65, %add3A_435 : i32
        %get3A_437 = arith.index_cast %add3A_436 : i32 to index
        %get3A_438 = arith.constant 80 : index
        %get3A_439 = tpu.vector_load %arg6[%get3A_437, %get3A_438] {strides = array<i32>} : memref<80x256xf32, #tpu.memory_space<vmem>>, vector<1x16xf32>,
        %get3A_440 = vector.shape_cast %get3A_439 : vector<1x16xf32> to vector<16xf32>
        %add3A_441 = arith.addf %add3A_434, %get3A_440 : vector<16xf32>
        %add3A_442 = arith.constant 3 : i32
        %add3A_443 = arith.addi %mul3A_65, %add3A_442 : i32
        %get3A_444 = arith.index_cast %add3A_443 : i32 to index
        %get3A_445 = arith.constant 80 : index
        %get3A_446 = tpu.vector_load %arg6[%get3A_444, %get3A_445] {strides = array<i32>} : memref<80x256xf32, #tpu.memory_space<vmem>>, vector<1x16xf32>,
        %get3A_447 = vector.shape_cast %get3A_446 : vector<1x16xf32> to vector<16xf32>
        %add3A_448 = arith.addf %add3A_441, %get3A_447 : vector<16xf32>
        %add3A_449 = arith.constant 4 : i32
        %add3A_450 = arith.addi %mul3A_65, %add3A_449 : i32
        %get3A_451 = arith.index_cast %add3A_450 : i32 to index
        %get3A_452 = arith.constant 80 : index
        %get3A_453 = tpu.vector_load %arg6[%get3A_451, %get3A_452] {strides = array<i32>} : memref<80x256xf32, #tpu.memory_space<vmem>>, vector<1x16xf32>,
        %get3A_454 = vector.shape_cast %get3A_453 : vector<1x16xf32> to vector<16xf32>
        %add3A_455 = arith.addf %add3A_448, %get3A_454 : vector<16xf32>
        %add3A_456 = arith.constant 5 : i32
        %add3A_457 = arith.addi %mul3A_65, %add3A_456 : i32
        %get3A_458 = arith.index_cast %add3A_457 : i32 to index
        %get3A_459 = arith.constant 80 : index
        %get3A_460 = tpu.vector_load %arg6[%get3A_458, %get3A_459] {strides = array<i32>} : memref<80x256xf32, #tpu.memory_space<vmem>>, vector<1x16xf32>,
        %get3A_461 = vector.shape_cast %get3A_460 : vector<1x16xf32> to vector<16xf32>
        %add3A_462 = arith.addf %add3A_455, %get3A_461 : vector<16xf32>
        %add3A_463 = arith.constant 6 : i32
        %add3A_464 = arith.addi %mul3A_65, %add3A_463 : i32
        %get3A_465 = arith.index_cast %add3A_464 : i32 to index
        %get3A_466 = arith.constant 80 : index
        %get3A_467 = tpu.vector_load %arg6[%get3A_465, %get3A_466] {strides = array<i32>} : memref<80x256xf32, #tpu.memory_space<vmem>>, vector<1x16xf32>,
        %get3A_468 = vector.shape_cast %get3A_467 : vector<1x16xf32> to vector<16xf32>
        %add3A_469 = arith.addf %add3A_462, %get3A_468 : vector<16xf32>
        %add3A_470 = arith.constant 7 : i32
        %add3A_471 = arith.addi %mul3A_65, %add3A_470 : i32
        %get3A_472 = arith.index_cast %add3A_471 : i32 to index
        %get3A_473 = arith.constant 80 : index
        %get3A_474 = tpu.vector_load %arg6[%get3A_472, %get3A_473] {strides = array<i32>} : memref<80x256xf32, #tpu.memory_space<vmem>>, vector<1x16xf32>,
        %get3A_475 = vector.shape_cast %get3A_474 : vector<1x16xf32> to vector<16xf32>
        %add3A_476 = arith.addf %add3A_469, %get3A_475 : vector<16xf32>
        %add3A_477 = arith.constant 8 : i32
        %add3A_478 = arith.addi %mul3A_65, %add3A_477 : i32
        %get3A_479 = arith.index_cast %add3A_478 : i32 to index
        %get3A_480 = arith.constant 80 : index
        %get3A_481 = tpu.vector_load %arg6[%get3A_479, %get3A_480] {strides = array<i32>} : memref<80x256xf32, #tpu.memory_space<vmem>>, vector<1x16xf32>,
        %get3A_482 = vector.shape_cast %get3A_481 : vector<1x16xf32> to vector<16xf32>
        %add3A_483 = arith.addf %add3A_476, %get3A_482 : vector<16xf32>
        %add3A_484 = arith.constant 9 : i32
        %add3A_485 = arith.addi %mul3A_65, %add3A_484 : i32
        %get3A_486 = arith.index_cast %add3A_485 : i32 to index
        %get3A_487 = arith.constant 80 : index
        %get3A_488 = tpu.vector_load %arg6[%get3A_486, %get3A_487] {strides = array<i32>} : memref<80x256xf32, #tpu.memory_space<vmem>>, vector<1x16xf32>,
        %get3A_489 = vector.shape_cast %get3A_488 : vector<1x16xf32> to vector<16xf32>
        %add3A_490 = arith.addf %add3A_483, %get3A_489 : vector<16xf32>
        %swap3A_491 = arith.index_cast %scan3A_63 : i32 to index
        %swap3A_492 = arith.constant 80 : index
        %swap3A_493 = tpu.vector_load %arg8[%swap3A_491, %swap3A_492] {strides = array<i32>} : memref<8x256xf32, #tpu.memory_space<vmem>>, vector<1x16xf32>,
        %swap3A_494 = vector.shape_cast %swap3A_493 : vector<1x16xf32> to vector<16xf32>
        %swap3A_495 = vector.shape_cast %add3A_490 : vector<16xf32> to vector<1x16xf32>
        tpu.vector_store %arg8[%swap3A_491, %swap3A_492], %swap3A_495 {strides = array<i32>} : memref<8x256xf32, #tpu.memory_space<vmem>>, vector<1x16xf32>,
        %get3A_496 = arith.index_cast %mul3A_65 : i32 to index
        %get3A_497 = arith.constant 96 : index
        %get3A_498 = tpu.vector_load %arg6[%get3A_496, %get3A_497] {strides = array<i32>} : memref<80x256xf32, #tpu.memory_space<vmem>>, vector<1x16xf32>,
        %get3A_499 = vector.shape_cast %get3A_498 : vector<1x16xf32> to vector<16xf32>
        %add3A_500 = arith.constant 1 : i32
        %add3A_501 = arith.addi %mul3A_65, %add3A_500 : i32
        %get3A_502 = arith.index_cast %add3A_501 : i32 to index
        %get3A_503 = arith.constant 96 : index
        %get3A_504 = tpu.vector_load %arg6[%get3A_502, %get3A_503] {strides = array<i32>} : memref<80x256xf32, #tpu.memory_space<vmem>>, vector<1x16xf32>,
        %get3A_505 = vector.shape_cast %get3A_504 : vector<1x16xf32> to vector<16xf32>
        %add3A_506 = arith.addf %get3A_499, %get3A_505 : vector<16xf32>
        %add3A_507 = arith.constant 2 : i32
        %add3A_508 = arith.addi %mul3A_65, %add3A_507 : i32
        %get3A_509 = arith.index_cast %add3A_508 : i32 to index
        %get3A_510 = arith.constant 96 : index
        %get3A_511 = tpu.vector_load %arg6[%get3A_509, %get3A_510] {strides = array<i32>} : memref<80x256xf32, #tpu.memory_space<vmem>>, vector<1x16xf32>,
        %get3A_512 = vector.shape_cast %get3A_511 : vector<1x16xf32> to vector<16xf32>
        %add3A_513 = arith.addf %add3A_506, %get3A_512 : vector<16xf32>
        %add3A_514 = arith.constant 3 : i32
        %add3A_515 = arith.addi %mul3A_65, %add3A_514 : i32
        %get3A_516 = arith.index_cast %add3A_515 : i32 to index
        %get3A_517 = arith.constant 96 : index
        %get3A_518 = tpu.vector_load %arg6[%get3A_516, %get3A_517] {strides = array<i32>} : memref<80x256xf32, #tpu.memory_space<vmem>>, vector<1x16xf32>,
        %get3A_519 = vector.shape_cast %get3A_518 : vector<1x16xf32> to vector<16xf32>
        %add3A_520 = arith.addf %add3A_513, %get3A_519 : vector<16xf32>
        %add3A_521 = arith.constant 4 : i32
        %add3A_522 = arith.addi %mul3A_65, %add3A_521 : i32
        %get3A_523 = arith.index_cast %add3A_522 : i32 to index
        %get3A_524 = arith.constant 96 : index
        %get3A_525 = tpu.vector_load %arg6[%get3A_523, %get3A_524] {strides = array<i32>} : memref<80x256xf32, #tpu.memory_space<vmem>>, vector<1x16xf32>,
        %get3A_526 = vector.shape_cast %get3A_525 : vector<1x16xf32> to vector<16xf32>
        %add3A_527 = arith.addf %add3A_520, %get3A_526 : vector<16xf32>
        %add3A_528 = arith.constant 5 : i32
        %add3A_529 = arith.addi %mul3A_65, %add3A_528 : i32
        %get3A_530 = arith.index_cast %add3A_529 : i32 to index
        %get3A_531 = arith.constant 96 : index
        %get3A_532 = tpu.vector_load %arg6[%get3A_530, %get3A_531] {strides = array<i32>} : memref<80x256xf32, #tpu.memory_space<vmem>>, vector<1x16xf32>,
        %get3A_533 = vector.shape_cast %get3A_532 : vector<1x16xf32> to vector<16xf32>
        %add3A_534 = arith.addf %add3A_527, %get3A_533 : vector<16xf32>
        %add3A_535 = arith.constant 6 : i32
        %add3A_536 = arith.addi %mul3A_65, %add3A_535 : i32
        %get3A_537 = arith.index_cast %add3A_536 : i32 to index
        %get3A_538 = arith.constant 96 : index
        %get3A_539 = tpu.vector_load %arg6[%get3A_537, %get3A_538] {strides = array<i32>} : memref<80x256xf32, #tpu.memory_space<vmem>>, vector<1x16xf32>,
        %get3A_540 = vector.shape_cast %get3A_539 : vector<1x16xf32> to vector<16xf32>
        %add3A_541 = arith.addf %add3A_534, %get3A_540 : vector<16xf32>
        %add3A_542 = arith.constant 7 : i32
        %add3A_543 = arith.addi %mul3A_65, %add3A_542 : i32
        %get3A_544 = arith.index_cast %add3A_543 : i32 to index
        %get3A_545 = arith.constant 96 : index
        %get3A_546 = tpu.vector_load %arg6[%get3A_544, %get3A_545] {strides = array<i32>} : memref<80x256xf32, #tpu.memory_space<vmem>>, vector<1x16xf32>,
        %get3A_547 = vector.shape_cast %get3A_546 : vector<1x16xf32> to vector<16xf32>
        %add3A_548 = arith.addf %add3A_541, %get3A_547 : vector<16xf32>
        %add3A_549 = arith.constant 8 : i32
        %add3A_550 = arith.addi %mul3A_65, %add3A_549 : i32
        %get3A_551 = arith.index_cast %add3A_550 : i32 to index
        %get3A_552 = arith.constant 96 : index
        %get3A_553 = tpu.vector_load %arg6[%get3A_551, %get3A_552] {strides = array<i32>} : memref<80x256xf32, #tpu.memory_space<vmem>>, vector<1x16xf32>,
        %get3A_554 = vector.shape_cast %get3A_553 : vector<1x16xf32> to vector<16xf32>
        %add3A_555 = arith.addf %add3A_548, %get3A_554 : vector<16xf32>
        %add3A_556 = arith.constant 9 : i32
        %add3A_557 = arith.addi %mul3A_65, %add3A_556 : i32
        %get3A_558 = arith.index_cast %add3A_557 : i32 to index
        %get3A_559 = arith.constant 96 : index
        %get3A_560 = tpu.vector_load %arg6[%get3A_558, %get3A_559] {strides = array<i32>} : memref<80x256xf32, #tpu.memory_space<vmem>>, vector<1x16xf32>,
        %get3A_561 = vector.shape_cast %get3A_560 : vector<1x16xf32> to vector<16xf32>
        %add3A_562 = arith.addf %add3A_555, %get3A_561 : vector<16xf32>
        %swap3A_563 = arith.index_cast %scan3A_63 : i32 to index
        %swap3A_564 = arith.constant 96 : index
        %swap3A_565 = tpu.vector_load %arg8[%swap3A_563, %swap3A_564] {strides = array<i32>} : memref<8x256xf32, #tpu.memory_space<vmem>>, vector<1x16xf32>,
        %swap3A_566 = vector.shape_cast %swap3A_565 : vector<1x16xf32> to vector<16xf32>
        %swap3A_567 = vector.shape_cast %add3A_562 : vector<16xf32> to vector<1x16xf32>
        tpu.vector_store %arg8[%swap3A_563, %swap3A_564], %swap3A_567 {strides = array<i32>} : memref<8x256xf32, #tpu.memory_space<vmem>>, vector<1x16xf32>,
        %get3A_568 = arith.index_cast %mul3A_65 : i32 to index
        %get3A_569 = arith.constant 112 : index
        %get3A_570 = tpu.vector_load %arg6[%get3A_568, %get3A_569] {strides = array<i32>} : memref<80x256xf32, #tpu.memory_space<vmem>>, vector<1x16xf32>,
        %get3A_571 = vector.shape_cast %get3A_570 : vector<1x16xf32> to vector<16xf32>
        %add3A_572 = arith.constant 1 : i32
        %add3A_573 = arith.addi %mul3A_65, %add3A_572 : i32
        %get3A_574 = arith.index_cast %add3A_573 : i32 to index
        %get3A_575 = arith.constant 112 : index
        %get3A_576 = tpu.vector_load %arg6[%get3A_574, %get3A_575] {strides = array<i32>} : memref<80x256xf32, #tpu.memory_space<vmem>>, vector<1x16xf32>,
        %get3A_577 = vector.shape_cast %get3A_576 : vector<1x16xf32> to vector<16xf32>
        %add3A_578 = arith.addf %get3A_571, %get3A_577 : vector<16xf32>
        %add3A_579 = arith.constant 2 : i32
        %add3A_580 = arith.addi %mul3A_65, %add3A_579 : i32
        %get3A_581 = arith.index_cast %add3A_580 : i32 to index
        %get3A_582 = arith.constant 112 : index
        %get3A_583 = tpu.vector_load %arg6[%get3A_581, %get3A_582] {strides = array<i32>} : memref<80x256xf32, #tpu.memory_space<vmem>>, vector<1x16xf32>,
        %get3A_584 = vector.shape_cast %get3A_583 : vector<1x16xf32> to vector<16xf32>
        %add3A_585 = arith.addf %add3A_578, %get3A_584 : vector<16xf32>
        %add3A_586 = arith.constant 3 : i32
        %add3A_587 = arith.addi %mul3A_65, %add3A_586 : i32
        %get3A_588 = arith.index_cast %add3A_587 : i32 to index
        %get3A_589 = arith.constant 112 : index
        %get3A_590 = tpu.vector_load %arg6[%get3A_588, %get3A_589] {strides = array<i32>} : memref<80x256xf32, #tpu.memory_space<vmem>>, vector<1x16xf32>,
        %get3A_591 = vector.shape_cast %get3A_590 : vector<1x16xf32> to vector<16xf32>
        %add3A_592 = arith.addf %add3A_585, %get3A_591 : vector<16xf32>
        %add3A_593 = arith.constant 4 : i32
        %add3A_594 = arith.addi %mul3A_65, %add3A_593 : i32
        %get3A_595 = arith.index_cast %add3A_594 : i32 to index
        %get3A_596 = arith.constant 112 : index
        %get3A_597 = tpu.vector_load %arg6[%get3A_595, %get3A_596] {strides = array<i32>} : memref<80x256xf32, #tpu.memory_space<vmem>>, vector<1x16xf32>,
        %get3A_598 = vector.shape_cast %get3A_597 : vector<1x16xf32> to vector<16xf32>
        %add3A_599 = arith.addf %add3A_592, %get3A_598 : vector<16xf32>
        %add3A_600 = arith.constant 5 : i32
        %add3A_601 = arith.addi %mul3A_65, %add3A_600 : i32
        %get3A_602 = arith.index_cast %add3A_601 : i32 to index
        %get3A_603 = arith.constant 112 : index
        %get3A_604 = tpu.vector_load %arg6[%get3A_602, %get3A_603] {strides = array<i32>} : memref<80x256xf32, #tpu.memory_space<vmem>>, vector<1x16xf32>,
        %get3A_605 = vector.shape_cast %get3A_604 : vector<1x16xf32> to vector<16xf32>
        %add3A_606 = arith.addf %add3A_599, %get3A_605 : vector<16xf32>
        %add3A_607 = arith.constant 6 : i32
        %add3A_608 = arith.addi %mul3A_65, %add3A_607 : i32
        %get3A_609 = arith.index_cast %add3A_608 : i32 to index
        %get3A_610 = arith.constant 112 : index
        %get3A_611 = tpu.vector_load %arg6[%get3A_609, %get3A_610] {strides = array<i32>} : memref<80x256xf32, #tpu.memory_space<vmem>>, vector<1x16xf32>,
        %get3A_612 = vector.shape_cast %get3A_611 : vector<1x16xf32> to vector<16xf32>
        %add3A_613 = arith.addf %add3A_606, %get3A_612 : vector<16xf32>
        %add3A_614 = arith.constant 7 : i32
        %add3A_615 = arith.addi %mul3A_65, %add3A_614 : i32
        %get3A_616 = arith.index_cast %add3A_615 : i32 to index
        %get3A_617 = arith.constant 112 : index
        %get3A_618 = tpu.vector_load %arg6[%get3A_616, %get3A_617] {strides = array<i32>} : memref<80x256xf32, #tpu.memory_space<vmem>>, vector<1x16xf32>,
        %get3A_619 = vector.shape_cast %get3A_618 : vector<1x16xf32> to vector<16xf32>
        %add3A_620 = arith.addf %add3A_613, %get3A_619 : vector<16xf32>
        %add3A_621 = arith.constant 8 : i32
        %add3A_622 = arith.addi %mul3A_65, %add3A_621 : i32
        %get3A_623 = arith.index_cast %add3A_622 : i32 to index
        %get3A_624 = arith.constant 112 : index
        %get3A_625 = tpu.vector_load %arg6[%get3A_623, %get3A_624] {strides = array<i32>} : memref<80x256xf32, #tpu.memory_space<vmem>>, vector<1x16xf32>,
        %get3A_626 = vector.shape_cast %get3A_625 : vector<1x16xf32> to vector<16xf32>
        %add3A_627 = arith.addf %add3A_620, %get3A_626 : vector<16xf32>
        %add3A_628 = arith.constant 9 : i32
        %add3A_629 = arith.addi %mul3A_65, %add3A_628 : i32
        %get3A_630 = arith.index_cast %add3A_629 : i32 to index
        %get3A_631 = arith.constant 112 : index
        %get3A_632 = tpu.vector_load %arg6[%get3A_630, %get3A_631] {strides = array<i32>} : memref<80x256xf32, #tpu.memory_space<vmem>>, vector<1x16xf32>,
        %get3A_633 = vector.shape_cast %get3A_632 : vector<1x16xf32> to vector<16xf32>
        %add3A_634 = arith.addf %add3A_627, %get3A_633 : vector<16xf32>
        %swap3A_635 = arith.index_cast %scan3A_63 : i32 to index
        %swap3A_636 = arith.constant 112 : index
        %swap3A_637 = tpu.vector_load %arg8[%swap3A_635, %swap3A_636] {strides = array<i32>} : memref<8x256xf32, #tpu.memory_space<vmem>>, vector<1x16xf32>,
        %swap3A_638 = vector.shape_cast %swap3A_637 : vector<1x16xf32> to vector<16xf32>
        %swap3A_639 = vector.shape_cast %add3A_634 : vector<16xf32> to vector<1x16xf32>
        tpu.vector_store %arg8[%swap3A_635, %swap3A_636], %swap3A_639 {strides = array<i32>} : memref<8x256xf32, #tpu.memory_space<vmem>>, vector<1x16xf32>,
        %get3A_640 = arith.index_cast %mul3A_65 : i32 to index
        %get3A_641 = arith.constant 128 : index
        %get3A_642 = tpu.vector_load %arg6[%get3A_640, %get3A_641] {strides = array<i32>} : memref<80x256xf32, #tpu.memory_space<vmem>>, vector<1x16xf32>,
        %get3A_643 = vector.shape_cast %get3A_642 : vector<1x16xf32> to vector<16xf32>
        %add3A_644 = arith.constant 1 : i32
        %add3A_645 = arith.addi %mul3A_65, %add3A_644 : i32
        %get3A_646 = arith.index_cast %add3A_645 : i32 to index
        %get3A_647 = arith.constant 128 : index
        %get3A_648 = tpu.vector_load %arg6[%get3A_646, %get3A_647] {strides = array<i32>} : memref<80x256xf32, #tpu.memory_space<vmem>>, vector<1x16xf32>,
        %get3A_649 = vector.shape_cast %get3A_648 : vector<1x16xf32> to vector<16xf32>
        %add3A_650 = arith.addf %get3A_643, %get3A_649 : vector<16xf32>
        %add3A_651 = arith.constant 2 : i32
        %add3A_652 = arith.addi %mul3A_65, %add3A_651 : i32
        %get3A_653 = arith.index_cast %add3A_652 : i32 to index
        %get3A_654 = arith.constant 128 : index
        %get3A_655 = tpu.vector_load %arg6[%get3A_653, %get3A_654] {strides = array<i32>} : memref<80x256xf32, #tpu.memory_space<vmem>>, vector<1x16xf32>,
        %get3A_656 = vector.shape_cast %get3A_655 : vector<1x16xf32> to vector<16xf32>
        %add3A_657 = arith.addf %add3A_650, %get3A_656 : vector<16xf32>
        %add3A_658 = arith.constant 3 : i32
        %add3A_659 = arith.addi %mul3A_65, %add3A_658 : i32
        %get3A_660 = arith.index_cast %add3A_659 : i32 to index
        %get3A_661 = arith.constant 128 : index
        %get3A_662 = tpu.vector_load %arg6[%get3A_660, %get3A_661] {strides = array<i32>} : memref<80x256xf32, #tpu.memory_space<vmem>>, vector<1x16xf32>,
        %get3A_663 = vector.shape_cast %get3A_662 : vector<1x16xf32> to vector<16xf32>
        %add3A_664 = arith.addf %add3A_657, %get3A_663 : vector<16xf32>
        %add3A_665 = arith.constant 4 : i32
        %add3A_666 = arith.addi %mul3A_65, %add3A_665 : i32
        %get3A_667 = arith.index_cast %add3A_666 : i32 to index
        %get3A_668 = arith.constant 128 : index
        %get3A_669 = tpu.vector_load %arg6[%get3A_667, %get3A_668] {strides = array<i32>} : memref<80x256xf32, #tpu.memory_space<vmem>>, vector<1x16xf32>,
        %get3A_670 = vector.shape_cast %get3A_669 : vector<1x16xf32> to vector<16xf32>
        %add3A_671 = arith.addf %add3A_664, %get3A_670 : vector<16xf32>
        %add3A_672 = arith.constant 5 : i32
        %add3A_673 = arith.addi %mul3A_65, %add3A_672 : i32
        %get3A_674 = arith.index_cast %add3A_673 : i32 to index
        %get3A_675 = arith.constant 128 : index
        %get3A_676 = tpu.vector_load %arg6[%get3A_674, %get3A_675] {strides = array<i32>} : memref<80x256xf32, #tpu.memory_space<vmem>>, vector<1x16xf32>,
        %get3A_677 = vector.shape_cast %get3A_676 : vector<1x16xf32> to vector<16xf32>
        %add3A_678 = arith.addf %add3A_671, %get3A_677 : vector<16xf32>
        %add3A_679 = arith.constant 6 : i32
        %add3A_680 = arith.addi %mul3A_65, %add3A_679 : i32
        %get3A_681 = arith.index_cast %add3A_680 : i32 to index
        %get3A_682 = arith.constant 128 : index
        %get3A_683 = tpu.vector_load %arg6[%get3A_681, %get3A_682] {strides = array<i32>} : memref<80x256xf32, #tpu.memory_space<vmem>>, vector<1x16xf32>,
        %get3A_684 = vector.shape_cast %get3A_683 : vector<1x16xf32> to vector<16xf32>
        %add3A_685 = arith.addf %add3A_678, %get3A_684 : vector<16xf32>
        %add3A_686 = arith.constant 7 : i32
        %add3A_687 = arith.addi %mul3A_65, %add3A_686 : i32
        %get3A_688 = arith.index_cast %add3A_687 : i32 to index
        %get3A_689 = arith.constant 128 : index
        %get3A_690 = tpu.vector_load %arg6[%get3A_688, %get3A_689] {strides = array<i32>} : memref<80x256xf32, #tpu.memory_space<vmem>>, vector<1x16xf32>,
        %get3A_691 = vector.shape_cast %get3A_690 : vector<1x16xf32> to vector<16xf32>
        %add3A_692 = arith.addf %add3A_685, %get3A_691 : vector<16xf32>
        %add3A_693 = arith.constant 8 : i32
        %add3A_694 = arith.addi %mul3A_65, %add3A_693 : i32
        %get3A_695 = arith.index_cast %add3A_694 : i32 to index
        %get3A_696 = arith.constant 128 : index
        %get3A_697 = tpu.vector_load %arg6[%get3A_695, %get3A_696] {strides = array<i32>} : memref<80x256xf32, #tpu.memory_space<vmem>>, vector<1x16xf32>,
        %get3A_698 = vector.shape_cast %get3A_697 : vector<1x16xf32> to vector<16xf32>
        %add3A_699 = arith.addf %add3A_692, %get3A_698 : vector<16xf32>
        %add3A_700 = arith.constant 9 : i32
        %add3A_701 = arith.addi %mul3A_65, %add3A_700 : i32
        %get3A_702 = arith.index_cast %add3A_701 : i32 to index
        %get3A_703 = arith.constant 128 : index
        %get3A_704 = tpu.vector_load %arg6[%get3A_702, %get3A_703] {strides = array<i32>} : memref<80x256xf32, #tpu.memory_space<vmem>>, vector<1x16xf32>,
        %get3A_705 = vector.shape_cast %get3A_704 : vector<1x16xf32> to vector<16xf32>
        %add3A_706 = arith.addf %add3A_699, %get3A_705 : vector<16xf32>
        %swap3A_707 = arith.index_cast %scan3A_63 : i32 to index
        %swap3A_708 = arith.constant 128 : index
        %swap3A_709 = tpu.vector_load %arg8[%swap3A_707, %swap3A_708] {strides = array<i32>} : memref<8x256xf32, #tpu.memory_space<vmem>>, vector<1x16xf32>,
        %swap3A_710 = vector.shape_cast %swap3A_709 : vector<1x16xf32> to vector<16xf32>
        %swap3A_711 = vector.shape_cast %add3A_706 : vector<16xf32> to vector<1x16xf32>
        tpu.vector_store %arg8[%swap3A_707, %swap3A_708], %swap3A_711 {strides = array<i32>} : memref<8x256xf32, #tpu.memory_space<vmem>>, vector<1x16xf32>,
        %get3A_712 = arith.index_cast %mul3A_65 : i32 to index
        %get3A_713 = arith.constant 144 : index
        %get3A_714 = tpu.vector_load %arg6[%get3A_712, %get3A_713] {strides = array<i32>} : memref<80x256xf32, #tpu.memory_space<vmem>>, vector<1x16xf32>,
        %get3A_715 = vector.shape_cast %get3A_714 : vector<1x16xf32> to vector<16xf32>
        %add3A_716 = arith.constant 1 : i32
        %add3A_717 = arith.addi %mul3A_65, %add3A_716 : i32
        %get3A_718 = arith.index_cast %add3A_717 : i32 to index
        %get3A_719 = arith.constant 144 : index
        %get3A_720 = tpu.vector_load %arg6[%get3A_718, %get3A_719] {strides = array<i32>} : memref<80x256xf32, #tpu.memory_space<vmem>>, vector<1x16xf32>,
        %get3A_721 = vector.shape_cast %get3A_720 : vector<1x16xf32> to vector<16xf32>
        %add3A_722 = arith.addf %get3A_715, %get3A_721 : vector<16xf32>
        %add3A_723 = arith.constant 2 : i32
        %add3A_724 = arith.addi %mul3A_65, %add3A_723 : i32
        %get3A_725 = arith.index_cast %add3A_724 : i32 to index
        %get3A_726 = arith.constant 144 : index
        %get3A_727 = tpu.vector_load %arg6[%get3A_725, %get3A_726] {strides = array<i32>} : memref<80x256xf32, #tpu.memory_space<vmem>>, vector<1x16xf32>,
        %get3A_728 = vector.shape_cast %get3A_727 : vector<1x16xf32> to vector<16xf32>
        %add3A_729 = arith.addf %add3A_722, %get3A_728 : vector<16xf32>
        %add3A_730 = arith.constant 3 : i32
        %add3A_731 = arith.addi %mul3A_65, %add3A_730 : i32
        %get3A_732 = arith.index_cast %add3A_731 : i32 to index
        %get3A_733 = arith.constant 144 : index
        %get3A_734 = tpu.vector_load %arg6[%get3A_732, %get3A_733] {strides = array<i32>} : memref<80x256xf32, #tpu.memory_space<vmem>>, vector<1x16xf32>,
        %get3A_735 = vector.shape_cast %get3A_734 : vector<1x16xf32> to vector<16xf32>
        %add3A_736 = arith.addf %add3A_729, %get3A_735 : vector<16xf32>
        %add3A_737 = arith.constant 4 : i32
        %add3A_738 = arith.addi %mul3A_65, %add3A_737 : i32
        %get3A_739 = arith.index_cast %add3A_738 : i32 to index
        %get3A_740 = arith.constant 144 : index
        %get3A_741 = tpu.vector_load %arg6[%get3A_739, %get3A_740] {strides = array<i32>} : memref<80x256xf32, #tpu.memory_space<vmem>>, vector<1x16xf32>,
        %get3A_742 = vector.shape_cast %get3A_741 : vector<1x16xf32> to vector<16xf32>
        %add3A_743 = arith.addf %add3A_736, %get3A_742 : vector<16xf32>
        %add3A_744 = arith.constant 5 : i32
        %add3A_745 = arith.addi %mul3A_65, %add3A_744 : i32
        %get3A_746 = arith.index_cast %add3A_745 : i32 to index
        %get3A_747 = arith.constant 144 : index
        %get3A_748 = tpu.vector_load %arg6[%get3A_746, %get3A_747] {strides = array<i32>} : memref<80x256xf32, #tpu.memory_space<vmem>>, vector<1x16xf32>,
        %get3A_749 = vector.shape_cast %get3A_748 : vector<1x16xf32> to vector<16xf32>
        %add3A_750 = arith.addf %add3A_743, %get3A_749 : vector<16xf32>
        %add3A_751 = arith.constant 6 : i32
        %add3A_752 = arith.addi %mul3A_65, %add3A_751 : i32
        %get3A_753 = arith.index_cast %add3A_752 : i32 to index
        %get3A_754 = arith.constant 144 : index
        %get3A_755 = tpu.vector_load %arg6[%get3A_753, %get3A_754] {strides = array<i32>} : memref<80x256xf32, #tpu.memory_space<vmem>>, vector<1x16xf32>,
        %get3A_756 = vector.shape_cast %get3A_755 : vector<1x16xf32> to vector<16xf32>
        %add3A_757 = arith.addf %add3A_750, %get3A_756 : vector<16xf32>
        %add3A_758 = arith.constant 7 : i32
        %add3A_759 = arith.addi %mul3A_65, %add3A_758 : i32
        %get3A_760 = arith.index_cast %add3A_759 : i32 to index
        %get3A_761 = arith.constant 144 : index
        %get3A_762 = tpu.vector_load %arg6[%get3A_760, %get3A_761] {strides = array<i32>} : memref<80x256xf32, #tpu.memory_space<vmem>>, vector<1x16xf32>,
        %get3A_763 = vector.shape_cast %get3A_762 : vector<1x16xf32> to vector<16xf32>
        %add3A_764 = arith.addf %add3A_757, %get3A_763 : vector<16xf32>
        %add3A_765 = arith.constant 8 : i32
        %add3A_766 = arith.addi %mul3A_65, %add3A_765 : i32
        %get3A_767 = arith.index_cast %add3A_766 : i32 to index
        %get3A_768 = arith.constant 144 : index
        %get3A_769 = tpu.vector_load %arg6[%get3A_767, %get3A_768] {strides = array<i32>} : memref<80x256xf32, #tpu.memory_space<vmem>>, vector<1x16xf32>,
        %get3A_770 = vector.shape_cast %get3A_769 : vector<1x16xf32> to vector<16xf32>
        %add3A_771 = arith.addf %add3A_764, %get3A_770 : vector<16xf32>
        %add3A_772 = arith.constant 9 : i32
        %add3A_773 = arith.addi %mul3A_65, %add3A_772 : i32
        %get3A_774 = arith.index_cast %add3A_773 : i32 to index
        %get3A_775 = arith.constant 144 : index
        %get3A_776 = tpu.vector_load %arg6[%get3A_774, %get3A_775] {strides = array<i32>} : memref<80x256xf32, #tpu.memory_space<vmem>>, vector<1x16xf32>,
        %get3A_777 = vector.shape_cast %get3A_776 : vector<1x16xf32> to vector<16xf32>
        %add3A_778 = arith.addf %add3A_771, %get3A_777 : vector<16xf32>
        %swap3A_779 = arith.index_cast %scan3A_63 : i32 to index
        %swap3A_780 = arith.constant 144 : index
        %swap3A_781 = tpu.vector_load %arg8[%swap3A_779, %swap3A_780] {strides = array<i32>} : memref<8x256xf32, #tpu.memory_space<vmem>>, vector<1x16xf32>,
        %swap3A_782 = vector.shape_cast %swap3A_781 : vector<1x16xf32> to vector<16xf32>
        %swap3A_783 = vector.shape_cast %add3A_778 : vector<16xf32> to vector<1x16xf32>
        tpu.vector_store %arg8[%swap3A_779, %swap3A_780], %swap3A_783 {strides = array<i32>} : memref<8x256xf32, #tpu.memory_space<vmem>>, vector<1x16xf32>,
        %get3A_784 = arith.index_cast %mul3A_65 : i32 to index
        %get3A_785 = arith.constant 160 : index
        %get3A_786 = tpu.vector_load %arg6[%get3A_784, %get3A_785] {strides = array<i32>} : memref<80x256xf32, #tpu.memory_space<vmem>>, vector<1x16xf32>,
        %get3A_787 = vector.shape_cast %get3A_786 : vector<1x16xf32> to vector<16xf32>
        %add3A_788 = arith.constant 1 : i32
        %add3A_789 = arith.addi %mul3A_65, %add3A_788 : i32
        %get3A_790 = arith.index_cast %add3A_789 : i32 to index
        %get3A_791 = arith.constant 160 : index
        %get3A_792 = tpu.vector_load %arg6[%get3A_790, %get3A_791] {strides = array<i32>} : memref<80x256xf32, #tpu.memory_space<vmem>>, vector<1x16xf32>,
        %get3A_793 = vector.shape_cast %get3A_792 : vector<1x16xf32> to vector<16xf32>
        %add3A_794 = arith.addf %get3A_787, %get3A_793 : vector<16xf32>
        %add3A_795 = arith.constant 2 : i32
        %add3A_796 = arith.addi %mul3A_65, %add3A_795 : i32
        %get3A_797 = arith.index_cast %add3A_796 : i32 to index
        %get3A_798 = arith.constant 160 : index
        %get3A_799 = tpu.vector_load %arg6[%get3A_797, %get3A_798] {strides = array<i32>} : memref<80x256xf32, #tpu.memory_space<vmem>>, vector<1x16xf32>,
        %get3A_800 = vector.shape_cast %get3A_799 : vector<1x16xf32> to vector<16xf32>
        %add3A_801 = arith.addf %add3A_794, %get3A_800 : vector<16xf32>
        %add3A_802 = arith.constant 3 : i32
        %add3A_803 = arith.addi %mul3A_65, %add3A_802 : i32
        %get3A_804 = arith.index_cast %add3A_803 : i32 to index
        %get3A_805 = arith.constant 160 : index
        %get3A_806 = tpu.vector_load %arg6[%get3A_804, %get3A_805] {strides = array<i32>} : memref<80x256xf32, #tpu.memory_space<vmem>>, vector<1x16xf32>,
        %get3A_807 = vector.shape_cast %get3A_806 : vector<1x16xf32> to vector<16xf32>
        %add3A_808 = arith.addf %add3A_801, %get3A_807 : vector<16xf32>
        %add3A_809 = arith.constant 4 : i32
        %add3A_810 = arith.addi %mul3A_65, %add3A_809 : i32
        %get3A_811 = arith.index_cast %add3A_810 : i32 to index
        %get3A_812 = arith.constant 160 : index
        %get3A_813 = tpu.vector_load %arg6[%get3A_811, %get3A_812] {strides = array<i32>} : memref<80x256xf32, #tpu.memory_space<vmem>>, vector<1x16xf32>,
        %get3A_814 = vector.shape_cast %get3A_813 : vector<1x16xf32> to vector<16xf32>
        %add3A_815 = arith.addf %add3A_808, %get3A_814 : vector<16xf32>
        %add3A_816 = arith.constant 5 : i32
        %add3A_817 = arith.addi %mul3A_65, %add3A_816 : i32
        %get3A_818 = arith.index_cast %add3A_817 : i32 to index
        %get3A_819 = arith.constant 160 : index
        %get3A_820 = tpu.vector_load %arg6[%get3A_818, %get3A_819] {strides = array<i32>} : memref<80x256xf32, #tpu.memory_space<vmem>>, vector<1x16xf32>,
        %get3A_821 = vector.shape_cast %get3A_820 : vector<1x16xf32> to vector<16xf32>
        %add3A_822 = arith.addf %add3A_815, %get3A_821 : vector<16xf32>
        %add3A_823 = arith.constant 6 : i32
        %add3A_824 = arith.addi %mul3A_65, %add3A_823 : i32
        %get3A_825 = arith.index_cast %add3A_824 : i32 to index
        %get3A_826 = arith.constant 160 : index
        %get3A_827 = tpu.vector_load %arg6[%get3A_825, %get3A_826] {strides = array<i32>} : memref<80x256xf32, #tpu.memory_space<vmem>>, vector<1x16xf32>,
        %get3A_828 = vector.shape_cast %get3A_827 : vector<1x16xf32> to vector<16xf32>
        %add3A_829 = arith.addf %add3A_822, %get3A_828 : vector<16xf32>
        %add3A_830 = arith.constant 7 : i32
        %add3A_831 = arith.addi %mul3A_65, %add3A_830 : i32
        %get3A_832 = arith.index_cast %add3A_831 : i32 to index
        %get3A_833 = arith.constant 160 : index
        %get3A_834 = tpu.vector_load %arg6[%get3A_832, %get3A_833] {strides = array<i32>} : memref<80x256xf32, #tpu.memory_space<vmem>>, vector<1x16xf32>,
        %get3A_835 = vector.shape_cast %get3A_834 : vector<1x16xf32> to vector<16xf32>
        %add3A_836 = arith.addf %add3A_829, %get3A_835 : vector<16xf32>
        %add3A_837 = arith.constant 8 : i32
        %add3A_838 = arith.addi %mul3A_65, %add3A_837 : i32
        %get3A_839 = arith.index_cast %add3A_838 : i32 to index
        %get3A_840 = arith.constant 160 : index
        %get3A_841 = tpu.vector_load %arg6[%get3A_839, %get3A_840] {strides = array<i32>} : memref<80x256xf32, #tpu.memory_space<vmem>>, vector<1x16xf32>,
        %get3A_842 = vector.shape_cast %get3A_841 : vector<1x16xf32> to vector<16xf32>
        %add3A_843 = arith.addf %add3A_836, %get3A_842 : vector<16xf32>
        %add3A_844 = arith.constant 9 : i32
        %add3A_845 = arith.addi %mul3A_65, %add3A_844 : i32
        %get3A_846 = arith.index_cast %add3A_845 : i32 to index
        %get3A_847 = arith.constant 160 : index
        %get3A_848 = tpu.vector_load %arg6[%get3A_846, %get3A_847] {strides = array<i32>} : memref<80x256xf32, #tpu.memory_space<vmem>>, vector<1x16xf32>,
        %get3A_849 = vector.shape_cast %get3A_848 : vector<1x16xf32> to vector<16xf32>
        %add3A_850 = arith.addf %add3A_843, %get3A_849 : vector<16xf32>
        %swap3A_851 = arith.index_cast %scan3A_63 : i32 to index
        %swap3A_852 = arith.constant 160 : index
        %swap3A_853 = tpu.vector_load %arg8[%swap3A_851, %swap3A_852] {strides = array<i32>} : memref<8x256xf32, #tpu.memory_space<vmem>>, vector<1x16xf32>,
        %swap3A_854 = vector.shape_cast %swap3A_853 : vector<1x16xf32> to vector<16xf32>
        %swap3A_855 = vector.shape_cast %add3A_850 : vector<16xf32> to vector<1x16xf32>
        tpu.vector_store %arg8[%swap3A_851, %swap3A_852], %swap3A_855 {strides = array<i32>} : memref<8x256xf32, #tpu.memory_space<vmem>>, vector<1x16xf32>,
        %get3A_856 = arith.index_cast %mul3A_65 : i32 to index
        %get3A_857 = arith.constant 176 : index
        %get3A_858 = tpu.vector_load %arg6[%get3A_856, %get3A_857] {strides = array<i32>} : memref<80x256xf32, #tpu.memory_space<vmem>>, vector<1x16xf32>,
        %get3A_859 = vector.shape_cast %get3A_858 : vector<1x16xf32> to vector<16xf32>
        %add3A_860 = arith.constant 1 : i32
        %add3A_861 = arith.addi %mul3A_65, %add3A_860 : i32
        %get3A_862 = arith.index_cast %add3A_861 : i32 to index
        %get3A_863 = arith.constant 176 : index
        %get3A_864 = tpu.vector_load %arg6[%get3A_862, %get3A_863] {strides = array<i32>} : memref<80x256xf32, #tpu.memory_space<vmem>>, vector<1x16xf32>,
        %get3A_865 = vector.shape_cast %get3A_864 : vector<1x16xf32> to vector<16xf32>
        %add3A_866 = arith.addf %get3A_859, %get3A_865 : vector<16xf32>
        %add3A_867 = arith.constant 2 : i32
        %add3A_868 = arith.addi %mul3A_65, %add3A_867 : i32
        %get3A_869 = arith.index_cast %add3A_868 : i32 to index
        %get3A_870 = arith.constant 176 : index
        %get3A_871 = tpu.vector_load %arg6[%get3A_869, %get3A_870] {strides = array<i32>} : memref<80x256xf32, #tpu.memory_space<vmem>>, vector<1x16xf32>,
        %get3A_872 = vector.shape_cast %get3A_871 : vector<1x16xf32> to vector<16xf32>
        %add3A_873 = arith.addf %add3A_866, %get3A_872 : vector<16xf32>
        %add3A_874 = arith.constant 3 : i32
        %add3A_875 = arith.addi %mul3A_65, %add3A_874 : i32
        %get3A_876 = arith.index_cast %add3A_875 : i32 to index
        %get3A_877 = arith.constant 176 : index
        %get3A_878 = tpu.vector_load %arg6[%get3A_876, %get3A_877] {strides = array<i32>} : memref<80x256xf32, #tpu.memory_space<vmem>>, vector<1x16xf32>,
        %get3A_879 = vector.shape_cast %get3A_878 : vector<1x16xf32> to vector<16xf32>
        %add3A_880 = arith.addf %add3A_873, %get3A_879 : vector<16xf32>
        %add3A_881 = arith.constant 4 : i32
        %add3A_882 = arith.addi %mul3A_65, %add3A_881 : i32
        %get3A_883 = arith.index_cast %add3A_882 : i32 to index
        %get3A_884 = arith.constant 176 : index
        %get3A_885 = tpu.vector_load %arg6[%get3A_883, %get3A_884] {strides = array<i32>} : memref<80x256xf32, #tpu.memory_space<vmem>>, vector<1x16xf32>,
        %get3A_886 = vector.shape_cast %get3A_885 : vector<1x16xf32> to vector<16xf32>
        %add3A_887 = arith.addf %add3A_880, %get3A_886 : vector<16xf32>
        %add3A_888 = arith.constant 5 : i32
        %add3A_889 = arith.addi %mul3A_65, %add3A_888 : i32
        %get3A_890 = arith.index_cast %add3A_889 : i32 to index
        %get3A_891 = arith.constant 176 : index
        %get3A_892 = tpu.vector_load %arg6[%get3A_890, %get3A_891] {strides = array<i32>} : memref<80x256xf32, #tpu.memory_space<vmem>>, vector<1x16xf32>,
        %get3A_893 = vector.shape_cast %get3A_892 : vector<1x16xf32> to vector<16xf32>
        %add3A_894 = arith.addf %add3A_887, %get3A_893 : vector<16xf32>
        %add3A_895 = arith.constant 6 : i32
        %add3A_896 = arith.addi %mul3A_65, %add3A_895 : i32
        %get3A_897 = arith.index_cast %add3A_896 : i32 to index
        %get3A_898 = arith.constant 176 : index
        %get3A_899 = tpu.vector_load %arg6[%get3A_897, %get3A_898] {strides = array<i32>} : memref<80x256xf32, #tpu.memory_space<vmem>>, vector<1x16xf32>,
        %get3A_900 = vector.shape_cast %get3A_899 : vector<1x16xf32> to vector<16xf32>
        %add3A_901 = arith.addf %add3A_894, %get3A_900 : vector<16xf32>
        %add3A_902 = arith.constant 7 : i32
        %add3A_903 = arith.addi %mul3A_65, %add3A_902 : i32
        %get3A_904 = arith.index_cast %add3A_903 : i32 to index
        %get3A_905 = arith.constant 176 : index
        %get3A_906 = tpu.vector_load %arg6[%get3A_904, %get3A_905] {strides = array<i32>} : memref<80x256xf32, #tpu.memory_space<vmem>>, vector<1x16xf32>,
        %get3A_907 = vector.shape_cast %get3A_906 : vector<1x16xf32> to vector<16xf32>
        %add3A_908 = arith.addf %add3A_901, %get3A_907 : vector<16xf32>
        %add3A_909 = arith.constant 8 : i32
        %add3A_910 = arith.addi %mul3A_65, %add3A_909 : i32
        %get3A_911 = arith.index_cast %add3A_910 : i32 to index
        %get3A_912 = arith.constant 176 : index
        %get3A_913 = tpu.vector_load %arg6[%get3A_911, %get3A_912] {strides = array<i32>} : memref<80x256xf32, #tpu.memory_space<vmem>>, vector<1x16xf32>,
        %get3A_914 = vector.shape_cast %get3A_913 : vector<1x16xf32> to vector<16xf32>
        %add3A_915 = arith.addf %add3A_908, %get3A_914 : vector<16xf32>
        %add3A_916 = arith.constant 9 : i32
        %add3A_917 = arith.addi %mul3A_65, %add3A_916 : i32
        %get3A_918 = arith.index_cast %add3A_917 : i32 to index
        %get3A_919 = arith.constant 176 : index
        %get3A_920 = tpu.vector_load %arg6[%get3A_918, %get3A_919] {strides = array<i32>} : memref<80x256xf32, #tpu.memory_space<vmem>>, vector<1x16xf32>,
        %get3A_921 = vector.shape_cast %get3A_920 : vector<1x16xf32> to vector<16xf32>
        %add3A_922 = arith.addf %add3A_915, %get3A_921 : vector<16xf32>
        %swap3A_923 = arith.index_cast %scan3A_63 : i32 to index
        %swap3A_924 = arith.constant 176 : index
        %swap3A_925 = tpu.vector_load %arg8[%swap3A_923, %swap3A_924] {strides = array<i32>} : memref<8x256xf32, #tpu.memory_space<vmem>>, vector<1x16xf32>,
        %swap3A_926 = vector.shape_cast %swap3A_925 : vector<1x16xf32> to vector<16xf32>
        %swap3A_927 = vector.shape_cast %add3A_922 : vector<16xf32> to vector<1x16xf32>
        tpu.vector_store %arg8[%swap3A_923, %swap3A_924], %swap3A_927 {strides = array<i32>} : memref<8x256xf32, #tpu.memory_space<vmem>>, vector<1x16xf32>,
        %get3A_928 = arith.index_cast %mul3A_65 : i32 to index
        %get3A_929 = arith.constant 192 : index
        %get3A_930 = tpu.vector_load %arg6[%get3A_928, %get3A_929] {strides = array<i32>} : memref<80x256xf32, #tpu.memory_space<vmem>>, vector<1x16xf32>,
        %get3A_931 = vector.shape_cast %get3A_930 : vector<1x16xf32> to vector<16xf32>
        %add3A_932 = arith.constant 1 : i32
        %add3A_933 = arith.addi %mul3A_65, %add3A_932 : i32
        %get3A_934 = arith.index_cast %add3A_933 : i32 to index
        %get3A_935 = arith.constant 192 : index
        %get3A_936 = tpu.vector_load %arg6[%get3A_934, %get3A_935] {strides = array<i32>} : memref<80x256xf32, #tpu.memory_space<vmem>>, vector<1x16xf32>,
        %get3A_937 = vector.shape_cast %get3A_936 : vector<1x16xf32> to vector<16xf32>
        %add3A_938 = arith.addf %get3A_931, %get3A_937 : vector<16xf32>
        %add3A_939 = arith.constant 2 : i32
        %add3A_940 = arith.addi %mul3A_65, %add3A_939 : i32
        %get3A_941 = arith.index_cast %add3A_940 : i32 to index
        %get3A_942 = arith.constant 192 : index
        %get3A_943 = tpu.vector_load %arg6[%get3A_941, %get3A_942] {strides = array<i32>} : memref<80x256xf32, #tpu.memory_space<vmem>>, vector<1x16xf32>,
        %get3A_944 = vector.shape_cast %get3A_943 : vector<1x16xf32> to vector<16xf32>
        %add3A_945 = arith.addf %add3A_938, %get3A_944 : vector<16xf32>
        %add3A_946 = arith.constant 3 : i32
        %add3A_947 = arith.addi %mul3A_65, %add3A_946 : i32
        %get3A_948 = arith.index_cast %add3A_947 : i32 to index
        %get3A_949 = arith.constant 192 : index
        %get3A_950 = tpu.vector_load %arg6[%get3A_948, %get3A_949] {strides = array<i32>} : memref<80x256xf32, #tpu.memory_space<vmem>>, vector<1x16xf32>,
        %get3A_951 = vector.shape_cast %get3A_950 : vector<1x16xf32> to vector<16xf32>
        %add3A_952 = arith.addf %add3A_945, %get3A_951 : vector<16xf32>
        %add3A_953 = arith.constant 4 : i32
        %add3A_954 = arith.addi %mul3A_65, %add3A_953 : i32
        %get3A_955 = arith.index_cast %add3A_954 : i32 to index
        %get3A_956 = arith.constant 192 : index
        %get3A_957 = tpu.vector_load %arg6[%get3A_955, %get3A_956] {strides = array<i32>} : memref<80x256xf32, #tpu.memory_space<vmem>>, vector<1x16xf32>,
        %get3A_958 = vector.shape_cast %get3A_957 : vector<1x16xf32> to vector<16xf32>
        %add3A_959 = arith.addf %add3A_952, %get3A_958 : vector<16xf32>
        %add3A_960 = arith.constant 5 : i32
        %add3A_961 = arith.addi %mul3A_65, %add3A_960 : i32
        %get3A_962 = arith.index_cast %add3A_961 : i32 to index
        %get3A_963 = arith.constant 192 : index
        %get3A_964 = tpu.vector_load %arg6[%get3A_962, %get3A_963] {strides = array<i32>} : memref<80x256xf32, #tpu.memory_space<vmem>>, vector<1x16xf32>,
        %get3A_965 = vector.shape_cast %get3A_964 : vector<1x16xf32> to vector<16xf32>
        %add3A_966 = arith.addf %add3A_959, %get3A_965 : vector<16xf32>
        %add3A_967 = arith.constant 6 : i32
        %add3A_968 = arith.addi %mul3A_65, %add3A_967 : i32
        %get3A_969 = arith.index_cast %add3A_968 : i32 to index
        %get3A_970 = arith.constant 192 : index
        %get3A_971 = tpu.vector_load %arg6[%get3A_969, %get3A_970] {strides = array<i32>} : memref<80x256xf32, #tpu.memory_space<vmem>>, vector<1x16xf32>,
        %get3A_972 = vector.shape_cast %get3A_971 : vector<1x16xf32> to vector<16xf32>
        %add3A_973 = arith.addf %add3A_966, %get3A_972 : vector<16xf32>
        %add3A_974 = arith.constant 7 : i32
        %add3A_975 = arith.addi %mul3A_65, %add3A_974 : i32
        %get3A_976 = arith.index_cast %add3A_975 : i32 to index
        %get3A_977 = arith.constant 192 : index
        %get3A_978 = tpu.vector_load %arg6[%get3A_976, %get3A_977] {strides = array<i32>} : memref<80x256xf32, #tpu.memory_space<vmem>>, vector<1x16xf32>,
        %get3A_979 = vector.shape_cast %get3A_978 : vector<1x16xf32> to vector<16xf32>
        %add3A_980 = arith.addf %add3A_973, %get3A_979 : vector<16xf32>
        %add3A_981 = arith.constant 8 : i32
        %add3A_982 = arith.addi %mul3A_65, %add3A_981 : i32
        %get3A_983 = arith.index_cast %add3A_982 : i32 to index
        %get3A_984 = arith.constant 192 : index
        %get3A_985 = tpu.vector_load %arg6[%get3A_983, %get3A_984] {strides = array<i32>} : memref<80x256xf32, #tpu.memory_space<vmem>>, vector<1x16xf32>,
        %get3A_986 = vector.shape_cast %get3A_985 : vector<1x16xf32> to vector<16xf32>
        %add3A_987 = arith.addf %add3A_980, %get3A_986 : vector<16xf32>
        %add3A_988 = arith.constant 9 : i32
        %add3A_989 = arith.addi %mul3A_65, %add3A_988 : i32
        %get3A_990 = arith.index_cast %add3A_989 : i32 to index
        %get3A_991 = arith.constant 192 : index
        %get3A_992 = tpu.vector_load %arg6[%get3A_990, %get3A_991] {strides = array<i32>} : memref<80x256xf32, #tpu.memory_space<vmem>>, vector<1x16xf32>,
        %get3A_993 = vector.shape_cast %get3A_992 : vector<1x16xf32> to vector<16xf32>
        %add3A_994 = arith.addf %add3A_987, %get3A_993 : vector<16xf32>
        %swap3A_995 = arith.index_cast %scan3A_63 : i32 to index
        %swap3A_996 = arith.constant 192 : index
        %swap3A_997 = tpu.vector_load %arg8[%swap3A_995, %swap3A_996] {strides = array<i32>} : memref<8x256xf32, #tpu.memory_space<vmem>>, vector<1x16xf32>,
        %swap3A_998 = vector.shape_cast %swap3A_997 : vector<1x16xf32> to vector<16xf32>
        %swap3A_999 = vector.shape_cast %add3A_994 : vector<16xf32> to vector<1x16xf32>
        tpu.vector_store %arg8[%swap3A_995, %swap3A_996], %swap3A_999 {strides = array<i32>} : memref<8x256xf32, #tpu.memory_space<vmem>>, vector<1x16xf32>,
        %get3A_1000 = arith.index_cast %mul3A_65 : i32 to index
        %get3A_1001 = arith.constant 208 : index
        %get3A_1002 = tpu.vector_load %arg6[%get3A_1000, %get3A_1001] {strides = array<i32>} : memref<80x256xf32, #tpu.memory_space<vmem>>, vector<1x16xf32>,
        %get3A_1003 = vector.shape_cast %get3A_1002 : vector<1x16xf32> to vector<16xf32>
        %add3A_1004 = arith.constant 1 : i32
        %add3A_1005 = arith.addi %mul3A_65, %add3A_1004 : i32
        %get3A_1006 = arith.index_cast %add3A_1005 : i32 to index
        %get3A_1007 = arith.constant 208 : index
        %get3A_1008 = tpu.vector_load %arg6[%get3A_1006, %get3A_1007] {strides = array<i32>} : memref<80x256xf32, #tpu.memory_space<vmem>>, vector<1x16xf32>,
        %get3A_1009 = vector.shape_cast %get3A_1008 : vector<1x16xf32> to vector<16xf32>
        %add3A_1010 = arith.addf %get3A_1003, %get3A_1009 : vector<16xf32>
        %add3A_1011 = arith.constant 2 : i32
        %add3A_1012 = arith.addi %mul3A_65, %add3A_1011 : i32
        %get3A_1013 = arith.index_cast %add3A_1012 : i32 to index
        %get3A_1014 = arith.constant 208 : index
        %get3A_1015 = tpu.vector_load %arg6[%get3A_1013, %get3A_1014] {strides = array<i32>} : memref<80x256xf32, #tpu.memory_space<vmem>>, vector<1x16xf32>,
        %get3A_1016 = vector.shape_cast %get3A_1015 : vector<1x16xf32> to vector<16xf32>
        %add3A_1017 = arith.addf %add3A_1010, %get3A_1016 : vector<16xf32>
        %add3A_1018 = arith.constant 3 : i32
        %add3A_1019 = arith.addi %mul3A_65, %add3A_1018 : i32
        %get3A_1020 = arith.index_cast %add3A_1019 : i32 to index
        %get3A_1021 = arith.constant 208 : index
        %get3A_1022 = tpu.vector_load %arg6[%get3A_1020, %get3A_1021] {strides = array<i32>} : memref<80x256xf32, #tpu.memory_space<vmem>>, vector<1x16xf32>,
        %get3A_1023 = vector.shape_cast %get3A_1022 : vector<1x16xf32> to vector<16xf32>
        %add3A_1024 = arith.addf %add3A_1017, %get3A_1023 : vector<16xf32>
        %add3A_1025 = arith.constant 4 : i32
        %add3A_1026 = arith.addi %mul3A_65, %add3A_1025 : i32
        %get3A_1027 = arith.index_cast %add3A_1026 : i32 to index
        %get3A_1028 = arith.constant 208 : index
        %get3A_1029 = tpu.vector_load %arg6[%get3A_1027, %get3A_1028] {strides = array<i32>} : memref<80x256xf32, #tpu.memory_space<vmem>>, vector<1x16xf32>,
        %get3A_1030 = vector.shape_cast %get3A_1029 : vector<1x16xf32> to vector<16xf32>
        %add3A_1031 = arith.addf %add3A_1024, %get3A_1030 : vector<16xf32>
        %add3A_1032 = arith.constant 5 : i32
        %add3A_1033 = arith.addi %mul3A_65, %add3A_1032 : i32
        %get3A_1034 = arith.index_cast %add3A_1033 : i32 to index
        %get3A_1035 = arith.constant 208 : index
        %get3A_1036 = tpu.vector_load %arg6[%get3A_1034, %get3A_1035] {strides = array<i32>} : memref<80x256xf32, #tpu.memory_space<vmem>>, vector<1x16xf32>,
        %get3A_1037 = vector.shape_cast %get3A_1036 : vector<1x16xf32> to vector<16xf32>
        %add3A_1038 = arith.addf %add3A_1031, %get3A_1037 : vector<16xf32>
        %add3A_1039 = arith.constant 6 : i32
        %add3A_1040 = arith.addi %mul3A_65, %add3A_1039 : i32
        %get3A_1041 = arith.index_cast %add3A_1040 : i32 to index
        %get3A_1042 = arith.constant 208 : index
        %get3A_1043 = tpu.vector_load %arg6[%get3A_1041, %get3A_1042] {strides = array<i32>} : memref<80x256xf32, #tpu.memory_space<vmem>>, vector<1x16xf32>,
        %get3A_1044 = vector.shape_cast %get3A_1043 : vector<1x16xf32> to vector<16xf32>
        %add3A_1045 = arith.addf %add3A_1038, %get3A_1044 : vector<16xf32>
        %add3A_1046 = arith.constant 7 : i32
        %add3A_1047 = arith.addi %mul3A_65, %add3A_1046 : i32
        %get3A_1048 = arith.index_cast %add3A_1047 : i32 to index
        %get3A_1049 = arith.constant 208 : index
        %get3A_1050 = tpu.vector_load %arg6[%get3A_1048, %get3A_1049] {strides = array<i32>} : memref<80x256xf32, #tpu.memory_space<vmem>>, vector<1x16xf32>,
        %get3A_1051 = vector.shape_cast %get3A_1050 : vector<1x16xf32> to vector<16xf32>
        %add3A_1052 = arith.addf %add3A_1045, %get3A_1051 : vector<16xf32>
        %add3A_1053 = arith.constant 8 : i32
        %add3A_1054 = arith.addi %mul3A_65, %add3A_1053 : i32
        %get3A_1055 = arith.index_cast %add3A_1054 : i32 to index
        %get3A_1056 = arith.constant 208 : index
        %get3A_1057 = tpu.vector_load %arg6[%get3A_1055, %get3A_1056] {strides = array<i32>} : memref<80x256xf32, #tpu.memory_space<vmem>>, vector<1x16xf32>,
        %get3A_1058 = vector.shape_cast %get3A_1057 : vector<1x16xf32> to vector<16xf32>
        %add3A_1059 = arith.addf %add3A_1052, %get3A_1058 : vector<16xf32>
        %add3A_1060 = arith.constant 9 : i32
        %add3A_1061 = arith.addi %mul3A_65, %add3A_1060 : i32
        %get3A_1062 = arith.index_cast %add3A_1061 : i32 to index
        %get3A_1063 = arith.constant 208 : index
        %get3A_1064 = tpu.vector_load %arg6[%get3A_1062, %get3A_1063] {strides = array<i32>} : memref<80x256xf32, #tpu.memory_space<vmem>>, vector<1x16xf32>,
        %get3A_1065 = vector.shape_cast %get3A_1064 : vector<1x16xf32> to vector<16xf32>
        %add3A_1066 = arith.addf %add3A_1059, %get3A_1065 : vector<16xf32>
        %swap3A_1067 = arith.index_cast %scan3A_63 : i32 to index
        %swap3A_1068 = arith.constant 208 : index
        %swap3A_1069 = tpu.vector_load %arg8[%swap3A_1067, %swap3A_1068] {strides = array<i32>} : memref<8x256xf32, #tpu.memory_space<vmem>>, vector<1x16xf32>,
        %swap3A_1070 = vector.shape_cast %swap3A_1069 : vector<1x16xf32> to vector<16xf32>
        %swap3A_1071 = vector.shape_cast %add3A_1066 : vector<16xf32> to vector<1x16xf32>
        tpu.vector_store %arg8[%swap3A_1067, %swap3A_1068], %swap3A_1071 {strides = array<i32>} : memref<8x256xf32, #tpu.memory_space<vmem>>, vector<1x16xf32>,
        %get3A_1072 = arith.index_cast %mul3A_65 : i32 to index
        %get3A_1073 = arith.constant 224 : index
        %get3A_1074 = tpu.vector_load %arg6[%get3A_1072, %get3A_1073] {strides = array<i32>} : memref<80x256xf32, #tpu.memory_space<vmem>>, vector<1x16xf32>,
        %get3A_1075 = vector.shape_cast %get3A_1074 : vector<1x16xf32> to vector<16xf32>
        %add3A_1076 = arith.constant 1 : i32
        %add3A_1077 = arith.addi %mul3A_65, %add3A_1076 : i32
        %get3A_1078 = arith.index_cast %add3A_1077 : i32 to index
        %get3A_1079 = arith.constant 224 : index
        %get3A_1080 = tpu.vector_load %arg6[%get3A_1078, %get3A_1079] {strides = array<i32>} : memref<80x256xf32, #tpu.memory_space<vmem>>, vector<1x16xf32>,
        %get3A_1081 = vector.shape_cast %get3A_1080 : vector<1x16xf32> to vector<16xf32>
        %add3A_1082 = arith.addf %get3A_1075, %get3A_1081 : vector<16xf32>
        %add3A_1083 = arith.constant 2 : i32
        %add3A_1084 = arith.addi %mul3A_65, %add3A_1083 : i32
        %get3A_1085 = arith.index_cast %add3A_1084 : i32 to index
        %get3A_1086 = arith.constant 224 : index
        %get3A_1087 = tpu.vector_load %arg6[%get3A_1085, %get3A_1086] {strides = array<i32>} : memref<80x256xf32, #tpu.memory_space<vmem>>, vector<1x16xf32>,
        %get3A_1088 = vector.shape_cast %get3A_1087 : vector<1x16xf32> to vector<16xf32>
        %add3A_1089 = arith.addf %add3A_1082, %get3A_1088 : vector<16xf32>
        %add3A_1090 = arith.constant 3 : i32
        %add3A_1091 = arith.addi %mul3A_65, %add3A_1090 : i32
        %get3A_1092 = arith.index_cast %add3A_1091 : i32 to index
        %get3A_1093 = arith.constant 224 : index
        %get3A_1094 = tpu.vector_load %arg6[%get3A_1092, %get3A_1093] {strides = array<i32>} : memref<80x256xf32, #tpu.memory_space<vmem>>, vector<1x16xf32>,
        %get3A_1095 = vector.shape_cast %get3A_1094 : vector<1x16xf32> to vector<16xf32>
        %add3A_1096 = arith.addf %add3A_1089, %get3A_1095 : vector<16xf32>
        %add3A_1097 = arith.constant 4 : i32
        %add3A_1098 = arith.addi %mul3A_65, %add3A_1097 : i32
        %get3A_1099 = arith.index_cast %add3A_1098 : i32 to index
        %get3A_1100 = arith.constant 224 : index
        %get3A_1101 = tpu.vector_load %arg6[%get3A_1099, %get3A_1100] {strides = array<i32>} : memref<80x256xf32, #tpu.memory_space<vmem>>, vector<1x16xf32>,
        %get3A_1102 = vector.shape_cast %get3A_1101 : vector<1x16xf32> to vector<16xf32>
        %add3A_1103 = arith.addf %add3A_1096, %get3A_1102 : vector<16xf32>
        %add3A_1104 = arith.constant 5 : i32
        %add3A_1105 = arith.addi %mul3A_65, %add3A_1104 : i32
        %get3A_1106 = arith.index_cast %add3A_1105 : i32 to index
        %get3A_1107 = arith.constant 224 : index
        %get3A_1108 = tpu.vector_load %arg6[%get3A_1106, %get3A_1107] {strides = array<i32>} : memref<80x256xf32, #tpu.memory_space<vmem>>, vector<1x16xf32>,
        %get3A_1109 = vector.shape_cast %get3A_1108 : vector<1x16xf32> to vector<16xf32>
        %add3A_1110 = arith.addf %add3A_1103, %get3A_1109 : vector<16xf32>
        %add3A_1111 = arith.constant 6 : i32
        %add3A_1112 = arith.addi %mul3A_65, %add3A_1111 : i32
        %get3A_1113 = arith.index_cast %add3A_1112 : i32 to index
        %get3A_1114 = arith.constant 224 : index
        %get3A_1115 = tpu.vector_load %arg6[%get3A_1113, %get3A_1114] {strides = array<i32>} : memref<80x256xf32, #tpu.memory_space<vmem>>, vector<1x16xf32>,
        %get3A_1116 = vector.shape_cast %get3A_1115 : vector<1x16xf32> to vector<16xf32>
        %add3A_1117 = arith.addf %add3A_1110, %get3A_1116 : vector<16xf32>
        %add3A_1118 = arith.constant 7 : i32
        %add3A_1119 = arith.addi %mul3A_65, %add3A_1118 : i32
        %get3A_1120 = arith.index_cast %add3A_1119 : i32 to index
        %get3A_1121 = arith.constant 224 : index
        %get3A_1122 = tpu.vector_load %arg6[%get3A_1120, %get3A_1121] {strides = array<i32>} : memref<80x256xf32, #tpu.memory_space<vmem>>, vector<1x16xf32>,
        %get3A_1123 = vector.shape_cast %get3A_1122 : vector<1x16xf32> to vector<16xf32>
        %add3A_1124 = arith.addf %add3A_1117, %get3A_1123 : vector<16xf32>
        %add3A_1125 = arith.constant 8 : i32
        %add3A_1126 = arith.addi %mul3A_65, %add3A_1125 : i32
        %get3A_1127 = arith.index_cast %add3A_1126 : i32 to index
        %get3A_1128 = arith.constant 224 : index
        %get3A_1129 = tpu.vector_load %arg6[%get3A_1127, %get3A_1128] {strides = array<i32>} : memref<80x256xf32, #tpu.memory_space<vmem>>, vector<1x16xf32>,
        %get3A_1130 = vector.shape_cast %get3A_1129 : vector<1x16xf32> to vector<16xf32>
        %add3A_1131 = arith.addf %add3A_1124, %get3A_1130 : vector<16xf32>
        %add3A_1132 = arith.constant 9 : i32
        %add3A_1133 = arith.addi %mul3A_65, %add3A_1132 : i32
        %get3A_1134 = arith.index_cast %add3A_1133 : i32 to index
        %get3A_1135 = arith.constant 224 : index
        %get3A_1136 = tpu.vector_load %arg6[%get3A_1134, %get3A_1135] {strides = array<i32>} : memref<80x256xf32, #tpu.memory_space<vmem>>, vector<1x16xf32>,
        %get3A_1137 = vector.shape_cast %get3A_1136 : vector<1x16xf32> to vector<16xf32>
        %add3A_1138 = arith.addf %add3A_1131, %get3A_1137 : vector<16xf32>
        %swap3A_1139 = arith.index_cast %scan3A_63 : i32 to index
        %swap3A_1140 = arith.constant 224 : index
        %swap3A_1141 = tpu.vector_load %arg8[%swap3A_1139, %swap3A_1140] {strides = array<i32>} : memref<8x256xf32, #tpu.memory_space<vmem>>, vector<1x16xf32>,
        %swap3A_1142 = vector.shape_cast %swap3A_1141 : vector<1x16xf32> to vector<16xf32>
        %swap3A_1143 = vector.shape_cast %add3A_1138 : vector<16xf32> to vector<1x16xf32>
        tpu.vector_store %arg8[%swap3A_1139, %swap3A_1140], %swap3A_1143 {strides = array<i32>} : memref<8x256xf32, #tpu.memory_space<vmem>>, vector<1x16xf32>,
        %get3A_1144 = arith.index_cast %mul3A_65 : i32 to index
        %get3A_1145 = arith.constant 240 : index
        %get3A_1146 = tpu.vector_load %arg6[%get3A_1144, %get3A_1145] {strides = array<i32>} : memref<80x256xf32, #tpu.memory_space<vmem>>, vector<1x16xf32>,
        %get3A_1147 = vector.shape_cast %get3A_1146 : vector<1x16xf32> to vector<16xf32>
        %add3A_1148 = arith.constant 1 : i32
        %add3A_1149 = arith.addi %mul3A_65, %add3A_1148 : i32
        %get3A_1150 = arith.index_cast %add3A_1149 : i32 to index
        %get3A_1151 = arith.constant 240 : index
        %get3A_1152 = tpu.vector_load %arg6[%get3A_1150, %get3A_1151] {strides = array<i32>} : memref<80x256xf32, #tpu.memory_space<vmem>>, vector<1x16xf32>,
        %get3A_1153 = vector.shape_cast %get3A_1152 : vector<1x16xf32> to vector<16xf32>
        %add3A_1154 = arith.addf %get3A_1147, %get3A_1153 : vector<16xf32>
        %add3A_1155 = arith.constant 2 : i32
        %add3A_1156 = arith.addi %mul3A_65, %add3A_1155 : i32
        %get3A_1157 = arith.index_cast %add3A_1156 : i32 to index
        %get3A_1158 = arith.constant 240 : index
        %get3A_1159 = tpu.vector_load %arg6[%get3A_1157, %get3A_1158] {strides = array<i32>} : memref<80x256xf32, #tpu.memory_space<vmem>>, vector<1x16xf32>,
        %get3A_1160 = vector.shape_cast %get3A_1159 : vector<1x16xf32> to vector<16xf32>
        %add3A_1161 = arith.addf %add3A_1154, %get3A_1160 : vector<16xf32>
        %add3A_1162 = arith.constant 3 : i32
        %add3A_1163 = arith.addi %mul3A_65, %add3A_1162 : i32
        %get3A_1164 = arith.index_cast %add3A_1163 : i32 to index
        %get3A_1165 = arith.constant 240 : index
        %get3A_1166 = tpu.vector_load %arg6[%get3A_1164, %get3A_1165] {strides = array<i32>} : memref<80x256xf32, #tpu.memory_space<vmem>>, vector<1x16xf32>,
        %get3A_1167 = vector.shape_cast %get3A_1166 : vector<1x16xf32> to vector<16xf32>
        %add3A_1168 = arith.addf %add3A_1161, %get3A_1167 : vector<16xf32>
        %add3A_1169 = arith.constant 4 : i32
        %add3A_1170 = arith.addi %mul3A_65, %add3A_1169 : i32
        %get3A_1171 = arith.index_cast %add3A_1170 : i32 to index
        %get3A_1172 = arith.constant 240 : index
        %get3A_1173 = tpu.vector_load %arg6[%get3A_1171, %get3A_1172] {strides = array<i32>} : memref<80x256xf32, #tpu.memory_space<vmem>>, vector<1x16xf32>,
        %get3A_1174 = vector.shape_cast %get3A_1173 : vector<1x16xf32> to vector<16xf32>
        %add3A_1175 = arith.addf %add3A_1168, %get3A_1174 : vector<16xf32>
        %add3A_1176 = arith.constant 5 : i32
        %add3A_1177 = arith.addi %mul3A_65, %add3A_1176 : i32
        %get3A_1178 = arith.index_cast %add3A_1177 : i32 to index
        %get3A_1179 = arith.constant 240 : index
        %get3A_1180 = tpu.vector_load %arg6[%get3A_1178, %get3A_1179] {strides = array<i32>} : memref<80x256xf32, #tpu.memory_space<vmem>>, vector<1x16xf32>,
        %get3A_1181 = vector.shape_cast %get3A_1180 : vector<1x16xf32> to vector<16xf32>
        %add3A_1182 = arith.addf %add3A_1175, %get3A_1181 : vector<16xf32>
        %add3A_1183 = arith.constant 6 : i32
        %add3A_1184 = arith.addi %mul3A_65, %add3A_1183 : i32
        %get3A_1185 = arith.index_cast %add3A_1184 : i32 to index
        %get3A_1186 = arith.constant 240 : index
        %get3A_1187 = tpu.vector_load %arg6[%get3A_1185, %get3A_1186] {strides = array<i32>} : memref<80x256xf32, #tpu.memory_space<vmem>>, vector<1x16xf32>,
        %get3A_1188 = vector.shape_cast %get3A_1187 : vector<1x16xf32> to vector<16xf32>
        %add3A_1189 = arith.addf %add3A_1182, %get3A_1188 : vector<16xf32>
        %add3A_1190 = arith.constant 7 : i32
        %add3A_1191 = arith.addi %mul3A_65, %add3A_1190 : i32
        %get3A_1192 = arith.index_cast %add3A_1191 : i32 to index
        %get3A_1193 = arith.constant 240 : index
        %get3A_1194 = tpu.vector_load %arg6[%get3A_1192, %get3A_1193] {strides = array<i32>} : memref<80x256xf32, #tpu.memory_space<vmem>>, vector<1x16xf32>,
        %get3A_1195 = vector.shape_cast %get3A_1194 : vector<1x16xf32> to vector<16xf32>
        %add3A_1196 = arith.addf %add3A_1189, %get3A_1195 : vector<16xf32>
        %add3A_1197 = arith.constant 8 : i32
        %add3A_1198 = arith.addi %mul3A_65, %add3A_1197 : i32
        %get3A_1199 = arith.index_cast %add3A_1198 : i32 to index
        %get3A_1200 = arith.constant 240 : index
        %get3A_1201 = tpu.vector_load %arg6[%get3A_1199, %get3A_1200] {strides = array<i32>} : memref<80x256xf32, #tpu.memory_space<vmem>>, vector<1x16xf32>,
        %get3A_1202 = vector.shape_cast %get3A_1201 : vector<1x16xf32> to vector<16xf32>
        %add3A_1203 = arith.addf %add3A_1196, %get3A_1202 : vector<16xf32>
        %add3A_1204 = arith.constant 9 : i32
        %add3A_1205 = arith.addi %mul3A_65, %add3A_1204 : i32
        %get3A_1206 = arith.index_cast %add3A_1205 : i32 to index
        %get3A_1207 = arith.constant 240 : index
        %get3A_1208 = tpu.vector_load %arg6[%get3A_1206, %get3A_1207] {strides = array<i32>} : memref<80x256xf32, #tpu.memory_space<vmem>>, vector<1x16xf32>,
        %get3A_1209 = vector.shape_cast %get3A_1208 : vector<1x16xf32> to vector<16xf32>
        %add3A_1210 = arith.addf %add3A_1203, %get3A_1209 : vector<16xf32>
        %swap3A_1211 = arith.index_cast %scan3A_63 : i32 to index
        %swap3A_1212 = arith.constant 240 : index
        %swap3A_1213 = tpu.vector_load %arg8[%swap3A_1211, %swap3A_1212] {strides = array<i32>} : memref<8x256xf32, #tpu.memory_space<vmem>>, vector<1x16xf32>,
        %swap3A_1214 = vector.shape_cast %swap3A_1213 : vector<1x16xf32> to vector<16xf32>
        %swap3A_1215 = vector.shape_cast %add3A_1210 : vector<16xf32> to vector<1x16xf32>
        tpu.vector_store %arg8[%swap3A_1211, %swap3A_1212], %swap3A_1215 {strides = array<i32>} : memref<8x256xf32, #tpu.memory_space<vmem>>, vector<1x16xf32>,
      }
      %scan3A_32 = arith.constant 8 : i32
      %mul3A_33 = arith.constant 8 : i32
      %mul3A_34 = arith.muli %add3A_18, %mul3A_33 : i32
      %add3A_35 = arith.addi %mul3A_2, %mul3A_34 : i32
      %multiple_of3A_36 = tpu.assume_multiple %add3A_35, 8 : i32
      "tpu.region"() ({
        %run_scoped3A = tpu.sem_alloc : memref<!tpu.dma_semaphore, #tpu.memory_space<semaphore_mem>>
        %dma_start3A_63 = arith.constant 0 : i32
        %dma_start3A_64 = tpu.memref_slice %arg4[%multiple_of3A_36, %dma_start3A_63] : memref<10240x256xf32, #tpu.memory_space<hbm>> -> memref<8x256xf32, #tpu.memory_space<hbm>>
        %dma_start3A_65 = arith.constant 0 : i32
        %dma_start3A_66 = tpu.memref_slice %arg4[%multiple_of3A_36, %dma_start3A_65] : memref<10240x256xf32, #tpu.memory_space<hbm>> -> memref<8x256xf32, #tpu.memory_space<hbm>>
        tpu.enqueue_dma source(%arg8 : memref<8x256xf32, #tpu.memory_space<vmem>>) target(%dma_start3A_66 : memref<8x256xf32, #tpu.memory_space<hbm>>) target_semaphore(%run_scoped3A : memref<!tpu.dma_semaphore, #tpu.memory_space<semaphore_mem>>)
        %dma_wait3A_67 = arith.constant 0 : i32
        %dma_wait3A_68 = tpu.memref_slice %arg4[%multiple_of3A_36, %dma_wait3A_67] : memref<10240x256xf32, #tpu.memory_space<hbm>> -> memref<8x256xf32, #tpu.memory_space<hbm>>
        %dma_wait3A_69 = arith.constant 0 : i32
        %dma_wait3A_70 = tpu.memref_slice %arg4[%multiple_of3A_36, %dma_wait3A_69] : memref<10240x256xf32, #tpu.memory_space<hbm>> -> memref<8x256xf32, #tpu.memory_space<hbm>>
        tpu.wait_dma2 semaphore(%run_scoped3A : memref<!tpu.dma_semaphore, #tpu.memory_space<semaphore_mem>>) src(%arg8 : memref<8x256xf32, #tpu.memory_space<vmem>>) dst(%dma_wait3A_70 : memref<8x256xf32, #tpu.memory_space<hbm>>)
        tpu.yield
      }) : () -> ()
      %mul3A_37 = arith.constant 2 : i32
      %mul3A_38 = arith.muli %scan3A_14, %mul3A_37 : i32
      %add3A_39 = arith.constant 1 : i32
      %add3A_40 = arith.addi %mul3A_38, %add3A_39 : i32
      %dma_wait3A_41 = arith.constant 0 : i32
      %dma_wait3A_42 = tpu.memref_slice %arg5[%dma_wait3A_41] : memref<3200xi32, #tpu.memory_space<vmem>> -> memref<80xi32, #tpu.memory_space<vmem>>
      %dma_wait3A_43 = arith.constant 0 : i32
      %dma_wait3A_44 = arith.constant 0 : i32
      %dma_wait3A_45 = tpu.memref_slice %arg2[%dma_wait3A_43, %dma_wait3A_44] : memref<10240x256xf32, #tpu.memory_space<hbm>> -> memref<10240x256xf32, #tpu.memory_space<hbm>>
      tpu.wait_indirect_dma semaphore(%arg10 : memref<!tpu.dma_semaphore, #tpu.memory_space<semaphore_mem>>) src(%dma_wait3A_45 : memref<10240x256xf32, #tpu.memory_space<hbm>>) dst(%arg7 : memref<80x256xf32, #tpu.memory_space<vmem>>)
      %add3A_46 = arith.constant 1 : i32
      %add3A_47 = arith.addi %add3A_40, %add3A_46 : i32
      %lt3A_48 = arith.constant 40 : i32
      %lt3A_49 = arith.cmpi slt, %add3A_47, %lt3A_48 : i32
      %convert_element_type3A_50 = arith.extui %lt3A_49 : i1 to i32
      %cond3A_51 = arith.constant 0 : i32
      %cond3A_52 = arith.cmpi ne, %convert_element_type3A_50, %cond3A_51 : i32
      scf.if %cond3A_52 {
        %add3A_63 = arith.constant 1 : i32
        %add3A_64 = arith.addi %add3A_40, %add3A_63 : i32
        %mul3A_65 = arith.constant 80 : i32
        %mul3A_66 = arith.muli %add3A_64, %mul3A_65 : i32
        %multiple_of3A_67 = tpu.assume_multiple %mul3A_66, 8 : i32
        %dma_start3A_68 = tpu.memref_slice %arg5[%multiple_of3A_67] : memref<3200xi32, #tpu.memory_space<vmem>> -> memref<80xi32, #tpu.memory_space<vmem>>
        %dma_start3A_69 = arith.constant 0 : i32
        %dma_start3A_70 = arith.constant 0 : i32
        %dma_start3A_71 = tpu.memref_slice %arg2[%dma_start3A_69, %dma_start3A_70] : memref<10240x256xf32, #tpu.memory_space<hbm>> -> memref<10240x256xf32, #tpu.memory_space<hbm>>
        tpu.enqueue_indirect_dma source(%dma_start3A_71 : memref<10240x256xf32, #tpu.memory_space<hbm>>) target(%arg6 : memref<80x256xf32, #tpu.memory_space<vmem>>) offsets(%dma_start3A_68 : memref<80xi32, #tpu.memory_space<vmem>>) semaphore(%arg9 : memref<!tpu.dma_semaphore, #tpu.memory_space<semaphore_mem>>)
      } else {
      }
      %scan3A_53 = arith.constant 0 : i32
      %scan3A_54 = arith.constant 0 : i32
      %scan3A_55 = arith.constant 8 : i32
      %scan3A_56 = arith.addi %scan3A_54, %scan3A_55 : i32
      %scan3A_57 = arith.constant 1 : i32
      scf.for %scan3A_63 = %scan3A_54 to %scan3A_56 step %scan3A_57  : i32 {
        %mul3A_64 = arith.constant 10 : i32
        %mul3A_65 = arith.muli %scan3A_63, %mul3A_64 : i32
        %get3A = arith.index_cast %mul3A_65 : i32 to index
        %get3A_66 = arith.constant 0 : index
        %get3A_67 = tpu.vector_load %arg7[%get3A, %get3A_66] {strides = array<i32>} : memref<80x256xf32, #tpu.memory_space<vmem>>, vector<1x16xf32>,
        %get3A_68 = vector.shape_cast %get3A_67 : vector<1x16xf32> to vector<16xf32>
        %add3A_69 = arith.constant 1 : i32
        %add3A_70 = arith.addi %mul3A_65, %add3A_69 : i32
        %get3A_71 = arith.index_cast %add3A_70 : i32 to index
        %get3A_72 = arith.constant 0 : index
        %get3A_73 = tpu.vector_load %arg7[%get3A_71, %get3A_72] {strides = array<i32>} : memref<80x256xf32, #tpu.memory_space<vmem>>, vector<1x16xf32>,
        %get3A_74 = vector.shape_cast %get3A_73 : vector<1x16xf32> to vector<16xf32>
        %add3A_75 = arith.addf %get3A_68, %get3A_74 : vector<16xf32>
        %add3A_76 = arith.constant 2 : i32
        %add3A_77 = arith.addi %mul3A_65, %add3A_76 : i32
        %get3A_78 = arith.index_cast %add3A_77 : i32 to index
        %get3A_79 = arith.constant 0 : index
        %get3A_80 = tpu.vector_load %arg7[%get3A_78, %get3A_79] {strides = array<i32>} : memref<80x256xf32, #tpu.memory_space<vmem>>, vector<1x16xf32>,
        %get3A_81 = vector.shape_cast %get3A_80 : vector<1x16xf32> to vector<16xf32>
        %add3A_82 = arith.addf %add3A_75, %get3A_81 : vector<16xf32>
        %add3A_83 = arith.constant 3 : i32
        %add3A_84 = arith.addi %mul3A_65, %add3A_83 : i32
        %get3A_85 = arith.index_cast %add3A_84 : i32 to index
        %get3A_86 = arith.constant 0 : index
        %get3A_87 = tpu.vector_load %arg7[%get3A_85, %get3A_86] {strides = array<i32>} : memref<80x256xf32, #tpu.memory_space<vmem>>, vector<1x16xf32>,
        %get3A_88 = vector.shape_cast %get3A_87 : vector<1x16xf32> to vector<16xf32>
        %add3A_89 = arith.addf %add3A_82, %get3A_88 : vector<16xf32>
        %add3A_90 = arith.constant 4 : i32
        %add3A_91 = arith.addi %mul3A_65, %add3A_90 : i32
        %get3A_92 = arith.index_cast %add3A_91 : i32 to index
        %get3A_93 = arith.constant 0 : index
        %get3A_94 = tpu.vector_load %arg7[%get3A_92, %get3A_93] {strides = array<i32>} : memref<80x256xf32, #tpu.memory_space<vmem>>, vector<1x16xf32>,
        %get3A_95 = vector.shape_cast %get3A_94 : vector<1x16xf32> to vector<16xf32>
        %add3A_96 = arith.addf %add3A_89, %get3A_95 : vector<16xf32>
        %add3A_97 = arith.constant 5 : i32
        %add3A_98 = arith.addi %mul3A_65, %add3A_97 : i32
        %get3A_99 = arith.index_cast %add3A_98 : i32 to index
        %get3A_100 = arith.constant 0 : index
        %get3A_101 = tpu.vector_load %arg7[%get3A_99, %get3A_100] {strides = array<i32>} : memref<80x256xf32, #tpu.memory_space<vmem>>, vector<1x16xf32>,
        %get3A_102 = vector.shape_cast %get3A_101 : vector<1x16xf32> to vector<16xf32>
        %add3A_103 = arith.addf %add3A_96, %get3A_102 : vector<16xf32>
        %add3A_104 = arith.constant 6 : i32
        %add3A_105 = arith.addi %mul3A_65, %add3A_104 : i32
        %get3A_106 = arith.index_cast %add3A_105 : i32 to index
        %get3A_107 = arith.constant 0 : index
        %get3A_108 = tpu.vector_load %arg7[%get3A_106, %get3A_107] {strides = array<i32>} : memref<80x256xf32, #tpu.memory_space<vmem>>, vector<1x16xf32>,
        %get3A_109 = vector.shape_cast %get3A_108 : vector<1x16xf32> to vector<16xf32>
        %add3A_110 = arith.addf %add3A_103, %get3A_109 : vector<16xf32>
        %add3A_111 = arith.constant 7 : i32
        %add3A_112 = arith.addi %mul3A_65, %add3A_111 : i32
        %get3A_113 = arith.index_cast %add3A_112 : i32 to index
        %get3A_114 = arith.constant 0 : index
        %get3A_115 = tpu.vector_load %arg7[%get3A_113, %get3A_114] {strides = array<i32>} : memref<80x256xf32, #tpu.memory_space<vmem>>, vector<1x16xf32>,
        %get3A_116 = vector.shape_cast %get3A_115 : vector<1x16xf32> to vector<16xf32>
        %add3A_117 = arith.addf %add3A_110, %get3A_116 : vector<16xf32>
        %add3A_118 = arith.constant 8 : i32
        %add3A_119 = arith.addi %mul3A_65, %add3A_118 : i32
        %get3A_120 = arith.index_cast %add3A_119 : i32 to index
        %get3A_121 = arith.constant 0 : index
        %get3A_122 = tpu.vector_load %arg7[%get3A_120, %get3A_121] {strides = array<i32>} : memref<80x256xf32, #tpu.memory_space<vmem>>, vector<1x16xf32>,
        %get3A_123 = vector.shape_cast %get3A_122 : vector<1x16xf32> to vector<16xf32>
        %add3A_124 = arith.addf %add3A_117, %get3A_123 : vector<16xf32>
        %add3A_125 = arith.constant 9 : i32
        %add3A_126 = arith.addi %mul3A_65, %add3A_125 : i32
        %get3A_127 = arith.index_cast %add3A_126 : i32 to index
        %get3A_128 = arith.constant 0 : index
        %get3A_129 = tpu.vector_load %arg7[%get3A_127, %get3A_128] {strides = array<i32>} : memref<80x256xf32, #tpu.memory_space<vmem>>, vector<1x16xf32>,
        %get3A_130 = vector.shape_cast %get3A_129 : vector<1x16xf32> to vector<16xf32>
        %add3A_131 = arith.addf %add3A_124, %get3A_130 : vector<16xf32>
        %swap3A = arith.index_cast %scan3A_63 : i32 to index
        %swap3A_132 = arith.constant 0 : index
        %swap3A_133 = tpu.vector_load %arg8[%swap3A, %swap3A_132] {strides = array<i32>} : memref<8x256xf32, #tpu.memory_space<vmem>>, vector<1x16xf32>,
        %swap3A_134 = vector.shape_cast %swap3A_133 : vector<1x16xf32> to vector<16xf32>
        %swap3A_135 = vector.shape_cast %add3A_131 : vector<16xf32> to vector<1x16xf32>
        tpu.vector_store %arg8[%swap3A, %swap3A_132], %swap3A_135 {strides = array<i32>} : memref<8x256xf32, #tpu.memory_space<vmem>>, vector<1x16xf32>,
        %get3A_136 = arith.index_cast %mul3A_65 : i32 to index
        %get3A_137 = arith.constant 16 : index
        %get3A_138 = tpu.vector_load %arg7[%get3A_136, %get3A_137] {strides = array<i32>} : memref<80x256xf32, #tpu.memory_space<vmem>>, vector<1x16xf32>,
        %get3A_139 = vector.shape_cast %get3A_138 : vector<1x16xf32> to vector<16xf32>
        %add3A_140 = arith.constant 1 : i32
        %add3A_141 = arith.addi %mul3A_65, %add3A_140 : i32
        %get3A_142 = arith.index_cast %add3A_141 : i32 to index
        %get3A_143 = arith.constant 16 : index
        %get3A_144 = tpu.vector_load %arg7[%get3A_142, %get3A_143] {strides = array<i32>} : memref<80x256xf32, #tpu.memory_space<vmem>>, vector<1x16xf32>,
        %get3A_145 = vector.shape_cast %get3A_144 : vector<1x16xf32> to vector<16xf32>
        %add3A_146 = arith.addf %get3A_139, %get3A_145 : vector<16xf32>
        %add3A_147 = arith.constant 2 : i32
        %add3A_148 = arith.addi %mul3A_65, %add3A_147 : i32
        %get3A_149 = arith.index_cast %add3A_148 : i32 to index
        %get3A_150 = arith.constant 16 : index
        %get3A_151 = tpu.vector_load %arg7[%get3A_149, %get3A_150] {strides = array<i32>} : memref<80x256xf32, #tpu.memory_space<vmem>>, vector<1x16xf32>,
        %get3A_152 = vector.shape_cast %get3A_151 : vector<1x16xf32> to vector<16xf32>
        %add3A_153 = arith.addf %add3A_146, %get3A_152 : vector<16xf32>
        %add3A_154 = arith.constant 3 : i32
        %add3A_155 = arith.addi %mul3A_65, %add3A_154 : i32
        %get3A_156 = arith.index_cast %add3A_155 : i32 to index
        %get3A_157 = arith.constant 16 : index
        %get3A_158 = tpu.vector_load %arg7[%get3A_156, %get3A_157] {strides = array<i32>} : memref<80x256xf32, #tpu.memory_space<vmem>>, vector<1x16xf32>,
        %get3A_159 = vector.shape_cast %get3A_158 : vector<1x16xf32> to vector<16xf32>
        %add3A_160 = arith.addf %add3A_153, %get3A_159 : vector<16xf32>
        %add3A_161 = arith.constant 4 : i32
        %add3A_162 = arith.addi %mul3A_65, %add3A_161 : i32
        %get3A_163 = arith.index_cast %add3A_162 : i32 to index
        %get3A_164 = arith.constant 16 : index
        %get3A_165 = tpu.vector_load %arg7[%get3A_163, %get3A_164] {strides = array<i32>} : memref<80x256xf32, #tpu.memory_space<vmem>>, vector<1x16xf32>,
        %get3A_166 = vector.shape_cast %get3A_165 : vector<1x16xf32> to vector<16xf32>
        %add3A_167 = arith.addf %add3A_160, %get3A_166 : vector<16xf32>
        %add3A_168 = arith.constant 5 : i32
        %add3A_169 = arith.addi %mul3A_65, %add3A_168 : i32
        %get3A_170 = arith.index_cast %add3A_169 : i32 to index
        %get3A_171 = arith.constant 16 : index
        %get3A_172 = tpu.vector_load %arg7[%get3A_170, %get3A_171] {strides = array<i32>} : memref<80x256xf32, #tpu.memory_space<vmem>>, vector<1x16xf32>,
        %get3A_173 = vector.shape_cast %get3A_172 : vector<1x16xf32> to vector<16xf32>
        %add3A_174 = arith.addf %add3A_167, %get3A_173 : vector<16xf32>
        %add3A_175 = arith.constant 6 : i32
        %add3A_176 = arith.addi %mul3A_65, %add3A_175 : i32
        %get3A_177 = arith.index_cast %add3A_176 : i32 to index
        %get3A_178 = arith.constant 16 : index
        %get3A_179 = tpu.vector_load %arg7[%get3A_177, %get3A_178] {strides = array<i32>} : memref<80x256xf32, #tpu.memory_space<vmem>>, vector<1x16xf32>,
        %get3A_180 = vector.shape_cast %get3A_179 : vector<1x16xf32> to vector<16xf32>
        %add3A_181 = arith.addf %add3A_174, %get3A_180 : vector<16xf32>
        %add3A_182 = arith.constant 7 : i32
        %add3A_183 = arith.addi %mul3A_65, %add3A_182 : i32
        %get3A_184 = arith.index_cast %add3A_183 : i32 to index
        %get3A_185 = arith.constant 16 : index
        %get3A_186 = tpu.vector_load %arg7[%get3A_184, %get3A_185] {strides = array<i32>} : memref<80x256xf32, #tpu.memory_space<vmem>>, vector<1x16xf32>,
        %get3A_187 = vector.shape_cast %get3A_186 : vector<1x16xf32> to vector<16xf32>
        %add3A_188 = arith.addf %add3A_181, %get3A_187 : vector<16xf32>
        %add3A_189 = arith.constant 8 : i32
        %add3A_190 = arith.addi %mul3A_65, %add3A_189 : i32
        %get3A_191 = arith.index_cast %add3A_190 : i32 to index
        %get3A_192 = arith.constant 16 : index
        %get3A_193 = tpu.vector_load %arg7[%get3A_191, %get3A_192] {strides = array<i32>} : memref<80x256xf32, #tpu.memory_space<vmem>>, vector<1x16xf32>,
        %get3A_194 = vector.shape_cast %get3A_193 : vector<1x16xf32> to vector<16xf32>
        %add3A_195 = arith.addf %add3A_188, %get3A_194 : vector<16xf32>
        %add3A_196 = arith.constant 9 : i32
        %add3A_197 = arith.addi %mul3A_65, %add3A_196 : i32
        %get3A_198 = arith.index_cast %add3A_197 : i32 to index
        %get3A_199 = arith.constant 16 : index
        %get3A_200 = tpu.vector_load %arg7[%get3A_198, %get3A_199] {strides = array<i32>} : memref<80x256xf32, #tpu.memory_space<vmem>>, vector<1x16xf32>,
        %get3A_201 = vector.shape_cast %get3A_200 : vector<1x16xf32> to vector<16xf32>
        %add3A_202 = arith.addf %add3A_195, %get3A_201 : vector<16xf32>
        %swap3A_203 = arith.index_cast %scan3A_63 : i32 to index
        %swap3A_204 = arith.constant 16 : index
        %swap3A_205 = tpu.vector_load %arg8[%swap3A_203, %swap3A_204] {strides = array<i32>} : memref<8x256xf32, #tpu.memory_space<vmem>>, vector<1x16xf32>,
        %swap3A_206 = vector.shape_cast %swap3A_205 : vector<1x16xf32> to vector<16xf32>
        %swap3A_207 = vector.shape_cast %add3A_202 : vector<16xf32> to vector<1x16xf32>
        tpu.vector_store %arg8[%swap3A_203, %swap3A_204], %swap3A_207 {strides = array<i32>} : memref<8x256xf32, #tpu.memory_space<vmem>>, vector<1x16xf32>,
        %get3A_208 = arith.index_cast %mul3A_65 : i32 to index
        %get3A_209 = arith.constant 32 : index
        %get3A_210 = tpu.vector_load %arg7[%get3A_208, %get3A_209] {strides = array<i32>} : memref<80x256xf32, #tpu.memory_space<vmem>>, vector<1x16xf32>,
        %get3A_211 = vector.shape_cast %get3A_210 : vector<1x16xf32> to vector<16xf32>
        %add3A_212 = arith.constant 1 : i32
        %add3A_213 = arith.addi %mul3A_65, %add3A_212 : i32
        %get3A_214 = arith.index_cast %add3A_213 : i32 to index
        %get3A_215 = arith.constant 32 : index
        %get3A_216 = tpu.vector_load %arg7[%get3A_214, %get3A_215] {strides = array<i32>} : memref<80x256xf32, #tpu.memory_space<vmem>>, vector<1x16xf32>,
        %get3A_217 = vector.shape_cast %get3A_216 : vector<1x16xf32> to vector<16xf32>
        %add3A_218 = arith.addf %get3A_211, %get3A_217 : vector<16xf32>
        %add3A_219 = arith.constant 2 : i32
        %add3A_220 = arith.addi %mul3A_65, %add3A_219 : i32
        %get3A_221 = arith.index_cast %add3A_220 : i32 to index
        %get3A_222 = arith.constant 32 : index
        %get3A_223 = tpu.vector_load %arg7[%get3A_221, %get3A_222] {strides = array<i32>} : memref<80x256xf32, #tpu.memory_space<vmem>>, vector<1x16xf32>,
        %get3A_224 = vector.shape_cast %get3A_223 : vector<1x16xf32> to vector<16xf32>
        %add3A_225 = arith.addf %add3A_218, %get3A_224 : vector<16xf32>
        %add3A_226 = arith.constant 3 : i32
        %add3A_227 = arith.addi %mul3A_65, %add3A_226 : i32
        %get3A_228 = arith.index_cast %add3A_227 : i32 to index
        %get3A_229 = arith.constant 32 : index
        %get3A_230 = tpu.vector_load %arg7[%get3A_228, %get3A_229] {strides = array<i32>} : memref<80x256xf32, #tpu.memory_space<vmem>>, vector<1x16xf32>,
        %get3A_231 = vector.shape_cast %get3A_230 : vector<1x16xf32> to vector<16xf32>
        %add3A_232 = arith.addf %add3A_225, %get3A_231 : vector<16xf32>
        %add3A_233 = arith.constant 4 : i32
        %add3A_234 = arith.addi %mul3A_65, %add3A_233 : i32
        %get3A_235 = arith.index_cast %add3A_234 : i32 to index
        %get3A_236 = arith.constant 32 : index
        %get3A_237 = tpu.vector_load %arg7[%get3A_235, %get3A_236] {strides = array<i32>} : memref<80x256xf32, #tpu.memory_space<vmem>>, vector<1x16xf32>,
        %get3A_238 = vector.shape_cast %get3A_237 : vector<1x16xf32> to vector<16xf32>
        %add3A_239 = arith.addf %add3A_232, %get3A_238 : vector<16xf32>
        %add3A_240 = arith.constant 5 : i32
        %add3A_241 = arith.addi %mul3A_65, %add3A_240 : i32
        %get3A_242 = arith.index_cast %add3A_241 : i32 to index
        %get3A_243 = arith.constant 32 : index
        %get3A_244 = tpu.vector_load %arg7[%get3A_242, %get3A_243] {strides = array<i32>} : memref<80x256xf32, #tpu.memory_space<vmem>>, vector<1x16xf32>,
        %get3A_245 = vector.shape_cast %get3A_244 : vector<1x16xf32> to vector<16xf32>
        %add3A_246 = arith.addf %add3A_239, %get3A_245 : vector<16xf32>
        %add3A_247 = arith.constant 6 : i32
        %add3A_248 = arith.addi %mul3A_65, %add3A_247 : i32
        %get3A_249 = arith.index_cast %add3A_248 : i32 to index
        %get3A_250 = arith.constant 32 : index
        %get3A_251 = tpu.vector_load %arg7[%get3A_249, %get3A_250] {strides = array<i32>} : memref<80x256xf32, #tpu.memory_space<vmem>>, vector<1x16xf32>,
        %get3A_252 = vector.shape_cast %get3A_251 : vector<1x16xf32> to vector<16xf32>
        %add3A_253 = arith.addf %add3A_246, %get3A_252 : vector<16xf32>
        %add3A_254 = arith.constant 7 : i32
        %add3A_255 = arith.addi %mul3A_65, %add3A_254 : i32
        %get3A_256 = arith.index_cast %add3A_255 : i32 to index
        %get3A_257 = arith.constant 32 : index
        %get3A_258 = tpu.vector_load %arg7[%get3A_256, %get3A_257] {strides = array<i32>} : memref<80x256xf32, #tpu.memory_space<vmem>>, vector<1x16xf32>,
        %get3A_259 = vector.shape_cast %get3A_258 : vector<1x16xf32> to vector<16xf32>
        %add3A_260 = arith.addf %add3A_253, %get3A_259 : vector<16xf32>
        %add3A_261 = arith.constant 8 : i32
        %add3A_262 = arith.addi %mul3A_65, %add3A_261 : i32
        %get3A_263 = arith.index_cast %add3A_262 : i32 to index
        %get3A_264 = arith.constant 32 : index
        %get3A_265 = tpu.vector_load %arg7[%get3A_263, %get3A_264] {strides = array<i32>} : memref<80x256xf32, #tpu.memory_space<vmem>>, vector<1x16xf32>,
        %get3A_266 = vector.shape_cast %get3A_265 : vector<1x16xf32> to vector<16xf32>
        %add3A_267 = arith.addf %add3A_260, %get3A_266 : vector<16xf32>
        %add3A_268 = arith.constant 9 : i32
        %add3A_269 = arith.addi %mul3A_65, %add3A_268 : i32
        %get3A_270 = arith.index_cast %add3A_269 : i32 to index
        %get3A_271 = arith.constant 32 : index
        %get3A_272 = tpu.vector_load %arg7[%get3A_270, %get3A_271] {strides = array<i32>} : memref<80x256xf32, #tpu.memory_space<vmem>>, vector<1x16xf32>,
        %get3A_273 = vector.shape_cast %get3A_272 : vector<1x16xf32> to vector<16xf32>
        %add3A_274 = arith.addf %add3A_267, %get3A_273 : vector<16xf32>
        %swap3A_275 = arith.index_cast %scan3A_63 : i32 to index
        %swap3A_276 = arith.constant 32 : index
        %swap3A_277 = tpu.vector_load %arg8[%swap3A_275, %swap3A_276] {strides = array<i32>} : memref<8x256xf32, #tpu.memory_space<vmem>>, vector<1x16xf32>,
        %swap3A_278 = vector.shape_cast %swap3A_277 : vector<1x16xf32> to vector<16xf32>
        %swap3A_279 = vector.shape_cast %add3A_274 : vector<16xf32> to vector<1x16xf32>
        tpu.vector_store %arg8[%swap3A_275, %swap3A_276], %swap3A_279 {strides = array<i32>} : memref<8x256xf32, #tpu.memory_space<vmem>>, vector<1x16xf32>,
        %get3A_280 = arith.index_cast %mul3A_65 : i32 to index
        %get3A_281 = arith.constant 48 : index
        %get3A_282 = tpu.vector_load %arg7[%get3A_280, %get3A_281] {strides = array<i32>} : memref<80x256xf32, #tpu.memory_space<vmem>>, vector<1x16xf32>,
        %get3A_283 = vector.shape_cast %get3A_282 : vector<1x16xf32> to vector<16xf32>
        %add3A_284 = arith.constant 1 : i32
        %add3A_285 = arith.addi %mul3A_65, %add3A_284 : i32
        %get3A_286 = arith.index_cast %add3A_285 : i32 to index
        %get3A_287 = arith.constant 48 : index
        %get3A_288 = tpu.vector_load %arg7[%get3A_286, %get3A_287] {strides = array<i32>} : memref<80x256xf32, #tpu.memory_space<vmem>>, vector<1x16xf32>,
        %get3A_289 = vector.shape_cast %get3A_288 : vector<1x16xf32> to vector<16xf32>
        %add3A_290 = arith.addf %get3A_283, %get3A_289 : vector<16xf32>
        %add3A_291 = arith.constant 2 : i32
        %add3A_292 = arith.addi %mul3A_65, %add3A_291 : i32
        %get3A_293 = arith.index_cast %add3A_292 : i32 to index
        %get3A_294 = arith.constant 48 : index
        %get3A_295 = tpu.vector_load %arg7[%get3A_293, %get3A_294] {strides = array<i32>} : memref<80x256xf32, #tpu.memory_space<vmem>>, vector<1x16xf32>,
        %get3A_296 = vector.shape_cast %get3A_295 : vector<1x16xf32> to vector<16xf32>
        %add3A_297 = arith.addf %add3A_290, %get3A_296 : vector<16xf32>
        %add3A_298 = arith.constant 3 : i32
        %add3A_299 = arith.addi %mul3A_65, %add3A_298 : i32
        %get3A_300 = arith.index_cast %add3A_299 : i32 to index
        %get3A_301 = arith.constant 48 : index
        %get3A_302 = tpu.vector_load %arg7[%get3A_300, %get3A_301] {strides = array<i32>} : memref<80x256xf32, #tpu.memory_space<vmem>>, vector<1x16xf32>,
        %get3A_303 = vector.shape_cast %get3A_302 : vector<1x16xf32> to vector<16xf32>
        %add3A_304 = arith.addf %add3A_297, %get3A_303 : vector<16xf32>
        %add3A_305 = arith.constant 4 : i32
        %add3A_306 = arith.addi %mul3A_65, %add3A_305 : i32
        %get3A_307 = arith.index_cast %add3A_306 : i32 to index
        %get3A_308 = arith.constant 48 : index
        %get3A_309 = tpu.vector_load %arg7[%get3A_307, %get3A_308] {strides = array<i32>} : memref<80x256xf32, #tpu.memory_space<vmem>>, vector<1x16xf32>,
        %get3A_310 = vector.shape_cast %get3A_309 : vector<1x16xf32> to vector<16xf32>
        %add3A_311 = arith.addf %add3A_304, %get3A_310 : vector<16xf32>
        %add3A_312 = arith.constant 5 : i32
        %add3A_313 = arith.addi %mul3A_65, %add3A_312 : i32
        %get3A_314 = arith.index_cast %add3A_313 : i32 to index
        %get3A_315 = arith.constant 48 : index
        %get3A_316 = tpu.vector_load %arg7[%get3A_314, %get3A_315] {strides = array<i32>} : memref<80x256xf32, #tpu.memory_space<vmem>>, vector<1x16xf32>,
        %get3A_317 = vector.shape_cast %get3A_316 : vector<1x16xf32> to vector<16xf32>
        %add3A_318 = arith.addf %add3A_311, %get3A_317 : vector<16xf32>
        %add3A_319 = arith.constant 6 : i32
        %add3A_320 = arith.addi %mul3A_65, %add3A_319 : i32
        %get3A_321 = arith.index_cast %add3A_320 : i32 to index
        %get3A_322 = arith.constant 48 : index
        %get3A_323 = tpu.vector_load %arg7[%get3A_321, %get3A_322] {strides = array<i32>} : memref<80x256xf32, #tpu.memory_space<vmem>>, vector<1x16xf32>,
        %get3A_324 = vector.shape_cast %get3A_323 : vector<1x16xf32> to vector<16xf32>
        %add3A_325 = arith.addf %add3A_318, %get3A_324 : vector<16xf32>
        %add3A_326 = arith.constant 7 : i32
        %add3A_327 = arith.addi %mul3A_65, %add3A_326 : i32
        %get3A_328 = arith.index_cast %add3A_327 : i32 to index
        %get3A_329 = arith.constant 48 : index
        %get3A_330 = tpu.vector_load %arg7[%get3A_328, %get3A_329] {strides = array<i32>} : memref<80x256xf32, #tpu.memory_space<vmem>>, vector<1x16xf32>,
        %get3A_331 = vector.shape_cast %get3A_330 : vector<1x16xf32> to vector<16xf32>
        %add3A_332 = arith.addf %add3A_325, %get3A_331 : vector<16xf32>
        %add3A_333 = arith.constant 8 : i32
        %add3A_334 = arith.addi %mul3A_65, %add3A_333 : i32
        %get3A_335 = arith.index_cast %add3A_334 : i32 to index
        %get3A_336 = arith.constant 48 : index
        %get3A_337 = tpu.vector_load %arg7[%get3A_335, %get3A_336] {strides = array<i32>} : memref<80x256xf32, #tpu.memory_space<vmem>>, vector<1x16xf32>,
        %get3A_338 = vector.shape_cast %get3A_337 : vector<1x16xf32> to vector<16xf32>
        %add3A_339 = arith.addf %add3A_332, %get3A_338 : vector<16xf32>
        %add3A_340 = arith.constant 9 : i32
        %add3A_341 = arith.addi %mul3A_65, %add3A_340 : i32
        %get3A_342 = arith.index_cast %add3A_341 : i32 to index
        %get3A_343 = arith.constant 48 : index
        %get3A_344 = tpu.vector_load %arg7[%get3A_342, %get3A_343] {strides = array<i32>} : memref<80x256xf32, #tpu.memory_space<vmem>>, vector<1x16xf32>,
        %get3A_345 = vector.shape_cast %get3A_344 : vector<1x16xf32> to vector<16xf32>
        %add3A_346 = arith.addf %add3A_339, %get3A_345 : vector<16xf32>
        %swap3A_347 = arith.index_cast %scan3A_63 : i32 to index
        %swap3A_348 = arith.constant 48 : index
        %swap3A_349 = tpu.vector_load %arg8[%swap3A_347, %swap3A_348] {strides = array<i32>} : memref<8x256xf32, #tpu.memory_space<vmem>>, vector<1x16xf32>,
        %swap3A_350 = vector.shape_cast %swap3A_349 : vector<1x16xf32> to vector<16xf32>
        %swap3A_351 = vector.shape_cast %add3A_346 : vector<16xf32> to vector<1x16xf32>
        tpu.vector_store %arg8[%swap3A_347, %swap3A_348], %swap3A_351 {strides = array<i32>} : memref<8x256xf32, #tpu.memory_space<vmem>>, vector<1x16xf32>,
        %get3A_352 = arith.index_cast %mul3A_65 : i32 to index
        %get3A_353 = arith.constant 64 : index
        %get3A_354 = tpu.vector_load %arg7[%get3A_352, %get3A_353] {strides = array<i32>} : memref<80x256xf32, #tpu.memory_space<vmem>>, vector<1x16xf32>,
        %get3A_355 = vector.shape_cast %get3A_354 : vector<1x16xf32> to vector<16xf32>
        %add3A_356 = arith.constant 1 : i32
        %add3A_357 = arith.addi %mul3A_65, %add3A_356 : i32
        %get3A_358 = arith.index_cast %add3A_357 : i32 to index
        %get3A_359 = arith.constant 64 : index
        %get3A_360 = tpu.vector_load %arg7[%get3A_358, %get3A_359] {strides = array<i32>} : memref<80x256xf32, #tpu.memory_space<vmem>>, vector<1x16xf32>,
        %get3A_361 = vector.shape_cast %get3A_360 : vector<1x16xf32> to vector<16xf32>
        %add3A_362 = arith.addf %get3A_355, %get3A_361 : vector<16xf32>
        %add3A_363 = arith.constant 2 : i32
        %add3A_364 = arith.addi %mul3A_65, %add3A_363 : i32
        %get3A_365 = arith.index_cast %add3A_364 : i32 to index
        %get3A_366 = arith.constant 64 : index
        %get3A_367 = tpu.vector_load %arg7[%get3A_365, %get3A_366] {strides = array<i32>} : memref<80x256xf32, #tpu.memory_space<vmem>>, vector<1x16xf32>,
        %get3A_368 = vector.shape_cast %get3A_367 : vector<1x16xf32> to vector<16xf32>
        %add3A_369 = arith.addf %add3A_362, %get3A_368 : vector<16xf32>
        %add3A_370 = arith.constant 3 : i32
        %add3A_371 = arith.addi %mul3A_65, %add3A_370 : i32
        %get3A_372 = arith.index_cast %add3A_371 : i32 to index
        %get3A_373 = arith.constant 64 : index
        %get3A_374 = tpu.vector_load %arg7[%get3A_372, %get3A_373] {strides = array<i32>} : memref<80x256xf32, #tpu.memory_space<vmem>>, vector<1x16xf32>,
        %get3A_375 = vector.shape_cast %get3A_374 : vector<1x16xf32> to vector<16xf32>
        %add3A_376 = arith.addf %add3A_369, %get3A_375 : vector<16xf32>
        %add3A_377 = arith.constant 4 : i32
        %add3A_378 = arith.addi %mul3A_65, %add3A_377 : i32
        %get3A_379 = arith.index_cast %add3A_378 : i32 to index
        %get3A_380 = arith.constant 64 : index
        %get3A_381 = tpu.vector_load %arg7[%get3A_379, %get3A_380] {strides = array<i32>} : memref<80x256xf32, #tpu.memory_space<vmem>>, vector<1x16xf32>,
        %get3A_382 = vector.shape_cast %get3A_381 : vector<1x16xf32> to vector<16xf32>
        %add3A_383 = arith.addf %add3A_376, %get3A_382 : vector<16xf32>
        %add3A_384 = arith.constant 5 : i32
        %add3A_385 = arith.addi %mul3A_65, %add3A_384 : i32
        %get3A_386 = arith.index_cast %add3A_385 : i32 to index
        %get3A_387 = arith.constant 64 : index
        %get3A_388 = tpu.vector_load %arg7[%get3A_386, %get3A_387] {strides = array<i32>} : memref<80x256xf32, #tpu.memory_space<vmem>>, vector<1x16xf32>,
        %get3A_389 = vector.shape_cast %get3A_388 : vector<1x16xf32> to vector<16xf32>
        %add3A_390 = arith.addf %add3A_383, %get3A_389 : vector<16xf32>
        %add3A_391 = arith.constant 6 : i32
        %add3A_392 = arith.addi %mul3A_65, %add3A_391 : i32
        %get3A_393 = arith.index_cast %add3A_392 : i32 to index
        %get3A_394 = arith.constant 64 : index
        %get3A_395 = tpu.vector_load %arg7[%get3A_393, %get3A_394] {strides = array<i32>} : memref<80x256xf32, #tpu.memory_space<vmem>>, vector<1x16xf32>,
        %get3A_396 = vector.shape_cast %get3A_395 : vector<1x16xf32> to vector<16xf32>
        %add3A_397 = arith.addf %add3A_390, %get3A_396 : vector<16xf32>
        %add3A_398 = arith.constant 7 : i32
        %add3A_399 = arith.addi %mul3A_65, %add3A_398 : i32
        %get3A_400 = arith.index_cast %add3A_399 : i32 to index
        %get3A_401 = arith.constant 64 : index
        %get3A_402 = tpu.vector_load %arg7[%get3A_400, %get3A_401] {strides = array<i32>} : memref<80x256xf32, #tpu.memory_space<vmem>>, vector<1x16xf32>,
        %get3A_403 = vector.shape_cast %get3A_402 : vector<1x16xf32> to vector<16xf32>
        %add3A_404 = arith.addf %add3A_397, %get3A_403 : vector<16xf32>
        %add3A_405 = arith.constant 8 : i32
        %add3A_406 = arith.addi %mul3A_65, %add3A_405 : i32
        %get3A_407 = arith.index_cast %add3A_406 : i32 to index
        %get3A_408 = arith.constant 64 : index
        %get3A_409 = tpu.vector_load %arg7[%get3A_407, %get3A_408] {strides = array<i32>} : memref<80x256xf32, #tpu.memory_space<vmem>>, vector<1x16xf32>,
        %get3A_410 = vector.shape_cast %get3A_409 : vector<1x16xf32> to vector<16xf32>
        %add3A_411 = arith.addf %add3A_404, %get3A_410 : vector<16xf32>
        %add3A_412 = arith.constant 9 : i32
        %add3A_413 = arith.addi %mul3A_65, %add3A_412 : i32
        %get3A_414 = arith.index_cast %add3A_413 : i32 to index
        %get3A_415 = arith.constant 64 : index
        %get3A_416 = tpu.vector_load %arg7[%get3A_414, %get3A_415] {strides = array<i32>} : memref<80x256xf32, #tpu.memory_space<vmem>>, vector<1x16xf32>,
        %get3A_417 = vector.shape_cast %get3A_416 : vector<1x16xf32> to vector<16xf32>
        %add3A_418 = arith.addf %add3A_411, %get3A_417 : vector<16xf32>
        %swap3A_419 = arith.index_cast %scan3A_63 : i32 to index
        %swap3A_420 = arith.constant 64 : index
        %swap3A_421 = tpu.vector_load %arg8[%swap3A_419, %swap3A_420] {strides = array<i32>} : memref<8x256xf32, #tpu.memory_space<vmem>>, vector<1x16xf32>,
        %swap3A_422 = vector.shape_cast %swap3A_421 : vector<1x16xf32> to vector<16xf32>
        %swap3A_423 = vector.shape_cast %add3A_418 : vector<16xf32> to vector<1x16xf32>
        tpu.vector_store %arg8[%swap3A_419, %swap3A_420], %swap3A_423 {strides = array<i32>} : memref<8x256xf32, #tpu.memory_space<vmem>>, vector<1x16xf32>,
        %get3A_424 = arith.index_cast %mul3A_65 : i32 to index
        %get3A_425 = arith.constant 80 : index
        %get3A_426 = tpu.vector_load %arg7[%get3A_424, %get3A_425] {strides = array<i32>} : memref<80x256xf32, #tpu.memory_space<vmem>>, vector<1x16xf32>,
        %get3A_427 = vector.shape_cast %get3A_426 : vector<1x16xf32> to vector<16xf32>
        %add3A_428 = arith.constant 1 : i32
        %add3A_429 = arith.addi %mul3A_65, %add3A_428 : i32
        %get3A_430 = arith.index_cast %add3A_429 : i32 to index
        %get3A_431 = arith.constant 80 : index
        %get3A_432 = tpu.vector_load %arg7[%get3A_430, %get3A_431] {strides = array<i32>} : memref<80x256xf32, #tpu.memory_space<vmem>>, vector<1x16xf32>,
        %get3A_433 = vector.shape_cast %get3A_432 : vector<1x16xf32> to vector<16xf32>
        %add3A_434 = arith.addf %get3A_427, %get3A_433 : vector<16xf32>
        %add3A_435 = arith.constant 2 : i32
        %add3A_436 = arith.addi %mul3A_65, %add3A_435 : i32
        %get3A_437 = arith.index_cast %add3A_436 : i32 to index
        %get3A_438 = arith.constant 80 : index
        %get3A_439 = tpu.vector_load %arg7[%get3A_437, %get3A_438] {strides = array<i32>} : memref<80x256xf32, #tpu.memory_space<vmem>>, vector<1x16xf32>,
        %get3A_440 = vector.shape_cast %get3A_439 : vector<1x16xf32> to vector<16xf32>
        %add3A_441 = arith.addf %add3A_434, %get3A_440 : vector<16xf32>
        %add3A_442 = arith.constant 3 : i32
        %add3A_443 = arith.addi %mul3A_65, %add3A_442 : i32
        %get3A_444 = arith.index_cast %add3A_443 : i32 to index
        %get3A_445 = arith.constant 80 : index
        %get3A_446 = tpu.vector_load %arg7[%get3A_444, %get3A_445] {strides = array<i32>} : memref<80x256xf32, #tpu.memory_space<vmem>>, vector<1x16xf32>,
        %get3A_447 = vector.shape_cast %get3A_446 : vector<1x16xf32> to vector<16xf32>
        %add3A_448 = arith.addf %add3A_441, %get3A_447 : vector<16xf32>
        %add3A_449 = arith.constant 4 : i32
        %add3A_450 = arith.addi %mul3A_65, %add3A_449 : i32
        %get3A_451 = arith.index_cast %add3A_450 : i32 to index
        %get3A_452 = arith.constant 80 : index
        %get3A_453 = tpu.vector_load %arg7[%get3A_451, %get3A_452] {strides = array<i32>} : memref<80x256xf32, #tpu.memory_space<vmem>>, vector<1x16xf32>,
        %get3A_454 = vector.shape_cast %get3A_453 : vector<1x16xf32> to vector<16xf32>
        %add3A_455 = arith.addf %add3A_448, %get3A_454 : vector<16xf32>
        %add3A_456 = arith.constant 5 : i32
        %add3A_457 = arith.addi %mul3A_65, %add3A_456 : i32
        %get3A_458 = arith.index_cast %add3A_457 : i32 to index
        %get3A_459 = arith.constant 80 : index
        %get3A_460 = tpu.vector_load %arg7[%get3A_458, %get3A_459] {strides = array<i32>} : memref<80x256xf32, #tpu.memory_space<vmem>>, vector<1x16xf32>,
        %get3A_461 = vector.shape_cast %get3A_460 : vector<1x16xf32> to vector<16xf32>
        %add3A_462 = arith.addf %add3A_455, %get3A_461 : vector<16xf32>
        %add3A_463 = arith.constant 6 : i32
        %add3A_464 = arith.addi %mul3A_65, %add3A_463 : i32
        %get3A_465 = arith.index_cast %add3A_464 : i32 to index
        %get3A_466 = arith.constant 80 : index
        %get3A_467 = tpu.vector_load %arg7[%get3A_465, %get3A_466] {strides = array<i32>} : memref<80x256xf32, #tpu.memory_space<vmem>>, vector<1x16xf32>,
        %get3A_468 = vector.shape_cast %get3A_467 : vector<1x16xf32> to vector<16xf32>
        %add3A_469 = arith.addf %add3A_462, %get3A_468 : vector<16xf32>
        %add3A_470 = arith.constant 7 : i32
        %add3A_471 = arith.addi %mul3A_65, %add3A_470 : i32
        %get3A_472 = arith.index_cast %add3A_471 : i32 to index
        %get3A_473 = arith.constant 80 : index
        %get3A_474 = tpu.vector_load %arg7[%get3A_472, %get3A_473] {strides = array<i32>} : memref<80x256xf32, #tpu.memory_space<vmem>>, vector<1x16xf32>,
        %get3A_475 = vector.shape_cast %get3A_474 : vector<1x16xf32> to vector<16xf32>
        %add3A_476 = arith.addf %add3A_469, %get3A_475 : vector<16xf32>
        %add3A_477 = arith.constant 8 : i32
        %add3A_478 = arith.addi %mul3A_65, %add3A_477 : i32
        %get3A_479 = arith.index_cast %add3A_478 : i32 to index
        %get3A_480 = arith.constant 80 : index
        %get3A_481 = tpu.vector_load %arg7[%get3A_479, %get3A_480] {strides = array<i32>} : memref<80x256xf32, #tpu.memory_space<vmem>>, vector<1x16xf32>,
        %get3A_482 = vector.shape_cast %get3A_481 : vector<1x16xf32> to vector<16xf32>
        %add3A_483 = arith.addf %add3A_476, %get3A_482 : vector<16xf32>
        %add3A_484 = arith.constant 9 : i32
        %add3A_485 = arith.addi %mul3A_65, %add3A_484 : i32
        %get3A_486 = arith.index_cast %add3A_485 : i32 to index
        %get3A_487 = arith.constant 80 : index
        %get3A_488 = tpu.vector_load %arg7[%get3A_486, %get3A_487] {strides = array<i32>} : memref<80x256xf32, #tpu.memory_space<vmem>>, vector<1x16xf32>,
        %get3A_489 = vector.shape_cast %get3A_488 : vector<1x16xf32> to vector<16xf32>
        %add3A_490 = arith.addf %add3A_483, %get3A_489 : vector<16xf32>
        %swap3A_491 = arith.index_cast %scan3A_63 : i32 to index
        %swap3A_492 = arith.constant 80 : index
        %swap3A_493 = tpu.vector_load %arg8[%swap3A_491, %swap3A_492] {strides = array<i32>} : memref<8x256xf32, #tpu.memory_space<vmem>>, vector<1x16xf32>,
        %swap3A_494 = vector.shape_cast %swap3A_493 : vector<1x16xf32> to vector<16xf32>
        %swap3A_495 = vector.shape_cast %add3A_490 : vector<16xf32> to vector<1x16xf32>
        tpu.vector_store %arg8[%swap3A_491, %swap3A_492], %swap3A_495 {strides = array<i32>} : memref<8x256xf32, #tpu.memory_space<vmem>>, vector<1x16xf32>,
        %get3A_496 = arith.index_cast %mul3A_65 : i32 to index
        %get3A_497 = arith.constant 96 : index
        %get3A_498 = tpu.vector_load %arg7[%get3A_496, %get3A_497] {strides = array<i32>} : memref<80x256xf32, #tpu.memory_space<vmem>>, vector<1x16xf32>,
        %get3A_499 = vector.shape_cast %get3A_498 : vector<1x16xf32> to vector<16xf32>
        %add3A_500 = arith.constant 1 : i32
        %add3A_501 = arith.addi %mul3A_65, %add3A_500 : i32
        %get3A_502 = arith.index_cast %add3A_501 : i32 to index
        %get3A_503 = arith.constant 96 : index
        %get3A_504 = tpu.vector_load %arg7[%get3A_502, %get3A_503] {strides = array<i32>} : memref<80x256xf32, #tpu.memory_space<vmem>>, vector<1x16xf32>,
        %get3A_505 = vector.shape_cast %get3A_504 : vector<1x16xf32> to vector<16xf32>
        %add3A_506 = arith.addf %get3A_499, %get3A_505 : vector<16xf32>
        %add3A_507 = arith.constant 2 : i32
        %add3A_508 = arith.addi %mul3A_65, %add3A_507 : i32
        %get3A_509 = arith.index_cast %add3A_508 : i32 to index
        %get3A_510 = arith.constant 96 : index
        %get3A_511 = tpu.vector_load %arg7[%get3A_509, %get3A_510] {strides = array<i32>} : memref<80x256xf32, #tpu.memory_space<vmem>>, vector<1x16xf32>,
        %get3A_512 = vector.shape_cast %get3A_511 : vector<1x16xf32> to vector<16xf32>
        %add3A_513 = arith.addf %add3A_506, %get3A_512 : vector<16xf32>
        %add3A_514 = arith.constant 3 : i32
        %add3A_515 = arith.addi %mul3A_65, %add3A_514 : i32
        %get3A_516 = arith.index_cast %add3A_515 : i32 to index
        %get3A_517 = arith.constant 96 : index
        %get3A_518 = tpu.vector_load %arg7[%get3A_516, %get3A_517] {strides = array<i32>} : memref<80x256xf32, #tpu.memory_space<vmem>>, vector<1x16xf32>,
        %get3A_519 = vector.shape_cast %get3A_518 : vector<1x16xf32> to vector<16xf32>
        %add3A_520 = arith.addf %add3A_513, %get3A_519 : vector<16xf32>
        %add3A_521 = arith.constant 4 : i32
        %add3A_522 = arith.addi %mul3A_65, %add3A_521 : i32
        %get3A_523 = arith.index_cast %add3A_522 : i32 to index
        %get3A_524 = arith.constant 96 : index
        %get3A_525 = tpu.vector_load %arg7[%get3A_523, %get3A_524] {strides = array<i32>} : memref<80x256xf32, #tpu.memory_space<vmem>>, vector<1x16xf32>,
        %get3A_526 = vector.shape_cast %get3A_525 : vector<1x16xf32> to vector<16xf32>
        %add3A_527 = arith.addf %add3A_520, %get3A_526 : vector<16xf32>
        %add3A_528 = arith.constant 5 : i32
        %add3A_529 = arith.addi %mul3A_65, %add3A_528 : i32
        %get3A_530 = arith.index_cast %add3A_529 : i32 to index
        %get3A_531 = arith.constant 96 : index
        %get3A_532 = tpu.vector_load %arg7[%get3A_530, %get3A_531] {strides = array<i32>} : memref<80x256xf32, #tpu.memory_space<vmem>>, vector<1x16xf32>,
        %get3A_533 = vector.shape_cast %get3A_532 : vector<1x16xf32> to vector<16xf32>
        %add3A_534 = arith.addf %add3A_527, %get3A_533 : vector<16xf32>
        %add3A_535 = arith.constant 6 : i32
        %add3A_536 = arith.addi %mul3A_65, %add3A_535 : i32
        %get3A_537 = arith.index_cast %add3A_536 : i32 to index
        %get3A_538 = arith.constant 96 : index
        %get3A_539 = tpu.vector_load %arg7[%get3A_537, %get3A_538] {strides = array<i32>} : memref<80x256xf32, #tpu.memory_space<vmem>>, vector<1x16xf32>,
        %get3A_540 = vector.shape_cast %get3A_539 : vector<1x16xf32> to vector<16xf32>
        %add3A_541 = arith.addf %add3A_534, %get3A_540 : vector<16xf32>
        %add3A_542 = arith.constant 7 : i32
        %add3A_543 = arith.addi %mul3A_65, %add3A_542 : i32
        %get3A_544 = arith.index_cast %add3A_543 : i32 to index
        %get3A_545 = arith.constant 96 : index
        %get3A_546 = tpu.vector_load %arg7[%get3A_544, %get3A_545] {strides = array<i32>} : memref<80x256xf32, #tpu.memory_space<vmem>>, vector<1x16xf32>,
        %get3A_547 = vector.shape_cast %get3A_546 : vector<1x16xf32> to vector<16xf32>
        %add3A_548 = arith.addf %add3A_541, %get3A_547 : vector<16xf32>
        %add3A_549 = arith.constant 8 : i32
        %add3A_550 = arith.addi %mul3A_65, %add3A_549 : i32
        %get3A_551 = arith.index_cast %add3A_550 : i32 to index
        %get3A_552 = arith.constant 96 : index
        %get3A_553 = tpu.vector_load %arg7[%get3A_551, %get3A_552] {strides = array<i32>} : memref<80x256xf32, #tpu.memory_space<vmem>>, vector<1x16xf32>,
        %get3A_554 = vector.shape_cast %get3A_553 : vector<1x16xf32> to vector<16xf32>
        %add3A_555 = arith.addf %add3A_548, %get3A_554 : vector<16xf32>
        %add3A_556 = arith.constant 9 : i32
        %add3A_557 = arith.addi %mul3A_65, %add3A_556 : i32
        %get3A_558 = arith.index_cast %add3A_557 : i32 to index
        %get3A_559 = arith.constant 96 : index
        %get3A_560 = tpu.vector_load %arg7[%get3A_558, %get3A_559] {strides = array<i32>} : memref<80x256xf32, #tpu.memory_space<vmem>>, vector<1x16xf32>,
        %get3A_561 = vector.shape_cast %get3A_560 : vector<1x16xf32> to vector<16xf32>
        %add3A_562 = arith.addf %add3A_555, %get3A_561 : vector<16xf32>
        %swap3A_563 = arith.index_cast %scan3A_63 : i32 to index
        %swap3A_564 = arith.constant 96 : index
        %swap3A_565 = tpu.vector_load %arg8[%swap3A_563, %swap3A_564] {strides = array<i32>} : memref<8x256xf32, #tpu.memory_space<vmem>>, vector<1x16xf32>,
        %swap3A_566 = vector.shape_cast %swap3A_565 : vector<1x16xf32> to vector<16xf32>
        %swap3A_567 = vector.shape_cast %add3A_562 : vector<16xf32> to vector<1x16xf32>
        tpu.vector_store %arg8[%swap3A_563, %swap3A_564], %swap3A_567 {strides = array<i32>} : memref<8x256xf32, #tpu.memory_space<vmem>>, vector<1x16xf32>,
        %get3A_568 = arith.index_cast %mul3A_65 : i32 to index
        %get3A_569 = arith.constant 112 : index
        %get3A_570 = tpu.vector_load %arg7[%get3A_568, %get3A_569] {strides = array<i32>} : memref<80x256xf32, #tpu.memory_space<vmem>>, vector<1x16xf32>,
        %get3A_571 = vector.shape_cast %get3A_570 : vector<1x16xf32> to vector<16xf32>
        %add3A_572 = arith.constant 1 : i32
        %add3A_573 = arith.addi %mul3A_65, %add3A_572 : i32
        %get3A_574 = arith.index_cast %add3A_573 : i32 to index
        %get3A_575 = arith.constant 112 : index
        %get3A_576 = tpu.vector_load %arg7[%get3A_574, %get3A_575] {strides = array<i32>} : memref<80x256xf32, #tpu.memory_space<vmem>>, vector<1x16xf32>,
        %get3A_577 = vector.shape_cast %get3A_576 : vector<1x16xf32> to vector<16xf32>
        %add3A_578 = arith.addf %get3A_571, %get3A_577 : vector<16xf32>
        %add3A_579 = arith.constant 2 : i32
        %add3A_580 = arith.addi %mul3A_65, %add3A_579 : i32
        %get3A_581 = arith.index_cast %add3A_580 : i32 to index
        %get3A_582 = arith.constant 112 : index
        %get3A_583 = tpu.vector_load %arg7[%get3A_581, %get3A_582] {strides = array<i32>} : memref<80x256xf32, #tpu.memory_space<vmem>>, vector<1x16xf32>,
        %get3A_584 = vector.shape_cast %get3A_583 : vector<1x16xf32> to vector<16xf32>
        %add3A_585 = arith.addf %add3A_578, %get3A_584 : vector<16xf32>
        %add3A_586 = arith.constant 3 : i32
        %add3A_587 = arith.addi %mul3A_65, %add3A_586 : i32
        %get3A_588 = arith.index_cast %add3A_587 : i32 to index
        %get3A_589 = arith.constant 112 : index
        %get3A_590 = tpu.vector_load %arg7[%get3A_588, %get3A_589] {strides = array<i32>} : memref<80x256xf32, #tpu.memory_space<vmem>>, vector<1x16xf32>,
        %get3A_591 = vector.shape_cast %get3A_590 : vector<1x16xf32> to vector<16xf32>
        %add3A_592 = arith.addf %add3A_585, %get3A_591 : vector<16xf32>
        %add3A_593 = arith.constant 4 : i32
        %add3A_594 = arith.addi %mul3A_65, %add3A_593 : i32
        %get3A_595 = arith.index_cast %add3A_594 : i32 to index
        %get3A_596 = arith.constant 112 : index
        %get3A_597 = tpu.vector_load %arg7[%get3A_595, %get3A_596] {strides = array<i32>} : memref<80x256xf32, #tpu.memory_space<vmem>>, vector<1x16xf32>,
        %get3A_598 = vector.shape_cast %get3A_597 : vector<1x16xf32> to vector<16xf32>
        %add3A_599 = arith.addf %add3A_592, %get3A_598 : vector<16xf32>
        %add3A_600 = arith.constant 5 : i32
        %add3A_601 = arith.addi %mul3A_65, %add3A_600 : i32
        %get3A_602 = arith.index_cast %add3A_601 : i32 to index
        %get3A_603 = arith.constant 112 : index
        %get3A_604 = tpu.vector_load %arg7[%get3A_602, %get3A_603] {strides = array<i32>} : memref<80x256xf32, #tpu.memory_space<vmem>>, vector<1x16xf32>,
        %get3A_605 = vector.shape_cast %get3A_604 : vector<1x16xf32> to vector<16xf32>
        %add3A_606 = arith.addf %add3A_599, %get3A_605 : vector<16xf32>
        %add3A_607 = arith.constant 6 : i32
        %add3A_608 = arith.addi %mul3A_65, %add3A_607 : i32
        %get3A_609 = arith.index_cast %add3A_608 : i32 to index
        %get3A_610 = arith.constant 112 : index
        %get3A_611 = tpu.vector_load %arg7[%get3A_609, %get3A_610] {strides = array<i32>} : memref<80x256xf32, #tpu.memory_space<vmem>>, vector<1x16xf32>,
        %get3A_612 = vector.shape_cast %get3A_611 : vector<1x16xf32> to vector<16xf32>
        %add3A_613 = arith.addf %add3A_606, %get3A_612 : vector<16xf32>
        %add3A_614 = arith.constant 7 : i32
        %add3A_615 = arith.addi %mul3A_65, %add3A_614 : i32
        %get3A_616 = arith.index_cast %add3A_615 : i32 to index
        %get3A_617 = arith.constant 112 : index
        %get3A_618 = tpu.vector_load %arg7[%get3A_616, %get3A_617] {strides = array<i32>} : memref<80x256xf32, #tpu.memory_space<vmem>>, vector<1x16xf32>,
        %get3A_619 = vector.shape_cast %get3A_618 : vector<1x16xf32> to vector<16xf32>
        %add3A_620 = arith.addf %add3A_613, %get3A_619 : vector<16xf32>
        %add3A_621 = arith.constant 8 : i32
        %add3A_622 = arith.addi %mul3A_65, %add3A_621 : i32
        %get3A_623 = arith.index_cast %add3A_622 : i32 to index
        %get3A_624 = arith.constant 112 : index
        %get3A_625 = tpu.vector_load %arg7[%get3A_623, %get3A_624] {strides = array<i32>} : memref<80x256xf32, #tpu.memory_space<vmem>>, vector<1x16xf32>,
        %get3A_626 = vector.shape_cast %get3A_625 : vector<1x16xf32> to vector<16xf32>
        %add3A_627 = arith.addf %add3A_620, %get3A_626 : vector<16xf32>
        %add3A_628 = arith.constant 9 : i32
        %add3A_629 = arith.addi %mul3A_65, %add3A_628 : i32
        %get3A_630 = arith.index_cast %add3A_629 : i32 to index
        %get3A_631 = arith.constant 112 : index
        %get3A_632 = tpu.vector_load %arg7[%get3A_630, %get3A_631] {strides = array<i32>} : memref<80x256xf32, #tpu.memory_space<vmem>>, vector<1x16xf32>,
        %get3A_633 = vector.shape_cast %get3A_632 : vector<1x16xf32> to vector<16xf32>
        %add3A_634 = arith.addf %add3A_627, %get3A_633 : vector<16xf32>
        %swap3A_635 = arith.index_cast %scan3A_63 : i32 to index
        %swap3A_636 = arith.constant 112 : index
        %swap3A_637 = tpu.vector_load %arg8[%swap3A_635, %swap3A_636] {strides = array<i32>} : memref<8x256xf32, #tpu.memory_space<vmem>>, vector<1x16xf32>,
        %swap3A_638 = vector.shape_cast %swap3A_637 : vector<1x16xf32> to vector<16xf32>
        %swap3A_639 = vector.shape_cast %add3A_634 : vector<16xf32> to vector<1x16xf32>
        tpu.vector_store %arg8[%swap3A_635, %swap3A_636], %swap3A_639 {strides = array<i32>} : memref<8x256xf32, #tpu.memory_space<vmem>>, vector<1x16xf32>,
        %get3A_640 = arith.index_cast %mul3A_65 : i32 to index
        %get3A_641 = arith.constant 128 : index
        %get3A_642 = tpu.vector_load %arg7[%get3A_640, %get3A_641] {strides = array<i32>} : memref<80x256xf32, #tpu.memory_space<vmem>>, vector<1x16xf32>,
        %get3A_643 = vector.shape_cast %get3A_642 : vector<1x16xf32> to vector<16xf32>
        %add3A_644 = arith.constant 1 : i32
        %add3A_645 = arith.addi %mul3A_65, %add3A_644 : i32
        %get3A_646 = arith.index_cast %add3A_645 : i32 to index
        %get3A_647 = arith.constant 128 : index
        %get3A_648 = tpu.vector_load %arg7[%get3A_646, %get3A_647] {strides = array<i32>} : memref<80x256xf32, #tpu.memory_space<vmem>>, vector<1x16xf32>,
        %get3A_649 = vector.shape_cast %get3A_648 : vector<1x16xf32> to vector<16xf32>
        %add3A_650 = arith.addf %get3A_643, %get3A_649 : vector<16xf32>
        %add3A_651 = arith.constant 2 : i32
        %add3A_652 = arith.addi %mul3A_65, %add3A_651 : i32
        %get3A_653 = arith.index_cast %add3A_652 : i32 to index
        %get3A_654 = arith.constant 128 : index
        %get3A_655 = tpu.vector_load %arg7[%get3A_653, %get3A_654] {strides = array<i32>} : memref<80x256xf32, #tpu.memory_space<vmem>>, vector<1x16xf32>,
        %get3A_656 = vector.shape_cast %get3A_655 : vector<1x16xf32> to vector<16xf32>
        %add3A_657 = arith.addf %add3A_650, %get3A_656 : vector<16xf32>
        %add3A_658 = arith.constant 3 : i32
        %add3A_659 = arith.addi %mul3A_65, %add3A_658 : i32
        %get3A_660 = arith.index_cast %add3A_659 : i32 to index
        %get3A_661 = arith.constant 128 : index
        %get3A_662 = tpu.vector_load %arg7[%get3A_660, %get3A_661] {strides = array<i32>} : memref<80x256xf32, #tpu.memory_space<vmem>>, vector<1x16xf32>,
        %get3A_663 = vector.shape_cast %get3A_662 : vector<1x16xf32> to vector<16xf32>
        %add3A_664 = arith.addf %add3A_657, %get3A_663 : vector<16xf32>
        %add3A_665 = arith.constant 4 : i32
        %add3A_666 = arith.addi %mul3A_65, %add3A_665 : i32
        %get3A_667 = arith.index_cast %add3A_666 : i32 to index
        %get3A_668 = arith.constant 128 : index
        %get3A_669 = tpu.vector_load %arg7[%get3A_667, %get3A_668] {strides = array<i32>} : memref<80x256xf32, #tpu.memory_space<vmem>>, vector<1x16xf32>,
        %get3A_670 = vector.shape_cast %get3A_669 : vector<1x16xf32> to vector<16xf32>
        %add3A_671 = arith.addf %add3A_664, %get3A_670 : vector<16xf32>
        %add3A_672 = arith.constant 5 : i32
        %add3A_673 = arith.addi %mul3A_65, %add3A_672 : i32
        %get3A_674 = arith.index_cast %add3A_673 : i32 to index
        %get3A_675 = arith.constant 128 : index
        %get3A_676 = tpu.vector_load %arg7[%get3A_674, %get3A_675] {strides = array<i32>} : memref<80x256xf32, #tpu.memory_space<vmem>>, vector<1x16xf32>,
        %get3A_677 = vector.shape_cast %get3A_676 : vector<1x16xf32> to vector<16xf32>
        %add3A_678 = arith.addf %add3A_671, %get3A_677 : vector<16xf32>
        %add3A_679 = arith.constant 6 : i32
        %add3A_680 = arith.addi %mul3A_65, %add3A_679 : i32
        %get3A_681 = arith.index_cast %add3A_680 : i32 to index
        %get3A_682 = arith.constant 128 : index
        %get3A_683 = tpu.vector_load %arg7[%get3A_681, %get3A_682] {strides = array<i32>} : memref<80x256xf32, #tpu.memory_space<vmem>>, vector<1x16xf32>,
        %get3A_684 = vector.shape_cast %get3A_683 : vector<1x16xf32> to vector<16xf32>
        %add3A_685 = arith.addf %add3A_678, %get3A_684 : vector<16xf32>
        %add3A_686 = arith.constant 7 : i32
        %add3A_687 = arith.addi %mul3A_65, %add3A_686 : i32
        %get3A_688 = arith.index_cast %add3A_687 : i32 to index
        %get3A_689 = arith.constant 128 : index
        %get3A_690 = tpu.vector_load %arg7[%get3A_688, %get3A_689] {strides = array<i32>} : memref<80x256xf32, #tpu.memory_space<vmem>>, vector<1x16xf32>,
        %get3A_691 = vector.shape_cast %get3A_690 : vector<1x16xf32> to vector<16xf32>
        %add3A_692 = arith.addf %add3A_685, %get3A_691 : vector<16xf32>
        %add3A_693 = arith.constant 8 : i32
        %add3A_694 = arith.addi %mul3A_65, %add3A_693 : i32
        %get3A_695 = arith.index_cast %add3A_694 : i32 to index
        %get3A_696 = arith.constant 128 : index
        %get3A_697 = tpu.vector_load %arg7[%get3A_695, %get3A_696] {strides = array<i32>} : memref<80x256xf32, #tpu.memory_space<vmem>>, vector<1x16xf32>,
        %get3A_698 = vector.shape_cast %get3A_697 : vector<1x16xf32> to vector<16xf32>
        %add3A_699 = arith.addf %add3A_692, %get3A_698 : vector<16xf32>
        %add3A_700 = arith.constant 9 : i32
        %add3A_701 = arith.addi %mul3A_65, %add3A_700 : i32
        %get3A_702 = arith.index_cast %add3A_701 : i32 to index
        %get3A_703 = arith.constant 128 : index
        %get3A_704 = tpu.vector_load %arg7[%get3A_702, %get3A_703] {strides = array<i32>} : memref<80x256xf32, #tpu.memory_space<vmem>>, vector<1x16xf32>,
        %get3A_705 = vector.shape_cast %get3A_704 : vector<1x16xf32> to vector<16xf32>
        %add3A_706 = arith.addf %add3A_699, %get3A_705 : vector<16xf32>
        %swap3A_707 = arith.index_cast %scan3A_63 : i32 to index
        %swap3A_708 = arith.constant 128 : index
        %swap3A_709 = tpu.vector_load %arg8[%swap3A_707, %swap3A_708] {strides = array<i32>} : memref<8x256xf32, #tpu.memory_space<vmem>>, vector<1x16xf32>,
        %swap3A_710 = vector.shape_cast %swap3A_709 : vector<1x16xf32> to vector<16xf32>
        %swap3A_711 = vector.shape_cast %add3A_706 : vector<16xf32> to vector<1x16xf32>
        tpu.vector_store %arg8[%swap3A_707, %swap3A_708], %swap3A_711 {strides = array<i32>} : memref<8x256xf32, #tpu.memory_space<vmem>>, vector<1x16xf32>,
        %get3A_712 = arith.index_cast %mul3A_65 : i32 to index
        %get3A_713 = arith.constant 144 : index
        %get3A_714 = tpu.vector_load %arg7[%get3A_712, %get3A_713] {strides = array<i32>} : memref<80x256xf32, #tpu.memory_space<vmem>>, vector<1x16xf32>,
        %get3A_715 = vector.shape_cast %get3A_714 : vector<1x16xf32> to vector<16xf32>
        %add3A_716 = arith.constant 1 : i32
        %add3A_717 = arith.addi %mul3A_65, %add3A_716 : i32
        %get3A_718 = arith.index_cast %add3A_717 : i32 to index
        %get3A_719 = arith.constant 144 : index
        %get3A_720 = tpu.vector_load %arg7[%get3A_718, %get3A_719] {strides = array<i32>} : memref<80x256xf32, #tpu.memory_space<vmem>>, vector<1x16xf32>,
        %get3A_721 = vector.shape_cast %get3A_720 : vector<1x16xf32> to vector<16xf32>
        %add3A_722 = arith.addf %get3A_715, %get3A_721 : vector<16xf32>
        %add3A_723 = arith.constant 2 : i32
        %add3A_724 = arith.addi %mul3A_65, %add3A_723 : i32
        %get3A_725 = arith.index_cast %add3A_724 : i32 to index
        %get3A_726 = arith.constant 144 : index
        %get3A_727 = tpu.vector_load %arg7[%get3A_725, %get3A_726] {strides = array<i32>} : memref<80x256xf32, #tpu.memory_space<vmem>>, vector<1x16xf32>,
        %get3A_728 = vector.shape_cast %get3A_727 : vector<1x16xf32> to vector<16xf32>
        %add3A_729 = arith.addf %add3A_722, %get3A_728 : vector<16xf32>
        %add3A_730 = arith.constant 3 : i32
        %add3A_731 = arith.addi %mul3A_65, %add3A_730 : i32
        %get3A_732 = arith.index_cast %add3A_731 : i32 to index
        %get3A_733 = arith.constant 144 : index
        %get3A_734 = tpu.vector_load %arg7[%get3A_732, %get3A_733] {strides = array<i32>} : memref<80x256xf32, #tpu.memory_space<vmem>>, vector<1x16xf32>,
        %get3A_735 = vector.shape_cast %get3A_734 : vector<1x16xf32> to vector<16xf32>
        %add3A_736 = arith.addf %add3A_729, %get3A_735 : vector<16xf32>
        %add3A_737 = arith.constant 4 : i32
        %add3A_738 = arith.addi %mul3A_65, %add3A_737 : i32
        %get3A_739 = arith.index_cast %add3A_738 : i32 to index
        %get3A_740 = arith.constant 144 : index
        %get3A_741 = tpu.vector_load %arg7[%get3A_739, %get3A_740] {strides = array<i32>} : memref<80x256xf32, #tpu.memory_space<vmem>>, vector<1x16xf32>,
        %get3A_742 = vector.shape_cast %get3A_741 : vector<1x16xf32> to vector<16xf32>
        %add3A_743 = arith.addf %add3A_736, %get3A_742 : vector<16xf32>
        %add3A_744 = arith.constant 5 : i32
        %add3A_745 = arith.addi %mul3A_65, %add3A_744 : i32
        %get3A_746 = arith.index_cast %add3A_745 : i32 to index
        %get3A_747 = arith.constant 144 : index
        %get3A_748 = tpu.vector_load %arg7[%get3A_746, %get3A_747] {strides = array<i32>} : memref<80x256xf32, #tpu.memory_space<vmem>>, vector<1x16xf32>,
        %get3A_749 = vector.shape_cast %get3A_748 : vector<1x16xf32> to vector<16xf32>
        %add3A_750 = arith.addf %add3A_743, %get3A_749 : vector<16xf32>
        %add3A_751 = arith.constant 6 : i32
        %add3A_752 = arith.addi %mul3A_65, %add3A_751 : i32
        %get3A_753 = arith.index_cast %add3A_752 : i32 to index
        %get3A_754 = arith.constant 144 : index
        %get3A_755 = tpu.vector_load %arg7[%get3A_753, %get3A_754] {strides = array<i32>} : memref<80x256xf32, #tpu.memory_space<vmem>>, vector<1x16xf32>,
        %get3A_756 = vector.shape_cast %get3A_755 : vector<1x16xf32> to vector<16xf32>
        %add3A_757 = arith.addf %add3A_750, %get3A_756 : vector<16xf32>
        %add3A_758 = arith.constant 7 : i32
        %add3A_759 = arith.addi %mul3A_65, %add3A_758 : i32
        %get3A_760 = arith.index_cast %add3A_759 : i32 to index
        %get3A_761 = arith.constant 144 : index
        %get3A_762 = tpu.vector_load %arg7[%get3A_760, %get3A_761] {strides = array<i32>} : memref<80x256xf32, #tpu.memory_space<vmem>>, vector<1x16xf32>,
        %get3A_763 = vector.shape_cast %get3A_762 : vector<1x16xf32> to vector<16xf32>
        %add3A_764 = arith.addf %add3A_757, %get3A_763 : vector<16xf32>
        %add3A_765 = arith.constant 8 : i32
        %add3A_766 = arith.addi %mul3A_65, %add3A_765 : i32
        %get3A_767 = arith.index_cast %add3A_766 : i32 to index
        %get3A_768 = arith.constant 144 : index
        %get3A_769 = tpu.vector_load %arg7[%get3A_767, %get3A_768] {strides = array<i32>} : memref<80x256xf32, #tpu.memory_space<vmem>>, vector<1x16xf32>,
        %get3A_770 = vector.shape_cast %get3A_769 : vector<1x16xf32> to vector<16xf32>
        %add3A_771 = arith.addf %add3A_764, %get3A_770 : vector<16xf32>
        %add3A_772 = arith.constant 9 : i32
        %add3A_773 = arith.addi %mul3A_65, %add3A_772 : i32
        %get3A_774 = arith.index_cast %add3A_773 : i32 to index
        %get3A_775 = arith.constant 144 : index
        %get3A_776 = tpu.vector_load %arg7[%get3A_774, %get3A_775] {strides = array<i32>} : memref<80x256xf32, #tpu.memory_space<vmem>>, vector<1x16xf32>,
        %get3A_777 = vector.shape_cast %get3A_776 : vector<1x16xf32> to vector<16xf32>
        %add3A_778 = arith.addf %add3A_771, %get3A_777 : vector<16xf32>
        %swap3A_779 = arith.index_cast %scan3A_63 : i32 to index
        %swap3A_780 = arith.constant 144 : index
        %swap3A_781 = tpu.vector_load %arg8[%swap3A_779, %swap3A_780] {strides = array<i32>} : memref<8x256xf32, #tpu.memory_space<vmem>>, vector<1x16xf32>,
        %swap3A_782 = vector.shape_cast %swap3A_781 : vector<1x16xf32> to vector<16xf32>
        %swap3A_783 = vector.shape_cast %add3A_778 : vector<16xf32> to vector<1x16xf32>
        tpu.vector_store %arg8[%swap3A_779, %swap3A_780], %swap3A_783 {strides = array<i32>} : memref<8x256xf32, #tpu.memory_space<vmem>>, vector<1x16xf32>,
        %get3A_784 = arith.index_cast %mul3A_65 : i32 to index
        %get3A_785 = arith.constant 160 : index
        %get3A_786 = tpu.vector_load %arg7[%get3A_784, %get3A_785] {strides = array<i32>} : memref<80x256xf32, #tpu.memory_space<vmem>>, vector<1x16xf32>,
        %get3A_787 = vector.shape_cast %get3A_786 : vector<1x16xf32> to vector<16xf32>
        %add3A_788 = arith.constant 1 : i32
        %add3A_789 = arith.addi %mul3A_65, %add3A_788 : i32
        %get3A_790 = arith.index_cast %add3A_789 : i32 to index
        %get3A_791 = arith.constant 160 : index
        %get3A_792 = tpu.vector_load %arg7[%get3A_790, %get3A_791] {strides = array<i32>} : memref<80x256xf32, #tpu.memory_space<vmem>>, vector<1x16xf32>,
        %get3A_793 = vector.shape_cast %get3A_792 : vector<1x16xf32> to vector<16xf32>
        %add3A_794 = arith.addf %get3A_787, %get3A_793 : vector<16xf32>
        %add3A_795 = arith.constant 2 : i32
        %add3A_796 = arith.addi %mul3A_65, %add3A_795 : i32
        %get3A_797 = arith.index_cast %add3A_796 : i32 to index
        %get3A_798 = arith.constant 160 : index
        %get3A_799 = tpu.vector_load %arg7[%get3A_797, %get3A_798] {strides = array<i32>} : memref<80x256xf32, #tpu.memory_space<vmem>>, vector<1x16xf32>,
        %get3A_800 = vector.shape_cast %get3A_799 : vector<1x16xf32> to vector<16xf32>
        %add3A_801 = arith.addf %add3A_794, %get3A_800 : vector<16xf32>
        %add3A_802 = arith.constant 3 : i32
        %add3A_803 = arith.addi %mul3A_65, %add3A_802 : i32
        %get3A_804 = arith.index_cast %add3A_803 : i32 to index
        %get3A_805 = arith.constant 160 : index
        %get3A_806 = tpu.vector_load %arg7[%get3A_804, %get3A_805] {strides = array<i32>} : memref<80x256xf32, #tpu.memory_space<vmem>>, vector<1x16xf32>,
        %get3A_807 = vector.shape_cast %get3A_806 : vector<1x16xf32> to vector<16xf32>
        %add3A_808 = arith.addf %add3A_801, %get3A_807 : vector<16xf32>
        %add3A_809 = arith.constant 4 : i32
        %add3A_810 = arith.addi %mul3A_65, %add3A_809 : i32
        %get3A_811 = arith.index_cast %add3A_810 : i32 to index
        %get3A_812 = arith.constant 160 : index
        %get3A_813 = tpu.vector_load %arg7[%get3A_811, %get3A_812] {strides = array<i32>} : memref<80x256xf32, #tpu.memory_space<vmem>>, vector<1x16xf32>,
        %get3A_814 = vector.shape_cast %get3A_813 : vector<1x16xf32> to vector<16xf32>
        %add3A_815 = arith.addf %add3A_808, %get3A_814 : vector<16xf32>
        %add3A_816 = arith.constant 5 : i32
        %add3A_817 = arith.addi %mul3A_65, %add3A_816 : i32
        %get3A_818 = arith.index_cast %add3A_817 : i32 to index
        %get3A_819 = arith.constant 160 : index
        %get3A_820 = tpu.vector_load %arg7[%get3A_818, %get3A_819] {strides = array<i32>} : memref<80x256xf32, #tpu.memory_space<vmem>>, vector<1x16xf32>,
        %get3A_821 = vector.shape_cast %get3A_820 : vector<1x16xf32> to vector<16xf32>
        %add3A_822 = arith.addf %add3A_815, %get3A_821 : vector<16xf32>
        %add3A_823 = arith.constant 6 : i32
        %add3A_824 = arith.addi %mul3A_65, %add3A_823 : i32
        %get3A_825 = arith.index_cast %add3A_824 : i32 to index
        %get3A_826 = arith.constant 160 : index
        %get3A_827 = tpu.vector_load %arg7[%get3A_825, %get3A_826] {strides = array<i32>} : memref<80x256xf32, #tpu.memory_space<vmem>>, vector<1x16xf32>,
        %get3A_828 = vector.shape_cast %get3A_827 : vector<1x16xf32> to vector<16xf32>
        %add3A_829 = arith.addf %add3A_822, %get3A_828 : vector<16xf32>
        %add3A_830 = arith.constant 7 : i32
        %add3A_831 = arith.addi %mul3A_65, %add3A_830 : i32
        %get3A_832 = arith.index_cast %add3A_831 : i32 to index
        %get3A_833 = arith.constant 160 : index
        %get3A_834 = tpu.vector_load %arg7[%get3A_832, %get3A_833] {strides = array<i32>} : memref<80x256xf32, #tpu.memory_space<vmem>>, vector<1x16xf32>,
        %get3A_835 = vector.shape_cast %get3A_834 : vector<1x16xf32> to vector<16xf32>
        %add3A_836 = arith.addf %add3A_829, %get3A_835 : vector<16xf32>
        %add3A_837 = arith.constant 8 : i32
        %add3A_838 = arith.addi %mul3A_65, %add3A_837 : i32
        %get3A_839 = arith.index_cast %add3A_838 : i32 to index
        %get3A_840 = arith.constant 160 : index
        %get3A_841 = tpu.vector_load %arg7[%get3A_839, %get3A_840] {strides = array<i32>} : memref<80x256xf32, #tpu.memory_space<vmem>>, vector<1x16xf32>,
        %get3A_842 = vector.shape_cast %get3A_841 : vector<1x16xf32> to vector<16xf32>
        %add3A_843 = arith.addf %add3A_836, %get3A_842 : vector<16xf32>
        %add3A_844 = arith.constant 9 : i32
        %add3A_845 = arith.addi %mul3A_65, %add3A_844 : i32
        %get3A_846 = arith.index_cast %add3A_845 : i32 to index
        %get3A_847 = arith.constant 160 : index
        %get3A_848 = tpu.vector_load %arg7[%get3A_846, %get3A_847] {strides = array<i32>} : memref<80x256xf32, #tpu.memory_space<vmem>>, vector<1x16xf32>,
        %get3A_849 = vector.shape_cast %get3A_848 : vector<1x16xf32> to vector<16xf32>
        %add3A_850 = arith.addf %add3A_843, %get3A_849 : vector<16xf32>
        %swap3A_851 = arith.index_cast %scan3A_63 : i32 to index
        %swap3A_852 = arith.constant 160 : index
        %swap3A_853 = tpu.vector_load %arg8[%swap3A_851, %swap3A_852] {strides = array<i32>} : memref<8x256xf32, #tpu.memory_space<vmem>>, vector<1x16xf32>,
        %swap3A_854 = vector.shape_cast %swap3A_853 : vector<1x16xf32> to vector<16xf32>
        %swap3A_855 = vector.shape_cast %add3A_850 : vector<16xf32> to vector<1x16xf32>
        tpu.vector_store %arg8[%swap3A_851, %swap3A_852], %swap3A_855 {strides = array<i32>} : memref<8x256xf32, #tpu.memory_space<vmem>>, vector<1x16xf32>,
        %get3A_856 = arith.index_cast %mul3A_65 : i32 to index
        %get3A_857 = arith.constant 176 : index
        %get3A_858 = tpu.vector_load %arg7[%get3A_856, %get3A_857] {strides = array<i32>} : memref<80x256xf32, #tpu.memory_space<vmem>>, vector<1x16xf32>,
        %get3A_859 = vector.shape_cast %get3A_858 : vector<1x16xf32> to vector<16xf32>
        %add3A_860 = arith.constant 1 : i32
        %add3A_861 = arith.addi %mul3A_65, %add3A_860 : i32
        %get3A_862 = arith.index_cast %add3A_861 : i32 to index
        %get3A_863 = arith.constant 176 : index
        %get3A_864 = tpu.vector_load %arg7[%get3A_862, %get3A_863] {strides = array<i32>} : memref<80x256xf32, #tpu.memory_space<vmem>>, vector<1x16xf32>,
        %get3A_865 = vector.shape_cast %get3A_864 : vector<1x16xf32> to vector<16xf32>
        %add3A_866 = arith.addf %get3A_859, %get3A_865 : vector<16xf32>
        %add3A_867 = arith.constant 2 : i32
        %add3A_868 = arith.addi %mul3A_65, %add3A_867 : i32
        %get3A_869 = arith.index_cast %add3A_868 : i32 to index
        %get3A_870 = arith.constant 176 : index
        %get3A_871 = tpu.vector_load %arg7[%get3A_869, %get3A_870] {strides = array<i32>} : memref<80x256xf32, #tpu.memory_space<vmem>>, vector<1x16xf32>,
        %get3A_872 = vector.shape_cast %get3A_871 : vector<1x16xf32> to vector<16xf32>
        %add3A_873 = arith.addf %add3A_866, %get3A_872 : vector<16xf32>
        %add3A_874 = arith.constant 3 : i32
        %add3A_875 = arith.addi %mul3A_65, %add3A_874 : i32
        %get3A_876 = arith.index_cast %add3A_875 : i32 to index
        %get3A_877 = arith.constant 176 : index
        %get3A_878 = tpu.vector_load %arg7[%get3A_876, %get3A_877] {strides = array<i32>} : memref<80x256xf32, #tpu.memory_space<vmem>>, vector<1x16xf32>,
        %get3A_879 = vector.shape_cast %get3A_878 : vector<1x16xf32> to vector<16xf32>
        %add3A_880 = arith.addf %add3A_873, %get3A_879 : vector<16xf32>
        %add3A_881 = arith.constant 4 : i32
        %add3A_882 = arith.addi %mul3A_65, %add3A_881 : i32
        %get3A_883 = arith.index_cast %add3A_882 : i32 to index
        %get3A_884 = arith.constant 176 : index
        %get3A_885 = tpu.vector_load %arg7[%get3A_883, %get3A_884] {strides = array<i32>} : memref<80x256xf32, #tpu.memory_space<vmem>>, vector<1x16xf32>,
        %get3A_886 = vector.shape_cast %get3A_885 : vector<1x16xf32> to vector<16xf32>
        %add3A_887 = arith.addf %add3A_880, %get3A_886 : vector<16xf32>
        %add3A_888 = arith.constant 5 : i32
        %add3A_889 = arith.addi %mul3A_65, %add3A_888 : i32
        %get3A_890 = arith.index_cast %add3A_889 : i32 to index
        %get3A_891 = arith.constant 176 : index
        %get3A_892 = tpu.vector_load %arg7[%get3A_890, %get3A_891] {strides = array<i32>} : memref<80x256xf32, #tpu.memory_space<vmem>>, vector<1x16xf32>,
        %get3A_893 = vector.shape_cast %get3A_892 : vector<1x16xf32> to vector<16xf32>
        %add3A_894 = arith.addf %add3A_887, %get3A_893 : vector<16xf32>
        %add3A_895 = arith.constant 6 : i32
        %add3A_896 = arith.addi %mul3A_65, %add3A_895 : i32
        %get3A_897 = arith.index_cast %add3A_896 : i32 to index
        %get3A_898 = arith.constant 176 : index
        %get3A_899 = tpu.vector_load %arg7[%get3A_897, %get3A_898] {strides = array<i32>} : memref<80x256xf32, #tpu.memory_space<vmem>>, vector<1x16xf32>,
        %get3A_900 = vector.shape_cast %get3A_899 : vector<1x16xf32> to vector<16xf32>
        %add3A_901 = arith.addf %add3A_894, %get3A_900 : vector<16xf32>
        %add3A_902 = arith.constant 7 : i32
        %add3A_903 = arith.addi %mul3A_65, %add3A_902 : i32
        %get3A_904 = arith.index_cast %add3A_903 : i32 to index
        %get3A_905 = arith.constant 176 : index
        %get3A_906 = tpu.vector_load %arg7[%get3A_904, %get3A_905] {strides = array<i32>} : memref<80x256xf32, #tpu.memory_space<vmem>>, vector<1x16xf32>,
        %get3A_907 = vector.shape_cast %get3A_906 : vector<1x16xf32> to vector<16xf32>
        %add3A_908 = arith.addf %add3A_901, %get3A_907 : vector<16xf32>
        %add3A_909 = arith.constant 8 : i32
        %add3A_910 = arith.addi %mul3A_65, %add3A_909 : i32
        %get3A_911 = arith.index_cast %add3A_910 : i32 to index
        %get3A_912 = arith.constant 176 : index
        %get3A_913 = tpu.vector_load %arg7[%get3A_911, %get3A_912] {strides = array<i32>} : memref<80x256xf32, #tpu.memory_space<vmem>>, vector<1x16xf32>,
        %get3A_914 = vector.shape_cast %get3A_913 : vector<1x16xf32> to vector<16xf32>
        %add3A_915 = arith.addf %add3A_908, %get3A_914 : vector<16xf32>
        %add3A_916 = arith.constant 9 : i32
        %add3A_917 = arith.addi %mul3A_65, %add3A_916 : i32
        %get3A_918 = arith.index_cast %add3A_917 : i32 to index
        %get3A_919 = arith.constant 176 : index
        %get3A_920 = tpu.vector_load %arg7[%get3A_918, %get3A_919] {strides = array<i32>} : memref<80x256xf32, #tpu.memory_space<vmem>>, vector<1x16xf32>,
        %get3A_921 = vector.shape_cast %get3A_920 : vector<1x16xf32> to vector<16xf32>
        %add3A_922 = arith.addf %add3A_915, %get3A_921 : vector<16xf32>
        %swap3A_923 = arith.index_cast %scan3A_63 : i32 to index
        %swap3A_924 = arith.constant 176 : index
        %swap3A_925 = tpu.vector_load %arg8[%swap3A_923, %swap3A_924] {strides = array<i32>} : memref<8x256xf32, #tpu.memory_space<vmem>>, vector<1x16xf32>,
        %swap3A_926 = vector.shape_cast %swap3A_925 : vector<1x16xf32> to vector<16xf32>
        %swap3A_927 = vector.shape_cast %add3A_922 : vector<16xf32> to vector<1x16xf32>
        tpu.vector_store %arg8[%swap3A_923, %swap3A_924], %swap3A_927 {strides = array<i32>} : memref<8x256xf32, #tpu.memory_space<vmem>>, vector<1x16xf32>,
        %get3A_928 = arith.index_cast %mul3A_65 : i32 to index
        %get3A_929 = arith.constant 192 : index
        %get3A_930 = tpu.vector_load %arg7[%get3A_928, %get3A_929] {strides = array<i32>} : memref<80x256xf32, #tpu.memory_space<vmem>>, vector<1x16xf32>,
        %get3A_931 = vector.shape_cast %get3A_930 : vector<1x16xf32> to vector<16xf32>
        %add3A_932 = arith.constant 1 : i32
        %add3A_933 = arith.addi %mul3A_65, %add3A_932 : i32
        %get3A_934 = arith.index_cast %add3A_933 : i32 to index
        %get3A_935 = arith.constant 192 : index
        %get3A_936 = tpu.vector_load %arg7[%get3A_934, %get3A_935] {strides = array<i32>} : memref<80x256xf32, #tpu.memory_space<vmem>>, vector<1x16xf32>,
        %get3A_937 = vector.shape_cast %get3A_936 : vector<1x16xf32> to vector<16xf32>
        %add3A_938 = arith.addf %get3A_931, %get3A_937 : vector<16xf32>
        %add3A_939 = arith.constant 2 : i32
        %add3A_940 = arith.addi %mul3A_65, %add3A_939 : i32
        %get3A_941 = arith.index_cast %add3A_940 : i32 to index
        %get3A_942 = arith.constant 192 : index
        %get3A_943 = tpu.vector_load %arg7[%get3A_941, %get3A_942] {strides = array<i32>} : memref<80x256xf32, #tpu.memory_space<vmem>>, vector<1x16xf32>,
        %get3A_944 = vector.shape_cast %get3A_943 : vector<1x16xf32> to vector<16xf32>
        %add3A_945 = arith.addf %add3A_938, %get3A_944 : vector<16xf32>
        %add3A_946 = arith.constant 3 : i32
        %add3A_947 = arith.addi %mul3A_65, %add3A_946 : i32
        %get3A_948 = arith.index_cast %add3A_947 : i32 to index
        %get3A_949 = arith.constant 192 : index
        %get3A_950 = tpu.vector_load %arg7[%get3A_948, %get3A_949] {strides = array<i32>} : memref<80x256xf32, #tpu.memory_space<vmem>>, vector<1x16xf32>,
        %get3A_951 = vector.shape_cast %get3A_950 : vector<1x16xf32> to vector<16xf32>
        %add3A_952 = arith.addf %add3A_945, %get3A_951 : vector<16xf32>
        %add3A_953 = arith.constant 4 : i32
        %add3A_954 = arith.addi %mul3A_65, %add3A_953 : i32
        %get3A_955 = arith.index_cast %add3A_954 : i32 to index
        %get3A_956 = arith.constant 192 : index
        %get3A_957 = tpu.vector_load %arg7[%get3A_955, %get3A_956] {strides = array<i32>} : memref<80x256xf32, #tpu.memory_space<vmem>>, vector<1x16xf32>,
        %get3A_958 = vector.shape_cast %get3A_957 : vector<1x16xf32> to vector<16xf32>
        %add3A_959 = arith.addf %add3A_952, %get3A_958 : vector<16xf32>
        %add3A_960 = arith.constant 5 : i32
        %add3A_961 = arith.addi %mul3A_65, %add3A_960 : i32
        %get3A_962 = arith.index_cast %add3A_961 : i32 to index
        %get3A_963 = arith.constant 192 : index
        %get3A_964 = tpu.vector_load %arg7[%get3A_962, %get3A_963] {strides = array<i32>} : memref<80x256xf32, #tpu.memory_space<vmem>>, vector<1x16xf32>,
        %get3A_965 = vector.shape_cast %get3A_964 : vector<1x16xf32> to vector<16xf32>
        %add3A_966 = arith.addf %add3A_959, %get3A_965 : vector<16xf32>
        %add3A_967 = arith.constant 6 : i32
        %add3A_968 = arith.addi %mul3A_65, %add3A_967 : i32
        %get3A_969 = arith.index_cast %add3A_968 : i32 to index
        %get3A_970 = arith.constant 192 : index
        %get3A_971 = tpu.vector_load %arg7[%get3A_969, %get3A_970] {strides = array<i32>} : memref<80x256xf32, #tpu.memory_space<vmem>>, vector<1x16xf32>,
        %get3A_972 = vector.shape_cast %get3A_971 : vector<1x16xf32> to vector<16xf32>
        %add3A_973 = arith.addf %add3A_966, %get3A_972 : vector<16xf32>
        %add3A_974 = arith.constant 7 : i32
        %add3A_975 = arith.addi %mul3A_65, %add3A_974 : i32
        %get3A_976 = arith.index_cast %add3A_975 : i32 to index
        %get3A_977 = arith.constant 192 : index
        %get3A_978 = tpu.vector_load %arg7[%get3A_976, %get3A_977] {strides = array<i32>} : memref<80x256xf32, #tpu.memory_space<vmem>>, vector<1x16xf32>,
        %get3A_979 = vector.shape_cast %get3A_978 : vector<1x16xf32> to vector<16xf32>
        %add3A_980 = arith.addf %add3A_973, %get3A_979 : vector<16xf32>
        %add3A_981 = arith.constant 8 : i32
        %add3A_982 = arith.addi %mul3A_65, %add3A_981 : i32
        %get3A_983 = arith.index_cast %add3A_982 : i32 to index
        %get3A_984 = arith.constant 192 : index
        %get3A_985 = tpu.vector_load %arg7[%get3A_983, %get3A_984] {strides = array<i32>} : memref<80x256xf32, #tpu.memory_space<vmem>>, vector<1x16xf32>,
        %get3A_986 = vector.shape_cast %get3A_985 : vector<1x16xf32> to vector<16xf32>
        %add3A_987 = arith.addf %add3A_980, %get3A_986 : vector<16xf32>
        %add3A_988 = arith.constant 9 : i32
        %add3A_989 = arith.addi %mul3A_65, %add3A_988 : i32
        %get3A_990 = arith.index_cast %add3A_989 : i32 to index
        %get3A_991 = arith.constant 192 : index
        %get3A_992 = tpu.vector_load %arg7[%get3A_990, %get3A_991] {strides = array<i32>} : memref<80x256xf32, #tpu.memory_space<vmem>>, vector<1x16xf32>,
        %get3A_993 = vector.shape_cast %get3A_992 : vector<1x16xf32> to vector<16xf32>
        %add3A_994 = arith.addf %add3A_987, %get3A_993 : vector<16xf32>
        %swap3A_995 = arith.index_cast %scan3A_63 : i32 to index
        %swap3A_996 = arith.constant 192 : index
        %swap3A_997 = tpu.vector_load %arg8[%swap3A_995, %swap3A_996] {strides = array<i32>} : memref<8x256xf32, #tpu.memory_space<vmem>>, vector<1x16xf32>,
        %swap3A_998 = vector.shape_cast %swap3A_997 : vector<1x16xf32> to vector<16xf32>
        %swap3A_999 = vector.shape_cast %add3A_994 : vector<16xf32> to vector<1x16xf32>
        tpu.vector_store %arg8[%swap3A_995, %swap3A_996], %swap3A_999 {strides = array<i32>} : memref<8x256xf32, #tpu.memory_space<vmem>>, vector<1x16xf32>,
        %get3A_1000 = arith.index_cast %mul3A_65 : i32 to index
        %get3A_1001 = arith.constant 208 : index
        %get3A_1002 = tpu.vector_load %arg7[%get3A_1000, %get3A_1001] {strides = array<i32>} : memref<80x256xf32, #tpu.memory_space<vmem>>, vector<1x16xf32>,
        %get3A_1003 = vector.shape_cast %get3A_1002 : vector<1x16xf32> to vector<16xf32>
        %add3A_1004 = arith.constant 1 : i32
        %add3A_1005 = arith.addi %mul3A_65, %add3A_1004 : i32
        %get3A_1006 = arith.index_cast %add3A_1005 : i32 to index
        %get3A_1007 = arith.constant 208 : index
        %get3A_1008 = tpu.vector_load %arg7[%get3A_1006, %get3A_1007] {strides = array<i32>} : memref<80x256xf32, #tpu.memory_space<vmem>>, vector<1x16xf32>,
        %get3A_1009 = vector.shape_cast %get3A_1008 : vector<1x16xf32> to vector<16xf32>
        %add3A_1010 = arith.addf %get3A_1003, %get3A_1009 : vector<16xf32>
        %add3A_1011 = arith.constant 2 : i32
        %add3A_1012 = arith.addi %mul3A_65, %add3A_1011 : i32
        %get3A_1013 = arith.index_cast %add3A_1012 : i32 to index
        %get3A_1014 = arith.constant 208 : index
        %get3A_1015 = tpu.vector_load %arg7[%get3A_1013, %get3A_1014] {strides = array<i32>} : memref<80x256xf32, #tpu.memory_space<vmem>>, vector<1x16xf32>,
        %get3A_1016 = vector.shape_cast %get3A_1015 : vector<1x16xf32> to vector<16xf32>
        %add3A_1017 = arith.addf %add3A_1010, %get3A_1016 : vector<16xf32>
        %add3A_1018 = arith.constant 3 : i32
        %add3A_1019 = arith.addi %mul3A_65, %add3A_1018 : i32
        %get3A_1020 = arith.index_cast %add3A_1019 : i32 to index
        %get3A_1021 = arith.constant 208 : index
        %get3A_1022 = tpu.vector_load %arg7[%get3A_1020, %get3A_1021] {strides = array<i32>} : memref<80x256xf32, #tpu.memory_space<vmem>>, vector<1x16xf32>,
        %get3A_1023 = vector.shape_cast %get3A_1022 : vector<1x16xf32> to vector<16xf32>
        %add3A_1024 = arith.addf %add3A_1017, %get3A_1023 : vector<16xf32>
        %add3A_1025 = arith.constant 4 : i32
        %add3A_1026 = arith.addi %mul3A_65, %add3A_1025 : i32
        %get3A_1027 = arith.index_cast %add3A_1026 : i32 to index
        %get3A_1028 = arith.constant 208 : index
        %get3A_1029 = tpu.vector_load %arg7[%get3A_1027, %get3A_1028] {strides = array<i32>} : memref<80x256xf32, #tpu.memory_space<vmem>>, vector<1x16xf32>,
        %get3A_1030 = vector.shape_cast %get3A_1029 : vector<1x16xf32> to vector<16xf32>
        %add3A_1031 = arith.addf %add3A_1024, %get3A_1030 : vector<16xf32>
        %add3A_1032 = arith.constant 5 : i32
        %add3A_1033 = arith.addi %mul3A_65, %add3A_1032 : i32
        %get3A_1034 = arith.index_cast %add3A_1033 : i32 to index
        %get3A_1035 = arith.constant 208 : index
        %get3A_1036 = tpu.vector_load %arg7[%get3A_1034, %get3A_1035] {strides = array<i32>} : memref<80x256xf32, #tpu.memory_space<vmem>>, vector<1x16xf32>,
        %get3A_1037 = vector.shape_cast %get3A_1036 : vector<1x16xf32> to vector<16xf32>
        %add3A_1038 = arith.addf %add3A_1031, %get3A_1037 : vector<16xf32>
        %add3A_1039 = arith.constant 6 : i32
        %add3A_1040 = arith.addi %mul3A_65, %add3A_1039 : i32
        %get3A_1041 = arith.index_cast %add3A_1040 : i32 to index
        %get3A_1042 = arith.constant 208 : index
        %get3A_1043 = tpu.vector_load %arg7[%get3A_1041, %get3A_1042] {strides = array<i32>} : memref<80x256xf32, #tpu.memory_space<vmem>>, vector<1x16xf32>,
        %get3A_1044 = vector.shape_cast %get3A_1043 : vector<1x16xf32> to vector<16xf32>
        %add3A_1045 = arith.addf %add3A_1038, %get3A_1044 : vector<16xf32>
        %add3A_1046 = arith.constant 7 : i32
        %add3A_1047 = arith.addi %mul3A_65, %add3A_1046 : i32
        %get3A_1048 = arith.index_cast %add3A_1047 : i32 to index
        %get3A_1049 = arith.constant 208 : index
        %get3A_1050 = tpu.vector_load %arg7[%get3A_1048, %get3A_1049] {strides = array<i32>} : memref<80x256xf32, #tpu.memory_space<vmem>>, vector<1x16xf32>,
        %get3A_1051 = vector.shape_cast %get3A_1050 : vector<1x16xf32> to vector<16xf32>
        %add3A_1052 = arith.addf %add3A_1045, %get3A_1051 : vector<16xf32>
        %add3A_1053 = arith.constant 8 : i32
        %add3A_1054 = arith.addi %mul3A_65, %add3A_1053 : i32
        %get3A_1055 = arith.index_cast %add3A_1054 : i32 to index
        %get3A_1056 = arith.constant 208 : index
        %get3A_1057 = tpu.vector_load %arg7[%get3A_1055, %get3A_1056] {strides = array<i32>} : memref<80x256xf32, #tpu.memory_space<vmem>>, vector<1x16xf32>,
        %get3A_1058 = vector.shape_cast %get3A_1057 : vector<1x16xf32> to vector<16xf32>
        %add3A_1059 = arith.addf %add3A_1052, %get3A_1058 : vector<16xf32>
        %add3A_1060 = arith.constant 9 : i32
        %add3A_1061 = arith.addi %mul3A_65, %add3A_1060 : i32
        %get3A_1062 = arith.index_cast %add3A_1061 : i32 to index
        %get3A_1063 = arith.constant 208 : index
        %get3A_1064 = tpu.vector_load %arg7[%get3A_1062, %get3A_1063] {strides = array<i32>} : memref<80x256xf32, #tpu.memory_space<vmem>>, vector<1x16xf32>,
        %get3A_1065 = vector.shape_cast %get3A_1064 : vector<1x16xf32> to vector<16xf32>
        %add3A_1066 = arith.addf %add3A_1059, %get3A_1065 : vector<16xf32>
        %swap3A_1067 = arith.index_cast %scan3A_63 : i32 to index
        %swap3A_1068 = arith.constant 208 : index
        %swap3A_1069 = tpu.vector_load %arg8[%swap3A_1067, %swap3A_1068] {strides = array<i32>} : memref<8x256xf32, #tpu.memory_space<vmem>>, vector<1x16xf32>,
        %swap3A_1070 = vector.shape_cast %swap3A_1069 : vector<1x16xf32> to vector<16xf32>
        %swap3A_1071 = vector.shape_cast %add3A_1066 : vector<16xf32> to vector<1x16xf32>
        tpu.vector_store %arg8[%swap3A_1067, %swap3A_1068], %swap3A_1071 {strides = array<i32>} : memref<8x256xf32, #tpu.memory_space<vmem>>, vector<1x16xf32>,
        %get3A_1072 = arith.index_cast %mul3A_65 : i32 to index
        %get3A_1073 = arith.constant 224 : index
        %get3A_1074 = tpu.vector_load %arg7[%get3A_1072, %get3A_1073] {strides = array<i32>} : memref<80x256xf32, #tpu.memory_space<vmem>>, vector<1x16xf32>,
        %get3A_1075 = vector.shape_cast %get3A_1074 : vector<1x16xf32> to vector<16xf32>
        %add3A_1076 = arith.constant 1 : i32
        %add3A_1077 = arith.addi %mul3A_65, %add3A_1076 : i32
        %get3A_1078 = arith.index_cast %add3A_1077 : i32 to index
        %get3A_1079 = arith.constant 224 : index
        %get3A_1080 = tpu.vector_load %arg7[%get3A_1078, %get3A_1079] {strides = array<i32>} : memref<80x256xf32, #tpu.memory_space<vmem>>, vector<1x16xf32>,
        %get3A_1081 = vector.shape_cast %get3A_1080 : vector<1x16xf32> to vector<16xf32>
        %add3A_1082 = arith.addf %get3A_1075, %get3A_1081 : vector<16xf32>
        %add3A_1083 = arith.constant 2 : i32
        %add3A_1084 = arith.addi %mul3A_65, %add3A_1083 : i32
        %get3A_1085 = arith.index_cast %add3A_1084 : i32 to index
        %get3A_1086 = arith.constant 224 : index
        %get3A_1087 = tpu.vector_load %arg7[%get3A_1085, %get3A_1086] {strides = array<i32>} : memref<80x256xf32, #tpu.memory_space<vmem>>, vector<1x16xf32>,
        %get3A_1088 = vector.shape_cast %get3A_1087 : vector<1x16xf32> to vector<16xf32>
        %add3A_1089 = arith.addf %add3A_1082, %get3A_1088 : vector<16xf32>
        %add3A_1090 = arith.constant 3 : i32
        %add3A_1091 = arith.addi %mul3A_65, %add3A_1090 : i32
        %get3A_1092 = arith.index_cast %add3A_1091 : i32 to index
        %get3A_1093 = arith.constant 224 : index
        %get3A_1094 = tpu.vector_load %arg7[%get3A_1092, %get3A_1093] {strides = array<i32>} : memref<80x256xf32, #tpu.memory_space<vmem>>, vector<1x16xf32>,
        %get3A_1095 = vector.shape_cast %get3A_1094 : vector<1x16xf32> to vector<16xf32>
        %add3A_1096 = arith.addf %add3A_1089, %get3A_1095 : vector<16xf32>
        %add3A_1097 = arith.constant 4 : i32
        %add3A_1098 = arith.addi %mul3A_65, %add3A_1097 : i32
        %get3A_1099 = arith.index_cast %add3A_1098 : i32 to index
        %get3A_1100 = arith.constant 224 : index
        %get3A_1101 = tpu.vector_load %arg7[%get3A_1099, %get3A_1100] {strides = array<i32>} : memref<80x256xf32, #tpu.memory_space<vmem>>, vector<1x16xf32>,
        %get3A_1102 = vector.shape_cast %get3A_1101 : vector<1x16xf32> to vector<16xf32>
        %add3A_1103 = arith.addf %add3A_1096, %get3A_1102 : vector<16xf32>
        %add3A_1104 = arith.constant 5 : i32
        %add3A_1105 = arith.addi %mul3A_65, %add3A_1104 : i32
        %get3A_1106 = arith.index_cast %add3A_1105 : i32 to index
        %get3A_1107 = arith.constant 224 : index
        %get3A_1108 = tpu.vector_load %arg7[%get3A_1106, %get3A_1107] {strides = array<i32>} : memref<80x256xf32, #tpu.memory_space<vmem>>, vector<1x16xf32>,
        %get3A_1109 = vector.shape_cast %get3A_1108 : vector<1x16xf32> to vector<16xf32>
        %add3A_1110 = arith.addf %add3A_1103, %get3A_1109 : vector<16xf32>
        %add3A_1111 = arith.constant 6 : i32
        %add3A_1112 = arith.addi %mul3A_65, %add3A_1111 : i32
        %get3A_1113 = arith.index_cast %add3A_1112 : i32 to index
        %get3A_1114 = arith.constant 224 : index
        %get3A_1115 = tpu.vector_load %arg7[%get3A_1113, %get3A_1114] {strides = array<i32>} : memref<80x256xf32, #tpu.memory_space<vmem>>, vector<1x16xf32>,
        %get3A_1116 = vector.shape_cast %get3A_1115 : vector<1x16xf32> to vector<16xf32>
        %add3A_1117 = arith.addf %add3A_1110, %get3A_1116 : vector<16xf32>
        %add3A_1118 = arith.constant 7 : i32
        %add3A_1119 = arith.addi %mul3A_65, %add3A_1118 : i32
        %get3A_1120 = arith.index_cast %add3A_1119 : i32 to index
        %get3A_1121 = arith.constant 224 : index
        %get3A_1122 = tpu.vector_load %arg7[%get3A_1120, %get3A_1121] {strides = array<i32>} : memref<80x256xf32, #tpu.memory_space<vmem>>, vector<1x16xf32>,
        %get3A_1123 = vector.shape_cast %get3A_1122 : vector<1x16xf32> to vector<16xf32>
        %add3A_1124 = arith.addf %add3A_1117, %get3A_1123 : vector<16xf32>
        %add3A_1125 = arith.constant 8 : i32
        %add3A_1126 = arith.addi %mul3A_65, %add3A_1125 : i32
        %get3A_1127 = arith.index_cast %add3A_1126 : i32 to index
        %get3A_1128 = arith.constant 224 : index
        %get3A_1129 = tpu.vector_load %arg7[%get3A_1127, %get3A_1128] {strides = array<i32>} : memref<80x256xf32, #tpu.memory_space<vmem>>, vector<1x16xf32>,
        %get3A_1130 = vector.shape_cast %get3A_1129 : vector<1x16xf32> to vector<16xf32>
        %add3A_1131 = arith.addf %add3A_1124, %get3A_1130 : vector<16xf32>
        %add3A_1132 = arith.constant 9 : i32
        %add3A_1133 = arith.addi %mul3A_65, %add3A_1132 : i32
        %get3A_1134 = arith.index_cast %add3A_1133 : i32 to index
        %get3A_1135 = arith.constant 224 : index
        %get3A_1136 = tpu.vector_load %arg7[%get3A_1134, %get3A_1135] {strides = array<i32>} : memref<80x256xf32, #tpu.memory_space<vmem>>, vector<1x16xf32>,
        %get3A_1137 = vector.shape_cast %get3A_1136 : vector<1x16xf32> to vector<16xf32>
        %add3A_1138 = arith.addf %add3A_1131, %get3A_1137 : vector<16xf32>
        %swap3A_1139 = arith.index_cast %scan3A_63 : i32 to index
        %swap3A_1140 = arith.constant 224 : index
        %swap3A_1141 = tpu.vector_load %arg8[%swap3A_1139, %swap3A_1140] {strides = array<i32>} : memref<8x256xf32, #tpu.memory_space<vmem>>, vector<1x16xf32>,
        %swap3A_1142 = vector.shape_cast %swap3A_1141 : vector<1x16xf32> to vector<16xf32>
        %swap3A_1143 = vector.shape_cast %add3A_1138 : vector<16xf32> to vector<1x16xf32>
        tpu.vector_store %arg8[%swap3A_1139, %swap3A_1140], %swap3A_1143 {strides = array<i32>} : memref<8x256xf32, #tpu.memory_space<vmem>>, vector<1x16xf32>,
        %get3A_1144 = arith.index_cast %mul3A_65 : i32 to index
        %get3A_1145 = arith.constant 240 : index
        %get3A_1146 = tpu.vector_load %arg7[%get3A_1144, %get3A_1145] {strides = array<i32>} : memref<80x256xf32, #tpu.memory_space<vmem>>, vector<1x16xf32>,
        %get3A_1147 = vector.shape_cast %get3A_1146 : vector<1x16xf32> to vector<16xf32>
        %add3A_1148 = arith.constant 1 : i32
        %add3A_1149 = arith.addi %mul3A_65, %add3A_1148 : i32
        %get3A_1150 = arith.index_cast %add3A_1149 : i32 to index
        %get3A_1151 = arith.constant 240 : index
        %get3A_1152 = tpu.vector_load %arg7[%get3A_1150, %get3A_1151] {strides = array<i32>} : memref<80x256xf32, #tpu.memory_space<vmem>>, vector<1x16xf32>,
        %get3A_1153 = vector.shape_cast %get3A_1152 : vector<1x16xf32> to vector<16xf32>
        %add3A_1154 = arith.addf %get3A_1147, %get3A_1153 : vector<16xf32>
        %add3A_1155 = arith.constant 2 : i32
        %add3A_1156 = arith.addi %mul3A_65, %add3A_1155 : i32
        %get3A_1157 = arith.index_cast %add3A_1156 : i32 to index
        %get3A_1158 = arith.constant 240 : index
        %get3A_1159 = tpu.vector_load %arg7[%get3A_1157, %get3A_1158] {strides = array<i32>} : memref<80x256xf32, #tpu.memory_space<vmem>>, vector<1x16xf32>,
        %get3A_1160 = vector.shape_cast %get3A_1159 : vector<1x16xf32> to vector<16xf32>
        %add3A_1161 = arith.addf %add3A_1154, %get3A_1160 : vector<16xf32>
        %add3A_1162 = arith.constant 3 : i32
        %add3A_1163 = arith.addi %mul3A_65, %add3A_1162 : i32
        %get3A_1164 = arith.index_cast %add3A_1163 : i32 to index
        %get3A_1165 = arith.constant 240 : index
        %get3A_1166 = tpu.vector_load %arg7[%get3A_1164, %get3A_1165] {strides = array<i32>} : memref<80x256xf32, #tpu.memory_space<vmem>>, vector<1x16xf32>,
        %get3A_1167 = vector.shape_cast %get3A_1166 : vector<1x16xf32> to vector<16xf32>
        %add3A_1168 = arith.addf %add3A_1161, %get3A_1167 : vector<16xf32>
        %add3A_1169 = arith.constant 4 : i32
        %add3A_1170 = arith.addi %mul3A_65, %add3A_1169 : i32
        %get3A_1171 = arith.index_cast %add3A_1170 : i32 to index
        %get3A_1172 = arith.constant 240 : index
        %get3A_1173 = tpu.vector_load %arg7[%get3A_1171, %get3A_1172] {strides = array<i32>} : memref<80x256xf32, #tpu.memory_space<vmem>>, vector<1x16xf32>,
        %get3A_1174 = vector.shape_cast %get3A_1173 : vector<1x16xf32> to vector<16xf32>
        %add3A_1175 = arith.addf %add3A_1168, %get3A_1174 : vector<16xf32>
        %add3A_1176 = arith.constant 5 : i32
        %add3A_1177 = arith.addi %mul3A_65, %add3A_1176 : i32
        %get3A_1178 = arith.index_cast %add3A_1177 : i32 to index
        %get3A_1179 = arith.constant 240 : index
        %get3A_1180 = tpu.vector_load %arg7[%get3A_1178, %get3A_1179] {strides = array<i32>} : memref<80x256xf32, #tpu.memory_space<vmem>>, vector<1x16xf32>,
        %get3A_1181 = vector.shape_cast %get3A_1180 : vector<1x16xf32> to vector<16xf32>
        %add3A_1182 = arith.addf %add3A_1175, %get3A_1181 : vector<16xf32>
        %add3A_1183 = arith.constant 6 : i32
        %add3A_1184 = arith.addi %mul3A_65, %add3A_1183 : i32
        %get3A_1185 = arith.index_cast %add3A_1184 : i32 to index
        %get3A_1186 = arith.constant 240 : index
        %get3A_1187 = tpu.vector_load %arg7[%get3A_1185, %get3A_1186] {strides = array<i32>} : memref<80x256xf32, #tpu.memory_space<vmem>>, vector<1x16xf32>,
        %get3A_1188 = vector.shape_cast %get3A_1187 : vector<1x16xf32> to vector<16xf32>
        %add3A_1189 = arith.addf %add3A_1182, %get3A_1188 : vector<16xf32>
        %add3A_1190 = arith.constant 7 : i32
        %add3A_1191 = arith.addi %mul3A_65, %add3A_1190 : i32
        %get3A_1192 = arith.index_cast %add3A_1191 : i32 to index
        %get3A_1193 = arith.constant 240 : index
        %get3A_1194 = tpu.vector_load %arg7[%get3A_1192, %get3A_1193] {strides = array<i32>} : memref<80x256xf32, #tpu.memory_space<vmem>>, vector<1x16xf32>,
        %get3A_1195 = vector.shape_cast %get3A_1194 : vector<1x16xf32> to vector<16xf32>
        %add3A_1196 = arith.addf %add3A_1189, %get3A_1195 : vector<16xf32>
        %add3A_1197 = arith.constant 8 : i32
        %add3A_1198 = arith.addi %mul3A_65, %add3A_1197 : i32
        %get3A_1199 = arith.index_cast %add3A_1198 : i32 to index
        %get3A_1200 = arith.constant 240 : index
        %get3A_1201 = tpu.vector_load %arg7[%get3A_1199, %get3A_1200] {strides = array<i32>} : memref<80x256xf32, #tpu.memory_space<vmem>>, vector<1x16xf32>,
        %get3A_1202 = vector.shape_cast %get3A_1201 : vector<1x16xf32> to vector<16xf32>
        %add3A_1203 = arith.addf %add3A_1196, %get3A_1202 : vector<16xf32>
        %add3A_1204 = arith.constant 9 : i32
        %add3A_1205 = arith.addi %mul3A_65, %add3A_1204 : i32
        %get3A_1206 = arith.index_cast %add3A_1205 : i32 to index
        %get3A_1207 = arith.constant 240 : index
        %get3A_1208 = tpu.vector_load %arg7[%get3A_1206, %get3A_1207] {strides = array<i32>} : memref<80x256xf32, #tpu.memory_space<vmem>>, vector<1x16xf32>,
        %get3A_1209 = vector.shape_cast %get3A_1208 : vector<1x16xf32> to vector<16xf32>
        %add3A_1210 = arith.addf %add3A_1203, %get3A_1209 : vector<16xf32>
        %swap3A_1211 = arith.index_cast %scan3A_63 : i32 to index
        %swap3A_1212 = arith.constant 240 : index
        %swap3A_1213 = tpu.vector_load %arg8[%swap3A_1211, %swap3A_1212] {strides = array<i32>} : memref<8x256xf32, #tpu.memory_space<vmem>>, vector<1x16xf32>,
        %swap3A_1214 = vector.shape_cast %swap3A_1213 : vector<1x16xf32> to vector<16xf32>
        %swap3A_1215 = vector.shape_cast %add3A_1210 : vector<16xf32> to vector<1x16xf32>
        tpu.vector_store %arg8[%swap3A_1211, %swap3A_1212], %swap3A_1215 {strides = array<i32>} : memref<8x256xf32, #tpu.memory_space<vmem>>, vector<1x16xf32>,
      }
      %scan3A_58 = arith.constant 8 : i32
      %mul3A_59 = arith.constant 8 : i32
      %mul3A_60 = arith.muli %add3A_40, %mul3A_59 : i32
      %add3A_61 = arith.addi %mul3A_2, %mul3A_60 : i32
      %multiple_of3A_62 = tpu.assume_multiple %add3A_61, 8 : i32
      "tpu.region"() ({
        %run_scoped3A = tpu.sem_alloc : memref<!tpu.dma_semaphore, #tpu.memory_space<semaphore_mem>>
        %dma_start3A_63 = arith.constant 0 : i32
        %dma_start3A_64 = tpu.memref_slice %arg4[%multiple_of3A_62, %dma_start3A_63] : memref<10240x256xf32, #tpu.memory_space<hbm>> -> memref<8x256xf32, #tpu.memory_space<hbm>>
        %dma_start3A_65 = arith.constant 0 : i32
        %dma_start3A_66 = tpu.memref_slice %arg4[%multiple_of3A_62, %dma_start3A_65] : memref<10240x256xf32, #tpu.memory_space<hbm>> -> memref<8x256xf32, #tpu.memory_space<hbm>>
        tpu.enqueue_dma source(%arg8 : memref<8x256xf32, #tpu.memory_space<vmem>>) target(%dma_start3A_66 : memref<8x256xf32, #tpu.memory_space<hbm>>) target_semaphore(%run_scoped3A : memref<!tpu.dma_semaphore, #tpu.memory_space<semaphore_mem>>)
        %dma_wait3A_67 = arith.constant 0 : i32
        %dma_wait3A_68 = tpu.memref_slice %arg4[%multiple_of3A_62, %dma_wait3A_67] : memref<10240x256xf32, #tpu.memory_space<hbm>> -> memref<8x256xf32, #tpu.memory_space<hbm>>
        %dma_wait3A_69 = arith.constant 0 : i32
        %dma_wait3A_70 = tpu.memref_slice %arg4[%multiple_of3A_62, %dma_wait3A_69] : memref<10240x256xf32, #tpu.memory_space<hbm>> -> memref<8x256xf32, #tpu.memory_space<hbm>>
        tpu.wait_dma2 semaphore(%run_scoped3A : memref<!tpu.dma_semaphore, #tpu.memory_space<semaphore_mem>>) src(%arg8 : memref<8x256xf32, #tpu.memory_space<vmem>>) dst(%dma_wait3A_70 : memref<8x256xf32, #tpu.memory_space<hbm>>)
        tpu.yield
      }) : () -> ()
    }
    %scan3A_13 = arith.constant 20 : i32
    return
  }
}

module attributes {stable_mosaic.version = 14 : i64} {
  func.func @_knn_body(%arg0: i32, %arg1: memref<256x256xf32, #tpu.memory_space<vmem>>, %arg2: memref<1024x256xf32, #tpu.memory_space<vmem>>, %arg3: memref<256x256xf32, #tpu.memory_space<vmem>>, %arg4: memref<256x256xf32, #tpu.memory_space<vmem>>, %arg5: memref<256x10xi32, #tpu.memory_space<vmem>>) attributes {dimension_semantics = [#tpu.dimension_semantics<arbitrary>], iteration_bounds = array<i64: 8>, scalar_prefetch = 0 : i64, scratch_operands = 0 : i64, tpu.core_type = #tpu.core_type<tc>, window_params = [{transform_indices = @transform_0, window_bounds = array<i64: 256, 256>}, {transform_indices = @transform_1, window_bounds = array<i64: 1024, 256>}, {pipeline_mode = #tpu.pipeline_mode<synchronous>, transform_indices = @transform_2, window_bounds = array<i64: 256, 256>}, {transform_indices = @transform_3, window_bounds = array<i64: 256, 256>}, {transform_indices = @transform_4, window_bounds = array<i64: 256, 10>}]} {
    %jit3A = arith.constant 4 : i32
    %eq3A = arith.constant 0 : i32
    %eq3A_0 = arith.cmpi eq, %jit3A, %eq3A : i32
    %jit3A_1 = arith.constant 1 : i32
    %select_n3A = arith.select %eq3A_0, %jit3A_1, %jit3A : i32
    %rem3A = arith.remsi %arg0, %select_n3A : i32
    %ne3A = arith.constant 0 : i32
    %ne3A_2 = arith.cmpi ne, %rem3A, %ne3A : i32
    %lt3A = arith.constant 0 : i32
    %lt3A_3 = arith.cmpi slt, %rem3A, %lt3A : i32
    %lt3A_4 = arith.constant 0 : i32
    %lt3A_5 = arith.cmpi slt, %select_n3A, %lt3A_4 : i32
    %ne3A_6 = arith.xori %lt3A_3, %lt3A_5 : i1
    %and3A = arith.andi %ne3A_6, %ne3A_2 : i1
    %add3A = arith.addi %rem3A, %select_n3A : i32
    %select_n3A_7 = arith.select %and3A, %add3A, %rem3A : i32
    %mul3A = arith.constant 256 : i32
    %mul3A_8 = arith.muli %select_n3A_7, %mul3A : i32
    %jit3A_9 = arith.constant 4 : i32
    %div3A = arith.divsi %arg0, %jit3A_9 : i32
    %sign3A = arith.constant 0 : i32
    %sign3A_10 = arith.cmpi sgt, %arg0, %sign3A : i32
    %sign3A_11 = arith.extui %sign3A_10 : i1 to i32
    %sign3A_12 = arith.constant 0 : i32
    %sign3A_13 = arith.cmpi slt, %arg0, %sign3A_12 : i32
    %sign3A_14 = arith.extui %sign3A_13 : i1 to i32
    %sign3A_15 = arith.subi %sign3A_11, %sign3A_14 : i32
    %sign3A_16 = arith.constant 0 : i32
    %sign3A_17 = arith.cmpi sgt, %jit3A_9, %sign3A_16 : i32
    %sign3A_18 = arith.extui %sign3A_17 : i1 to i32
    %sign3A_19 = arith.constant 0 : i32
    %sign3A_20 = arith.cmpi slt, %jit3A_9, %sign3A_19 : i32
    %sign3A_21 = arith.extui %sign3A_20 : i1 to i32
    %sign3A_22 = arith.subi %sign3A_18, %sign3A_21 : i32
    %ne3A_23 = arith.cmpi ne, %sign3A_15, %sign3A_22 : i32
    %rem3A_24 = arith.remsi %arg0, %jit3A_9 : i32
    %ne3A_25 = arith.constant 0 : i32
    %ne3A_26 = arith.cmpi ne, %rem3A_24, %ne3A_25 : i32
    %and3A_27 = arith.andi %ne3A_23, %ne3A_26 : i1
    %sub3A = arith.constant 1 : i32
    %sub3A_28 = arith.subi %div3A, %sub3A : i32
    %select_n3A_29 = arith.select %and3A_27, %sub3A_28, %div3A : i32
    %mul3A_30 = arith.constant 1024 : i32
    %mul3A_31 = arith.muli %select_n3A_29, %mul3A_30 : i32
    %add3A_32 = arith.constant 0 : i32
    %add3A_33 = arith.addi %mul3A_31, %add3A_32 : i32
    %get3A = arith.constant 0 : index
    %get3A_34 = arith.constant 0 : index
    %get3A_35 = vector.load %arg1[%get3A, %get3A_34] : memref<256x256xf32, #tpu.memory_space<vmem>>, vector<256x256xf32>
    %get3A_36 = arith.constant 0 : index
    %get3A_37 = arith.constant 0 : index
    %get3A_38 = vector.load %arg2[%get3A_36, %get3A_37] : memref<1024x256xf32, #tpu.memory_space<vmem>>, vector<1024x256xf32>
    %mul3A_39 = arith.mulf %get3A_35, %get3A_35 : vector<256x256xf32>
    %reduce_sum3A = arith.constant dense<0.000000e+00> : vector<256xf32>
    %reduce_sum3A_40 = vector.multi_reduction <add>, %mul3A_39, %reduce_sum3A [1] : vector<256x256xf32> to vector<256xf32>
    %mul3A_41 = arith.mulf %get3A_38, %get3A_38 : vector<1024x256xf32>
    %reduce_sum3A_42 = arith.constant dense<0.000000e+00> : vector<1024xf32>
    %reduce_sum3A_43 = vector.multi_reduction <add>, %mul3A_41, %reduce_sum3A_42 [1] : vector<1024x256xf32> to vector<1024xf32>
    %transpose3A = tpu.transpose %get3A_38, [1, 0] : vector<1024x256xf32> -> vector<256x1024xf32>
    %dot_general3A = arith.constant dense<0.000000e+00> : vector<256x1024xf32>
    %dot_general3A_44 = tpu.matmul %get3A_35, %transpose3A, %dot_general3A {dimension_numbers = #tpu.dot_dimension_numbers<[1], [0], [0], [1], [0, 0, 1, 1], [], []>, transpose_lhs_hint = false} : vector<256x256xf32>, vector<256x1024xf32>, vector<256x1024xf32> -> vector<256x1024xf32>
    %broadcast_in_dim3A = vector.shape_cast %reduce_sum3A_40 : vector<256xf32> to vector<256x1xf32>
    %broadcast_in_dim3A_45 = vector.shape_cast %reduce_sum3A_43 : vector<1024xf32> to vector<1x1024xf32>
    %add3A_46 = vector.broadcast %broadcast_in_dim3A : vector<256x1xf32> to vector<256x1024xf32>
    %add3A_47 = vector.broadcast %broadcast_in_dim3A_45 : vector<1x1024xf32> to vector<256x1024xf32>
    %add3A_48 = arith.addf %add3A_46, %add3A_47 : vector<256x1024xf32>
    %mul3A_49 = arith.constant 2.000000e+00 : f32
    %mul3A_50 = vector.broadcast %mul3A_49 : f32 to vector<256x1024xf32>
    %mul3A_51 = arith.mulf %mul3A_50, %dot_general3A_44 : vector<256x1024xf32>
    %sub3A_52 = arith.subf %add3A_48, %mul3A_51 : vector<256x1024xf32>
    %iota3A = tpu.iota {dimensions = array<i32: 0>} : vector<256x1024xi32>
    %iota3A_53 = tpu.iota {dimensions = array<i32: 1>} : vector<256x1024xi32>
    %add3A_54 = vector.broadcast %mul3A_8 : i32 to vector<256x1024xi32>
    %add3A_55 = arith.addi %iota3A, %add3A_54 : vector<256x1024xi32>
    %eq3A_56 = arith.cmpi eq, %iota3A_53, %add3A_55 : vector<256x1024xi32>
    %add3A_57 = arith.constant 1.000000e+09 : f32
    %add3A_58 = vector.broadcast %add3A_57 : f32 to vector<256x1024xf32>
    %add3A_59 = arith.addf %sub3A_52, %add3A_58 : vector<256x1024xf32>
    %select_n3A_60 = arith.select %eq3A_56, %add3A_59, %sub3A_52 : vector<256x1024xi1>, vector<256x1024xf32>
    %broadcast_in_dim3A_61 = arith.constant 0.000000e+00 : f32
    %broadcast_in_dim3A_62 = vector.broadcast %broadcast_in_dim3A_61 : f32 to vector<256x1024xf32>
    %reduce_min3A = arith.constant dense<0x7F800000> : vector<256xf32>
    %reduce_min3A_63 = vector.multi_reduction <minimumf>, %select_n3A_60, %reduce_min3A [1] : vector<256x1024xf32> to vector<256xf32>
    %broadcast_in_dim3A_64 = vector.shape_cast %reduce_min3A_63 : vector<256xf32> to vector<256x1xf32>
    %eq3A_65 = vector.broadcast %broadcast_in_dim3A_64 : vector<256x1xf32> to vector<256x1024xf32>
    %eq3A_66 = arith.cmpf oeq, %select_n3A_60, %eq3A_65 : vector<256x1024xf32>
    %jit3A_67 = arith.constant 1024 : i32
    %broadcast_in_dim3A_68 = vector.broadcast %jit3A_67 : i32 to vector<256x1024xi32>
    %select_n3A_69 = arith.select %eq3A_66, %iota3A_53, %broadcast_in_dim3A_68 : vector<256x1024xi1>, vector<256x1024xi32>
    %reduce_min3A_70 = arith.constant dense<2147483647> : vector<256xi32>
    %reduce_min3A_71 = vector.multi_reduction <minsi>, %select_n3A_69, %reduce_min3A_70 [1] : vector<256x1024xi32> to vector<256xi32>
    %broadcast_in_dim3A_72 = vector.shape_cast %reduce_min3A_71 : vector<256xi32> to vector<256x1xi32>
    %eq3A_73 = vector.broadcast %broadcast_in_dim3A_72 : vector<256x1xi32> to vector<256x1024xi32>
    %eq3A_74 = arith.cmpi eq, %iota3A_53, %eq3A_73 : vector<256x1024xi32>
    %convert_element_type3A = arith.extui %eq3A_74 : vector<256x1024xi1> to vector<256x1024xi32>
    %convert_element_type3A_75 = arith.sitofp %convert_element_type3A : vector<256x1024xi32> to vector<256x1024xf32>
    %add3A_76 = arith.addf %broadcast_in_dim3A_62, %convert_element_type3A_75 : vector<256x1024xf32>
    %jit3A_77 = arith.constant 1.000000e+30 : f32
    %broadcast_in_dim3A_78 = vector.broadcast %jit3A_77 : f32 to vector<256x1024xf32>
    %select_n3A_79 = arith.select %eq3A_74, %broadcast_in_dim3A_78, %select_n3A_60 : vector<256x1024xi1>, vector<256x1024xf32>
    %reduce_min3A_80 = arith.constant dense<0x7F800000> : vector<256xf32>
    %reduce_min3A_81 = vector.multi_reduction <minimumf>, %select_n3A_79, %reduce_min3A_80 [1] : vector<256x1024xf32> to vector<256xf32>
    %broadcast_in_dim3A_82 = vector.shape_cast %reduce_min3A_81 : vector<256xf32> to vector<256x1xf32>
    %eq3A_83 = vector.broadcast %broadcast_in_dim3A_82 : vector<256x1xf32> to vector<256x1024xf32>
    %eq3A_84 = arith.cmpf oeq, %select_n3A_79, %eq3A_83 : vector<256x1024xf32>
    %jit3A_85 = arith.constant 1024 : i32
    %broadcast_in_dim3A_86 = vector.broadcast %jit3A_85 : i32 to vector<256x1024xi32>
    %select_n3A_87 = arith.select %eq3A_84, %iota3A_53, %broadcast_in_dim3A_86 : vector<256x1024xi1>, vector<256x1024xi32>
    %reduce_min3A_88 = arith.constant dense<2147483647> : vector<256xi32>
    %reduce_min3A_89 = vector.multi_reduction <minsi>, %select_n3A_87, %reduce_min3A_88 [1] : vector<256x1024xi32> to vector<256xi32>
    %broadcast_in_dim3A_90 = vector.shape_cast %reduce_min3A_89 : vector<256xi32> to vector<256x1xi32>
    %eq3A_91 = vector.broadcast %broadcast_in_dim3A_90 : vector<256x1xi32> to vector<256x1024xi32>
    %eq3A_92 = arith.cmpi eq, %iota3A_53, %eq3A_91 : vector<256x1024xi32>
    %convert_element_type3A_93 = arith.extui %eq3A_92 : vector<256x1024xi1> to vector<256x1024xi32>
    %convert_element_type3A_94 = arith.sitofp %convert_element_type3A_93 : vector<256x1024xi32> to vector<256x1024xf32>
    %add3A_95 = arith.addf %add3A_76, %convert_element_type3A_94 : vector<256x1024xf32>
    %jit3A_96 = arith.constant 1.000000e+30 : f32
    %broadcast_in_dim3A_97 = vector.broadcast %jit3A_96 : f32 to vector<256x1024xf32>
    %select_n3A_98 = arith.select %eq3A_92, %broadcast_in_dim3A_97, %select_n3A_79 : vector<256x1024xi1>, vector<256x1024xf32>
    %reduce_min3A_99 = arith.constant dense<0x7F800000> : vector<256xf32>
    %reduce_min3A_100 = vector.multi_reduction <minimumf>, %select_n3A_98, %reduce_min3A_99 [1] : vector<256x1024xf32> to vector<256xf32>
    %broadcast_in_dim3A_101 = vector.shape_cast %reduce_min3A_100 : vector<256xf32> to vector<256x1xf32>
    %eq3A_102 = vector.broadcast %broadcast_in_dim3A_101 : vector<256x1xf32> to vector<256x1024xf32>
    %eq3A_103 = arith.cmpf oeq, %select_n3A_98, %eq3A_102 : vector<256x1024xf32>
    %jit3A_104 = arith.constant 1024 : i32
    %broadcast_in_dim3A_105 = vector.broadcast %jit3A_104 : i32 to vector<256x1024xi32>
    %select_n3A_106 = arith.select %eq3A_103, %iota3A_53, %broadcast_in_dim3A_105 : vector<256x1024xi1>, vector<256x1024xi32>
    %reduce_min3A_107 = arith.constant dense<2147483647> : vector<256xi32>
    %reduce_min3A_108 = vector.multi_reduction <minsi>, %select_n3A_106, %reduce_min3A_107 [1] : vector<256x1024xi32> to vector<256xi32>
    %broadcast_in_dim3A_109 = vector.shape_cast %reduce_min3A_108 : vector<256xi32> to vector<256x1xi32>
    %eq3A_110 = vector.broadcast %broadcast_in_dim3A_109 : vector<256x1xi32> to vector<256x1024xi32>
    %eq3A_111 = arith.cmpi eq, %iota3A_53, %eq3A_110 : vector<256x1024xi32>
    %convert_element_type3A_112 = arith.extui %eq3A_111 : vector<256x1024xi1> to vector<256x1024xi32>
    %convert_element_type3A_113 = arith.sitofp %convert_element_type3A_112 : vector<256x1024xi32> to vector<256x1024xf32>
    %add3A_114 = arith.addf %add3A_95, %convert_element_type3A_113 : vector<256x1024xf32>
    %jit3A_115 = arith.constant 1.000000e+30 : f32
    %broadcast_in_dim3A_116 = vector.broadcast %jit3A_115 : f32 to vector<256x1024xf32>
    %select_n3A_117 = arith.select %eq3A_111, %broadcast_in_dim3A_116, %select_n3A_98 : vector<256x1024xi1>, vector<256x1024xf32>
    %reduce_min3A_118 = arith.constant dense<0x7F800000> : vector<256xf32>
    %reduce_min3A_119 = vector.multi_reduction <minimumf>, %select_n3A_117, %reduce_min3A_118 [1] : vector<256x1024xf32> to vector<256xf32>
    %broadcast_in_dim3A_120 = vector.shape_cast %reduce_min3A_119 : vector<256xf32> to vector<256x1xf32>
    %eq3A_121 = vector.broadcast %broadcast_in_dim3A_120 : vector<256x1xf32> to vector<256x1024xf32>
    %eq3A_122 = arith.cmpf oeq, %select_n3A_117, %eq3A_121 : vector<256x1024xf32>
    %jit3A_123 = arith.constant 1024 : i32
    %broadcast_in_dim3A_124 = vector.broadcast %jit3A_123 : i32 to vector<256x1024xi32>
    %select_n3A_125 = arith.select %eq3A_122, %iota3A_53, %broadcast_in_dim3A_124 : vector<256x1024xi1>, vector<256x1024xi32>
    %reduce_min3A_126 = arith.constant dense<2147483647> : vector<256xi32>
    %reduce_min3A_127 = vector.multi_reduction <minsi>, %select_n3A_125, %reduce_min3A_126 [1] : vector<256x1024xi32> to vector<256xi32>
    %broadcast_in_dim3A_128 = vector.shape_cast %reduce_min3A_127 : vector<256xi32> to vector<256x1xi32>
    %eq3A_129 = vector.broadcast %broadcast_in_dim3A_128 : vector<256x1xi32> to vector<256x1024xi32>
    %eq3A_130 = arith.cmpi eq, %iota3A_53, %eq3A_129 : vector<256x1024xi32>
    %convert_element_type3A_131 = arith.extui %eq3A_130 : vector<256x1024xi1> to vector<256x1024xi32>
    %convert_element_type3A_132 = arith.sitofp %convert_element_type3A_131 : vector<256x1024xi32> to vector<256x1024xf32>
    %add3A_133 = arith.addf %add3A_114, %convert_element_type3A_132 : vector<256x1024xf32>
    %jit3A_134 = arith.constant 1.000000e+30 : f32
    %broadcast_in_dim3A_135 = vector.broadcast %jit3A_134 : f32 to vector<256x1024xf32>
    %select_n3A_136 = arith.select %eq3A_130, %broadcast_in_dim3A_135, %select_n3A_117 : vector<256x1024xi1>, vector<256x1024xf32>
    %reduce_min3A_137 = arith.constant dense<0x7F800000> : vector<256xf32>
    %reduce_min3A_138 = vector.multi_reduction <minimumf>, %select_n3A_136, %reduce_min3A_137 [1] : vector<256x1024xf32> to vector<256xf32>
    %broadcast_in_dim3A_139 = vector.shape_cast %reduce_min3A_138 : vector<256xf32> to vector<256x1xf32>
    %eq3A_140 = vector.broadcast %broadcast_in_dim3A_139 : vector<256x1xf32> to vector<256x1024xf32>
    %eq3A_141 = arith.cmpf oeq, %select_n3A_136, %eq3A_140 : vector<256x1024xf32>
    %jit3A_142 = arith.constant 1024 : i32
    %broadcast_in_dim3A_143 = vector.broadcast %jit3A_142 : i32 to vector<256x1024xi32>
    %select_n3A_144 = arith.select %eq3A_141, %iota3A_53, %broadcast_in_dim3A_143 : vector<256x1024xi1>, vector<256x1024xi32>
    %reduce_min3A_145 = arith.constant dense<2147483647> : vector<256xi32>
    %reduce_min3A_146 = vector.multi_reduction <minsi>, %select_n3A_144, %reduce_min3A_145 [1] : vector<256x1024xi32> to vector<256xi32>
    %broadcast_in_dim3A_147 = vector.shape_cast %reduce_min3A_146 : vector<256xi32> to vector<256x1xi32>
    %eq3A_148 = vector.broadcast %broadcast_in_dim3A_147 : vector<256x1xi32> to vector<256x1024xi32>
    %eq3A_149 = arith.cmpi eq, %iota3A_53, %eq3A_148 : vector<256x1024xi32>
    %convert_element_type3A_150 = arith.extui %eq3A_149 : vector<256x1024xi1> to vector<256x1024xi32>
    %convert_element_type3A_151 = arith.sitofp %convert_element_type3A_150 : vector<256x1024xi32> to vector<256x1024xf32>
    %add3A_152 = arith.addf %add3A_133, %convert_element_type3A_151 : vector<256x1024xf32>
    %jit3A_153 = arith.constant 1.000000e+30 : f32
    %broadcast_in_dim3A_154 = vector.broadcast %jit3A_153 : f32 to vector<256x1024xf32>
    %select_n3A_155 = arith.select %eq3A_149, %broadcast_in_dim3A_154, %select_n3A_136 : vector<256x1024xi1>, vector<256x1024xf32>
    %reduce_min3A_156 = arith.constant dense<0x7F800000> : vector<256xf32>
    %reduce_min3A_157 = vector.multi_reduction <minimumf>, %select_n3A_155, %reduce_min3A_156 [1] : vector<256x1024xf32> to vector<256xf32>
    %broadcast_in_dim3A_158 = vector.shape_cast %reduce_min3A_157 : vector<256xf32> to vector<256x1xf32>
    %eq3A_159 = vector.broadcast %broadcast_in_dim3A_158 : vector<256x1xf32> to vector<256x1024xf32>
    %eq3A_160 = arith.cmpf oeq, %select_n3A_155, %eq3A_159 : vector<256x1024xf32>
    %jit3A_161 = arith.constant 1024 : i32
    %broadcast_in_dim3A_162 = vector.broadcast %jit3A_161 : i32 to vector<256x1024xi32>
    %select_n3A_163 = arith.select %eq3A_160, %iota3A_53, %broadcast_in_dim3A_162 : vector<256x1024xi1>, vector<256x1024xi32>
    %reduce_min3A_164 = arith.constant dense<2147483647> : vector<256xi32>
    %reduce_min3A_165 = vector.multi_reduction <minsi>, %select_n3A_163, %reduce_min3A_164 [1] : vector<256x1024xi32> to vector<256xi32>
    %broadcast_in_dim3A_166 = vector.shape_cast %reduce_min3A_165 : vector<256xi32> to vector<256x1xi32>
    %eq3A_167 = vector.broadcast %broadcast_in_dim3A_166 : vector<256x1xi32> to vector<256x1024xi32>
    %eq3A_168 = arith.cmpi eq, %iota3A_53, %eq3A_167 : vector<256x1024xi32>
    %convert_element_type3A_169 = arith.extui %eq3A_168 : vector<256x1024xi1> to vector<256x1024xi32>
    %convert_element_type3A_170 = arith.sitofp %convert_element_type3A_169 : vector<256x1024xi32> to vector<256x1024xf32>
    %add3A_171 = arith.addf %add3A_152, %convert_element_type3A_170 : vector<256x1024xf32>
    %jit3A_172 = arith.constant 1.000000e+30 : f32
    %broadcast_in_dim3A_173 = vector.broadcast %jit3A_172 : f32 to vector<256x1024xf32>
    %select_n3A_174 = arith.select %eq3A_168, %broadcast_in_dim3A_173, %select_n3A_155 : vector<256x1024xi1>, vector<256x1024xf32>
    %reduce_min3A_175 = arith.constant dense<0x7F800000> : vector<256xf32>
    %reduce_min3A_176 = vector.multi_reduction <minimumf>, %select_n3A_174, %reduce_min3A_175 [1] : vector<256x1024xf32> to vector<256xf32>
    %broadcast_in_dim3A_177 = vector.shape_cast %reduce_min3A_176 : vector<256xf32> to vector<256x1xf32>
    %eq3A_178 = vector.broadcast %broadcast_in_dim3A_177 : vector<256x1xf32> to vector<256x1024xf32>
    %eq3A_179 = arith.cmpf oeq, %select_n3A_174, %eq3A_178 : vector<256x1024xf32>
    %jit3A_180 = arith.constant 1024 : i32
    %broadcast_in_dim3A_181 = vector.broadcast %jit3A_180 : i32 to vector<256x1024xi32>
    %select_n3A_182 = arith.select %eq3A_179, %iota3A_53, %broadcast_in_dim3A_181 : vector<256x1024xi1>, vector<256x1024xi32>
    %reduce_min3A_183 = arith.constant dense<2147483647> : vector<256xi32>
    %reduce_min3A_184 = vector.multi_reduction <minsi>, %select_n3A_182, %reduce_min3A_183 [1] : vector<256x1024xi32> to vector<256xi32>
    %broadcast_in_dim3A_185 = vector.shape_cast %reduce_min3A_184 : vector<256xi32> to vector<256x1xi32>
    %eq3A_186 = vector.broadcast %broadcast_in_dim3A_185 : vector<256x1xi32> to vector<256x1024xi32>
    %eq3A_187 = arith.cmpi eq, %iota3A_53, %eq3A_186 : vector<256x1024xi32>
    %convert_element_type3A_188 = arith.extui %eq3A_187 : vector<256x1024xi1> to vector<256x1024xi32>
    %convert_element_type3A_189 = arith.sitofp %convert_element_type3A_188 : vector<256x1024xi32> to vector<256x1024xf32>
    %add3A_190 = arith.addf %add3A_171, %convert_element_type3A_189 : vector<256x1024xf32>
    %jit3A_191 = arith.constant 1.000000e+30 : f32
    %broadcast_in_dim3A_192 = vector.broadcast %jit3A_191 : f32 to vector<256x1024xf32>
    %select_n3A_193 = arith.select %eq3A_187, %broadcast_in_dim3A_192, %select_n3A_174 : vector<256x1024xi1>, vector<256x1024xf32>
    %reduce_min3A_194 = arith.constant dense<0x7F800000> : vector<256xf32>
    %reduce_min3A_195 = vector.multi_reduction <minimumf>, %select_n3A_193, %reduce_min3A_194 [1] : vector<256x1024xf32> to vector<256xf32>
    %broadcast_in_dim3A_196 = vector.shape_cast %reduce_min3A_195 : vector<256xf32> to vector<256x1xf32>
    %eq3A_197 = vector.broadcast %broadcast_in_dim3A_196 : vector<256x1xf32> to vector<256x1024xf32>
    %eq3A_198 = arith.cmpf oeq, %select_n3A_193, %eq3A_197 : vector<256x1024xf32>
    %jit3A_199 = arith.constant 1024 : i32
    %broadcast_in_dim3A_200 = vector.broadcast %jit3A_199 : i32 to vector<256x1024xi32>
    %select_n3A_201 = arith.select %eq3A_198, %iota3A_53, %broadcast_in_dim3A_200 : vector<256x1024xi1>, vector<256x1024xi32>
    %reduce_min3A_202 = arith.constant dense<2147483647> : vector<256xi32>
    %reduce_min3A_203 = vector.multi_reduction <minsi>, %select_n3A_201, %reduce_min3A_202 [1] : vector<256x1024xi32> to vector<256xi32>
    %broadcast_in_dim3A_204 = vector.shape_cast %reduce_min3A_203 : vector<256xi32> to vector<256x1xi32>
    %eq3A_205 = vector.broadcast %broadcast_in_dim3A_204 : vector<256x1xi32> to vector<256x1024xi32>
    %eq3A_206 = arith.cmpi eq, %iota3A_53, %eq3A_205 : vector<256x1024xi32>
    %convert_element_type3A_207 = arith.extui %eq3A_206 : vector<256x1024xi1> to vector<256x1024xi32>
    %convert_element_type3A_208 = arith.sitofp %convert_element_type3A_207 : vector<256x1024xi32> to vector<256x1024xf32>
    %add3A_209 = arith.addf %add3A_190, %convert_element_type3A_208 : vector<256x1024xf32>
    %jit3A_210 = arith.constant 1.000000e+30 : f32
    %broadcast_in_dim3A_211 = vector.broadcast %jit3A_210 : f32 to vector<256x1024xf32>
    %select_n3A_212 = arith.select %eq3A_206, %broadcast_in_dim3A_211, %select_n3A_193 : vector<256x1024xi1>, vector<256x1024xf32>
    %reduce_min3A_213 = arith.constant dense<0x7F800000> : vector<256xf32>
    %reduce_min3A_214 = vector.multi_reduction <minimumf>, %select_n3A_212, %reduce_min3A_213 [1] : vector<256x1024xf32> to vector<256xf32>
    %broadcast_in_dim3A_215 = vector.shape_cast %reduce_min3A_214 : vector<256xf32> to vector<256x1xf32>
    %eq3A_216 = vector.broadcast %broadcast_in_dim3A_215 : vector<256x1xf32> to vector<256x1024xf32>
    %eq3A_217 = arith.cmpf oeq, %select_n3A_212, %eq3A_216 : vector<256x1024xf32>
    %jit3A_218 = arith.constant 1024 : i32
    %broadcast_in_dim3A_219 = vector.broadcast %jit3A_218 : i32 to vector<256x1024xi32>
    %select_n3A_220 = arith.select %eq3A_217, %iota3A_53, %broadcast_in_dim3A_219 : vector<256x1024xi1>, vector<256x1024xi32>
    %reduce_min3A_221 = arith.constant dense<2147483647> : vector<256xi32>
    %reduce_min3A_222 = vector.multi_reduction <minsi>, %select_n3A_220, %reduce_min3A_221 [1] : vector<256x1024xi32> to vector<256xi32>
    %broadcast_in_dim3A_223 = vector.shape_cast %reduce_min3A_222 : vector<256xi32> to vector<256x1xi32>
    %eq3A_224 = vector.broadcast %broadcast_in_dim3A_223 : vector<256x1xi32> to vector<256x1024xi32>
    %eq3A_225 = arith.cmpi eq, %iota3A_53, %eq3A_224 : vector<256x1024xi32>
    %convert_element_type3A_226 = arith.extui %eq3A_225 : vector<256x1024xi1> to vector<256x1024xi32>
    %convert_element_type3A_227 = arith.sitofp %convert_element_type3A_226 : vector<256x1024xi32> to vector<256x1024xf32>
    %add3A_228 = arith.addf %add3A_209, %convert_element_type3A_227 : vector<256x1024xf32>
    %jit3A_229 = arith.constant 1.000000e+30 : f32
    %broadcast_in_dim3A_230 = vector.broadcast %jit3A_229 : f32 to vector<256x1024xf32>
    %select_n3A_231 = arith.select %eq3A_225, %broadcast_in_dim3A_230, %select_n3A_212 : vector<256x1024xi1>, vector<256x1024xf32>
    %reduce_min3A_232 = arith.constant dense<0x7F800000> : vector<256xf32>
    %reduce_min3A_233 = vector.multi_reduction <minimumf>, %select_n3A_231, %reduce_min3A_232 [1] : vector<256x1024xf32> to vector<256xf32>
    %broadcast_in_dim3A_234 = vector.shape_cast %reduce_min3A_233 : vector<256xf32> to vector<256x1xf32>
    %eq3A_235 = vector.broadcast %broadcast_in_dim3A_234 : vector<256x1xf32> to vector<256x1024xf32>
    %eq3A_236 = arith.cmpf oeq, %select_n3A_231, %eq3A_235 : vector<256x1024xf32>
    %jit3A_237 = arith.constant 1024 : i32
    %broadcast_in_dim3A_238 = vector.broadcast %jit3A_237 : i32 to vector<256x1024xi32>
    %select_n3A_239 = arith.select %eq3A_236, %iota3A_53, %broadcast_in_dim3A_238 : vector<256x1024xi1>, vector<256x1024xi32>
    %reduce_min3A_240 = arith.constant dense<2147483647> : vector<256xi32>
    %reduce_min3A_241 = vector.multi_reduction <minsi>, %select_n3A_239, %reduce_min3A_240 [1] : vector<256x1024xi32> to vector<256xi32>
    %broadcast_in_dim3A_242 = vector.shape_cast %reduce_min3A_241 : vector<256xi32> to vector<256x1xi32>
    %eq3A_243 = vector.broadcast %broadcast_in_dim3A_242 : vector<256x1xi32> to vector<256x1024xi32>
    %eq3A_244 = arith.cmpi eq, %iota3A_53, %eq3A_243 : vector<256x1024xi32>
    %convert_element_type3A_245 = arith.extui %eq3A_244 : vector<256x1024xi1> to vector<256x1024xi32>
    %convert_element_type3A_246 = arith.sitofp %convert_element_type3A_245 : vector<256x1024xi32> to vector<256x1024xf32>
    %add3A_247 = arith.addf %add3A_228, %convert_element_type3A_246 : vector<256x1024xf32>
    %stack3A = vector.shape_cast %reduce_min3A_71 : vector<256xi32> to vector<256x1xi32>
    %stack3A_248 = vector.shape_cast %reduce_min3A_89 : vector<256xi32> to vector<256x1xi32>
    %stack3A_249 = vector.shape_cast %reduce_min3A_108 : vector<256xi32> to vector<256x1xi32>
    %stack3A_250 = vector.shape_cast %reduce_min3A_127 : vector<256xi32> to vector<256x1xi32>
    %stack3A_251 = vector.shape_cast %reduce_min3A_146 : vector<256xi32> to vector<256x1xi32>
    %stack3A_252 = vector.shape_cast %reduce_min3A_165 : vector<256xi32> to vector<256x1xi32>
    %stack3A_253 = vector.shape_cast %reduce_min3A_184 : vector<256xi32> to vector<256x1xi32>
    %stack3A_254 = vector.shape_cast %reduce_min3A_203 : vector<256xi32> to vector<256x1xi32>
    %stack3A_255 = vector.shape_cast %reduce_min3A_222 : vector<256xi32> to vector<256x1xi32>
    %stack3A_256 = vector.shape_cast %reduce_min3A_241 : vector<256xi32> to vector<256x1xi32>
    %stack3A_257 = tpu.concatenate %stack3A, %stack3A_248, %stack3A_249, %stack3A_250, %stack3A_251, %stack3A_252, %stack3A_253, %stack3A_254, %stack3A_255, %stack3A_256 in 1 : vector<256x1xi32>, vector<256x1xi32>, vector<256x1xi32>, vector<256x1xi32>, vector<256x1xi32>, vector<256x1xi32>, vector<256x1xi32>, vector<256x1xi32>, vector<256x1xi32>, vector<256x1xi32> -> vector<256x10xi32>
    %add3A_258 = vector.broadcast %add3A_33 : i32 to vector<256x10xi32>
    %add3A_259 = arith.addi %stack3A_257, %add3A_258 : vector<256x10xi32>
    %swap3A = arith.constant 0 : index
    %swap3A_260 = arith.constant 0 : index
    %swap3A_261 = vector.load %arg5[%swap3A, %swap3A_260] : memref<256x10xi32, #tpu.memory_space<vmem>>, vector<256x10xi32>
    tpu.vector_store %arg5[%swap3A, %swap3A_260], %add3A_259 {strides = array<i32>} : memref<256x10xi32, #tpu.memory_space<vmem>>, vector<256x10xi32>,
    %dot_general3A_262 = arith.constant dense<0.000000e+00> : vector<256x256xf32>
    %dot_general3A_263 = tpu.matmul %add3A_247, %get3A_38, %dot_general3A_262 {dimension_numbers = #tpu.dot_dimension_numbers<[1], [0], [0], [1], [0, 0, 1, 1], [], []>, transpose_lhs_hint = false} : vector<256x1024xf32>, vector<1024x256xf32>, vector<256x256xf32> -> vector<256x256xf32>
    %add3A_264 = arith.addf %dot_general3A_263, %get3A_35 : vector<256x256xf32>
    %div3A_265 = arith.constant 1.100000e+01 : f32
    %div3A_266 = vector.broadcast %div3A_265 : f32 to vector<256x256xf32>
    %div3A_267 = arith.divf %add3A_264, %div3A_266 : vector<256x256xf32>
    %get3A_268 = arith.constant 0 : index
    %get3A_269 = arith.constant 0 : index
    %get3A_270 = vector.load %arg3[%get3A_268, %get3A_269] : memref<256x256xf32, #tpu.memory_space<vmem>>, vector<256x256xf32>
    %dot_general3A_271 = arith.constant dense<0.000000e+00> : vector<256x256xf32>
    %dot_general3A_272 = tpu.matmul %div3A_267, %get3A_270, %dot_general3A_271 {dimension_numbers = #tpu.dot_dimension_numbers<[1], [0], [0], [1], [0, 0, 1, 1], [], []>, transpose_lhs_hint = false} : vector<256x256xf32>, vector<256x256xf32>, vector<256x256xf32> -> vector<256x256xf32>
    %max3A = arith.constant 0.000000e+00 : f32
    %max3A_273 = vector.broadcast %max3A : f32 to vector<256x256xf32>
    %max3A_274 = arith.maximumf %dot_general3A_272, %max3A_273 : vector<256x256xf32>
    %swap3A_275 = arith.constant 0 : index
    %swap3A_276 = arith.constant 0 : index
    %swap3A_277 = vector.load %arg4[%swap3A_275, %swap3A_276] : memref<256x256xf32, #tpu.memory_space<vmem>>, vector<256x256xf32>
    tpu.vector_store %arg4[%swap3A_275, %swap3A_276], %max3A_274 {strides = array<i32>} : memref<256x256xf32, #tpu.memory_space<vmem>>, vector<256x256xf32>,
    return
  }
  func.func @transform_0(%arg0: i32) -> (i32, i32) {
    %c0_i32 = arith.constant 0 : i32
    %c0_i32_0 = arith.constant 0 : i32
    return %arg0, %c0_i32 : i32, i32
  }
  func.func @transform_1(%arg0: i32) -> (i32, i32) {
    %jit3A = arith.constant 4 : i32
    %div3A = arith.divsi %arg0, %jit3A : i32
    %sign3A = arith.constant 0 : i32
    %sign3A_0 = arith.cmpi sgt, %arg0, %sign3A : i32
    %sign3A_1 = arith.extui %sign3A_0 : i1 to i32
    %sign3A_2 = arith.constant 0 : i32
    %sign3A_3 = arith.cmpi slt, %arg0, %sign3A_2 : i32
    %sign3A_4 = arith.extui %sign3A_3 : i1 to i32
    %sign3A_5 = arith.subi %sign3A_1, %sign3A_4 : i32
    %sign3A_6 = arith.constant 0 : i32
    %sign3A_7 = arith.cmpi sgt, %jit3A, %sign3A_6 : i32
    %sign3A_8 = arith.extui %sign3A_7 : i1 to i32
    %sign3A_9 = arith.constant 0 : i32
    %sign3A_10 = arith.cmpi slt, %jit3A, %sign3A_9 : i32
    %sign3A_11 = arith.extui %sign3A_10 : i1 to i32
    %sign3A_12 = arith.subi %sign3A_8, %sign3A_11 : i32
    %ne3A = arith.cmpi ne, %sign3A_5, %sign3A_12 : i32
    %rem3A = arith.remsi %arg0, %jit3A : i32
    %ne3A_13 = arith.constant 0 : i32
    %ne3A_14 = arith.cmpi ne, %rem3A, %ne3A_13 : i32
    %and3A = arith.andi %ne3A, %ne3A_14 : i1
    %sub3A = arith.constant 1 : i32
    %sub3A_15 = arith.subi %div3A, %sub3A : i32
    %select_n3A = arith.select %and3A, %sub3A_15, %div3A : i32
    %c0_i32 = arith.constant 0 : i32
    %c0_i32_16 = arith.constant 0 : i32
    return %select_n3A, %c0_i32 : i32, i32
  }
  func.func @transform_2(%arg0: i32) -> (i32, i32) {
    %c0_i32 = arith.constant 0 : i32
    %c0_i32_0 = arith.constant 0 : i32
    %c0_i32_1 = arith.constant 0 : i32
    return %c0_i32, %c0_i32_0 : i32, i32
  }
  func.func @transform_3(%arg0: i32) -> (i32, i32) {
    %c0_i32 = arith.constant 0 : i32
    %c0_i32_0 = arith.constant 0 : i32
    return %arg0, %c0_i32 : i32, i32
  }
  func.func @transform_4(%arg0: i32) -> (i32, i32) {
    %c0_i32 = arith.constant 0 : i32
    %c0_i32_0 = arith.constant 0 : i32
    return %arg0, %c0_i32 : i32, i32
  }
}

module attributes {stable_mosaic.version = 14 : i64} {
  func.func @_knn_body(%arg0: i32, %arg1: memref<256x256xf32, #tpu.memory_space<vmem>>, %arg2: memref<4096x256xf32, #tpu.memory_space<vmem>>, %arg3: memref<256x256xf32, #tpu.memory_space<vmem>>, %arg4: memref<256x256xf32, #tpu.memory_space<vmem>>, %arg5: memref<256x10xi32, #tpu.memory_space<vmem>>) attributes {dimension_semantics = [#tpu.dimension_semantics<arbitrary>], iteration_bounds = array<i64: 32>, scalar_prefetch = 0 : i64, scratch_operands = 0 : i64, tpu.core_type = #tpu.core_type<tc>, window_params = [{transform_indices = @transform_0, window_bounds = array<i64: 256, 256>}, {transform_indices = @transform_1, window_bounds = array<i64: 4096, 256>}, {pipeline_mode = #tpu.pipeline_mode<synchronous>, transform_indices = @transform_2, window_bounds = array<i64: 256, 256>}, {transform_indices = @transform_3, window_bounds = array<i64: 256, 256>}, {transform_indices = @transform_4, window_bounds = array<i64: 256, 10>}]} {
    %jit3A = arith.constant 16 : i32
    %eq3A = arith.constant 0 : i32
    %eq3A_0 = arith.cmpi eq, %jit3A, %eq3A : i32
    %jit3A_1 = arith.constant 1 : i32
    %select_n3A = arith.select %eq3A_0, %jit3A_1, %jit3A : i32
    %rem3A = arith.remsi %arg0, %select_n3A : i32
    %ne3A = arith.constant 0 : i32
    %ne3A_2 = arith.cmpi ne, %rem3A, %ne3A : i32
    %lt3A = arith.constant 0 : i32
    %lt3A_3 = arith.cmpi slt, %rem3A, %lt3A : i32
    %lt3A_4 = arith.constant 0 : i32
    %lt3A_5 = arith.cmpi slt, %select_n3A, %lt3A_4 : i32
    %ne3A_6 = arith.xori %lt3A_3, %lt3A_5 : i1
    %and3A = arith.andi %ne3A_6, %ne3A_2 : i1
    %add3A = arith.addi %rem3A, %select_n3A : i32
    %select_n3A_7 = arith.select %and3A, %add3A, %rem3A : i32
    %mul3A = arith.constant 256 : i32
    %mul3A_8 = arith.muli %select_n3A_7, %mul3A : i32
    %jit3A_9 = arith.constant 16 : i32
    %div3A = arith.divsi %arg0, %jit3A_9 : i32
    %sign3A = arith.constant 0 : i32
    %sign3A_10 = arith.cmpi sgt, %arg0, %sign3A : i32
    %sign3A_11 = arith.extui %sign3A_10 : i1 to i32
    %sign3A_12 = arith.constant 0 : i32
    %sign3A_13 = arith.cmpi slt, %arg0, %sign3A_12 : i32
    %sign3A_14 = arith.extui %sign3A_13 : i1 to i32
    %sign3A_15 = arith.subi %sign3A_11, %sign3A_14 : i32
    %sign3A_16 = arith.constant 0 : i32
    %sign3A_17 = arith.cmpi sgt, %jit3A_9, %sign3A_16 : i32
    %sign3A_18 = arith.extui %sign3A_17 : i1 to i32
    %sign3A_19 = arith.constant 0 : i32
    %sign3A_20 = arith.cmpi slt, %jit3A_9, %sign3A_19 : i32
    %sign3A_21 = arith.extui %sign3A_20 : i1 to i32
    %sign3A_22 = arith.subi %sign3A_18, %sign3A_21 : i32
    %ne3A_23 = arith.cmpi ne, %sign3A_15, %sign3A_22 : i32
    %rem3A_24 = arith.remsi %arg0, %jit3A_9 : i32
    %ne3A_25 = arith.constant 0 : i32
    %ne3A_26 = arith.cmpi ne, %rem3A_24, %ne3A_25 : i32
    %and3A_27 = arith.andi %ne3A_23, %ne3A_26 : i1
    %sub3A = arith.constant 1 : i32
    %sub3A_28 = arith.subi %div3A, %sub3A : i32
    %select_n3A_29 = arith.select %and3A_27, %sub3A_28, %div3A : i32
    %mul3A_30 = arith.constant 4096 : i32
    %mul3A_31 = arith.muli %select_n3A_29, %mul3A_30 : i32
    %add3A_32 = arith.constant 2048 : i32
    %add3A_33 = arith.addi %mul3A_31, %add3A_32 : i32
    %get3A = arith.constant 0 : index
    %get3A_34 = arith.constant 0 : index
    %get3A_35 = vector.load %arg1[%get3A, %get3A_34] : memref<256x256xf32, #tpu.memory_space<vmem>>, vector<256x256xf32>
    %get3A_36 = arith.constant 0 : index
    %get3A_37 = arith.constant 0 : index
    %get3A_38 = vector.load %arg2[%get3A_36, %get3A_37] : memref<4096x256xf32, #tpu.memory_space<vmem>>, vector<4096x256xf32>
    %mul3A_39 = arith.mulf %get3A_35, %get3A_35 : vector<256x256xf32>
    %reduce_sum3A = arith.constant dense<0.000000e+00> : vector<256xf32>
    %reduce_sum3A_40 = vector.multi_reduction <add>, %mul3A_39, %reduce_sum3A [1] : vector<256x256xf32> to vector<256xf32>
    %mul3A_41 = arith.mulf %get3A_38, %get3A_38 : vector<4096x256xf32>
    %reduce_sum3A_42 = arith.constant dense<0.000000e+00> : vector<4096xf32>
    %reduce_sum3A_43 = vector.multi_reduction <add>, %mul3A_41, %reduce_sum3A_42 [1] : vector<4096x256xf32> to vector<4096xf32>
    %transpose3A = tpu.transpose %get3A_38, [1, 0] : vector<4096x256xf32> -> vector<256x4096xf32>
    %dot_general3A = arith.constant dense<0.000000e+00> : vector<256x4096xf32>
    %dot_general3A_44 = tpu.matmul %get3A_35, %transpose3A, %dot_general3A {dimension_numbers = #tpu.dot_dimension_numbers<[1], [0], [0], [1], [0, 0, 1, 1], [], []>, transpose_lhs_hint = false} : vector<256x256xf32>, vector<256x4096xf32>, vector<256x4096xf32> -> vector<256x4096xf32>
    %broadcast_in_dim3A = vector.shape_cast %reduce_sum3A_40 : vector<256xf32> to vector<256x1xf32>
    %broadcast_in_dim3A_45 = vector.shape_cast %reduce_sum3A_43 : vector<4096xf32> to vector<1x4096xf32>
    %add3A_46 = vector.broadcast %broadcast_in_dim3A : vector<256x1xf32> to vector<256x4096xf32>
    %add3A_47 = vector.broadcast %broadcast_in_dim3A_45 : vector<1x4096xf32> to vector<256x4096xf32>
    %add3A_48 = arith.addf %add3A_46, %add3A_47 : vector<256x4096xf32>
    %mul3A_49 = arith.constant 2.000000e+00 : f32
    %mul3A_50 = vector.broadcast %mul3A_49 : f32 to vector<256x4096xf32>
    %mul3A_51 = arith.mulf %mul3A_50, %dot_general3A_44 : vector<256x4096xf32>
    %sub3A_52 = arith.subf %add3A_48, %mul3A_51 : vector<256x4096xf32>
    %iota3A = tpu.iota {dimensions = array<i32: 0>} : vector<256x4096xi32>
    %iota3A_53 = tpu.iota {dimensions = array<i32: 1>} : vector<256x4096xi32>
    %add3A_54 = vector.broadcast %mul3A_8 : i32 to vector<256x4096xi32>
    %add3A_55 = arith.addi %iota3A, %add3A_54 : vector<256x4096xi32>
    %eq3A_56 = arith.cmpi eq, %iota3A_53, %add3A_55 : vector<256x4096xi32>
    %add3A_57 = arith.constant 1.000000e+09 : f32
    %add3A_58 = vector.broadcast %add3A_57 : f32 to vector<256x4096xf32>
    %add3A_59 = arith.addf %sub3A_52, %add3A_58 : vector<256x4096xf32>
    %select_n3A_60 = arith.select %eq3A_56, %add3A_59, %sub3A_52 : vector<256x4096xi1>, vector<256x4096xf32>
    %broadcast_in_dim3A_61 = arith.constant 0.000000e+00 : f32
    %broadcast_in_dim3A_62 = vector.broadcast %broadcast_in_dim3A_61 : f32 to vector<256x4096xf32>
    %reduce_min3A = arith.constant dense<0x7F800000> : vector<256xf32>
    %reduce_min3A_63 = vector.multi_reduction <minimumf>, %select_n3A_60, %reduce_min3A [1] : vector<256x4096xf32> to vector<256xf32>
    %broadcast_in_dim3A_64 = vector.shape_cast %reduce_min3A_63 : vector<256xf32> to vector<256x1xf32>
    %eq3A_65 = vector.broadcast %broadcast_in_dim3A_64 : vector<256x1xf32> to vector<256x4096xf32>
    %eq3A_66 = arith.cmpf oeq, %select_n3A_60, %eq3A_65 : vector<256x4096xf32>
    %jit3A_67 = arith.constant 4096 : i32
    %broadcast_in_dim3A_68 = vector.broadcast %jit3A_67 : i32 to vector<256x4096xi32>
    %select_n3A_69 = arith.select %eq3A_66, %iota3A_53, %broadcast_in_dim3A_68 : vector<256x4096xi1>, vector<256x4096xi32>
    %reduce_min3A_70 = arith.constant dense<2147483647> : vector<256xi32>
    %reduce_min3A_71 = vector.multi_reduction <minsi>, %select_n3A_69, %reduce_min3A_70 [1] : vector<256x4096xi32> to vector<256xi32>
    %broadcast_in_dim3A_72 = vector.shape_cast %reduce_min3A_71 : vector<256xi32> to vector<256x1xi32>
    %eq3A_73 = vector.broadcast %broadcast_in_dim3A_72 : vector<256x1xi32> to vector<256x4096xi32>
    %eq3A_74 = arith.cmpi eq, %iota3A_53, %eq3A_73 : vector<256x4096xi32>
    %convert_element_type3A = arith.extui %eq3A_74 : vector<256x4096xi1> to vector<256x4096xi32>
    %convert_element_type3A_75 = arith.sitofp %convert_element_type3A : vector<256x4096xi32> to vector<256x4096xf32>
    %add3A_76 = arith.addf %broadcast_in_dim3A_62, %convert_element_type3A_75 : vector<256x4096xf32>
    %jit3A_77 = arith.constant 1.000000e+30 : f32
    %broadcast_in_dim3A_78 = vector.broadcast %jit3A_77 : f32 to vector<256x4096xf32>
    %select_n3A_79 = arith.select %eq3A_74, %broadcast_in_dim3A_78, %select_n3A_60 : vector<256x4096xi1>, vector<256x4096xf32>
    %reduce_min3A_80 = arith.constant dense<0x7F800000> : vector<256xf32>
    %reduce_min3A_81 = vector.multi_reduction <minimumf>, %select_n3A_79, %reduce_min3A_80 [1] : vector<256x4096xf32> to vector<256xf32>
    %broadcast_in_dim3A_82 = vector.shape_cast %reduce_min3A_81 : vector<256xf32> to vector<256x1xf32>
    %eq3A_83 = vector.broadcast %broadcast_in_dim3A_82 : vector<256x1xf32> to vector<256x4096xf32>
    %eq3A_84 = arith.cmpf oeq, %select_n3A_79, %eq3A_83 : vector<256x4096xf32>
    %jit3A_85 = arith.constant 4096 : i32
    %broadcast_in_dim3A_86 = vector.broadcast %jit3A_85 : i32 to vector<256x4096xi32>
    %select_n3A_87 = arith.select %eq3A_84, %iota3A_53, %broadcast_in_dim3A_86 : vector<256x4096xi1>, vector<256x4096xi32>
    %reduce_min3A_88 = arith.constant dense<2147483647> : vector<256xi32>
    %reduce_min3A_89 = vector.multi_reduction <minsi>, %select_n3A_87, %reduce_min3A_88 [1] : vector<256x4096xi32> to vector<256xi32>
    %broadcast_in_dim3A_90 = vector.shape_cast %reduce_min3A_89 : vector<256xi32> to vector<256x1xi32>
    %eq3A_91 = vector.broadcast %broadcast_in_dim3A_90 : vector<256x1xi32> to vector<256x4096xi32>
    %eq3A_92 = arith.cmpi eq, %iota3A_53, %eq3A_91 : vector<256x4096xi32>
    %convert_element_type3A_93 = arith.extui %eq3A_92 : vector<256x4096xi1> to vector<256x4096xi32>
    %convert_element_type3A_94 = arith.sitofp %convert_element_type3A_93 : vector<256x4096xi32> to vector<256x4096xf32>
    %add3A_95 = arith.addf %add3A_76, %convert_element_type3A_94 : vector<256x4096xf32>
    %jit3A_96 = arith.constant 1.000000e+30 : f32
    %broadcast_in_dim3A_97 = vector.broadcast %jit3A_96 : f32 to vector<256x4096xf32>
    %select_n3A_98 = arith.select %eq3A_92, %broadcast_in_dim3A_97, %select_n3A_79 : vector<256x4096xi1>, vector<256x4096xf32>
    %reduce_min3A_99 = arith.constant dense<0x7F800000> : vector<256xf32>
    %reduce_min3A_100 = vector.multi_reduction <minimumf>, %select_n3A_98, %reduce_min3A_99 [1] : vector<256x4096xf32> to vector<256xf32>
    %broadcast_in_dim3A_101 = vector.shape_cast %reduce_min3A_100 : vector<256xf32> to vector<256x1xf32>
    %eq3A_102 = vector.broadcast %broadcast_in_dim3A_101 : vector<256x1xf32> to vector<256x4096xf32>
    %eq3A_103 = arith.cmpf oeq, %select_n3A_98, %eq3A_102 : vector<256x4096xf32>
    %jit3A_104 = arith.constant 4096 : i32
    %broadcast_in_dim3A_105 = vector.broadcast %jit3A_104 : i32 to vector<256x4096xi32>
    %select_n3A_106 = arith.select %eq3A_103, %iota3A_53, %broadcast_in_dim3A_105 : vector<256x4096xi1>, vector<256x4096xi32>
    %reduce_min3A_107 = arith.constant dense<2147483647> : vector<256xi32>
    %reduce_min3A_108 = vector.multi_reduction <minsi>, %select_n3A_106, %reduce_min3A_107 [1] : vector<256x4096xi32> to vector<256xi32>
    %broadcast_in_dim3A_109 = vector.shape_cast %reduce_min3A_108 : vector<256xi32> to vector<256x1xi32>
    %eq3A_110 = vector.broadcast %broadcast_in_dim3A_109 : vector<256x1xi32> to vector<256x4096xi32>
    %eq3A_111 = arith.cmpi eq, %iota3A_53, %eq3A_110 : vector<256x4096xi32>
    %convert_element_type3A_112 = arith.extui %eq3A_111 : vector<256x4096xi1> to vector<256x4096xi32>
    %convert_element_type3A_113 = arith.sitofp %convert_element_type3A_112 : vector<256x4096xi32> to vector<256x4096xf32>
    %add3A_114 = arith.addf %add3A_95, %convert_element_type3A_113 : vector<256x4096xf32>
    %jit3A_115 = arith.constant 1.000000e+30 : f32
    %broadcast_in_dim3A_116 = vector.broadcast %jit3A_115 : f32 to vector<256x4096xf32>
    %select_n3A_117 = arith.select %eq3A_111, %broadcast_in_dim3A_116, %select_n3A_98 : vector<256x4096xi1>, vector<256x4096xf32>
    %reduce_min3A_118 = arith.constant dense<0x7F800000> : vector<256xf32>
    %reduce_min3A_119 = vector.multi_reduction <minimumf>, %select_n3A_117, %reduce_min3A_118 [1] : vector<256x4096xf32> to vector<256xf32>
    %broadcast_in_dim3A_120 = vector.shape_cast %reduce_min3A_119 : vector<256xf32> to vector<256x1xf32>
    %eq3A_121 = vector.broadcast %broadcast_in_dim3A_120 : vector<256x1xf32> to vector<256x4096xf32>
    %eq3A_122 = arith.cmpf oeq, %select_n3A_117, %eq3A_121 : vector<256x4096xf32>
    %jit3A_123 = arith.constant 4096 : i32
    %broadcast_in_dim3A_124 = vector.broadcast %jit3A_123 : i32 to vector<256x4096xi32>
    %select_n3A_125 = arith.select %eq3A_122, %iota3A_53, %broadcast_in_dim3A_124 : vector<256x4096xi1>, vector<256x4096xi32>
    %reduce_min3A_126 = arith.constant dense<2147483647> : vector<256xi32>
    %reduce_min3A_127 = vector.multi_reduction <minsi>, %select_n3A_125, %reduce_min3A_126 [1] : vector<256x4096xi32> to vector<256xi32>
    %broadcast_in_dim3A_128 = vector.shape_cast %reduce_min3A_127 : vector<256xi32> to vector<256x1xi32>
    %eq3A_129 = vector.broadcast %broadcast_in_dim3A_128 : vector<256x1xi32> to vector<256x4096xi32>
    %eq3A_130 = arith.cmpi eq, %iota3A_53, %eq3A_129 : vector<256x4096xi32>
    %convert_element_type3A_131 = arith.extui %eq3A_130 : vector<256x4096xi1> to vector<256x4096xi32>
    %convert_element_type3A_132 = arith.sitofp %convert_element_type3A_131 : vector<256x4096xi32> to vector<256x4096xf32>
    %add3A_133 = arith.addf %add3A_114, %convert_element_type3A_132 : vector<256x4096xf32>
    %jit3A_134 = arith.constant 1.000000e+30 : f32
    %broadcast_in_dim3A_135 = vector.broadcast %jit3A_134 : f32 to vector<256x4096xf32>
    %select_n3A_136 = arith.select %eq3A_130, %broadcast_in_dim3A_135, %select_n3A_117 : vector<256x4096xi1>, vector<256x4096xf32>
    %reduce_min3A_137 = arith.constant dense<0x7F800000> : vector<256xf32>
    %reduce_min3A_138 = vector.multi_reduction <minimumf>, %select_n3A_136, %reduce_min3A_137 [1] : vector<256x4096xf32> to vector<256xf32>
    %broadcast_in_dim3A_139 = vector.shape_cast %reduce_min3A_138 : vector<256xf32> to vector<256x1xf32>
    %eq3A_140 = vector.broadcast %broadcast_in_dim3A_139 : vector<256x1xf32> to vector<256x4096xf32>
    %eq3A_141 = arith.cmpf oeq, %select_n3A_136, %eq3A_140 : vector<256x4096xf32>
    %jit3A_142 = arith.constant 4096 : i32
    %broadcast_in_dim3A_143 = vector.broadcast %jit3A_142 : i32 to vector<256x4096xi32>
    %select_n3A_144 = arith.select %eq3A_141, %iota3A_53, %broadcast_in_dim3A_143 : vector<256x4096xi1>, vector<256x4096xi32>
    %reduce_min3A_145 = arith.constant dense<2147483647> : vector<256xi32>
    %reduce_min3A_146 = vector.multi_reduction <minsi>, %select_n3A_144, %reduce_min3A_145 [1] : vector<256x4096xi32> to vector<256xi32>
    %broadcast_in_dim3A_147 = vector.shape_cast %reduce_min3A_146 : vector<256xi32> to vector<256x1xi32>
    %eq3A_148 = vector.broadcast %broadcast_in_dim3A_147 : vector<256x1xi32> to vector<256x4096xi32>
    %eq3A_149 = arith.cmpi eq, %iota3A_53, %eq3A_148 : vector<256x4096xi32>
    %convert_element_type3A_150 = arith.extui %eq3A_149 : vector<256x4096xi1> to vector<256x4096xi32>
    %convert_element_type3A_151 = arith.sitofp %convert_element_type3A_150 : vector<256x4096xi32> to vector<256x4096xf32>
    %add3A_152 = arith.addf %add3A_133, %convert_element_type3A_151 : vector<256x4096xf32>
    %jit3A_153 = arith.constant 1.000000e+30 : f32
    %broadcast_in_dim3A_154 = vector.broadcast %jit3A_153 : f32 to vector<256x4096xf32>
    %select_n3A_155 = arith.select %eq3A_149, %broadcast_in_dim3A_154, %select_n3A_136 : vector<256x4096xi1>, vector<256x4096xf32>
    %reduce_min3A_156 = arith.constant dense<0x7F800000> : vector<256xf32>
    %reduce_min3A_157 = vector.multi_reduction <minimumf>, %select_n3A_155, %reduce_min3A_156 [1] : vector<256x4096xf32> to vector<256xf32>
    %broadcast_in_dim3A_158 = vector.shape_cast %reduce_min3A_157 : vector<256xf32> to vector<256x1xf32>
    %eq3A_159 = vector.broadcast %broadcast_in_dim3A_158 : vector<256x1xf32> to vector<256x4096xf32>
    %eq3A_160 = arith.cmpf oeq, %select_n3A_155, %eq3A_159 : vector<256x4096xf32>
    %jit3A_161 = arith.constant 4096 : i32
    %broadcast_in_dim3A_162 = vector.broadcast %jit3A_161 : i32 to vector<256x4096xi32>
    %select_n3A_163 = arith.select %eq3A_160, %iota3A_53, %broadcast_in_dim3A_162 : vector<256x4096xi1>, vector<256x4096xi32>
    %reduce_min3A_164 = arith.constant dense<2147483647> : vector<256xi32>
    %reduce_min3A_165 = vector.multi_reduction <minsi>, %select_n3A_163, %reduce_min3A_164 [1] : vector<256x4096xi32> to vector<256xi32>
    %broadcast_in_dim3A_166 = vector.shape_cast %reduce_min3A_165 : vector<256xi32> to vector<256x1xi32>
    %eq3A_167 = vector.broadcast %broadcast_in_dim3A_166 : vector<256x1xi32> to vector<256x4096xi32>
    %eq3A_168 = arith.cmpi eq, %iota3A_53, %eq3A_167 : vector<256x4096xi32>
    %convert_element_type3A_169 = arith.extui %eq3A_168 : vector<256x4096xi1> to vector<256x4096xi32>
    %convert_element_type3A_170 = arith.sitofp %convert_element_type3A_169 : vector<256x4096xi32> to vector<256x4096xf32>
    %add3A_171 = arith.addf %add3A_152, %convert_element_type3A_170 : vector<256x4096xf32>
    %jit3A_172 = arith.constant 1.000000e+30 : f32
    %broadcast_in_dim3A_173 = vector.broadcast %jit3A_172 : f32 to vector<256x4096xf32>
    %select_n3A_174 = arith.select %eq3A_168, %broadcast_in_dim3A_173, %select_n3A_155 : vector<256x4096xi1>, vector<256x4096xf32>
    %reduce_min3A_175 = arith.constant dense<0x7F800000> : vector<256xf32>
    %reduce_min3A_176 = vector.multi_reduction <minimumf>, %select_n3A_174, %reduce_min3A_175 [1] : vector<256x4096xf32> to vector<256xf32>
    %broadcast_in_dim3A_177 = vector.shape_cast %reduce_min3A_176 : vector<256xf32> to vector<256x1xf32>
    %eq3A_178 = vector.broadcast %broadcast_in_dim3A_177 : vector<256x1xf32> to vector<256x4096xf32>
    %eq3A_179 = arith.cmpf oeq, %select_n3A_174, %eq3A_178 : vector<256x4096xf32>
    %jit3A_180 = arith.constant 4096 : i32
    %broadcast_in_dim3A_181 = vector.broadcast %jit3A_180 : i32 to vector<256x4096xi32>
    %select_n3A_182 = arith.select %eq3A_179, %iota3A_53, %broadcast_in_dim3A_181 : vector<256x4096xi1>, vector<256x4096xi32>
    %reduce_min3A_183 = arith.constant dense<2147483647> : vector<256xi32>
    %reduce_min3A_184 = vector.multi_reduction <minsi>, %select_n3A_182, %reduce_min3A_183 [1] : vector<256x4096xi32> to vector<256xi32>
    %broadcast_in_dim3A_185 = vector.shape_cast %reduce_min3A_184 : vector<256xi32> to vector<256x1xi32>
    %eq3A_186 = vector.broadcast %broadcast_in_dim3A_185 : vector<256x1xi32> to vector<256x4096xi32>
    %eq3A_187 = arith.cmpi eq, %iota3A_53, %eq3A_186 : vector<256x4096xi32>
    %convert_element_type3A_188 = arith.extui %eq3A_187 : vector<256x4096xi1> to vector<256x4096xi32>
    %convert_element_type3A_189 = arith.sitofp %convert_element_type3A_188 : vector<256x4096xi32> to vector<256x4096xf32>
    %add3A_190 = arith.addf %add3A_171, %convert_element_type3A_189 : vector<256x4096xf32>
    %jit3A_191 = arith.constant 1.000000e+30 : f32
    %broadcast_in_dim3A_192 = vector.broadcast %jit3A_191 : f32 to vector<256x4096xf32>
    %select_n3A_193 = arith.select %eq3A_187, %broadcast_in_dim3A_192, %select_n3A_174 : vector<256x4096xi1>, vector<256x4096xf32>
    %reduce_min3A_194 = arith.constant dense<0x7F800000> : vector<256xf32>
    %reduce_min3A_195 = vector.multi_reduction <minimumf>, %select_n3A_193, %reduce_min3A_194 [1] : vector<256x4096xf32> to vector<256xf32>
    %broadcast_in_dim3A_196 = vector.shape_cast %reduce_min3A_195 : vector<256xf32> to vector<256x1xf32>
    %eq3A_197 = vector.broadcast %broadcast_in_dim3A_196 : vector<256x1xf32> to vector<256x4096xf32>
    %eq3A_198 = arith.cmpf oeq, %select_n3A_193, %eq3A_197 : vector<256x4096xf32>
    %jit3A_199 = arith.constant 4096 : i32
    %broadcast_in_dim3A_200 = vector.broadcast %jit3A_199 : i32 to vector<256x4096xi32>
    %select_n3A_201 = arith.select %eq3A_198, %iota3A_53, %broadcast_in_dim3A_200 : vector<256x4096xi1>, vector<256x4096xi32>
    %reduce_min3A_202 = arith.constant dense<2147483647> : vector<256xi32>
    %reduce_min3A_203 = vector.multi_reduction <minsi>, %select_n3A_201, %reduce_min3A_202 [1] : vector<256x4096xi32> to vector<256xi32>
    %broadcast_in_dim3A_204 = vector.shape_cast %reduce_min3A_203 : vector<256xi32> to vector<256x1xi32>
    %eq3A_205 = vector.broadcast %broadcast_in_dim3A_204 : vector<256x1xi32> to vector<256x4096xi32>
    %eq3A_206 = arith.cmpi eq, %iota3A_53, %eq3A_205 : vector<256x4096xi32>
    %convert_element_type3A_207 = arith.extui %eq3A_206 : vector<256x4096xi1> to vector<256x4096xi32>
    %convert_element_type3A_208 = arith.sitofp %convert_element_type3A_207 : vector<256x4096xi32> to vector<256x4096xf32>
    %add3A_209 = arith.addf %add3A_190, %convert_element_type3A_208 : vector<256x4096xf32>
    %jit3A_210 = arith.constant 1.000000e+30 : f32
    %broadcast_in_dim3A_211 = vector.broadcast %jit3A_210 : f32 to vector<256x4096xf32>
    %select_n3A_212 = arith.select %eq3A_206, %broadcast_in_dim3A_211, %select_n3A_193 : vector<256x4096xi1>, vector<256x4096xf32>
    %reduce_min3A_213 = arith.constant dense<0x7F800000> : vector<256xf32>
    %reduce_min3A_214 = vector.multi_reduction <minimumf>, %select_n3A_212, %reduce_min3A_213 [1] : vector<256x4096xf32> to vector<256xf32>
    %broadcast_in_dim3A_215 = vector.shape_cast %reduce_min3A_214 : vector<256xf32> to vector<256x1xf32>
    %eq3A_216 = vector.broadcast %broadcast_in_dim3A_215 : vector<256x1xf32> to vector<256x4096xf32>
    %eq3A_217 = arith.cmpf oeq, %select_n3A_212, %eq3A_216 : vector<256x4096xf32>
    %jit3A_218 = arith.constant 4096 : i32
    %broadcast_in_dim3A_219 = vector.broadcast %jit3A_218 : i32 to vector<256x4096xi32>
    %select_n3A_220 = arith.select %eq3A_217, %iota3A_53, %broadcast_in_dim3A_219 : vector<256x4096xi1>, vector<256x4096xi32>
    %reduce_min3A_221 = arith.constant dense<2147483647> : vector<256xi32>
    %reduce_min3A_222 = vector.multi_reduction <minsi>, %select_n3A_220, %reduce_min3A_221 [1] : vector<256x4096xi32> to vector<256xi32>
    %broadcast_in_dim3A_223 = vector.shape_cast %reduce_min3A_222 : vector<256xi32> to vector<256x1xi32>
    %eq3A_224 = vector.broadcast %broadcast_in_dim3A_223 : vector<256x1xi32> to vector<256x4096xi32>
    %eq3A_225 = arith.cmpi eq, %iota3A_53, %eq3A_224 : vector<256x4096xi32>
    %convert_element_type3A_226 = arith.extui %eq3A_225 : vector<256x4096xi1> to vector<256x4096xi32>
    %convert_element_type3A_227 = arith.sitofp %convert_element_type3A_226 : vector<256x4096xi32> to vector<256x4096xf32>
    %add3A_228 = arith.addf %add3A_209, %convert_element_type3A_227 : vector<256x4096xf32>
    %jit3A_229 = arith.constant 1.000000e+30 : f32
    %broadcast_in_dim3A_230 = vector.broadcast %jit3A_229 : f32 to vector<256x4096xf32>
    %select_n3A_231 = arith.select %eq3A_225, %broadcast_in_dim3A_230, %select_n3A_212 : vector<256x4096xi1>, vector<256x4096xf32>
    %reduce_min3A_232 = arith.constant dense<0x7F800000> : vector<256xf32>
    %reduce_min3A_233 = vector.multi_reduction <minimumf>, %select_n3A_231, %reduce_min3A_232 [1] : vector<256x4096xf32> to vector<256xf32>
    %broadcast_in_dim3A_234 = vector.shape_cast %reduce_min3A_233 : vector<256xf32> to vector<256x1xf32>
    %eq3A_235 = vector.broadcast %broadcast_in_dim3A_234 : vector<256x1xf32> to vector<256x4096xf32>
    %eq3A_236 = arith.cmpf oeq, %select_n3A_231, %eq3A_235 : vector<256x4096xf32>
    %jit3A_237 = arith.constant 4096 : i32
    %broadcast_in_dim3A_238 = vector.broadcast %jit3A_237 : i32 to vector<256x4096xi32>
    %select_n3A_239 = arith.select %eq3A_236, %iota3A_53, %broadcast_in_dim3A_238 : vector<256x4096xi1>, vector<256x4096xi32>
    %reduce_min3A_240 = arith.constant dense<2147483647> : vector<256xi32>
    %reduce_min3A_241 = vector.multi_reduction <minsi>, %select_n3A_239, %reduce_min3A_240 [1] : vector<256x4096xi32> to vector<256xi32>
    %broadcast_in_dim3A_242 = vector.shape_cast %reduce_min3A_241 : vector<256xi32> to vector<256x1xi32>
    %eq3A_243 = vector.broadcast %broadcast_in_dim3A_242 : vector<256x1xi32> to vector<256x4096xi32>
    %eq3A_244 = arith.cmpi eq, %iota3A_53, %eq3A_243 : vector<256x4096xi32>
    %convert_element_type3A_245 = arith.extui %eq3A_244 : vector<256x4096xi1> to vector<256x4096xi32>
    %convert_element_type3A_246 = arith.sitofp %convert_element_type3A_245 : vector<256x4096xi32> to vector<256x4096xf32>
    %add3A_247 = arith.addf %add3A_228, %convert_element_type3A_246 : vector<256x4096xf32>
    %stack3A = vector.shape_cast %reduce_min3A_71 : vector<256xi32> to vector<256x1xi32>
    %stack3A_248 = vector.shape_cast %reduce_min3A_89 : vector<256xi32> to vector<256x1xi32>
    %stack3A_249 = vector.shape_cast %reduce_min3A_108 : vector<256xi32> to vector<256x1xi32>
    %stack3A_250 = vector.shape_cast %reduce_min3A_127 : vector<256xi32> to vector<256x1xi32>
    %stack3A_251 = vector.shape_cast %reduce_min3A_146 : vector<256xi32> to vector<256x1xi32>
    %stack3A_252 = vector.shape_cast %reduce_min3A_165 : vector<256xi32> to vector<256x1xi32>
    %stack3A_253 = vector.shape_cast %reduce_min3A_184 : vector<256xi32> to vector<256x1xi32>
    %stack3A_254 = vector.shape_cast %reduce_min3A_203 : vector<256xi32> to vector<256x1xi32>
    %stack3A_255 = vector.shape_cast %reduce_min3A_222 : vector<256xi32> to vector<256x1xi32>
    %stack3A_256 = vector.shape_cast %reduce_min3A_241 : vector<256xi32> to vector<256x1xi32>
    %stack3A_257 = tpu.concatenate %stack3A, %stack3A_248, %stack3A_249, %stack3A_250, %stack3A_251, %stack3A_252, %stack3A_253, %stack3A_254, %stack3A_255, %stack3A_256 in 1 : vector<256x1xi32>, vector<256x1xi32>, vector<256x1xi32>, vector<256x1xi32>, vector<256x1xi32>, vector<256x1xi32>, vector<256x1xi32>, vector<256x1xi32>, vector<256x1xi32>, vector<256x1xi32> -> vector<256x10xi32>
    %add3A_258 = vector.broadcast %add3A_33 : i32 to vector<256x10xi32>
    %add3A_259 = arith.addi %stack3A_257, %add3A_258 : vector<256x10xi32>
    %swap3A = arith.constant 0 : index
    %swap3A_260 = arith.constant 0 : index
    %swap3A_261 = vector.load %arg5[%swap3A, %swap3A_260] : memref<256x10xi32, #tpu.memory_space<vmem>>, vector<256x10xi32>
    tpu.vector_store %arg5[%swap3A, %swap3A_260], %add3A_259 {strides = array<i32>} : memref<256x10xi32, #tpu.memory_space<vmem>>, vector<256x10xi32>,
    %dot_general3A_262 = arith.constant dense<0.000000e+00> : vector<256x256xf32>
    %dot_general3A_263 = tpu.matmul %add3A_247, %get3A_38, %dot_general3A_262 {dimension_numbers = #tpu.dot_dimension_numbers<[1], [0], [0], [1], [0, 0, 1, 1], [], []>, transpose_lhs_hint = false} : vector<256x4096xf32>, vector<4096x256xf32>, vector<256x256xf32> -> vector<256x256xf32>
    %add3A_264 = arith.addf %dot_general3A_263, %get3A_35 : vector<256x256xf32>
    %div3A_265 = arith.constant 1.100000e+01 : f32
    %div3A_266 = vector.broadcast %div3A_265 : f32 to vector<256x256xf32>
    %div3A_267 = arith.divf %add3A_264, %div3A_266 : vector<256x256xf32>
    %get3A_268 = arith.constant 0 : index
    %get3A_269 = arith.constant 0 : index
    %get3A_270 = vector.load %arg3[%get3A_268, %get3A_269] : memref<256x256xf32, #tpu.memory_space<vmem>>, vector<256x256xf32>
    %dot_general3A_271 = arith.constant dense<0.000000e+00> : vector<256x256xf32>
    %dot_general3A_272 = tpu.matmul %div3A_267, %get3A_270, %dot_general3A_271 {dimension_numbers = #tpu.dot_dimension_numbers<[1], [0], [0], [1], [0, 0, 1, 1], [], []>, transpose_lhs_hint = false} : vector<256x256xf32>, vector<256x256xf32>, vector<256x256xf32> -> vector<256x256xf32>
    %max3A = arith.constant 0.000000e+00 : f32
    %max3A_273 = vector.broadcast %max3A : f32 to vector<256x256xf32>
    %max3A_274 = arith.maximumf %dot_general3A_272, %max3A_273 : vector<256x256xf32>
    %swap3A_275 = arith.constant 0 : index
    %swap3A_276 = arith.constant 0 : index
    %swap3A_277 = vector.load %arg4[%swap3A_275, %swap3A_276] : memref<256x256xf32, #tpu.memory_space<vmem>>, vector<256x256xf32>
    tpu.vector_store %arg4[%swap3A_275, %swap3A_276], %max3A_274 {strides = array<i32>} : memref<256x256xf32, #tpu.memory_space<vmem>>, vector<256x256xf32>,
    return
  }
  func.func @transform_0(%arg0: i32) -> (i32, i32) {
    %c0_i32 = arith.constant 0 : i32
    %c0_i32_0 = arith.constant 0 : i32
    return %arg0, %c0_i32 : i32, i32
  }
  func.func @transform_1(%arg0: i32) -> (i32, i32) {
    %jit3A = arith.constant 16 : i32
    %div3A = arith.divsi %arg0, %jit3A : i32
    %sign3A = arith.constant 0 : i32
    %sign3A_0 = arith.cmpi sgt, %arg0, %sign3A : i32
    %sign3A_1 = arith.extui %sign3A_0 : i1 to i32
    %sign3A_2 = arith.constant 0 : i32
    %sign3A_3 = arith.cmpi slt, %arg0, %sign3A_2 : i32
    %sign3A_4 = arith.extui %sign3A_3 : i1 to i32
    %sign3A_5 = arith.subi %sign3A_1, %sign3A_4 : i32
    %sign3A_6 = arith.constant 0 : i32
    %sign3A_7 = arith.cmpi sgt, %jit3A, %sign3A_6 : i32
    %sign3A_8 = arith.extui %sign3A_7 : i1 to i32
    %sign3A_9 = arith.constant 0 : i32
    %sign3A_10 = arith.cmpi slt, %jit3A, %sign3A_9 : i32
    %sign3A_11 = arith.extui %sign3A_10 : i1 to i32
    %sign3A_12 = arith.subi %sign3A_8, %sign3A_11 : i32
    %ne3A = arith.cmpi ne, %sign3A_5, %sign3A_12 : i32
    %rem3A = arith.remsi %arg0, %jit3A : i32
    %ne3A_13 = arith.constant 0 : i32
    %ne3A_14 = arith.cmpi ne, %rem3A, %ne3A_13 : i32
    %and3A = arith.andi %ne3A, %ne3A_14 : i1
    %sub3A = arith.constant 1 : i32
    %sub3A_15 = arith.subi %div3A, %sub3A : i32
    %select_n3A = arith.select %and3A, %sub3A_15, %div3A : i32
    %c0_i32 = arith.constant 0 : i32
    %c0_i32_16 = arith.constant 0 : i32
    return %select_n3A, %c0_i32 : i32, i32
  }
  func.func @transform_2(%arg0: i32) -> (i32, i32) {
    %c0_i32 = arith.constant 0 : i32
    %c0_i32_0 = arith.constant 0 : i32
    %c0_i32_1 = arith.constant 0 : i32
    return %c0_i32, %c0_i32_0 : i32, i32
  }
  func.func @transform_3(%arg0: i32) -> (i32, i32) {
    %c0_i32 = arith.constant 0 : i32
    %c0_i32_0 = arith.constant 0 : i32
    return %arg0, %c0_i32 : i32, i32
  }
  func.func @transform_4(%arg0: i32) -> (i32, i32) {
    %c0_i32 = arith.constant 0 : i32
    %c0_i32_0 = arith.constant 0 : i32
    return %arg0, %c0_i32 : i32, i32
  }
}

module attributes {stable_mosaic.version = 14 : i64} {
  func.func @_norm_body(%arg0: i32, %arg1: memref<512x256xf32, #tpu.memory_space<vmem>>, %arg2: memref<512x256xf32, #tpu.memory_space<vmem>>) attributes {dimension_semantics = [#tpu.dimension_semantics<arbitrary>], iteration_bounds = array<i64: 20>, scalar_prefetch = 0 : i64, scratch_operands = 0 : i64, tpu.core_type = #tpu.core_type<tc>, window_params = [{transform_indices = @transform_0, window_bounds = array<i64: 512, 256>}, {transform_indices = @transform_1, window_bounds = array<i64: 512, 256>}]} {
    %get3A = arith.constant 0 : index
    %get3A_0 = arith.constant 0 : index
    %get3A_1 = vector.load %arg1[%get3A, %get3A_0] : memref<512x256xf32, #tpu.memory_space<vmem>>, vector<512x256xf32>
    %mul3A = arith.mulf %get3A_1, %get3A_1 : vector<512x256xf32>
    %reduce_sum3A = arith.constant dense<0.000000e+00> : vector<512xf32>
    %reduce_sum3A_2 = vector.multi_reduction <add>, %mul3A, %reduce_sum3A [1] : vector<512x256xf32> to vector<512xf32>
    %broadcast_in_dim3A = vector.shape_cast %reduce_sum3A_2 : vector<512xf32> to vector<512x1xf32>
    %sqrt3A = math.sqrt %broadcast_in_dim3A : vector<512x1xf32>
    %add3A = arith.constant 9.99999996E-13 : f32
    %add3A_3 = vector.broadcast %add3A : f32 to vector<512x1xf32>
    %add3A_4 = arith.addf %sqrt3A, %add3A_3 : vector<512x1xf32>
    %div3A = vector.broadcast %add3A_4 : vector<512x1xf32> to vector<512x256xf32>
    %div3A_5 = arith.divf %get3A_1, %div3A : vector<512x256xf32>
    %swap3A = arith.constant 0 : index
    %swap3A_6 = arith.constant 0 : index
    %swap3A_7 = vector.load %arg2[%swap3A, %swap3A_6] : memref<512x256xf32, #tpu.memory_space<vmem>>, vector<512x256xf32>
    tpu.vector_store %arg2[%swap3A, %swap3A_6], %div3A_5 {strides = array<i32>} : memref<512x256xf32, #tpu.memory_space<vmem>>, vector<512x256xf32>,
    return
  }
  func.func @transform_0(%arg0: i32) -> (i32, i32) {
    %c0_i32 = arith.constant 0 : i32
    %c0_i32_0 = arith.constant 0 : i32
    return %arg0, %c0_i32 : i32, i32
  }
  func.func @transform_1(%arg0: i32) -> (i32, i32) {
    %c0_i32 = arith.constant 0 : i32
    %c0_i32_0 = arith.constant 0 : i32
    return %arg0, %c0_i32 : i32, i32
  }
}

module attributes {stable_mosaic.version = 14 : i64} {
  func.func @_sim1_body(%arg0: i32, %arg1: i32, %arg2: memref<512x256xf32, #tpu.memory_space<vmem>>, %arg3: memref<2048x256xf32, #tpu.memory_space<vmem>>, %arg4: memref<512x2048xf32, #tpu.memory_space<vmem>>) attributes {dimension_semantics = [#tpu.dimension_semantics<arbitrary>, #tpu.dimension_semantics<arbitrary>], iteration_bounds = array<i64: 4, 4>, scalar_prefetch = 0 : i64, scratch_operands = 0 : i64, tpu.core_type = #tpu.core_type<tc>, window_params = [{transform_indices = @transform_0, window_bounds = array<i64: 512, 256>}, {transform_indices = @transform_1, window_bounds = array<i64: 2048, 256>}, {transform_indices = @transform_2, window_bounds = array<i64: 512, 2048>}]} {
    %get3A = arith.constant 0 : index
    %get3A_0 = arith.constant 0 : index
    %get3A_1 = vector.load %arg2[%get3A, %get3A_0] : memref<512x256xf32, #tpu.memory_space<vmem>>, vector<512x256xf32>
    %get3A_2 = arith.constant 0 : index
    %get3A_3 = arith.constant 0 : index
    %get3A_4 = vector.load %arg3[%get3A_2, %get3A_3] : memref<2048x256xf32, #tpu.memory_space<vmem>>, vector<2048x256xf32>
    %transpose3A = tpu.transpose %get3A_4, [1, 0] : vector<2048x256xf32> -> vector<256x2048xf32>
    %dot_general3A = arith.constant dense<0.000000e+00> : vector<512x2048xf32>
    %dot_general3A_5 = tpu.matmul %get3A_1, %transpose3A, %dot_general3A {dimension_numbers = #tpu.dot_dimension_numbers<[1], [0], [0], [1], [0, 0, 1, 1], [], []>, transpose_lhs_hint = false} : vector<512x256xf32>, vector<256x2048xf32>, vector<512x2048xf32> -> vector<512x2048xf32>
    %swap3A = arith.constant 0 : index
    %swap3A_6 = arith.constant 0 : index
    %swap3A_7 = vector.load %arg4[%swap3A, %swap3A_6] : memref<512x2048xf32, #tpu.memory_space<vmem>>, vector<512x2048xf32>
    tpu.vector_store %arg4[%swap3A, %swap3A_6], %dot_general3A_5 {strides = array<i32>} : memref<512x2048xf32, #tpu.memory_space<vmem>>, vector<512x2048xf32>,
    return
  }
  func.func @transform_0(%arg0: i32, %arg1: i32) -> (i32, i32) {
    %c0_i32 = arith.constant 0 : i32
    %c0_i32_0 = arith.constant 0 : i32
    return %arg0, %c0_i32 : i32, i32
  }
  func.func @transform_1(%arg0: i32, %arg1: i32) -> (i32, i32) {
    %c0_i32 = arith.constant 0 : i32
    %c0_i32_0 = arith.constant 0 : i32
    return %arg1, %c0_i32 : i32, i32
  }
  func.func @transform_2(%arg0: i32, %arg1: i32) -> (i32, i32) {
    %c0_i32 = arith.constant 0 : i32
    return %arg0, %arg1 : i32, i32
  }
}

module attributes {stable_mosaic.version = 14 : i64} {
  func.func @_gcn2_body(%arg0: i32, %arg1: memref<512x256xf32, #tpu.memory_space<vmem>>, %arg2: memref<512x256xf32, #tpu.memory_space<vmem>>, %arg3: memref<256x256xf32, #tpu.memory_space<vmem>>, %arg4: memref<512x256xf32, #tpu.memory_space<vmem>>) attributes {dimension_semantics = [#tpu.dimension_semantics<arbitrary>], iteration_bounds = array<i64: 20>, scalar_prefetch = 0 : i64, scratch_operands = 0 : i64, tpu.core_type = #tpu.core_type<tc>, window_params = [{transform_indices = @transform_0, window_bounds = array<i64: 512, 256>}, {transform_indices = @transform_1, window_bounds = array<i64: 512, 256>}, {pipeline_mode = #tpu.pipeline_mode<synchronous>, transform_indices = @transform_2, window_bounds = array<i64: 256, 256>}, {transform_indices = @transform_3, window_bounds = array<i64: 512, 256>}]} {
    %get3A = arith.constant 0 : index
    %get3A_0 = arith.constant 0 : index
    %get3A_1 = vector.load %arg1[%get3A, %get3A_0] : memref<512x256xf32, #tpu.memory_space<vmem>>, vector<512x256xf32>
    %get3A_2 = arith.constant 0 : index
    %get3A_3 = arith.constant 0 : index
    %get3A_4 = vector.load %arg2[%get3A_2, %get3A_3] : memref<512x256xf32, #tpu.memory_space<vmem>>, vector<512x256xf32>
    %add3A = arith.addf %get3A_4, %get3A_1 : vector<512x256xf32>
    %div3A = arith.constant 1.100000e+01 : f32
    %div3A_5 = vector.broadcast %div3A : f32 to vector<512x256xf32>
    %div3A_6 = arith.divf %add3A, %div3A_5 : vector<512x256xf32>
    %get3A_7 = arith.constant 0 : index
    %get3A_8 = arith.constant 0 : index
    %get3A_9 = vector.load %arg3[%get3A_7, %get3A_8] : memref<256x256xf32, #tpu.memory_space<vmem>>, vector<256x256xf32>
    %dot_general3A = arith.constant dense<0.000000e+00> : vector<512x256xf32>
    %dot_general3A_10 = tpu.matmul %div3A_6, %get3A_9, %dot_general3A {dimension_numbers = #tpu.dot_dimension_numbers<[1], [0], [0], [1], [0, 0, 1, 1], [], []>, transpose_lhs_hint = false} : vector<512x256xf32>, vector<256x256xf32>, vector<512x256xf32> -> vector<512x256xf32>
    %max3A = arith.constant 0.000000e+00 : f32
    %max3A_11 = vector.broadcast %max3A : f32 to vector<512x256xf32>
    %max3A_12 = arith.maximumf %dot_general3A_10, %max3A_11 : vector<512x256xf32>
    %mul3A = arith.mulf %max3A_12, %max3A_12 : vector<512x256xf32>
    %reduce_sum3A = arith.constant dense<0.000000e+00> : vector<512xf32>
    %reduce_sum3A_13 = vector.multi_reduction <add>, %mul3A, %reduce_sum3A [1] : vector<512x256xf32> to vector<512xf32>
    %broadcast_in_dim3A = vector.shape_cast %reduce_sum3A_13 : vector<512xf32> to vector<512x1xf32>
    %sqrt3A = math.sqrt %broadcast_in_dim3A : vector<512x1xf32>
    %add3A_14 = arith.constant 9.99999996E-13 : f32
    %add3A_15 = vector.broadcast %add3A_14 : f32 to vector<512x1xf32>
    %add3A_16 = arith.addf %sqrt3A, %add3A_15 : vector<512x1xf32>
    %div3A_17 = vector.broadcast %add3A_16 : vector<512x1xf32> to vector<512x256xf32>
    %div3A_18 = arith.divf %max3A_12, %div3A_17 : vector<512x256xf32>
    %swap3A = arith.constant 0 : index
    %swap3A_19 = arith.constant 0 : index
    %swap3A_20 = vector.load %arg4[%swap3A, %swap3A_19] : memref<512x256xf32, #tpu.memory_space<vmem>>, vector<512x256xf32>
    tpu.vector_store %arg4[%swap3A, %swap3A_19], %div3A_18 {strides = array<i32>} : memref<512x256xf32, #tpu.memory_space<vmem>>, vector<512x256xf32>,
    return
  }
  func.func @transform_0(%arg0: i32) -> (i32, i32) {
    %c0_i32 = arith.constant 0 : i32
    %c0_i32_0 = arith.constant 0 : i32
    return %arg0, %c0_i32 : i32, i32
  }
  func.func @transform_1(%arg0: i32) -> (i32, i32) {
    %c0_i32 = arith.constant 0 : i32
    %c0_i32_0 = arith.constant 0 : i32
    return %arg0, %c0_i32 : i32, i32
  }
  func.func @transform_2(%arg0: i32) -> (i32, i32) {
    %c0_i32 = arith.constant 0 : i32
    %c0_i32_0 = arith.constant 0 : i32
    %c0_i32_1 = arith.constant 0 : i32
    return %c0_i32, %c0_i32_0 : i32, i32
  }
  func.func @transform_3(%arg0: i32) -> (i32, i32) {
    %c0_i32 = arith.constant 0 : i32
    %c0_i32_0 = arith.constant 0 : i32
    return %arg0, %c0_i32 : i32, i32
  }
}

</mosaic_0001>

<sc_bundles>
// kernel: kernel.9.cloned.1.call-start
scs
__scs_entry_jumppad:
0x0: {  	(pc) =	sbr.rel $0x88, $3  }
0x1: {  	(tag) =	ssettag $0x0;
	lr =	simm.s32 $0x1  }
0x2: {  	[smem:$0x3F9D] =	sst lr;
	_ =	strace $0xD0000000  }
0x3: {  	_ = 	snop  }
0x4: {  	_ = 	snop  }
0x5: {  	_ = 	snop  }
0x6: {  	_ = 	snop  }
0x7: {  	_ = 	snop  }
__scs_overlays_trampoline_lowered:
0x8: {  	[smem:$0x3FAC] =	sst s0  }
0x9: {  	[smem:$0x3FAD] =	sst s1  }
0xa: {  	[smem:$0x3FAE] =	sst s2  }
0xb: {  	[smem:$0x3FAF] =	sst s3  }
0xc: {  	[smem:$0x3FB0] =	sst s4  }
0xd: {  	[smem:$0x3FB1] =	sst s5  }
0xe: {  	[smem:$0x3FB2] =	sst s6  }
0xf: {  	[smem:$0x3FB3] =	sst s7  }
0x10: {  	[smem:$0x3FB4] =	sst s8  }
0x11: {  	[smem:$0x3FB5] =	sst s9;
	s0 =	simm.s32 @!p0 $0x0  }
0x12: {  	s1 =	sld [smem:$0x3F9B];
	s0 =	simm.s32 @p0 $0x1  }
0x13: {  	[smem:$0x3FB6] =	sst s0;
	s0 =	simm.s32 @!p1 $0x0  }
0x14: {  	s2 =	sld [smem:$0x3F9A];
	s0 =	simm.s32 @p1 $0x1  }
0x15: {  	[smem:$0x3FB7] =	sst s0;
	s0 =	simm.s32 @!p2 $0x0  }
0x16: {  	s3 =	sld [smem:$0x3FDB];
	s0 =	simm.s32 @p2 $0x1  }
0x17: {  	s4 =	simm.s32 $0x1BF5;
	[smem:$0x3FB9] =	sst s0  }
0x18: {  	s0 =	sld [smem:$0x3F9C];
	_ =	swait.ge [sflag:s4], $0x0  }
0x19: {  	s7 =	sld [smem:$0x3F9D]  }
0x1a: {  	s8 =	sadd.s32 $0xFFFFE003, lr  }
0x1b: {  	s9 =	sadd.s32 $0xFFFFFEF7, lr;
	s5 =	simm.s32 $0xFFFFFFFF;
	p2 =	slt.u32 s8, $0xFFFFF086  }
0x1c: {  	p1 =	slt.u32 s9, $0xF7A;
	s5 =	simm.s32 @!p2 $0x0  }
0x1d: {  	s5 =	simm.s32 @p1 $0x1;
	p0 =	seq.s32 s7, s2  }
0x1e: {  	s7 =	smul.u32 @!p0 $0xF7A, s2;
	p2 =	seq.s32 @!p0 s5, $0x0  }
0x1f: {  	s9 =	smul.u32 $0xF7A, s1;
	s8 =	simm.s32 @!p0 $0x1BF5;
	p2 =	por !p2, p0  }
0x20: {  	[sflag:s8] =	ssyncset.s32 @!p0 $0xFFFFF086;
	s6 =	sadd.s32 @!p0 s3, s7;
	s7 =	simm.s32 @!p0 $0x108  }
0x21: {  	s3 =	sadd.s32 s3, s9;
	s6 =	sadd.s32 @!p0 $0x88, s6;
	s7 =	simm.s32 @p2 $0x1082  }
0x22: {  	[simem:s7], [sflag:s8] =	dma.local @!p0 [hbm:s6], $0xF7A  }
0x23: {  	s9 =	sor.u32 $0xD0000000, s2;
	s6 =	simm.s32 $0x108;
	_ =	swait.ge @!p0 [sflag:s8], $0x0  }
0x24: {  	s3 =	sadd.s32 $0x88, s3;
	s6 =	simm.s32 @!p1 $0x1082;
	[sflag:s4] =	ssyncset.s32 $0xFFFFF086  }
0x25: {  	[simem:s6], [sflag:s4] =	dma.local [hbm:s3], $0xF7A  }
0x26: {  	[smem:$0x3F9D] =	sst s1;
	(tag) =	ssettag s2;
	_ =	strace s9  }
0x27: {  	s1 =	sld [smem:$0x3FAD]  }
0x28: {  	s2 =	sld [smem:$0x3FAE]  }
0x29: {  	s4 =	sld [smem:$0x3FB0]  }
0x2a: {  	p0 =	seq.s32 s5, $0x0;
	s5 =	sld [smem:$0x3FB1]  }
0x2b: {  	s6 =	sld [smem:$0x3FB2]  }
0x2c: {  	s7 =	sld [smem:$0x3FB3]  }
0x2d: {  	s3 =	simm.s32 $0x108;
	s8 =	sld [smem:$0x3FB4]  }
0x2e: {  	s3 =	simm.s32 @!p0 $0x1082;
	s9 =	sld [smem:$0x3FB5]  }
0x2f: {  	lr =	sadd.s32 s0, s3;
	s0 =	sld [smem:$0x3FAC]  }
0x30: {  	s3 =	sld [smem:$0x3FAF]  }
0x31: {  	[smem:$0x3FB8] =	sst s10  }
0x32: {  	s10 =	sld [smem:$0x3FB6];
	_ =	sdelay $0x3  }
0x33: {  	p0 =	seq.s32 s10, $0x1;
	s10 =	sld [smem:$0x3FB8];
	_ =	sdelay $0x3  }
0x34: {  	[smem:$0x3FB8] =	sst s10  }
0x35: {  	s10 =	sld [smem:$0x3FB7];
	_ =	sdelay $0x3  }
0x36: {  	p1 =	seq.s32 s10, $0x1;
	s10 =	sld [smem:$0x3FB8];
	_ =	sdelay $0x3  }
0x37: {  	[smem:$0x3FB8] =	sst s10  }
0x38: {  	s10 =	sld [smem:$0x3FB9]  }
0x39: {  	_ = 	snop;
	(pc) =	sbr.ind lr, $3  }
0x3a: {  	_ = 	snop  }
0x3b: {  	_ = 	snop  }
0x3c: {  	p2 =	seq.s32 s10, $0x1;
	s10 =	sld [smem:$0x3FB8]  }
0x3d: {  	_ =	shalt  }
0x3e: {  	_ =	shalt  }
0x3f: {  	_ =	shalt  }
0x40: {  	_ =	shalt  }
0x41: {  	_ =	shalt  }
0x42: {  	_ =	shalt  }
0x43: {  	_ =	shalt  }
0x44: {  	_ =	shalt  }
0x45: {  	_ =	shalt  }
0x46: {  	_ =	shalt  }
0x47: {  	_ =	shalt  }
0x48: {  	_ =	shalt  }
0x49: {  	_ =	shalt  }
0x4a: {  	_ =	shalt  }
0x4b: {  	_ =	shalt  }
0x4c: {  	_ =	shalt  }
0x4d: {  	_ =	shalt  }
0x4e: {  	_ =	shalt  }
0x4f: {  	_ =	shalt  }
0x50: {  	_ =	shalt  }
0x51: {  	_ =	shalt  }
0x52: {  	_ =	shalt  }
0x53: {  	_ =	shalt  }
0x54: {  	_ =	shalt  }
0x55: {  	_ =	shalt  }
0x56: {  	_ =	shalt  }
0x57: {  	_ =	shalt  }
0x58: {  	_ =	shalt  }
0x59: {  	_ =	shalt  }
0x5a: {  	_ =	shalt  }
0x5b: {  	_ =	shalt  }
0x5c: {  	_ =	shalt  }
0x5d: {  	_ =	shalt  }
0x5e: {  	_ =	shalt  }
0x5f: {  	_ =	shalt  }
0x60: {  	_ =	shalt  }
0x61: {  	_ =	shalt  }
0x62: {  	_ =	shalt  }
0x63: {  	_ =	shalt  }
0x64: {  	_ =	shalt  }
0x65: {  	_ =	shalt  }
0x66: {  	_ =	shalt  }
0x67: {  	_ =	shalt  }
0x68: {  	_ =	shalt  }
0x69: {  	_ =	shalt  }
0x6a: {  	_ =	shalt  }
0x6b: {  	_ =	shalt  }
0x6c: {  	_ =	shalt  }
0x6d: {  	_ =	shalt  }
0x6e: {  	_ =	shalt  }
0x6f: {  	_ =	shalt  }
0x70: {  	_ =	shalt  }
0x71: {  	_ =	shalt  }
0x72: {  	_ =	shalt  }
0x73: {  	_ =	shalt  }
0x74: {  	_ =	shalt  }
0x75: {  	_ =	shalt  }
0x76: {  	_ =	shalt  }
0x77: {  	_ =	shalt  }
0x78: {  	_ =	shalt  }
0x79: {  	_ =	shalt  }
0x7a: {  	_ =	shalt  }
0x7b: {  	_ =	shalt  }
0x7c: {  	_ =	shalt  }
0x7d: {  	_ =	shalt  }
0x7e: {  	_ =	shalt  }
0x7f: {  	_ =	shalt  }
0x80: {  	_ =	shalt  }
0x81: {  	_ =	shalt  }
0x82: {  	_ =	shalt  }
0x83: {  	_ =	shalt  }
0x84: {  	_ =	shalt  }
0x85: {  	_ =	shalt  }
0x86: {  	_ =	shalt  }
0x87: {  	_ =	shalt  }
.Lfunc_end0:
.L_simem_size_0:
called_computation_lowered:
.L_overlay_start_0:
0x88: {  	s2 =	sld [smem:$0x3FD9]  }
0x89: {  	s3 =	sld [smem:$0x3FFE];
	_ =	sdelay $0x1  }
0x8a: {  	s1 =	srdreg.scid  }
0x8b: {  	s0 =	sand.u32 $0x1, s1  }
0x8c: {  	s14 =	sshll.u32 s0, $0xA;
	s2 =	sadd.s32 s3, s2  }
0x8d: {  	s2 =	sadd.s32 s2, s14  }
0x8e: {  	[smem:$0x3FC4] =	sst s2  }
0x8f: {  	_ = 	snop  }
0x90: {  	s2 =	sld [smem:$0x3FD0];
	_ =	sdelay $0x2  }
0x91: {  	s15 =	simm.s32 $0xA;
	s4 =	simm.s32 $0x10  }
0x92: {  	[smem:s4], [sflag:s15] =	dma.local [hbm:s2], $0x1  }
0x93: {  	_ =	swait.eq [sflag:s15], $0x1  }
0x94: {  	[sflag:s15] =	ssyncset.done $0x0  }
0x95: {  	[sflag:s15] =	ssyncadd.s32 $0xFFFFFFFF  }
0x96: {  	s16 =	sld [smem:$0x11];
	(tm) =	ssettm $0x1  }
0x97: {  	s17 =	sld [smem:$0x3FFB];
	_ =	sdelay $0x3  }
0x98: {  	_ =	strace s17  }
0x99: {  	s3 =	sld [smem:$0x3FFC];
	_ =	sdelay $0x3  }
0x9a: {  	_ =	strace s3  }
0x9b: {  	s3 =	sld [smem:$0x3FFD];
	_ =	sdelay $0x3  }
0x9c: {  	_ =	strace s3  }
0x9d: {  	_ =	strace $0x8FFFFFFF  }
0x9e: {  	s18 =	sld [smem:$0x3FDB];
	_ =	sdelay $0x1  }
0x9f: {  	s19 =	simm.s32 $_scs_section_size  }
0xa0: {  	s5 =	simm.s32 $_size__tile_overlayer_lowered;
	s6 =	simm.s32 $_tile_overlayer_lowered  }
0xa1: {  	s22 =	simm.s32 $0x1BFF;
	s21 =	sshll.u32 s6, $0x1;
	s3 =	sadd.s32 s19, s18  }
0xa2: {  	s7 =	simm.s32 $0x0;
	s20 =	sshll.u32 s5, $0x1;
	s5 =	sadd.s32 s21, s3  }
0xa3: {  	[timem:s7], [sflag:s22] =	dma.local [hbm:s5], s20  }
0xa4: {  	_ =	swait.ge [sflag:s22], s20  }
0xa5: {  	s4 =	ssub.s32 $0x0, s20;
	[sflag:s22] =	ssyncset.done $0x0  }
0xa6: {  	[sflag:s22] =	ssyncadd.s32 s4;
	_ =	sdelay $0x1  }
0xa7: {  	s23 =	simm.s32 $0x1B8B  }
0xa8: {  	_ =	swait.ge [sflag:s23], $0x1  }
0xa9: {  	[sflag:s23] =	ssyncset.done $0x0  }
0xaa: {  	s25 =	simm.s32 $0x1B8E;
	s24 =	sld [smem:$0x3FFE];
	[sflag:s23] =	ssyncadd.s32 $0xFFFFFFFF  }
0xab: {  	s26 =	simm.s32 $execute0_lowered;
	[smem:$0x3FD2] =	sst s25  }
0xac: {  	s5 =	sshll.u32 s26, $0x1;
	_ =	strace $0x80000046;
	[dreg:$0x1] =	wrdreg $0xFFFFFFFF  }
0xad: {  	s28 =	simm.s32 $_size_execute0_lowered;
	s3 =	sadd.s32 s3, s5;
	[dreg:$0x0] =	wrdreg $0x0  }
0xae: {  	s5 =	sshll.u32 s28, $0x1;
	[dreg:$0x2] =	wrdreg s3  }
0xaf: {  	[dreg:$0x3] =	wrdreg s5  }
0xb0: {  	[dreg:$0x4] =	wrdreg $0xC0  }
0xb1: {  	_ =	task [dreg:s7], $0x5FFFF  }
0xb2: {  	[dreg:$0x1] =	wrdreg $0xFFFFFFFF  }
0xb3: {  	[dreg:$0x0] =	wrdreg $0x60  }
0xb4: {  	[dreg:$0x2] =	wrdreg s16  }
0xb5: {  	[dreg:$0x3] =	wrdreg s24  }
0xb6: {  	[dreg:$0x4] =	wrdreg $0x9  }
0xb7: {  	_ =	task.clear_ibuf [dreg:s7], $0x5FFFF;
	_ =	strace $0x90000046  }
0xb8: {  	s29 =	simm.s32 $0x9;
	_ =	strace $0x80000048  }
0xb9: {  	_ =	swait.ge [sflag:s29], $0x1  }
0xba: {  	[sflag:s29] =	ssyncadd.s32 $0xFFFFFFFF  }
0xbb: {  	_ =	strace $0x90000048  }
0xbc: {  	_ =	sfence  }
0xbd: {  	s30 =	sld [smem:$0x0];
	_ =	sdelay $0x2  }
0xbe: {  	s31 =	sshll.u32 s1, $0xD;
	s1 =	sshrl.u32 s1, $0x2  }
0xbf: {  	s3 =	sand.u32 $0x4000, s31;
	s1 =	sadd.s32 s1, s30  }
0xc0: {  	s0 =	sor.u32 s3, s0;
	s1 =	sshll.u32 s1, $0x11  }
0xc1: {  	s0 =	sor.u32 s1, s0  }
0xc2: {  	s0 =	sadd.s32 $0x8F2B, s0  }
0xc3: {  	[sflag:s0] =	ssyncadd.remote.s32 $0x1  }
0xc4: {  	_ =	sfence.sel $0xFFFF  }
0xc5: {  	[dreg:$0x0] =	wrdreg $0xFFFFFFFF;
	(pc) =	sbr.abs _section_cstart, $3  }
0xc6: {  	[dreg:$0x1] =	wrdreg $0xFFFFFFFF  }
0xc7: {  	_ =	task.clear_ibuf [dreg:s7], $0x2FFFF;
	_ =	strace $0x9FFFFFFF  }
0xc8: {  	(tm) =	ssettm $0x7FFFFFFF  }
0xc9: {  	_ =	shalt  }
tec
execute0_lowered:
.L_overlay_start_1:
0x0: {  	(tag) =	ssettag $0x1  }
0x1: {  	s2 =	rddreg [dreg:$0x0]  }
0x2: {  	s0 =	srdreg.scid;
	s3 =	stileid.u32  }
0x3: {  	s1 =	rddreg [dreg:$0x1];
	s9 =	simm.s32 $0x3;
	s20 =	simm.s32 $0x1  }
0x4: {  	s28 =	simm.s32 $0x8C80;
	s29 =	simm.s32 $0x9480;
	s30 =	simm.s32 $0x9C80  }
0x5: {  	s31 =	simm.s32 $0xA480;
	s0 =	sand.u32 $0x1, s0;
	s4 =	sshll.u32 s3, $0x1  }
0x6: {  	s8 =	simm.s32 $0x0;
	s3 =	simm.s32 $0x0;
	s5 =	sor.u32 s0, s4  }
0x7: {  	[smem:$0x7FF] =	sst s3;
	s0 =	ssub.s32 $0x2, s0;
	s4 =	smul.u32 $0x190, s5  }
0x8: {  	_ =	strace $0x80000047;
	s25 =	sshrl.u32 s0, $0x1;
	s7 =	smul.u32 $0x28, s5  }
0x9: {  	s0 =	ssub.s32 s0, s25;
	s25 =	simm.s32 $0x7C80;
	s6 =	sadd.s32 s4, s1  }
0xa: {  	v2 =	vlaneseq.u32;
	s4 =	sadd.s32 $0x4800, s1;
	s0 =	smax.u32 s0, $0x1;
	s1 =	simm.s32 $0xAC80  }
0xb: {  	vm0 =	vmmov $0xffff;
	v1 =	vshrl.u32 v2, $0x3;
	s26 =	sadd.s32 $0x1600, s6;
	s6 =	smul.u32 $0x14000, s5;
	[dreg:$0x4] =	wrdreg s0  }
0xc: {  	v0 =	vand.u32 $0x7, v2;
	v2 =	vor.u32 $0x8, v2;
	v1 =	vmul.u32 $0x8, v1;
	s0 =	simm.s32 $0x2;
	[dreg:$0x3] =	wrdreg s26;
	s26 =	simm.s32 $0x8480  }
.LBB2_1:
0xd: {  	[dreg:$0x5] =	wrdreg s8  }
0xe: {  	s5 =	rddreg [dreg:$0x3]  }
0xf: {  	[tilespmem:s3], [sflag:$0x3] =	stream.linear.gather [hbm4b:s5+s3], $0xC80, $0x38;
	[tilespmem:$0xB480] =	vst v63  }
0x10: {  	_ =	swait.ge [sflag:s9], $0xC80  }
0x11: {  	[sflag:s9] =	ssyncset.done $0x0  }
0x12: {  	[sflag:s9] =	ssyncadd.s32 $0xFFFFF380  }
0x13: {  	v3 =	vld [tilespmem:$0x0];
	_ =	sdelay $0x4  }
0x14: {  	v4 =	vshll.u32 v3, $0x1  }
0x15: {  	v3 =	vand.u32 $0x7, v3;
	v4 =	vand.u32 $0xFFFFFFF0, v4  }
0x16: {  	v3 =	vor.u32 v3, v4  }
0x17: {  	v4 =	vperm.xlane v3, v0;
	_ =	sdelay $0x1  }
0x18: {  	v3 =	vperm.xlane v3, v2;
	v4 =	vadd.s32 v1, v4;
	_ =	sdelay $0x1  }
0x19: {  	v3 =	vadd.s32 v1, v3;
	_ =	sdelay $0x1  }
0x1a: {  	s14 =	simm.s32 $0xC80  }
0x1b: {  	[tilespmem:s14], [sflag:$0x1] =	stream.indirect_vreg.gather [hbm4b:s2+s3], $0x80, v4, vm0, $0xb8;
	[tilespmem:$0xB480] =	vst v63  }
0x1c: {  	s15 =	simm.s32 $0x1480  }
0x1d: {  	[tilespmem:s15], [sflag:$0x1] =	stream.indirect_vreg.gather [hbm4b:s2+s3], $0x80, v3, vm0, $0xb8;
	[tilespmem:$0xB480] =	vst v63  }
0x1e: {  	v3 =	vld [tilespmem:$0x10];
	_ =	sdelay $0x4  }
0x1f: {  	v60 =	vshll.u32 v3, $0x1  }
0x20: {  	v3 =	vand.u32 $0x7, v3;
	v4 =	vand.u32 $0xFFFFFFF0, v60  }
0x21: {  	v3 =	vor.u32 v3, v4  }
0x22: {  	v4 =	vperm.xlane v3, v0;
	_ =	sdelay $0x1  }
0x23: {  	v3 =	vperm.xlane v3, v2;
	v4 =	vadd.s32 v1, v4;
	_ =	sdelay $0x1  }
0x24: {  	v3 =	vadd.s32 v1, v3;
	_ =	sdelay $0x1  }
0x25: {  	s16 =	simm.s32 $0x1C80  }
0x26: {  	[tilespmem:s16], [sflag:$0x1] =	stream.indirect_vreg.gather [hbm4b:s2+s3], $0x80, v4, vm0, $0xb8;
	[tilespmem:$0xB480] =	vst v63  }
0x27: {  	s17 =	simm.s32 $0x2480  }
0x28: {  	[tilespmem:s17], [sflag:$0x1] =	stream.indirect_vreg.gather [hbm4b:s2+s3], $0x80, v3, vm0, $0xb8;
	[tilespmem:$0xB480] =	vst v63  }
0x29: {  	v3 =	vld [tilespmem:$0x20];
	_ =	sdelay $0x4  }
0x2a: {  	v61 =	vshll.u32 v3, $0x1  }
0x2b: {  	v3 =	vand.u32 $0x7, v3;
	v4 =	vand.u32 $0xFFFFFFF0, v61  }
0x2c: {  	v3 =	vor.u32 v3, v4  }
0x2d: {  	v4 =	vperm.xlane v3, v0;
	_ =	sdelay $0x1  }
0x2e: {  	v3 =	vperm.xlane v3, v2;
	v4 =	vadd.s32 v1, v4;
	_ =	sdelay $0x1  }
0x2f: {  	v3 =	vadd.s32 v1, v3;
	_ =	sdelay $0x1  }
0x30: {  	s18 =	simm.s32 $0x2C80  }
0x31: {  	[tilespmem:s18], [sflag:$0x1] =	stream.indirect_vreg.gather [hbm4b:s2+s3], $0x80, v4, vm0, $0xb8;
	[tilespmem:$0xB480] =	vst v63  }
0x32: {  	s19 =	simm.s32 $0x3480  }
0x33: {  	[tilespmem:s19], [sflag:$0x1] =	stream.indirect_vreg.gather [hbm4b:s2+s3], $0x80, v3, vm0, $0xb8;
	[tilespmem:$0xB480] =	vst v63  }
0x34: {  	v3 =	vld [tilespmem:$0x30];
	_ =	sdelay $0x4  }
0x35: {  	v62 =	vshll.u32 v3, $0x1  }
0x36: {  	v3 =	vand.u32 $0x7, v3;
	v4 =	vand.u32 $0xFFFFFFF0, v62  }
0x37: {  	v3 =	vor.u32 v3, v4  }
0x38: {  	v4 =	vperm.xlane v3, v0;
	_ =	sdelay $0x1  }
0x39: {  	v3 =	vperm.xlane v3, v2;
	v4 =	vadd.s32 v1, v4;
	_ =	sdelay $0x1  }
0x3a: {  	v3 =	vadd.s32 v1, v3;
	_ =	sdelay $0x1  }
0x3b: {  	s21 =	simm.s32 $0x3C80  }
0x3c: {  	[tilespmem:s21], [sflag:$0x1] =	stream.indirect_vreg.gather [hbm4b:s2+s3], $0x80, v4, vm0, $0xb8;
	[tilespmem:$0xB480] =	vst v63  }
0x3d: {  	s22 =	simm.s32 $0x4480  }
0x3e: {  	[tilespmem:s22], [sflag:$0x1] =	stream.indirect_vreg.gather [hbm4b:s2+s3], $0x80, v3, vm0, $0xb8;
	[tilespmem:$0xB480] =	vst v63  }
0x3f: {  	v3 =	vld [tilespmem:$0x40];
	_ =	sdelay $0x4  }
0x40: {  	v63 =	vshll.u32 v3, $0x1  }
0x41: {  	v3 =	vand.u32 $0x7, v3;
	v4 =	vand.u32 $0xFFFFFFF0, v63  }
0x42: {  	v3 =	vor.u32 v3, v4  }
0x43: {  	v4 =	vperm.xlane v3, v0;
	_ =	sdelay $0x1  }
0x44: {  	v3 =	vperm.xlane v3, v2;
	v4 =	vadd.s32 v1, v4;
	_ =	sdelay $0x1  }
0x45: {  	v3 =	vadd.s32 v1, v3;
	_ =	sdelay $0x1  }
0x46: {  	s23 =	simm.s32 $0x4C80  }
0x47: {  	[tilespmem:s23], [sflag:$0x1] =	stream.indirect_vreg.gather [hbm4b:s2+s3], $0x80, v4, vm0, $0xb8;
	[tilespmem:$0xB480] =	vst v63  }
0x48: {  	s24 =	simm.s32 $0x5480;
	s8 =	simm.s32 $0x0  }
0x49: {  	[tilespmem:s24], [sflag:$0x1] =	stream.indirect_vreg.gather [hbm4b:s2+s3], $0x80, v3, vm0, $0xb8;
	[tilespmem:$0xB480] =	vst v63  }
.LBB2_2:
0x4a: {  	s5 =	sshllo.u32 s8, $0x1  }
0x4b: {  	_ =	swait.ge [sflag:s20], $0x5000;
	s10 =	smul.u32 $0x140, s5  }
0x4c: {  	[sflag:s20] =	ssyncset.done $0x0  }
0x4d: {  	[sflag:s20] =	ssyncadd.s32 $0xFFFFB000;
	s11 =	sshra.s32 s10, $0x2  }
0x4e: {  	v3 =	vld [tilespmem:s11+$0x0];
	_ =	sdelay $0x4  }
0x4f: {  	v4 =	vshll.u32 v3, $0x1  }
0x50: {  	v3 =	vand.u32 $0x7, v3;
	v4 =	vand.u32 $0xFFFFFFF0, v4  }
0x51: {  	v3 =	vor.u32 v3, v4  }
0x52: {  	v4 =	vperm.xlane v3, v0;
	_ =	sdelay $0x1  }
0x53: {  	v3 =	vperm.xlane v3, v2;
	v4 =	vadd.s32 v1, v4;
	_ =	sdelay $0x1  }
0x54: {  	v3 =	vadd.s32 v1, v3;
	_ =	sdelay $0x1  }
0x55: {  	s12 =	simm.s32 $0x5C80;
	s10 =	simm.s32 $0x0  }
0x56: {  	[tilespmem:s12], [sflag:$0x2] =	stream.indirect_vreg.gather [hbm4b:s2+s10], $0x80, v4, vm0, $0xb8;
	[tilespmem:$0xB480] =	vst v63  }
0x57: {  	s14 =	simm.s32 $0x6480  }
0x58: {  	[tilespmem:s14], [sflag:$0x2] =	stream.indirect_vreg.gather [hbm4b:s2+s10], $0x80, v3, vm0, $0xb8;
	[tilespmem:$0xB480] =	vst v63  }
0x59: {  	v3 =	vld [tilespmem:s11+$0x10];
	_ =	sdelay $0x4  }
0x5a: {  	v4 =	vshll.u32 v3, $0x1  }
0x5b: {  	v3 =	vand.u32 $0x7, v3;
	v4 =	vand.u32 $0xFFFFFFF0, v4  }
0x5c: {  	v3 =	vor.u32 v3, v4  }
0x5d: {  	v4 =	vperm.xlane v3, v0;
	_ =	sdelay $0x1  }
0x5e: {  	v3 =	vperm.xlane v3, v2;
	v4 =	vadd.s32 v1, v4;
	_ =	sdelay $0x1  }
0x5f: {  	v3 =	vadd.s32 v1, v3;
	_ =	sdelay $0x1  }
0x60: {  	s15 =	simm.s32 $0x6C80  }
0x61: {  	[tilespmem:s15], [sflag:$0x2] =	stream.indirect_vreg.gather [hbm4b:s2+s10], $0x80, v4, vm0, $0xb8;
	[tilespmem:$0xB480] =	vst v63  }
0x62: {  	s16 =	simm.s32 $0x7480  }
0x63: {  	[tilespmem:s16], [sflag:$0x2] =	stream.indirect_vreg.gather [hbm4b:s2+s10], $0x80, v3, vm0, $0xb8;
	[tilespmem:$0xB480] =	vst v63  }
0x64: {  	v3 =	vld [tilespmem:s11+$0x20];
	_ =	sdelay $0x4  }
0x65: {  	v4 =	vshll.u32 v3, $0x1  }
0x66: {  	v3 =	vand.u32 $0x7, v3;
	v4 =	vand.u32 $0xFFFFFFF0, v4  }
0x67: {  	v3 =	vor.u32 v3, v4  }
0x68: {  	v4 =	vperm.xlane v3, v0;
	_ =	sdelay $0x1  }
0x69: {  	v3 =	vperm.xlane v3, v2;
	v4 =	vadd.s32 v1, v4;
	_ =	sdelay $0x1  }
0x6a: {  	v3 =	vadd.s32 v1, v3;
	_ =	sdelay $0x2  }
0x6b: {  	[tilespmem:s25], [sflag:$0x2] =	stream.indirect_vreg.gather [hbm4b:s2+s10], $0x80, v4, vm0, $0xb8;
	[tilespmem:$0xB480] =	vst v63  }
0x6c: {  	_ = 	snop  }
0x6d: {  	[tilespmem:s26], [sflag:$0x2] =	stream.indirect_vreg.gather [hbm4b:s2+s10], $0x80, v3, vm0, $0xb8;
	[tilespmem:$0xB480] =	vst v63  }
0x6e: {  	v3 =	vld [tilespmem:s11+$0x30];
	_ =	sdelay $0x4  }
0x6f: {  	v4 =	vshll.u32 v3, $0x1  }
0x70: {  	v3 =	vand.u32 $0x7, v3;
	v4 =	vand.u32 $0xFFFFFFF0, v4  }
0x71: {  	v3 =	vor.u32 v3, v4  }
0x72: {  	v4 =	vperm.xlane v3, v0;
	_ =	sdelay $0x1  }
0x73: {  	v3 =	vperm.xlane v3, v2;
	v4 =	vadd.s32 v1, v4;
	_ =	sdelay $0x1  }
0x74: {  	v3 =	vadd.s32 v1, v3;
	_ =	sdelay $0x2  }
0x75: {  	[tilespmem:s28], [sflag:$0x2] =	stream.indirect_vreg.gather [hbm4b:s2+s10], $0x80, v4, vm0, $0xb8;
	[tilespmem:$0xB480] =	vst v63  }
0x76: {  	_ = 	snop  }
0x77: {  	[tilespmem:s29], [sflag:$0x2] =	stream.indirect_vreg.gather [hbm4b:s2+s10], $0x80, v3, vm0, $0xb8;
	[tilespmem:$0xB480] =	vst v63  }
0x78: {  	v3 =	vld [tilespmem:s11+$0x40];
	_ =	sdelay $0x4  }
0x79: {  	v4 =	vshll.u32 v3, $0x1  }
0x7a: {  	v3 =	vand.u32 $0x7, v3;
	v4 =	vand.u32 $0xFFFFFFF0, v4  }
0x7b: {  	v3 =	vor.u32 v3, v4  }
0x7c: {  	v4 =	vperm.xlane v3, v0;
	_ =	sdelay $0x1  }
0x7d: {  	v3 =	vperm.xlane v3, v2;
	v4 =	vadd.s32 v1, v4;
	_ =	sdelay $0x1  }
0x7e: {  	v3 =	vadd.s32 v1, v3;
	_ =	sdelay $0x1  }
0x7f: {  	s17 =	sand.u32 $0x7800, s10;
	s18 =	sand.u32 $0x300, s10  }
0x80: {  	[tilespmem:s30], [sflag:$0x2] =	stream.indirect_vreg.gather [hbm4b:s2+s10], $0x80, v4, vm0, $0xb8;
	[tilespmem:$0xB480] =	vst v63  }
0x81: {  	s11 =	sor.u32 s18, s17  }
0x82: {  	[tilespmem:s31], [sflag:$0x2] =	stream.indirect_vreg.gather [hbm4b:s2+s10], $0x80, v3, vm0, $0xb8;
	[tilespmem:$0xB480] =	vst v63  }
0x83: {  	s19 =	simm.s32 $0x200;
	s13 =	simm.s32 $0x100;
	v3 =	vld [tilespmem:s11+$0xC80]  }
0x84: {  	s13 =	sand.u32 $0x300, s13;
	s12 =	sand.u32 $0xF800, s19;
	v4 =	vld [tilespmem:s11+$0xD00]  }
0x85: {  	s21 =	simm.s32 $0x300;
	s22 =	simm.s32 $0x180;
	s16 =	sor.u32 s13, s12  }
0x86: {  	s12 =	sand.u32 $0xF800, s21;
	s13 =	sand.u32 $0x380, s22;
	v5 =	vld [tilespmem:s16+$0xC80]  }
0x87: {  	s23 =	simm.s32 $0x400;
	s24 =	simm.s32 $0x200;
	s17 =	sor.u32 s13, s12  }
0x88: {  	s12 =	sand.u32 $0xF800, s23;
	s13 =	sand.u32 $0x300, s24;
	v6 =	vld [tilespmem:s17+$0xC80]  }
0x89: {  	s14 =	simm.s32 $0x280;
	s18 =	sor.u32 s13, s12;
	s13 =	simm.s32 $0x500;
	v3 =	vadd.f32 v4, v3  }
0x8a: {  	s12 =	sand.u32 $0xF800, s13;
	s13 =	sand.u32 $0x380, s14;
	v4 =	vld [tilespmem:s18+$0xC80]  }
0x8b: {  	s15 =	simm.s32 $0x600;
	s21 =	simm.s32 $0x300;
	s19 =	sor.u32 s13, s12;
	v3 =	vadd.f32 v5, v3  }
0x8c: {  	s12 =	sand.u32 $0xF800, s15;
	s13 =	sand.u32 $0x300, s21;
	v5 =	vld [tilespmem:s19+$0xC80]  }
0x8d: {  	s22 =	simm.s32 $0x700;
	s23 =	simm.s32 $0x380;
	s21 =	sor.u32 s13, s12;
	v3 =	vadd.f32 v6, v3  }
0x8e: {  	s12 =	sand.u32 $0xF800, s22;
	s13 =	sand.u32 $0x380, s23;
	v6 =	vld [tilespmem:s21+$0xC80]  }
0x8f: {  	s14 =	sor.u32 s13, s12;
	v3 =	vadd.f32 v4, v3  }
0x90: {  	v4 =	vld [tilespmem:s14+$0xC80]  }
0x91: {  	s24 =	simm.s32 $0x900;
	s12 =	simm.s32 $0x480;
	v3 =	vadd.f32 v5, v3  }
0x92: {  	s13 =	sand.u32 $0xF800, s24;
	s15 =	sand.u32 $0x380, s12;
	v5 =	vld [tilespmem:s11+$0x1480]  }
0x93: {  	s15 =	sor.u32 s15, s13;
	v3 =	vadd.f32 v6, v3  }
0x94: {  	v6 =	vld [tilespmem:s15+$0xC80]  }
0x95: {  	v3 =	vadd.f32 v4, v3;
	_ =	sdelay $0x1  }
0x96: {  	v3 =	vadd.f32 v5, v3;
	_ =	sdelay $0x1  }
0x97: {  	v3 =	vadd.f32 v6, v3  }
0x98: {  	s13 =	simm.s32 $0xB080  }
0x99: {  	[tilespmem:s13+$0xFFFFFC00] =	vst v3  }
0x9a: {  	v3 =	vld [tilespmem:s11+$0xC90]  }
0x9b: {  	v4 =	vld [tilespmem:s11+$0xD10];
	_ =	sdelay $0x1  }
0x9c: {  	v5 =	vld [tilespmem:s16+$0xC90];
	_ =	sdelay $0x1  }
0x9d: {  	v6 =	vld [tilespmem:s17+$0xC90]  }
0x9e: {  	v3 =	vadd.f32 v4, v3  }
0x9f: {  	v4 =	vld [tilespmem:s18+$0xC90]  }
0xa0: {  	v3 =	vadd.f32 v5, v3  }
0xa1: {  	v5 =	vld [tilespmem:s19+$0xC90]  }
0xa2: {  	v3 =	vadd.f32 v6, v3  }
0xa3: {  	v6 =	vld [tilespmem:s21+$0xC90]  }
0xa4: {  	v3 =	vadd.f32 v4, v3  }
0xa5: {  	v4 =	vld [tilespmem:s14+$0xC90]  }
0xa6: {  	v3 =	vadd.f32 v5, v3  }
0xa7: {  	v5 =	vld [tilespmem:s11+$0x1490]  }
0xa8: {  	v3 =	vadd.f32 v6, v3  }
0xa9: {  	v6 =	vld [tilespmem:s15+$0xC90]  }
0xaa: {  	v3 =	vadd.f32 v4, v3;
	_ =	sdelay $0x1  }
0xab: {  	v3 =	vadd.f32 v5, v3;
	_ =	sdelay $0x1  }
0xac: {  	v3 =	vadd.f32 v6, v3;
	_ =	sdelay $0x1  }
0xad: {  	[tilespmem:s13+$0xFFFFFC10] =	vst v3  }
0xae: {  	v3 =	vld [tilespmem:s11+$0xCA0]  }
0xaf: {  	v4 =	vld [tilespmem:s11+$0xD20];
	_ =	sdelay $0x1  }
0xb0: {  	v5 =	vld [tilespmem:s16+$0xCA0];
	_ =	sdelay $0x1  }
0xb1: {  	v6 =	vld [tilespmem:s17+$0xCA0]  }
0xb2: {  	v3 =	vadd.f32 v4, v3  }
0xb3: {  	v4 =	vld [tilespmem:s18+$0xCA0]  }
0xb4: {  	v3 =	vadd.f32 v5, v3  }
0xb5: {  	v5 =	vld [tilespmem:s19+$0xCA0]  }
0xb6: {  	v3 =	vadd.f32 v6, v3  }
0xb7: {  	v6 =	vld [tilespmem:s21+$0xCA0]  }
0xb8: {  	v3 =	vadd.f32 v4, v3  }
0xb9: {  	v4 =	vld [tilespmem:s14+$0xCA0]  }
0xba: {  	v3 =	vadd.f32 v5, v3  }
0xbb: {  	v5 =	vld [tilespmem:s11+$0x14A0]  }
0xbc: {  	v3 =	vadd.f32 v6, v3  }
0xbd: {  	v6 =	vld [tilespmem:s15+$0xCA0]  }
0xbe: {  	v3 =	vadd.f32 v4, v3;
	_ =	sdelay $0x1  }
0xbf: {  	v3 =	vadd.f32 v5, v3;
	_ =	sdelay $0x1  }
0xc0: {  	v3 =	vadd.f32 v6, v3;
	_ =	sdelay $0x1  }
0xc1: {  	[tilespmem:s13+$0xFFFFFC20] =	vst v3  }
0xc2: {  	v3 =	vld [tilespmem:s11+$0xCB0]  }
0xc3: {  	v4 =	vld [tilespmem:s11+$0xD30];
	_ =	sdelay $0x1  }
0xc4: {  	v5 =	vld [tilespmem:s16+$0xCB0];
	_ =	sdelay $0x1  }
0xc5: {  	v6 =	vld [tilespmem:s17+$0xCB0]  }
0xc6: {  	v3 =	vadd.f32 v4, v3  }
0xc7: {  	v4 =	vld [tilespmem:s18+$0xCB0]  }
0xc8: {  	v3 =	vadd.f32 v5, v3  }
0xc9: {  	v5 =	vld [tilespmem:s19+$0xCB0]  }
0xca: {  	v3 =	vadd.f32 v6, v3  }
0xcb: {  	v6 =	vld [tilespmem:s21+$0xCB0]  }
0xcc: {  	v3 =	vadd.f32 v4, v3  }
0xcd: {  	v4 =	vld [tilespmem:s14+$0xCB0]  }
0xce: {  	v3 =	vadd.f32 v5, v3  }
0xcf: {  	v5 =	vld [tilespmem:s11+$0x14B0]  }
0xd0: {  	v3 =	vadd.f32 v6, v3  }
0xd1: {  	v6 =	vld [tilespmem:s15+$0xCB0]  }
0xd2: {  	v3 =	vadd.f32 v4, v3;
	_ =	sdelay $0x1  }
0xd3: {  	v3 =	vadd.f32 v5, v3;
	_ =	sdelay $0x1  }
0xd4: {  	v3 =	vadd.f32 v6, v3;
	_ =	sdelay $0x1  }
0xd5: {  	[tilespmem:s13+$0xFFFFFC30] =	vst v3  }
0xd6: {  	v3 =	vld [tilespmem:s11+$0xCC0]  }
0xd7: {  	v4 =	vld [tilespmem:s11+$0xD40];
	_ =	sdelay $0x1  }
0xd8: {  	v5 =	vld [tilespmem:s16+$0xCC0];
	_ =	sdelay $0x1  }
0xd9: {  	v6 =	vld [tilespmem:s17+$0xCC0]  }
0xda: {  	v3 =	vadd.f32 v4, v3  }
0xdb: {  	v4 =	vld [tilespmem:s18+$0xCC0]  }
0xdc: {  	v3 =	vadd.f32 v5, v3  }
0xdd: {  	v5 =	vld [tilespmem:s19+$0xCC0]  }
0xde: {  	v3 =	vadd.f32 v6, v3  }
0xdf: {  	v6 =	vld [tilespmem:s21+$0xCC0]  }
0xe0: {  	v3 =	vadd.f32 v4, v3  }
0xe1: {  	v4 =	vld [tilespmem:s14+$0xCC0]  }
0xe2: {  	v3 =	vadd.f32 v5, v3  }
0xe3: {  	v5 =	vld [tilespmem:s11+$0x14C0]  }
0xe4: {  	v3 =	vadd.f32 v6, v3  }
0xe5: {  	v6 =	vld [tilespmem:s15+$0xCC0]  }
0xe6: {  	v3 =	vadd.f32 v4, v3;
	_ =	sdelay $0x1  }
0xe7: {  	v3 =	vadd.f32 v5, v3;
	_ =	sdelay $0x1  }
0xe8: {  	v3 =	vadd.f32 v6, v3;
	_ =	sdelay $0x1  }
0xe9: {  	[tilespmem:s13+$0xFFFFFC40] =	vst v3  }
0xea: {  	v3 =	vld [tilespmem:s11+$0xCD0]  }
0xeb: {  	v4 =	vld [tilespmem:s11+$0xD50];
	_ =	sdelay $0x1  }
0xec: {  	v5 =	vld [tilespmem:s16+$0xCD0];
	_ =	sdelay $0x1  }
0xed: {  	v6 =	vld [tilespmem:s17+$0xCD0]  }
0xee: {  	v3 =	vadd.f32 v4, v3  }
0xef: {  	v4 =	vld [tilespmem:s18+$0xCD0]  }
0xf0: {  	v3 =	vadd.f32 v5, v3  }
0xf1: {  	v5 =	vld [tilespmem:s19+$0xCD0]  }
0xf2: {  	v3 =	vadd.f32 v6, v3  }
0xf3: {  	v6 =	vld [tilespmem:s21+$0xCD0]  }
0xf4: {  	v3 =	vadd.f32 v4, v3  }
0xf5: {  	v4 =	vld [tilespmem:s14+$0xCD0]  }
0xf6: {  	v3 =	vadd.f32 v5, v3  }
0xf7: {  	v5 =	vld [tilespmem:s11+$0x14D0]  }
0xf8: {  	v3 =	vadd.f32 v6, v3  }
0xf9: {  	v6 =	vld [tilespmem:s15+$0xCD0]  }
0xfa: {  	v3 =	vadd.f32 v4, v3;
	_ =	sdelay $0x1  }
0xfb: {  	v3 =	vadd.f32 v5, v3;
	_ =	sdelay $0x1  }
0xfc: {  	v3 =	vadd.f32 v6, v3;
	_ =	sdelay $0x1  }
0xfd: {  	[tilespmem:s13+$0xFFFFFC50] =	vst v3  }
0xfe: {  	v3 =	vld [tilespmem:s11+$0xCE0]  }
0xff: {  	v4 =	vld [tilespmem:s11+$0xD60];
	_ =	sdelay $0x1  }
0x100: {  	v5 =	vld [tilespmem:s16+$0xCE0];
	_ =	sdelay $0x1  }
0x101: {  	v6 =	vld [tilespmem:s17+$0xCE0]  }
0x102: {  	v3 =	vadd.f32 v4, v3  }
0x103: {  	v4 =	vld [tilespmem:s18+$0xCE0]  }
0x104: {  	v3 =	vadd.f32 v5, v3  }
0x105: {  	v5 =	vld [tilespmem:s19+$0xCE0]  }
0x106: {  	v3 =	vadd.f32 v6, v3  }
0x107: {  	v6 =	vld [tilespmem:s21+$0xCE0]  }
0x108: {  	v3 =	vadd.f32 v4, v3  }
0x109: {  	v4 =	vld [tilespmem:s14+$0xCE0]  }
0x10a: {  	v3 =	vadd.f32 v5, v3  }
0x10b: {  	v5 =	vld [tilespmem:s11+$0x14E0]  }
0x10c: {  	v3 =	vadd.f32 v6, v3  }
0x10d: {  	v6 =	vld [tilespmem:s15+$0xCE0]  }
0x10e: {  	v3 =	vadd.f32 v4, v3;
	_ =	sdelay $0x1  }
0x10f: {  	v3 =	vadd.f32 v5, v3;
	_ =	sdelay $0x1  }
0x110: {  	v3 =	vadd.f32 v6, v3;
	_ =	sdelay $0x1  }
0x111: {  	[tilespmem:s13+$0xFFFFFC60] =	vst v3  }
0x112: {  	v3 =	vld [tilespmem:s11+$0xCF0]  }
0x113: {  	v4 =	vld [tilespmem:s11+$0xD70];
	_ =	sdelay $0x1  }
0x114: {  	v5 =	vld [tilespmem:s16+$0xCF0];
	_ =	sdelay $0x1  }
0x115: {  	v6 =	vld [tilespmem:s17+$0xCF0]  }
0x116: {  	v3 =	vadd.f32 v4, v3  }
0x117: {  	v4 =	vld [tilespmem:s18+$0xCF0]  }
0x118: {  	v3 =	vadd.f32 v5, v3  }
0x119: {  	v5 =	vld [tilespmem:s19+$0xCF0]  }
0x11a: {  	v3 =	vadd.f32 v6, v3  }
0x11b: {  	v6 =	vld [tilespmem:s21+$0xCF0]  }
0x11c: {  	v3 =	vadd.f32 v4, v3  }
0x11d: {  	v4 =	vld [tilespmem:s14+$0xCF0]  }
0x11e: {  	v3 =	vadd.f32 v5, v3  }
0x11f: {  	v5 =	vld [tilespmem:s11+$0x14F0]  }
0x120: {  	v3 =	vadd.f32 v6, v3  }
0x121: {  	v6 =	vld [tilespmem:s15+$0xCF0]  }
0x122: {  	v3 =	vadd.f32 v4, v3;
	_ =	sdelay $0x1  }
0x123: {  	v3 =	vadd.f32 v5, v3;
	_ =	sdelay $0x1  }
0x124: {  	v3 =	vadd.f32 v6, v3;
	_ =	sdelay $0x1  }
0x125: {  	[tilespmem:s13+$0xFFFFFC70] =	vst v3  }
0x126: {  	v3 =	vld [tilespmem:s11+$0x1080]  }
0x127: {  	v4 =	vld [tilespmem:s11+$0x1100];
	_ =	sdelay $0x1  }
0x128: {  	v5 =	vld [tilespmem:s16+$0x1080];
	_ =	sdelay $0x1  }
0x129: {  	v6 =	vld [tilespmem:s17+$0x1080]  }
0x12a: {  	v3 =	vadd.f32 v4, v3  }
0x12b: {  	v4 =	vld [tilespmem:s18+$0x1080]  }
0x12c: {  	v3 =	vadd.f32 v5, v3  }
0x12d: {  	v5 =	vld [tilespmem:s19+$0x1080]  }
0x12e: {  	v3 =	vadd.f32 v6, v3  }
0x12f: {  	v6 =	vld [tilespmem:s21+$0x1080]  }
0x130: {  	v3 =	vadd.f32 v4, v3  }
0x131: {  	v4 =	vld [tilespmem:s14+$0x1080]  }
0x132: {  	v3 =	vadd.f32 v5, v3  }
0x133: {  	v5 =	vld [tilespmem:s11+$0x1880]  }
0x134: {  	v3 =	vadd.f32 v6, v3  }
0x135: {  	v6 =	vld [tilespmem:s15+$0x1080]  }
0x136: {  	v3 =	vadd.f32 v4, v3;
	_ =	sdelay $0x1  }
0x137: {  	v3 =	vadd.f32 v5, v3;
	_ =	sdelay $0x1  }
0x138: {  	v3 =	vadd.f32 v6, v3;
	_ =	sdelay $0x1  }
0x139: {  	[tilespmem:s13+$0x0] =	vst v3  }
0x13a: {  	v3 =	vld [tilespmem:s11+$0x1090]  }
0x13b: {  	v4 =	vld [tilespmem:s11+$0x1110];
	_ =	sdelay $0x1  }
0x13c: {  	v5 =	vld [tilespmem:s16+$0x1090];
	_ =	sdelay $0x1  }
0x13d: {  	v6 =	vld [tilespmem:s17+$0x1090]  }
0x13e: {  	v3 =	vadd.f32 v4, v3  }
0x13f: {  	v4 =	vld [tilespmem:s18+$0x1090]  }
0x140: {  	v3 =	vadd.f32 v5, v3  }
0x141: {  	v5 =	vld [tilespmem:s19+$0x1090]  }
0x142: {  	v3 =	vadd.f32 v6, v3  }
0x143: {  	v6 =	vld [tilespmem:s21+$0x1090]  }
0x144: {  	v3 =	vadd.f32 v4, v3  }
0x145: {  	v4 =	vld [tilespmem:s14+$0x1090]  }
0x146: {  	v3 =	vadd.f32 v5, v3  }
0x147: {  	v5 =	vld [tilespmem:s11+$0x1890]  }
0x148: {  	v3 =	vadd.f32 v6, v3  }
0x149: {  	v6 =	vld [tilespmem:s15+$0x1090]  }
0x14a: {  	v3 =	vadd.f32 v4, v3;
	_ =	sdelay $0x1  }
0x14b: {  	v3 =	vadd.f32 v5, v3;
	_ =	sdelay $0x1  }
0x14c: {  	v3 =	vadd.f32 v6, v3;
	_ =	sdelay $0x1  }
0x14d: {  	[tilespmem:s13+$0x10] =	vst v3  }
0x14e: {  	v3 =	vld [tilespmem:s11+$0x10A0]  }
0x14f: {  	v4 =	vld [tilespmem:s11+$0x1120];
	_ =	sdelay $0x1  }
0x150: {  	v5 =	vld [tilespmem:s16+$0x10A0];
	_ =	sdelay $0x1  }
0x151: {  	v6 =	vld [tilespmem:s17+$0x10A0]  }
0x152: {  	v3 =	vadd.f32 v4, v3  }
0x153: {  	v4 =	vld [tilespmem:s18+$0x10A0]  }
0x154: {  	v3 =	vadd.f32 v5, v3  }
0x155: {  	v5 =	vld [tilespmem:s19+$0x10A0]  }
0x156: {  	v3 =	vadd.f32 v6, v3  }
0x157: {  	v6 =	vld [tilespmem:s21+$0x10A0]  }
0x158: {  	v3 =	vadd.f32 v4, v3  }
0x159: {  	v4 =	vld [tilespmem:s14+$0x10A0]  }
0x15a: {  	v3 =	vadd.f32 v5, v3  }
0x15b: {  	v5 =	vld [tilespmem:s11+$0x18A0]  }
0x15c: {  	v3 =	vadd.f32 v6, v3  }
0x15d: {  	v6 =	vld [tilespmem:s15+$0x10A0]  }
0x15e: {  	v3 =	vadd.f32 v4, v3;
	_ =	sdelay $0x1  }
0x15f: {  	v3 =	vadd.f32 v5, v3;
	_ =	sdelay $0x1  }
0x160: {  	v3 =	vadd.f32 v6, v3;
	_ =	sdelay $0x1  }
0x161: {  	[tilespmem:s13+$0x20] =	vst v3  }
0x162: {  	v3 =	vld [tilespmem:s11+$0x10B0]  }
0x163: {  	v4 =	vld [tilespmem:s11+$0x1130];
	_ =	sdelay $0x1  }
0x164: {  	v5 =	vld [tilespmem:s16+$0x10B0];
	_ =	sdelay $0x1  }
0x165: {  	v6 =	vld [tilespmem:s17+$0x10B0]  }
0x166: {  	v3 =	vadd.f32 v4, v3  }
0x167: {  	v4 =	vld [tilespmem:s18+$0x10B0]  }
0x168: {  	v3 =	vadd.f32 v5, v3  }
0x169: {  	v5 =	vld [tilespmem:s19+$0x10B0]  }
0x16a: {  	v3 =	vadd.f32 v6, v3  }
0x16b: {  	v6 =	vld [tilespmem:s21+$0x10B0]  }
0x16c: {  	v3 =	vadd.f32 v4, v3  }
0x16d: {  	v4 =	vld [tilespmem:s14+$0x10B0]  }
0x16e: {  	v3 =	vadd.f32 v5, v3  }
0x16f: {  	v5 =	vld [tilespmem:s11+$0x18B0]  }
0x170: {  	v3 =	vadd.f32 v6, v3  }
0x171: {  	v6 =	vld [tilespmem:s15+$0x10B0]  }
0x172: {  	v3 =	vadd.f32 v4, v3;
	_ =	sdelay $0x1  }
0x173: {  	v3 =	vadd.f32 v5, v3;
	_ =	sdelay $0x1  }
0x174: {  	v3 =	vadd.f32 v6, v3;
	_ =	sdelay $0x1  }
0x175: {  	[tilespmem:s13+$0x30] =	vst v3  }
0x176: {  	v3 =	vld [tilespmem:s11+$0x10C0]  }
0x177: {  	v4 =	vld [tilespmem:s11+$0x1140];
	_ =	sdelay $0x1  }
0x178: {  	v5 =	vld [tilespmem:s16+$0x10C0];
	_ =	sdelay $0x1  }
0x179: {  	v6 =	vld [tilespmem:s17+$0x10C0]  }
0x17a: {  	v3 =	vadd.f32 v4, v3  }
0x17b: {  	v4 =	vld [tilespmem:s18+$0x10C0]  }
0x17c: {  	v3 =	vadd.f32 v5, v3  }
0x17d: {  	v5 =	vld [tilespmem:s19+$0x10C0]  }
0x17e: {  	v3 =	vadd.f32 v6, v3  }
0x17f: {  	v6 =	vld [tilespmem:s21+$0x10C0]  }
0x180: {  	v3 =	vadd.f32 v4, v3  }
0x181: {  	v4 =	vld [tilespmem:s14+$0x10C0]  }
0x182: {  	v3 =	vadd.f32 v5, v3  }
0x183: {  	v5 =	vld [tilespmem:s11+$0x18C0]  }
0x184: {  	v3 =	vadd.f32 v6, v3  }
0x185: {  	v6 =	vld [tilespmem:s15+$0x10C0]  }
0x186: {  	v3 =	vadd.f32 v4, v3;
	_ =	sdelay $0x1  }
0x187: {  	v3 =	vadd.f32 v5, v3;
	_ =	sdelay $0x1  }
0x188: {  	v3 =	vadd.f32 v6, v3;
	_ =	sdelay $0x1  }
0x189: {  	[tilespmem:s13+$0x40] =	vst v3  }
0x18a: {  	v3 =	vld [tilespmem:s11+$0x10D0]  }
0x18b: {  	v4 =	vld [tilespmem:s11+$0x1150];
	_ =	sdelay $0x1  }
0x18c: {  	v5 =	vld [tilespmem:s16+$0x10D0];
	_ =	sdelay $0x1  }
0x18d: {  	v6 =	vld [tilespmem:s17+$0x10D0]  }
0x18e: {  	v3 =	vadd.f32 v4, v3  }
0x18f: {  	v4 =	vld [tilespmem:s18+$0x10D0]  }
0x190: {  	v3 =	vadd.f32 v5, v3  }
0x191: {  	v5 =	vld [tilespmem:s19+$0x10D0]  }
0x192: {  	v3 =	vadd.f32 v6, v3  }
0x193: {  	v6 =	vld [tilespmem:s21+$0x10D0]  }
0x194: {  	v3 =	vadd.f32 v4, v3  }
0x195: {  	v4 =	vld [tilespmem:s14+$0x10D0]  }
0x196: {  	v3 =	vadd.f32 v5, v3  }
0x197: {  	v5 =	vld [tilespmem:s11+$0x18D0]  }
0x198: {  	v3 =	vadd.f32 v6, v3  }
0x199: {  	v6 =	vld [tilespmem:s15+$0x10D0]  }
0x19a: {  	v3 =	vadd.f32 v4, v3;
	_ =	sdelay $0x1  }
0x19b: {  	v3 =	vadd.f32 v5, v3;
	_ =	sdelay $0x1  }
0x19c: {  	v3 =	vadd.f32 v6, v3;
	_ =	sdelay $0x1  }
0x19d: {  	[tilespmem:s13+$0x50] =	vst v3  }
0x19e: {  	v3 =	vld [tilespmem:s11+$0x10E0]  }
0x19f: {  	v4 =	vld [tilespmem:s11+$0x1160];
	_ =	sdelay $0x1  }
0x1a0: {  	v5 =	vld [tilespmem:s16+$0x10E0];
	_ =	sdelay $0x1  }
0x1a1: {  	v6 =	vld [tilespmem:s17+$0x10E0]  }
0x1a2: {  	v3 =	vadd.f32 v4, v3  }
0x1a3: {  	v4 =	vld [tilespmem:s18+$0x10E0]  }
0x1a4: {  	v3 =	vadd.f32 v5, v3  }
0x1a5: {  	v5 =	vld [tilespmem:s19+$0x10E0]  }
0x1a6: {  	v3 =	vadd.f32 v6, v3  }
0x1a7: {  	v6 =	vld [tilespmem:s21+$0x10E0]  }
0x1a8: {  	v3 =	vadd.f32 v4, v3  }
0x1a9: {  	v4 =	vld [tilespmem:s14+$0x10E0]  }
0x1aa: {  	v3 =	vadd.f32 v5, v3  }
0x1ab: {  	v5 =	vld [tilespmem:s11+$0x18E0]  }
0x1ac: {  	v3 =	vadd.f32 v6, v3  }
0x1ad: {  	v6 =	vld [tilespmem:s15+$0x10E0]  }
0x1ae: {  	v3 =	vadd.f32 v4, v3;
	_ =	sdelay $0x1  }
0x1af: {  	v3 =	vadd.f32 v5, v3;
	_ =	sdelay $0x1  }
0x1b0: {  	v3 =	vadd.f32 v6, v3;
	_ =	sdelay $0x1  }
0x1b1: {  	[tilespmem:s13+$0x60] =	vst v3  }
0x1b2: {  	v4 =	vld [tilespmem:s11+$0x10F0]  }
0x1b3: {  	v8 =	vld [tilespmem:s11+$0x1170]  }
0x1b4: {  	v7 =	vld [tilespmem:s16+$0x10F0]  }
0x1b5: {  	v6 =	vld [tilespmem:s17+$0x10F0]  }
0x1b6: {  	v5 =	vld [tilespmem:s18+$0x10F0]  }
0x1b7: {  	v3 =	vld [tilespmem:s19+$0x10F0]  }
0x1b8: {  	s17 =	simm.s32 $0xA00;
	s16 =	simm.s32 $0xB080;
	v8 =	vadd.f32 v8, v4;
	v4 =	vld [tilespmem:s21+$0x10F0]  }
.LBB2_3:
0x1b9: {  	v9 =	vld [tilespmem:s14+$0x10F0];
	s10 =	sadd.s32 $0x100, s10;
	s12 =	sadd.s32 $0x500, s12;
	s13 =	sadd.s32 $0x80, s13  }
0x1ba: {  	p0 =	sne.s32 s17, $0x4600;
	s24 =	smov.u32 s17;
	s17 =	sadd.s32 $0xA00, s17;
	v7 =	vadd.f32 v7, v8;
	v8 =	vld [tilespmem:s11+$0x18F0]  }
0x1bb: {  	v10 =	vld [tilespmem:s15+$0x10F0]  }
0x1bc: {  	v6 =	vadd.f32 v6, v7;
	_ =	sdelay $0x1  }
0x1bd: {  	v5 =	vadd.f32 v5, v6;
	_ =	sdelay $0x1  }
0x1be: {  	v3 =	vadd.f32 v3, v5;
	_ =	sdelay $0x1  }
0x1bf: {  	v3 =	vadd.f32 v4, v3;
	_ =	sdelay $0x1  }
0x1c0: {  	v3 =	vadd.f32 v9, v3;
	_ =	sdelay $0x1  }
0x1c1: {  	v3 =	vadd.f32 v8, v3;
	_ =	sdelay $0x1  }
0x1c2: {  	s11 =	sand.u32 $0x7800, s24;
	s14 =	sand.u32 $0x300, s10;
	v3 =	vadd.f32 v10, v3  }
0x1c3: {  	s11 =	sor.u32 s14, s11  }
0x1c4: {  	s14 =	sadd.s32 $0x200, s24;
	s15 =	sadd.s32 $0xFFFFFC80, s12;
	[tilespmem:s16+$0x70] =	vst v3;
	s16 =	smov.u32 s13  }
0x1c5: {  	s14 =	sand.u32 $0xF800, s14;
	s15 =	sand.u32 $0x300, s15;
	v3 =	vld [tilespmem:s11+$0xC80]  }
0x1c6: {  	s18 =	sor.u32 s15, s14;
	s14 =	sadd.s32 $0x300, s24;
	s15 =	sadd.s32 $0xFFFFFD00, s12;
	v4 =	vld [tilespmem:s11+$0xD00]  }
0x1c7: {  	s14 =	sand.u32 $0xF800, s14;
	s15 =	sand.u32 $0x380, s15;
	v5 =	vld [tilespmem:s18+$0xC80]  }
0x1c8: {  	s19 =	sor.u32 s15, s14;
	s14 =	sadd.s32 $0x400, s24;
	s15 =	sadd.s32 $0xFFFFFD80, s12  }
0x1c9: {  	s14 =	sand.u32 $0xF800, s14;
	s15 =	sand.u32 $0x300, s15;
	v6 =	vld [tilespmem:s19+$0xC80]  }
0x1ca: {  	s21 =	sor.u32 s15, s14;
	s14 =	sadd.s32 $0x500, s24;
	s15 =	sadd.s32 $0xFFFFFE00, s12  }
0x1cb: {  	s14 =	sand.u32 $0xF800, s14;
	s15 =	sand.u32 $0x380, s15;
	v3 =	vadd.f32 v4, v3;
	v4 =	vld [tilespmem:s21+$0xC80]  }
0x1cc: {  	s22 =	sor.u32 s15, s14;
	s14 =	sadd.s32 $0x600, s24;
	s15 =	sadd.s32 $0xFFFFFE80, s12  }
0x1cd: {  	s14 =	sand.u32 $0xF800, s14;
	s15 =	sand.u32 $0x300, s15;
	v3 =	vadd.f32 v5, v3;
	v5 =	vld [tilespmem:s22+$0xC80]  }
0x1ce: {  	s23 =	sor.u32 s15, s14;
	s14 =	sadd.s32 $0x700, s24;
	s15 =	sadd.s32 $0xFFFFFF00, s12  }
0x1cf: {  	s14 =	sand.u32 $0xF800, s14;
	s15 =	sand.u32 $0x380, s15;
	v3 =	vadd.f32 v6, v3;
	v6 =	vld [tilespmem:s23+$0xC80]  }
0x1d0: {  	s14 =	sor.u32 s15, s14  }
0x1d1: {  	v3 =	vadd.f32 v4, v3;
	v4 =	vld [tilespmem:s14+$0xC80];
	_ =	sdelay $0x1  }
0x1d2: {  	s15 =	sadd.s32 $0x900, s24;
	v3 =	vadd.f32 v5, v3  }
0x1d3: {  	s24 =	sand.u32 $0x380, s12;
	s15 =	sand.u32 $0xF800, s15;
	v5 =	vld [tilespmem:s11+$0x1480]  }
0x1d4: {  	s15 =	sor.u32 s24, s15;
	v3 =	vadd.f32 v6, v3  }
0x1d5: {  	v6 =	vld [tilespmem:s15+$0xC80]  }
0x1d6: {  	v3 =	vadd.f32 v4, v3;
	_ =	sdelay $0x1  }
0x1d7: {  	v3 =	vadd.f32 v5, v3;
	_ =	sdelay $0x1  }
0x1d8: {  	v3 =	vadd.f32 v6, v3;
	_ =	sdelay $0x1  }
0x1d9: {  	[tilespmem:s13+$0xFFFFFC00] =	vst v3  }
0x1da: {  	v3 =	vld [tilespmem:s11+$0xC90]  }
0x1db: {  	v4 =	vld [tilespmem:s11+$0xD10];
	_ =	sdelay $0x1  }
0x1dc: {  	v5 =	vld [tilespmem:s18+$0xC90];
	_ =	sdelay $0x1  }
0x1dd: {  	v6 =	vld [tilespmem:s19+$0xC90]  }
0x1de: {  	v3 =	vadd.f32 v4, v3  }
0x1df: {  	v4 =	vld [tilespmem:s21+$0xC90]  }
0x1e0: {  	v3 =	vadd.f32 v5, v3  }
0x1e1: {  	v5 =	vld [tilespmem:s22+$0xC90]  }
0x1e2: {  	v3 =	vadd.f32 v6, v3  }
0x1e3: {  	v6 =	vld [tilespmem:s23+$0xC90]  }
0x1e4: {  	v3 =	vadd.f32 v4, v3  }
0x1e5: {  	v4 =	vld [tilespmem:s14+$0xC90]  }
0x1e6: {  	v3 =	vadd.f32 v5, v3  }
0x1e7: {  	v5 =	vld [tilespmem:s11+$0x1490]  }
0x1e8: {  	v3 =	vadd.f32 v6, v3  }
0x1e9: {  	v6 =	vld [tilespmem:s15+$0xC90]  }
0x1ea: {  	v3 =	vadd.f32 v4, v3;
	_ =	sdelay $0x1  }
0x1eb: {  	v3 =	vadd.f32 v5, v3;
	_ =	sdelay $0x1  }
0x1ec: {  	v3 =	vadd.f32 v6, v3;
	_ =	sdelay $0x1  }
0x1ed: {  	[tilespmem:s13+$0xFFFFFC10] =	vst v3  }
0x1ee: {  	v3 =	vld [tilespmem:s11+$0xCA0]  }
0x1ef: {  	v4 =	vld [tilespmem:s11+$0xD20];
	_ =	sdelay $0x1  }
0x1f0: {  	v5 =	vld [tilespmem:s18+$0xCA0];
	_ =	sdelay $0x1  }
0x1f1: {  	v6 =	vld [tilespmem:s19+$0xCA0]  }
0x1f2: {  	v3 =	vadd.f32 v4, v3  }
0x1f3: {  	v4 =	vld [tilespmem:s21+$0xCA0]  }
0x1f4: {  	v3 =	vadd.f32 v5, v3  }
0x1f5: {  	v5 =	vld [tilespmem:s22+$0xCA0]  }
0x1f6: {  	v3 =	vadd.f32 v6, v3  }
0x1f7: {  	v6 =	vld [tilespmem:s23+$0xCA0]  }
0x1f8: {  	v3 =	vadd.f32 v4, v3  }
0x1f9: {  	v4 =	vld [tilespmem:s14+$0xCA0]  }
0x1fa: {  	v3 =	vadd.f32 v5, v3  }
0x1fb: {  	v5 =	vld [tilespmem:s11+$0x14A0]  }
0x1fc: {  	v3 =	vadd.f32 v6, v3  }
0x1fd: {  	v6 =	vld [tilespmem:s15+$0xCA0]  }
0x1fe: {  	v3 =	vadd.f32 v4, v3;
	_ =	sdelay $0x1  }
0x1ff: {  	v3 =	vadd.f32 v5, v3;
	_ =	sdelay $0x1  }
0x200: {  	v3 =	vadd.f32 v6, v3;
	_ =	sdelay $0x1  }
0x201: {  	[tilespmem:s13+$0xFFFFFC20] =	vst v3  }
0x202: {  	v3 =	vld [tilespmem:s11+$0xCB0]  }
0x203: {  	v4 =	vld [tilespmem:s11+$0xD30];
	_ =	sdelay $0x1  }
0x204: {  	v5 =	vld [tilespmem:s18+$0xCB0];
	_ =	sdelay $0x1  }
0x205: {  	v6 =	vld [tilespmem:s19+$0xCB0]  }
0x206: {  	v3 =	vadd.f32 v4, v3  }
0x207: {  	v4 =	vld [tilespmem:s21+$0xCB0]  }
0x208: {  	v3 =	vadd.f32 v5, v3  }
0x209: {  	v5 =	vld [tilespmem:s22+$0xCB0]  }
0x20a: {  	v3 =	vadd.f32 v6, v3  }
0x20b: {  	v6 =	vld [tilespmem:s23+$0xCB0]  }
0x20c: {  	v3 =	vadd.f32 v4, v3  }
0x20d: {  	v4 =	vld [tilespmem:s14+$0xCB0]  }
0x20e: {  	v3 =	vadd.f32 v5, v3  }
0x20f: {  	v5 =	vld [tilespmem:s11+$0x14B0]  }
0x210: {  	v3 =	vadd.f32 v6, v3  }
0x211: {  	v6 =	vld [tilespmem:s15+$0xCB0]  }
0x212: {  	v3 =	vadd.f32 v4, v3;
	_ =	sdelay $0x1  }
0x213: {  	v3 =	vadd.f32 v5, v3;
	_ =	sdelay $0x1  }
0x214: {  	v3 =	vadd.f32 v6, v3;
	_ =	sdelay $0x1  }
0x215: {  	[tilespmem:s13+$0xFFFFFC30] =	vst v3  }
0x216: {  	v3 =	vld [tilespmem:s11+$0xCC0]  }
0x217: {  	v4 =	vld [tilespmem:s11+$0xD40];
	_ =	sdelay $0x1  }
0x218: {  	v5 =	vld [tilespmem:s18+$0xCC0];
	_ =	sdelay $0x1  }
0x219: {  	v6 =	vld [tilespmem:s19+$0xCC0]  }
0x21a: {  	v3 =	vadd.f32 v4, v3  }
0x21b: {  	v4 =	vld [tilespmem:s21+$0xCC0]  }
0x21c: {  	v3 =	vadd.f32 v5, v3  }
0x21d: {  	v5 =	vld [tilespmem:s22+$0xCC0]  }
0x21e: {  	v3 =	vadd.f32 v6, v3  }
0x21f: {  	v6 =	vld [tilespmem:s23+$0xCC0]  }
0x220: {  	v3 =	vadd.f32 v4, v3  }
0x221: {  	v4 =	vld [tilespmem:s14+$0xCC0]  }
0x222: {  	v3 =	vadd.f32 v5, v3  }
0x223: {  	v5 =	vld [tilespmem:s11+$0x14C0]  }
0x224: {  	v3 =	vadd.f32 v6, v3  }
0x225: {  	v6 =	vld [tilespmem:s15+$0xCC0]  }
0x226: {  	v3 =	vadd.f32 v4, v3;
	_ =	sdelay $0x1  }
0x227: {  	v3 =	vadd.f32 v5, v3;
	_ =	sdelay $0x1  }
0x228: {  	v3 =	vadd.f32 v6, v3;
	_ =	sdelay $0x1  }
0x229: {  	[tilespmem:s13+$0xFFFFFC40] =	vst v3  }
0x22a: {  	v3 =	vld [tilespmem:s11+$0xCD0]  }
0x22b: {  	v4 =	vld [tilespmem:s11+$0xD50]  }
0x22c: {  	v5 =	vld [tilespmem:s18+$0xCD0]  }
0x22d: {  	v6 =	vld [tilespmem:s21+$0xCD0]  }
0x22e: {  	v7 =	vld [tilespmem:s19+$0xCD0];
	_ =	sdelay $0x1  }
0x22f: {  	v3 =	vadd.f32 v4, v3;
	_ =	sdelay $0x1  }
0x230: {  	v3 =	vadd.f32 v5, v3  }
0x231: {  	v4 =	vld [tilespmem:s22+$0xCD0]  }
0x232: {  	v3 =	vadd.f32 v7, v3  }
0x233: {  	v5 =	vld [tilespmem:s23+$0xCD0]  }
0x234: {  	v3 =	vadd.f32 v6, v3  }
0x235: {  	v6 =	vld [tilespmem:s14+$0xCD0]  }
0x236: {  	v3 =	vadd.f32 v4, v3  }
0x237: {  	v4 =	vld [tilespmem:s11+$0x14D0]  }
0x238: {  	v3 =	vadd.f32 v5, v3  }
0x239: {  	v5 =	vld [tilespmem:s15+$0xCD0]  }
0x23a: {  	v3 =	vadd.f32 v6, v3;
	_ =	sdelay $0x1  }
0x23b: {  	v3 =	vadd.f32 v4, v3;
	_ =	sdelay $0x1  }
0x23c: {  	v3 =	vadd.f32 v5, v3;
	_ =	sdelay $0x1  }
0x23d: {  	[tilespmem:s13+$0xFFFFFC50] =	vst v3  }
0x23e: {  	v3 =	vld [tilespmem:s11+$0xCE0]  }
0x23f: {  	v4 =	vld [tilespmem:s11+$0xD60]  }
0x240: {  	v5 =	vld [tilespmem:s18+$0xCE0];
	_ =	sdelay $0x2  }
0x241: {  	v6 =	vld [tilespmem:s19+$0xCE0]  }
0x242: {  	v3 =	vadd.f32 v4, v3  }
0x243: {  	v4 =	vld [tilespmem:s21+$0xCE0]  }
0x244: {  	v3 =	vadd.f32 v5, v3  }
0x245: {  	v5 =	vld [tilespmem:s22+$0xCE0]  }
0x246: {  	v3 =	vadd.f32 v6, v3  }
0x247: {  	v6 =	vld [tilespmem:s23+$0xCE0]  }
0x248: {  	v3 =	vadd.f32 v4, v3  }
0x249: {  	v4 =	vld [tilespmem:s14+$0xCE0]  }
0x24a: {  	v3 =	vadd.f32 v5, v3  }
0x24b: {  	v5 =	vld [tilespmem:s11+$0x14E0]  }
0x24c: {  	v3 =	vadd.f32 v6, v3  }
0x24d: {  	v6 =	vld [tilespmem:s15+$0xCE0]  }
0x24e: {  	v3 =	vadd.f32 v4, v3;
	_ =	sdelay $0x1  }
0x24f: {  	v3 =	vadd.f32 v5, v3;
	_ =	sdelay $0x1  }
0x250: {  	v3 =	vadd.f32 v6, v3;
	_ =	sdelay $0x1  }
0x251: {  	[tilespmem:s13+$0xFFFFFC60] =	vst v3  }
0x252: {  	v3 =	vld [tilespmem:s11+$0xCF0]  }
0x253: {  	v4 =	vld [tilespmem:s11+$0xD70]  }
0x254: {  	v5 =	vld [tilespmem:s19+$0xCF0]  }
0x255: {  	v6 =	vld [tilespmem:s18+$0xCF0];
	_ =	sdelay $0x2  }
0x256: {  	v3 =	vadd.f32 v4, v3  }
0x257: {  	v4 =	vld [tilespmem:s21+$0xCF0]  }
0x258: {  	v3 =	vadd.f32 v6, v3  }
0x259: {  	v6 =	vld [tilespmem:s22+$0xCF0]  }
0x25a: {  	v3 =	vadd.f32 v5, v3  }
0x25b: {  	v5 =	vld [tilespmem:s23+$0xCF0]  }
0x25c: {  	v3 =	vadd.f32 v4, v3  }
0x25d: {  	v4 =	vld [tilespmem:s14+$0xCF0]  }
0x25e: {  	v3 =	vadd.f32 v6, v3  }
0x25f: {  	v6 =	vld [tilespmem:s11+$0x14F0]  }
0x260: {  	v3 =	vadd.f32 v5, v3  }
0x261: {  	v5 =	vld [tilespmem:s15+$0xCF0]  }
0x262: {  	v3 =	vadd.f32 v4, v3;
	_ =	sdelay $0x1  }
0x263: {  	v3 =	vadd.f32 v6, v3;
	_ =	sdelay $0x1  }
0x264: {  	v3 =	vadd.f32 v5, v3;
	_ =	sdelay $0x1  }
0x265: {  	[tilespmem:s13+$0xFFFFFC70] =	vst v3  }
0x266: {  	v3 =	vld [tilespmem:s11+$0x1080]  }
0x267: {  	v4 =	vld [tilespmem:s11+$0x1100]  }
0x268: {  	v5 =	vld [tilespmem:s18+$0x1080];
	_ =	sdelay $0x2  }
0x269: {  	v6 =	vld [tilespmem:s19+$0x1080]  }
0x26a: {  	v3 =	vadd.f32 v4, v3  }
0x26b: {  	v4 =	vld [tilespmem:s21+$0x1080]  }
0x26c: {  	v3 =	vadd.f32 v5, v3  }
0x26d: {  	v5 =	vld [tilespmem:s22+$0x1080]  }
0x26e: {  	v3 =	vadd.f32 v6, v3  }
0x26f: {  	v6 =	vld [tilespmem:s23+$0x1080]  }
0x270: {  	v3 =	vadd.f32 v4, v3  }
0x271: {  	v4 =	vld [tilespmem:s14+$0x1080]  }
0x272: {  	v3 =	vadd.f32 v5, v3  }
0x273: {  	v5 =	vld [tilespmem:s11+$0x1880]  }
0x274: {  	v3 =	vadd.f32 v6, v3  }
0x275: {  	v6 =	vld [tilespmem:s15+$0x1080]  }
0x276: {  	v3 =	vadd.f32 v4, v3;
	_ =	sdelay $0x1  }
0x277: {  	v3 =	vadd.f32 v5, v3;
	_ =	sdelay $0x1  }
0x278: {  	v3 =	vadd.f32 v6, v3;
	_ =	sdelay $0x1  }
0x279: {  	[tilespmem:s13+$0x0] =	vst v3  }
0x27a: {  	v3 =	vld [tilespmem:s11+$0x1090]  }
0x27b: {  	v4 =	vld [tilespmem:s11+$0x1110]  }
0x27c: {  	v5 =	vld [tilespmem:s19+$0x1090]  }
0x27d: {  	v6 =	vld [tilespmem:s18+$0x1090]  }
0x27e: {  	v7 =	vld [tilespmem:s21+$0x1090]  }
0x27f: {  	v8 =	vld [tilespmem:s22+$0x1090]  }
0x280: {  	v3 =	vadd.f32 v4, v3;
	v4 =	vld [tilespmem:s23+$0x1090]  }
0x281: {  	v9 =	vld [tilespmem:s14+$0x1090]  }
0x282: {  	v3 =	vadd.f32 v6, v3;
	v6 =	vld [tilespmem:s11+$0x1890]  }
0x283: {  	v10 =	vld [tilespmem:s15+$0x1090]  }
0x284: {  	v3 =	vadd.f32 v5, v3;
	_ =	sdelay $0x1  }
0x285: {  	v3 =	vadd.f32 v7, v3;
	_ =	sdelay $0x1  }
0x286: {  	v3 =	vadd.f32 v8, v3;
	_ =	sdelay $0x1  }
0x287: {  	v3 =	vadd.f32 v4, v3;
	_ =	sdelay $0x1  }
0x288: {  	v3 =	vadd.f32 v9, v3;
	_ =	sdelay $0x1  }
0x289: {  	v3 =	vadd.f32 v6, v3;
	_ =	sdelay $0x1  }
0x28a: {  	v3 =	vadd.f32 v10, v3;
	_ =	sdelay $0x1  }
0x28b: {  	[tilespmem:s13+$0x10] =	vst v3  }
0x28c: {  	v3 =	vld [tilespmem:s11+$0x10A0]  }
0x28d: {  	v4 =	vld [tilespmem:s11+$0x1120]  }
0x28e: {  	v5 =	vld [tilespmem:s19+$0x10A0]  }
0x28f: {  	v6 =	vld [tilespmem:s18+$0x10A0]  }
0x290: {  	v7 =	vld [tilespmem:s21+$0x10A0]  }
0x291: {  	v8 =	vld [tilespmem:s22+$0x10A0]  }
0x292: {  	v3 =	vadd.f32 v4, v3;
	v4 =	vld [tilespmem:s23+$0x10A0]  }
0x293: {  	v9 =	vld [tilespmem:s14+$0x10A0]  }
0x294: {  	v3 =	vadd.f32 v6, v3;
	v6 =	vld [tilespmem:s11+$0x18A0]  }
0x295: {  	v10 =	vld [tilespmem:s15+$0x10A0]  }
0x296: {  	v3 =	vadd.f32 v5, v3;
	_ =	sdelay $0x1  }
0x297: {  	v3 =	vadd.f32 v7, v3;
	_ =	sdelay $0x1  }
0x298: {  	v3 =	vadd.f32 v8, v3;
	_ =	sdelay $0x1  }
0x299: {  	v3 =	vadd.f32 v4, v3;
	_ =	sdelay $0x1  }
0x29a: {  	v3 =	vadd.f32 v9, v3;
	_ =	sdelay $0x1  }
0x29b: {  	v3 =	vadd.f32 v6, v3;
	_ =	sdelay $0x1  }
0x29c: {  	v3 =	vadd.f32 v10, v3;
	_ =	sdelay $0x1  }
0x29d: {  	[tilespmem:s13+$0x20] =	vst v3  }
0x29e: {  	v3 =	vld [tilespmem:s11+$0x10B0]  }
0x29f: {  	v4 =	vld [tilespmem:s11+$0x1130]  }
0x2a0: {  	v5 =	vld [tilespmem:s18+$0x10B0]  }
0x2a1: {  	v6 =	vld [tilespmem:s19+$0x10B0]  }
0x2a2: {  	v7 =	vld [tilespmem:s21+$0x10B0]  }
0x2a3: {  	v8 =	vld [tilespmem:s22+$0x10B0]  }
0x2a4: {  	v3 =	vadd.f32 v4, v3;
	v4 =	vld [tilespmem:s23+$0x10B0]  }
0x2a5: {  	v9 =	vld [tilespmem:s14+$0x10B0]  }
0x2a6: {  	v3 =	vadd.f32 v5, v3;
	v5 =	vld [tilespmem:s11+$0x18B0]  }
0x2a7: {  	v10 =	vld [tilespmem:s15+$0x10B0]  }
0x2a8: {  	v3 =	vadd.f32 v6, v3;
	_ =	sdelay $0x1  }
0x2a9: {  	v3 =	vadd.f32 v7, v3;
	_ =	sdelay $0x1  }
0x2aa: {  	v3 =	vadd.f32 v8, v3;
	_ =	sdelay $0x1  }
0x2ab: {  	v3 =	vadd.f32 v4, v3;
	_ =	sdelay $0x1  }
0x2ac: {  	v3 =	vadd.f32 v9, v3;
	_ =	sdelay $0x1  }
0x2ad: {  	v3 =	vadd.f32 v5, v3;
	_ =	sdelay $0x1  }
0x2ae: {  	v3 =	vadd.f32 v10, v3;
	_ =	sdelay $0x1  }
0x2af: {  	[tilespmem:s13+$0x30] =	vst v3  }
0x2b0: {  	v3 =	vld [tilespmem:s11+$0x10C0]  }
0x2b1: {  	v4 =	vld [tilespmem:s11+$0x1140]  }
0x2b2: {  	v5 =	vld [tilespmem:s18+$0x10C0]  }
0x2b3: {  	v6 =	vld [tilespmem:s19+$0x10C0]  }
0x2b4: {  	v7 =	vld [tilespmem:s21+$0x10C0]  }
0x2b5: {  	v8 =	vld [tilespmem:s22+$0x10C0]  }
0x2b6: {  	v3 =	vadd.f32 v4, v3;
	v4 =	vld [tilespmem:s23+$0x10C0]  }
0x2b7: {  	v9 =	vld [tilespmem:s14+$0x10C0]  }
0x2b8: {  	v3 =	vadd.f32 v5, v3;
	v5 =	vld [tilespmem:s11+$0x18C0]  }
0x2b9: {  	v10 =	vld [tilespmem:s15+$0x10C0]  }
0x2ba: {  	v3 =	vadd.f32 v6, v3;
	_ =	sdelay $0x1  }
0x2bb: {  	v3 =	vadd.f32 v7, v3;
	_ =	sdelay $0x1  }
0x2bc: {  	v3 =	vadd.f32 v8, v3;
	_ =	sdelay $0x1  }
0x2bd: {  	v3 =	vadd.f32 v4, v3;
	_ =	sdelay $0x1  }
0x2be: {  	v3 =	vadd.f32 v9, v3;
	_ =	sdelay $0x1  }
0x2bf: {  	v3 =	vadd.f32 v5, v3;
	_ =	sdelay $0x1  }
0x2c0: {  	v3 =	vadd.f32 v10, v3;
	_ =	sdelay $0x1  }
0x2c1: {  	[tilespmem:s13+$0x40] =	vst v3  }
0x2c2: {  	v3 =	vld [tilespmem:s11+$0x10D0]  }
0x2c3: {  	v4 =	vld [tilespmem:s11+$0x1150]  }
0x2c4: {  	v5 =	vld [tilespmem:s18+$0x10D0]  }
0x2c5: {  	v6 =	vld [tilespmem:s19+$0x10D0]  }
0x2c6: {  	v7 =	vld [tilespmem:s21+$0x10D0]  }
0x2c7: {  	v8 =	vld [tilespmem:s22+$0x10D0]  }
0x2c8: {  	v3 =	vadd.f32 v4, v3;
	v4 =	vld [tilespmem:s23+$0x10D0]  }
0x2c9: {  	v9 =	vld [tilespmem:s14+$0x10D0]  }
0x2ca: {  	v3 =	vadd.f32 v5, v3;
	v5 =	vld [tilespmem:s11+$0x18D0]  }
0x2cb: {  	v10 =	vld [tilespmem:s15+$0x10D0]  }
0x2cc: {  	v3 =	vadd.f32 v6, v3;
	_ =	sdelay $0x1  }
0x2cd: {  	v3 =	vadd.f32 v7, v3;
	_ =	sdelay $0x1  }
0x2ce: {  	v3 =	vadd.f32 v8, v3;
	_ =	sdelay $0x1  }
0x2cf: {  	v3 =	vadd.f32 v4, v3;
	_ =	sdelay $0x1  }
0x2d0: {  	v3 =	vadd.f32 v9, v3;
	_ =	sdelay $0x1  }
0x2d1: {  	v3 =	vadd.f32 v5, v3;
	_ =	sdelay $0x1  }
0x2d2: {  	v3 =	vadd.f32 v10, v3;
	_ =	sdelay $0x1  }
0x2d3: {  	[tilespmem:s13+$0x50] =	vst v3  }
0x2d4: {  	v3 =	vld [tilespmem:s11+$0x10E0]  }
0x2d5: {  	v4 =	vld [tilespmem:s11+$0x1160]  }
0x2d6: {  	v5 =	vld [tilespmem:s18+$0x10E0]  }
0x2d7: {  	v6 =	vld [tilespmem:s19+$0x10E0]  }
0x2d8: {  	v7 =	vld [tilespmem:s21+$0x10E0]  }
0x2d9: {  	v8 =	vld [tilespmem:s22+$0x10E0]  }
0x2da: {  	v3 =	vadd.f32 v4, v3;
	v4 =	vld [tilespmem:s23+$0x10E0]  }
0x2db: {  	v9 =	vld [tilespmem:s14+$0x10E0]  }
0x2dc: {  	v3 =	vadd.f32 v5, v3;
	v5 =	vld [tilespmem:s11+$0x18E0]  }
0x2dd: {  	v10 =	vld [tilespmem:s15+$0x10E0]  }
0x2de: {  	v3 =	vadd.f32 v6, v3;
	_ =	sdelay $0x1  }
0x2df: {  	v3 =	vadd.f32 v7, v3;
	_ =	sdelay $0x1  }
0x2e0: {  	v3 =	vadd.f32 v8, v3;
	_ =	sdelay $0x1  }
0x2e1: {  	v3 =	vadd.f32 v4, v3;
	_ =	sdelay $0x1  }
0x2e2: {  	v3 =	vadd.f32 v9, v3;
	_ =	sdelay $0x1  }
0x2e3: {  	v3 =	vadd.f32 v5, v3;
	_ =	sdelay $0x1  }
0x2e4: {  	v3 =	vadd.f32 v10, v3;
	_ =	sdelay $0x1  }
0x2e5: {  	[tilespmem:s13+$0x60] =	vst v3  }
0x2e6: {  	v4 =	vld [tilespmem:s11+$0x10F0]  }
0x2e7: {  	v8 =	vld [tilespmem:s11+$0x1170]  }
.Ltmp0:
0x2e8: {  	v7 =	vld [tilespmem:s18+$0x10F0];
	(pc) =	sbr.rel @p0 .LBB2_3-.Ltmp0, $4  }
0x2e9: {  	v6 =	vld [tilespmem:s19+$0x10F0]  }
0x2ea: {  	v5 =	vld [tilespmem:s21+$0x10F0]  }
0x2eb: {  	v3 =	vld [tilespmem:s22+$0x10F0]  }
0x2ec: {  	v8 =	vadd.f32 v8, v4;
	v4 =	vld [tilespmem:s23+$0x10F0]  }
0x2ed: {  	_ = 	snop  }
0x2ee: {  	v7 =	vadd.f32 v7, v8;
	_ =	sdelay $0x1  }
0x2ef: {  	v6 =	vadd.f32 v6, v7;
	_ =	sdelay $0x1  }
0x2f0: {  	v5 =	vadd.f32 v5, v6  }
0x2f1: {  	v61 =	vld [tilespmem:s14+$0x10F0]  }
0x2f2: {  	v3 =	vadd.f32 v3, v5  }
0x2f3: {  	v62 =	vld [tilespmem:s11+$0x18F0]  }
0x2f4: {  	v3 =	vadd.f32 v4, v3  }
0x2f5: {  	v63 =	vld [tilespmem:s15+$0x10F0]  }
0x2f6: {  	v3 =	vadd.f32 v61, v3;
	_ =	sdelay $0x1  }
0x2f7: {  	v3 =	vadd.f32 v62, v3  }
0x2f8: {  	s10 =	sshll.u32 s8, $0xC  }
0x2f9: {  	s10 =	sadd.s32 s6, s10;
	v3 =	vadd.f32 v63, v3  }
0x2fa: {  	s10 =	sshrl.u32 s10, $0x3  }
0x2fb: {  	s10 =	sadd.s32 s4, s10;
	[tilespmem:s16+$0x70] =	vst v3  }
0x2fc: {  	[hbm4b:s10+s3] =	stream.linear.scatter [tilespmem:s1], [sflag:$0x3], $0x800, $0x38;
	[tilespmem:$0xB480] =	vst v63  }
0x2fd: {  	p0 =	seq.s32 s8, $0x13;
	_ =	swait.ge [sflag:s9], $0x800  }
.Ltmp1:
0x2fe: {  	[sflag:s9] =	ssyncset.done $0x0;
	(pc) =	sbr.rel @p0 .LBB2_6-.Ltmp1, $4  }
0x2ff: {  	[sflag:s9] =	ssyncadd.s32 $0xFFFFF800  }
0x300: {  	_ =	swait.ge [sflag:s0], $0x5000  }
0x301: {  	[sflag:s0] =	ssyncset.done $0x0  }
0x302: {  	[sflag:s0] =	ssyncadd.s32 $0xFFFFB000  }
0x303: {  	s10 =	smul.u32 $0x280, s8;
	_ =	sdelay $0x1  }
0x304: {  	s10 =	sshra.s32 s10, $0x2  }
0x305: {  	v3 =	vld [tilespmem:s10+$0xA0];
	_ =	sdelay $0x4  }
0x306: {  	v4 =	vshll.u32 v3, $0x1  }
0x307: {  	v3 =	vand.u32 $0x7, v3;
	v4 =	vand.u32 $0xFFFFFFF0, v4  }
0x308: {  	v3 =	vor.u32 v3, v4  }
0x309: {  	v4 =	vperm.xlane v3, v0;
	_ =	sdelay $0x1  }
0x30a: {  	v3 =	vperm.xlane v3, v2;
	v4 =	vadd.s32 v1, v4;
	_ =	sdelay $0x1  }
0x30b: {  	v3 =	vadd.s32 v1, v3;
	_ =	sdelay $0x1  }
0x30c: {  	s11 =	simm.s32 $0xC80  }
0x30d: {  	[tilespmem:s11], [sflag:$0x1] =	stream.indirect_vreg.gather [hbm4b:s2+s3], $0x80, v4, vm0, $0xb8;
	[tilespmem:$0xB480] =	vst v63  }
0x30e: {  	s15 =	simm.s32 $0x1480  }
0x30f: {  	[tilespmem:s15], [sflag:$0x1] =	stream.indirect_vreg.gather [hbm4b:s2+s3], $0x80, v3, vm0, $0xb8;
	[tilespmem:$0xB480] =	vst v63  }
0x310: {  	v3 =	vld [tilespmem:s10+$0xB0];
	_ =	sdelay $0x4  }
0x311: {  	v60 =	vshll.u32 v3, $0x1  }
0x312: {  	v3 =	vand.u32 $0x7, v3;
	v4 =	vand.u32 $0xFFFFFFF0, v60  }
0x313: {  	v3 =	vor.u32 v3, v4  }
0x314: {  	v4 =	vperm.xlane v3, v0;
	_ =	sdelay $0x1  }
0x315: {  	v3 =	vperm.xlane v3, v2;
	v4 =	vadd.s32 v1, v4;
	_ =	sdelay $0x1  }
0x316: {  	v3 =	vadd.s32 v1, v3;
	_ =	sdelay $0x1  }
0x317: {  	s16 =	simm.s32 $0x1C80  }
0x318: {  	[tilespmem:s16], [sflag:$0x1] =	stream.indirect_vreg.gather [hbm4b:s2+s3], $0x80, v4, vm0, $0xb8;
	[tilespmem:$0xB480] =	vst v63  }
0x319: {  	s17 =	simm.s32 $0x2480  }
0x31a: {  	[tilespmem:s17], [sflag:$0x1] =	stream.indirect_vreg.gather [hbm4b:s2+s3], $0x80, v3, vm0, $0xb8;
	[tilespmem:$0xB480] =	vst v63  }
0x31b: {  	v3 =	vld [tilespmem:s10+$0xC0];
	_ =	sdelay $0x4  }
0x31c: {  	v61 =	vshll.u32 v3, $0x1  }
0x31d: {  	v3 =	vand.u32 $0x7, v3;
	v4 =	vand.u32 $0xFFFFFFF0, v61  }
0x31e: {  	v3 =	vor.u32 v3, v4  }
0x31f: {  	v4 =	vperm.xlane v3, v0;
	_ =	sdelay $0x1  }
0x320: {  	v3 =	vperm.xlane v3, v2;
	v4 =	vadd.s32 v1, v4;
	_ =	sdelay $0x1  }
0x321: {  	v3 =	vadd.s32 v1, v3;
	_ =	sdelay $0x1  }
0x322: {  	s18 =	simm.s32 $0x2C80  }
0x323: {  	[tilespmem:s18], [sflag:$0x1] =	stream.indirect_vreg.gather [hbm4b:s2+s3], $0x80, v4, vm0, $0xb8;
	[tilespmem:$0xB480] =	vst v63  }
0x324: {  	s19 =	simm.s32 $0x3480  }
0x325: {  	[tilespmem:s19], [sflag:$0x1] =	stream.indirect_vreg.gather [hbm4b:s2+s3], $0x80, v3, vm0, $0xb8;
	[tilespmem:$0xB480] =	vst v63  }
0x326: {  	v3 =	vld [tilespmem:s10+$0xD0];
	_ =	sdelay $0x4  }
0x327: {  	v62 =	vshll.u32 v3, $0x1  }
0x328: {  	v3 =	vand.u32 $0x7, v3;
	v4 =	vand.u32 $0xFFFFFFF0, v62  }
0x329: {  	v3 =	vor.u32 v3, v4  }
0x32a: {  	v4 =	vperm.xlane v3, v0;
	_ =	sdelay $0x1  }
0x32b: {  	v3 =	vperm.xlane v3, v2;
	v4 =	vadd.s32 v1, v4;
	_ =	sdelay $0x1  }
0x32c: {  	v3 =	vadd.s32 v1, v3;
	_ =	sdelay $0x1  }
0x32d: {  	s21 =	simm.s32 $0x3C80  }
0x32e: {  	[tilespmem:s21], [sflag:$0x1] =	stream.indirect_vreg.gather [hbm4b:s2+s3], $0x80, v4, vm0, $0xb8;
	[tilespmem:$0xB480] =	vst v63  }
0x32f: {  	s22 =	simm.s32 $0x4480  }
0x330: {  	[tilespmem:s22], [sflag:$0x1] =	stream.indirect_vreg.gather [hbm4b:s2+s3], $0x80, v3, vm0, $0xb8;
	[tilespmem:$0xB480] =	vst v63  }
0x331: {  	v3 =	vld [tilespmem:s10+$0xE0];
	_ =	sdelay $0x4  }
0x332: {  	v63 =	vshll.u32 v3, $0x1  }
0x333: {  	v3 =	vand.u32 $0x7, v3;
	v4 =	vand.u32 $0xFFFFFFF0, v63  }
0x334: {  	v3 =	vor.u32 v3, v4  }
0x335: {  	v4 =	vperm.xlane v3, v0;
	_ =	sdelay $0x1  }
0x336: {  	v3 =	vperm.xlane v3, v2;
	v4 =	vadd.s32 v1, v4;
	_ =	sdelay $0x1  }
0x337: {  	v3 =	vadd.s32 v1, v3;
	_ =	sdelay $0x1  }
0x338: {  	s23 =	simm.s32 $0x4C80  }
0x339: {  	[tilespmem:s23], [sflag:$0x1] =	stream.indirect_vreg.gather [hbm4b:s2+s3], $0x80, v4, vm0, $0xb8;
	[tilespmem:$0xB480] =	vst v63  }
0x33a: {  	s24 =	simm.s32 $0x5480  }
0x33b: {  	[tilespmem:s24], [sflag:$0x1] =	stream.indirect_vreg.gather [hbm4b:s2+s3], $0x80, v3, vm0, $0xb8;
	[tilespmem:$0xB480] =	vst v63  }
.LBB2_6:
0x33c: {  	s10 =	simm.s32 $0x0  }
0x33d: {  	s11 =	sand.u32 $0x7800, s10;
	s12 =	sand.u32 $0x300, s10  }
0x33e: {  	s11 =	sor.u32 s12, s11  }
0x33f: {  	s19 =	simm.s32 $0x200;
	s13 =	simm.s32 $0x100;
	v3 =	vld [tilespmem:s11+$0x5C80]  }
0x340: {  	s13 =	sand.u32 $0x300, s13;
	s12 =	sand.u32 $0xF800, s19;
	v4 =	vld [tilespmem:s11+$0x5D00]  }
0x341: {  	s21 =	simm.s32 $0x300;
	s22 =	simm.s32 $0x180;
	s16 =	sor.u32 s13, s12  }
0x342: {  	s12 =	sand.u32 $0xF800, s21;
	s13 =	sand.u32 $0x380, s22;
	v5 =	vld [tilespmem:s16+$0x5C80]  }
0x343: {  	s23 =	simm.s32 $0x400;
	s24 =	simm.s32 $0x200;
	s17 =	sor.u32 s13, s12  }
0x344: {  	s12 =	sand.u32 $0xF800, s23;
	s13 =	sand.u32 $0x300, s24;
	v6 =	vld [tilespmem:s17+$0x5C80]  }
0x345: {  	s14 =	simm.s32 $0x280;
	s18 =	sor.u32 s13, s12;
	s13 =	simm.s32 $0x500;
	v3 =	vadd.f32 v4, v3  }
0x346: {  	s12 =	sand.u32 $0xF800, s13;
	s13 =	sand.u32 $0x380, s14;
	v4 =	vld [tilespmem:s18+$0x5C80]  }
0x347: {  	s15 =	simm.s32 $0x600;
	s21 =	simm.s32 $0x300;
	s19 =	sor.u32 s13, s12;
	v3 =	vadd.f32 v5, v3  }
0x348: {  	s12 =	sand.u32 $0xF800, s15;
	s13 =	sand.u32 $0x300, s21;
	v5 =	vld [tilespmem:s19+$0x5C80]  }
0x349: {  	s22 =	simm.s32 $0x700;
	s23 =	simm.s32 $0x380;
	s21 =	sor.u32 s13, s12;
	v3 =	vadd.f32 v6, v3  }
0x34a: {  	s12 =	sand.u32 $0xF800, s22;
	s13 =	sand.u32 $0x380, s23;
	v6 =	vld [tilespmem:s21+$0x5C80]  }
0x34b: {  	s14 =	sor.u32 s13, s12;
	v3 =	vadd.f32 v4, v3  }
0x34c: {  	v4 =	vld [tilespmem:s14+$0x5C80]  }
0x34d: {  	s24 =	simm.s32 $0x900;
	s12 =	simm.s32 $0x480;
	v3 =	vadd.f32 v5, v3  }
0x34e: {  	s13 =	sand.u32 $0xF800, s24;
	s15 =	sand.u32 $0x380, s12;
	v5 =	vld [tilespmem:s11+$0x6480]  }
0x34f: {  	s15 =	sor.u32 s15, s13;
	v3 =	vadd.f32 v6, v3  }
0x350: {  	v6 =	vld [tilespmem:s15+$0x5C80]  }
0x351: {  	v3 =	vadd.f32 v4, v3;
	_ =	sdelay $0x1  }
0x352: {  	v3 =	vadd.f32 v5, v3;
	_ =	sdelay $0x1  }
0x353: {  	v3 =	vadd.f32 v6, v3  }
0x354: {  	s13 =	simm.s32 $0xB080  }
0x355: {  	[tilespmem:s13+$0xFFFFFC00] =	vst v3  }
0x356: {  	v3 =	vld [tilespmem:s11+$0x5C90]  }
0x357: {  	v4 =	vld [tilespmem:s11+$0x5D10];
	_ =	sdelay $0x1  }
0x358: {  	v5 =	vld [tilespmem:s16+$0x5C90];
	_ =	sdelay $0x1  }
0x359: {  	v6 =	vld [tilespmem:s17+$0x5C90]  }
0x35a: {  	v3 =	vadd.f32 v4, v3  }
0x35b: {  	v4 =	vld [tilespmem:s18+$0x5C90]  }
0x35c: {  	v3 =	vadd.f32 v5, v3  }
0x35d: {  	v5 =	vld [tilespmem:s19+$0x5C90]  }
0x35e: {  	v3 =	vadd.f32 v6, v3  }
0x35f: {  	v6 =	vld [tilespmem:s21+$0x5C90]  }
0x360: {  	v3 =	vadd.f32 v4, v3  }
0x361: {  	v4 =	vld [tilespmem:s14+$0x5C90]  }
0x362: {  	v3 =	vadd.f32 v5, v3  }
0x363: {  	v5 =	vld [tilespmem:s11+$0x6490]  }
0x364: {  	v3 =	vadd.f32 v6, v3  }
0x365: {  	v6 =	vld [tilespmem:s15+$0x5C90]  }
0x366: {  	v3 =	vadd.f32 v4, v3;
	_ =	sdelay $0x1  }
0x367: {  	v3 =	vadd.f32 v5, v3;
	_ =	sdelay $0x1  }
0x368: {  	v3 =	vadd.f32 v6, v3;
	_ =	sdelay $0x1  }
0x369: {  	[tilespmem:s13+$0xFFFFFC10] =	vst v3  }
0x36a: {  	v3 =	vld [tilespmem:s11+$0x5CA0]  }
0x36b: {  	v4 =	vld [tilespmem:s11+$0x5D20];
	_ =	sdelay $0x1  }
0x36c: {  	v5 =	vld [tilespmem:s16+$0x5CA0];
	_ =	sdelay $0x1  }
0x36d: {  	v6 =	vld [tilespmem:s17+$0x5CA0]  }
0x36e: {  	v3 =	vadd.f32 v4, v3  }
0x36f: {  	v4 =	vld [tilespmem:s18+$0x5CA0]  }
0x370: {  	v3 =	vadd.f32 v5, v3  }
0x371: {  	v5 =	vld [tilespmem:s19+$0x5CA0]  }
0x372: {  	v3 =	vadd.f32 v6, v3  }
0x373: {  	v6 =	vld [tilespmem:s21+$0x5CA0]  }
0x374: {  	v3 =	vadd.f32 v4, v3  }
0x375: {  	v4 =	vld [tilespmem:s14+$0x5CA0]  }
0x376: {  	v3 =	vadd.f32 v5, v3  }
0x377: {  	v5 =	vld [tilespmem:s11+$0x64A0]  }
0x378: {  	v3 =	vadd.f32 v6, v3  }
0x379: {  	v6 =	vld [tilespmem:s15+$0x5CA0]  }
0x37a: {  	v3 =	vadd.f32 v4, v3;
	_ =	sdelay $0x1  }
0x37b: {  	v3 =	vadd.f32 v5, v3;
	_ =	sdelay $0x1  }
0x37c: {  	v3 =	vadd.f32 v6, v3;
	_ =	sdelay $0x1  }
0x37d: {  	[tilespmem:s13+$0xFFFFFC20] =	vst v3  }
0x37e: {  	v3 =	vld [tilespmem:s11+$0x5CB0]  }
0x37f: {  	v4 =	vld [tilespmem:s11+$0x5D30];
	_ =	sdelay $0x1  }
0x380: {  	v5 =	vld [tilespmem:s16+$0x5CB0];
	_ =	sdelay $0x1  }
0x381: {  	v6 =	vld [tilespmem:s17+$0x5CB0]  }
0x382: {  	v3 =	vadd.f32 v4, v3  }
0x383: {  	v4 =	vld [tilespmem:s18+$0x5CB0]  }
0x384: {  	v3 =	vadd.f32 v5, v3  }
0x385: {  	v5 =	vld [tilespmem:s19+$0x5CB0]  }
0x386: {  	v3 =	vadd.f32 v6, v3  }
0x387: {  	v6 =	vld [tilespmem:s21+$0x5CB0]  }
0x388: {  	v3 =	vadd.f32 v4, v3  }
0x389: {  	v4 =	vld [tilespmem:s14+$0x5CB0]  }
0x38a: {  	v3 =	vadd.f32 v5, v3  }
0x38b: {  	v5 =	vld [tilespmem:s11+$0x64B0]  }
0x38c: {  	v3 =	vadd.f32 v6, v3  }
0x38d: {  	v6 =	vld [tilespmem:s15+$0x5CB0]  }
0x38e: {  	v3 =	vadd.f32 v4, v3;
	_ =	sdelay $0x1  }
0x38f: {  	v3 =	vadd.f32 v5, v3;
	_ =	sdelay $0x1  }
0x390: {  	v3 =	vadd.f32 v6, v3;
	_ =	sdelay $0x1  }
0x391: {  	[tilespmem:s13+$0xFFFFFC30] =	vst v3  }
0x392: {  	v3 =	vld [tilespmem:s11+$0x5CC0]  }
0x393: {  	v4 =	vld [tilespmem:s11+$0x5D40];
	_ =	sdelay $0x1  }
0x394: {  	v5 =	vld [tilespmem:s16+$0x5CC0];
	_ =	sdelay $0x1  }
0x395: {  	v6 =	vld [tilespmem:s17+$0x5CC0]  }
0x396: {  	v3 =	vadd.f32 v4, v3  }
0x397: {  	v4 =	vld [tilespmem:s18+$0x5CC0]  }
0x398: {  	v3 =	vadd.f32 v5, v3  }
0x399: {  	v5 =	vld [tilespmem:s19+$0x5CC0]  }
0x39a: {  	v3 =	vadd.f32 v6, v3  }
0x39b: {  	v6 =	vld [tilespmem:s21+$0x5CC0]  }
0x39c: {  	v3 =	vadd.f32 v4, v3  }
0x39d: {  	v4 =	vld [tilespmem:s14+$0x5CC0]  }
0x39e: {  	v3 =	vadd.f32 v5, v3  }
0x39f: {  	v5 =	vld [tilespmem:s11+$0x64C0]  }
0x3a0: {  	v3 =	vadd.f32 v6, v3  }
0x3a1: {  	v6 =	vld [tilespmem:s15+$0x5CC0]  }
0x3a2: {  	v3 =	vadd.f32 v4, v3;
	_ =	sdelay $0x1  }
0x3a3: {  	v3 =	vadd.f32 v5, v3;
	_ =	sdelay $0x1  }
0x3a4: {  	v3 =	vadd.f32 v6, v3;
	_ =	sdelay $0x1  }
0x3a5: {  	[tilespmem:s13+$0xFFFFFC40] =	vst v3  }
0x3a6: {  	v3 =	vld [tilespmem:s11+$0x5CD0]  }
0x3a7: {  	v4 =	vld [tilespmem:s11+$0x5D50];
	_ =	sdelay $0x1  }
0x3a8: {  	v5 =	vld [tilespmem:s16+$0x5CD0];
	_ =	sdelay $0x1  }
0x3a9: {  	v6 =	vld [tilespmem:s17+$0x5CD0]  }
0x3aa: {  	v3 =	vadd.f32 v4, v3  }
0x3ab: {  	v4 =	vld [tilespmem:s18+$0x5CD0]  }
0x3ac: {  	v3 =	vadd.f32 v5, v3  }
0x3ad: {  	v5 =	vld [tilespmem:s19+$0x5CD0]  }
0x3ae: {  	v3 =	vadd.f32 v6, v3  }
0x3af: {  	v6 =	vld [tilespmem:s21+$0x5CD0]  }
0x3b0: {  	v3 =	vadd.f32 v4, v3  }
0x3b1: {  	v4 =	vld [tilespmem:s14+$0x5CD0]  }
0x3b2: {  	v3 =	vadd.f32 v5, v3  }
0x3b3: {  	v5 =	vld [tilespmem:s11+$0x64D0]  }
0x3b4: {  	v3 =	vadd.f32 v6, v3  }
0x3b5: {  	v6 =	vld [tilespmem:s15+$0x5CD0]  }
0x3b6: {  	v3 =	vadd.f32 v4, v3;
	_ =	sdelay $0x1  }
0x3b7: {  	v3 =	vadd.f32 v5, v3;
	_ =	sdelay $0x1  }
0x3b8: {  	v3 =	vadd.f32 v6, v3;
	_ =	sdelay $0x1  }
0x3b9: {  	[tilespmem:s13+$0xFFFFFC50] =	vst v3  }
0x3ba: {  	v3 =	vld [tilespmem:s11+$0x5CE0]  }
0x3bb: {  	v4 =	vld [tilespmem:s11+$0x5D60];
	_ =	sdelay $0x1  }
0x3bc: {  	v5 =	vld [tilespmem:s16+$0x5CE0];
	_ =	sdelay $0x1  }
0x3bd: {  	v6 =	vld [tilespmem:s17+$0x5CE0]  }
0x3be: {  	v3 =	vadd.f32 v4, v3  }
0x3bf: {  	v4 =	vld [tilespmem:s18+$0x5CE0]  }
0x3c0: {  	v3 =	vadd.f32 v5, v3  }
0x3c1: {  	v5 =	vld [tilespmem:s19+$0x5CE0]  }
0x3c2: {  	v3 =	vadd.f32 v6, v3  }
0x3c3: {  	v6 =	vld [tilespmem:s21+$0x5CE0]  }
0x3c4: {  	v3 =	vadd.f32 v4, v3  }
0x3c5: {  	v4 =	vld [tilespmem:s14+$0x5CE0]  }
0x3c6: {  	v3 =	vadd.f32 v5, v3  }
0x3c7: {  	v5 =	vld [tilespmem:s11+$0x64E0]  }
0x3c8: {  	v3 =	vadd.f32 v6, v3  }
0x3c9: {  	v6 =	vld [tilespmem:s15+$0x5CE0]  }
0x3ca: {  	v3 =	vadd.f32 v4, v3;
	_ =	sdelay $0x1  }
0x3cb: {  	v3 =	vadd.f32 v5, v3;
	_ =	sdelay $0x1  }
0x3cc: {  	v3 =	vadd.f32 v6, v3;
	_ =	sdelay $0x1  }
0x3cd: {  	[tilespmem:s13+$0xFFFFFC60] =	vst v3  }
0x3ce: {  	v3 =	vld [tilespmem:s11+$0x5CF0]  }
0x3cf: {  	v4 =	vld [tilespmem:s11+$0x5D70];
	_ =	sdelay $0x1  }
0x3d0: {  	v5 =	vld [tilespmem:s16+$0x5CF0];
	_ =	sdelay $0x1  }
0x3d1: {  	v6 =	vld [tilespmem:s17+$0x5CF0]  }
0x3d2: {  	v3 =	vadd.f32 v4, v3  }
0x3d3: {  	v4 =	vld [tilespmem:s18+$0x5CF0]  }
0x3d4: {  	v3 =	vadd.f32 v5, v3  }
0x3d5: {  	v5 =	vld [tilespmem:s19+$0x5CF0]  }
0x3d6: {  	v3 =	vadd.f32 v6, v3  }
0x3d7: {  	v6 =	vld [tilespmem:s21+$0x5CF0]  }
0x3d8: {  	v3 =	vadd.f32 v4, v3  }
0x3d9: {  	v4 =	vld [tilespmem:s14+$0x5CF0]  }
0x3da: {  	v3 =	vadd.f32 v5, v3  }
0x3db: {  	v5 =	vld [tilespmem:s11+$0x64F0]  }
0x3dc: {  	v3 =	vadd.f32 v6, v3  }
0x3dd: {  	v6 =	vld [tilespmem:s15+$0x5CF0]  }
0x3de: {  	v3 =	vadd.f32 v4, v3;
	_ =	sdelay $0x1  }
0x3df: {  	v3 =	vadd.f32 v5, v3;
	_ =	sdelay $0x1  }
0x3e0: {  	v3 =	vadd.f32 v6, v3;
	_ =	sdelay $0x1  }
0x3e1: {  	[tilespmem:s13+$0xFFFFFC70] =	vst v3  }
0x3e2: {  	v3 =	vld [tilespmem:s11+$0x6080]  }
0x3e3: {  	v4 =	vld [tilespmem:s11+$0x6100];
	_ =	sdelay $0x1  }
0x3e4: {  	v5 =	vld [tilespmem:s16+$0x6080];
	_ =	sdelay $0x1  }
0x3e5: {  	v6 =	vld [tilespmem:s17+$0x6080]  }
0x3e6: {  	v3 =	vadd.f32 v4, v3  }
0x3e7: {  	v4 =	vld [tilespmem:s18+$0x6080]  }
0x3e8: {  	v3 =	vadd.f32 v5, v3  }
0x3e9: {  	v5 =	vld [tilespmem:s19+$0x6080]  }
0x3ea: {  	v3 =	vadd.f32 v6, v3  }
0x3eb: {  	v6 =	vld [tilespmem:s21+$0x6080]  }
0x3ec: {  	v3 =	vadd.f32 v4, v3  }
0x3ed: {  	v4 =	vld [tilespmem:s14+$0x6080]  }
0x3ee: {  	v3 =	vadd.f32 v5, v3  }
0x3ef: {  	v5 =	vld [tilespmem:s11+$0x6880]  }
0x3f0: {  	v3 =	vadd.f32 v6, v3  }
0x3f1: {  	v6 =	vld [tilespmem:s15+$0x6080]  }
0x3f2: {  	v3 =	vadd.f32 v4, v3;
	_ =	sdelay $0x1  }
0x3f3: {  	v3 =	vadd.f32 v5, v3;
	_ =	sdelay $0x1  }
0x3f4: {  	v3 =	vadd.f32 v6, v3;
	_ =	sdelay $0x1  }
0x3f5: {  	[tilespmem:s13+$0x0] =	vst v3  }
0x3f6: {  	v3 =	vld [tilespmem:s11+$0x6090]  }
0x3f7: {  	v4 =	vld [tilespmem:s11+$0x6110];
	_ =	sdelay $0x1  }
0x3f8: {  	v5 =	vld [tilespmem:s16+$0x6090];
	_ =	sdelay $0x1  }
0x3f9: {  	v6 =	vld [tilespmem:s17+$0x6090]  }
0x3fa: {  	v3 =	vadd.f32 v4, v3  }
0x3fb: {  	v4 =	vld [tilespmem:s18+$0x6090]  }
0x3fc: {  	v3 =	vadd.f32 v5, v3  }
0x3fd: {  	v5 =	vld [tilespmem:s19+$0x6090]  }
0x3fe: {  	v3 =	vadd.f32 v6, v3  }
0x3ff: {  	v6 =	vld [tilespmem:s21+$0x6090]  }
0x400: {  	v3 =	vadd.f32 v4, v3  }
0x401: {  	v4 =	vld [tilespmem:s14+$0x6090]  }
0x402: {  	v3 =	vadd.f32 v5, v3  }
0x403: {  	v5 =	vld [tilespmem:s11+$0x6890]  }
0x404: {  	v3 =	vadd.f32 v6, v3  }
0x405: {  	v6 =	vld [tilespmem:s15+$0x6090]  }
0x406: {  	v3 =	vadd.f32 v4, v3;
	_ =	sdelay $0x1  }
0x407: {  	v3 =	vadd.f32 v5, v3;
	_ =	sdelay $0x1  }
0x408: {  	v3 =	vadd.f32 v6, v3;
	_ =	sdelay $0x1  }
0x409: {  	[tilespmem:s13+$0x10] =	vst v3  }
0x40a: {  	v3 =	vld [tilespmem:s11+$0x60A0]  }
0x40b: {  	v4 =	vld [tilespmem:s11+$0x6120];
	_ =	sdelay $0x1  }
0x40c: {  	v5 =	vld [tilespmem:s16+$0x60A0];
	_ =	sdelay $0x1  }
0x40d: {  	v6 =	vld [tilespmem:s17+$0x60A0]  }
0x40e: {  	v3 =	vadd.f32 v4, v3  }
0x40f: {  	v4 =	vld [tilespmem:s18+$0x60A0]  }
0x410: {  	v3 =	vadd.f32 v5, v3  }
0x411: {  	v5 =	vld [tilespmem:s19+$0x60A0]  }
0x412: {  	v3 =	vadd.f32 v6, v3  }
0x413: {  	v6 =	vld [tilespmem:s21+$0x60A0]  }
0x414: {  	v3 =	vadd.f32 v4, v3  }
0x415: {  	v4 =	vld [tilespmem:s14+$0x60A0]  }
0x416: {  	v3 =	vadd.f32 v5, v3  }
0x417: {  	v5 =	vld [tilespmem:s11+$0x68A0]  }
0x418: {  	v3 =	vadd.f32 v6, v3  }
0x419: {  	v6 =	vld [tilespmem:s15+$0x60A0]  }
0x41a: {  	v3 =	vadd.f32 v4, v3;
	_ =	sdelay $0x1  }
0x41b: {  	v3 =	vadd.f32 v5, v3;
	_ =	sdelay $0x1  }
0x41c: {  	v3 =	vadd.f32 v6, v3;
	_ =	sdelay $0x1  }
0x41d: {  	[tilespmem:s13+$0x20] =	vst v3  }
0x41e: {  	v3 =	vld [tilespmem:s11+$0x60B0]  }
0x41f: {  	v4 =	vld [tilespmem:s11+$0x6130];
	_ =	sdelay $0x1  }
0x420: {  	v5 =	vld [tilespmem:s16+$0x60B0];
	_ =	sdelay $0x1  }
0x421: {  	v6 =	vld [tilespmem:s17+$0x60B0]  }
0x422: {  	v3 =	vadd.f32 v4, v3  }
0x423: {  	v4 =	vld [tilespmem:s18+$0x60B0]  }
0x424: {  	v3 =	vadd.f32 v5, v3  }
0x425: {  	v5 =	vld [tilespmem:s19+$0x60B0]  }
0x426: {  	v3 =	vadd.f32 v6, v3  }
0x427: {  	v6 =	vld [tilespmem:s21+$0x60B0]  }
0x428: {  	v3 =	vadd.f32 v4, v3  }
0x429: {  	v4 =	vld [tilespmem:s14+$0x60B0]  }
0x42a: {  	v3 =	vadd.f32 v5, v3  }
0x42b: {  	v5 =	vld [tilespmem:s11+$0x68B0]  }
0x42c: {  	v3 =	vadd.f32 v6, v3  }
0x42d: {  	v6 =	vld [tilespmem:s15+$0x60B0]  }
0x42e: {  	v3 =	vadd.f32 v4, v3;
	_ =	sdelay $0x1  }
0x42f: {  	v3 =	vadd.f32 v5, v3;
	_ =	sdelay $0x1  }
0x430: {  	v3 =	vadd.f32 v6, v3;
	_ =	sdelay $0x1  }
0x431: {  	[tilespmem:s13+$0x30] =	vst v3  }
0x432: {  	v3 =	vld [tilespmem:s11+$0x60C0]  }
0x433: {  	v4 =	vld [tilespmem:s11+$0x6140];
	_ =	sdelay $0x1  }
0x434: {  	v5 =	vld [tilespmem:s16+$0x60C0];
	_ =	sdelay $0x1  }
0x435: {  	v6 =	vld [tilespmem:s17+$0x60C0]  }
0x436: {  	v3 =	vadd.f32 v4, v3  }
0x437: {  	v4 =	vld [tilespmem:s18+$0x60C0]  }
0x438: {  	v3 =	vadd.f32 v5, v3  }
0x439: {  	v5 =	vld [tilespmem:s19+$0x60C0]  }
0x43a: {  	v3 =	vadd.f32 v6, v3  }
0x43b: {  	v6 =	vld [tilespmem:s21+$0x60C0]  }
0x43c: {  	v3 =	vadd.f32 v4, v3  }
0x43d: {  	v4 =	vld [tilespmem:s14+$0x60C0]  }
0x43e: {  	v3 =	vadd.f32 v5, v3  }
0x43f: {  	v5 =	vld [tilespmem:s11+$0x68C0]  }
0x440: {  	v3 =	vadd.f32 v6, v3  }
0x441: {  	v6 =	vld [tilespmem:s15+$0x60C0]  }
0x442: {  	v3 =	vadd.f32 v4, v3;
	_ =	sdelay $0x1  }
0x443: {  	v3 =	vadd.f32 v5, v3;
	_ =	sdelay $0x1  }
0x444: {  	v3 =	vadd.f32 v6, v3;
	_ =	sdelay $0x1  }
0x445: {  	[tilespmem:s13+$0x40] =	vst v3  }
0x446: {  	v3 =	vld [tilespmem:s11+$0x60D0]  }
0x447: {  	v4 =	vld [tilespmem:s11+$0x6150];
	_ =	sdelay $0x1  }
0x448: {  	v5 =	vld [tilespmem:s16+$0x60D0];
	_ =	sdelay $0x1  }
0x449: {  	v6 =	vld [tilespmem:s17+$0x60D0]  }
0x44a: {  	v3 =	vadd.f32 v4, v3  }
0x44b: {  	v4 =	vld [tilespmem:s18+$0x60D0]  }
0x44c: {  	v3 =	vadd.f32 v5, v3  }
0x44d: {  	v5 =	vld [tilespmem:s19+$0x60D0]  }
0x44e: {  	v3 =	vadd.f32 v6, v3  }
0x44f: {  	v6 =	vld [tilespmem:s21+$0x60D0]  }
0x450: {  	v3 =	vadd.f32 v4, v3  }
0x451: {  	v4 =	vld [tilespmem:s14+$0x60D0]  }
0x452: {  	v3 =	vadd.f32 v5, v3  }
0x453: {  	v5 =	vld [tilespmem:s11+$0x68D0]  }
0x454: {  	v3 =	vadd.f32 v6, v3  }
0x455: {  	v6 =	vld [tilespmem:s15+$0x60D0]  }
0x456: {  	v3 =	vadd.f32 v4, v3;
	_ =	sdelay $0x1  }
0x457: {  	v3 =	vadd.f32 v5, v3;
	_ =	sdelay $0x1  }
0x458: {  	v3 =	vadd.f32 v6, v3;
	_ =	sdelay $0x1  }
0x459: {  	[tilespmem:s13+$0x50] =	vst v3  }
0x45a: {  	v3 =	vld [tilespmem:s11+$0x60E0]  }
0x45b: {  	v4 =	vld [tilespmem:s11+$0x6160];
	_ =	sdelay $0x1  }
0x45c: {  	v5 =	vld [tilespmem:s16+$0x60E0];
	_ =	sdelay $0x1  }
0x45d: {  	v6 =	vld [tilespmem:s17+$0x60E0]  }
0x45e: {  	v3 =	vadd.f32 v4, v3  }
0x45f: {  	v4 =	vld [tilespmem:s18+$0x60E0]  }
0x460: {  	v3 =	vadd.f32 v5, v3  }
0x461: {  	v5 =	vld [tilespmem:s19+$0x60E0]  }
0x462: {  	v3 =	vadd.f32 v6, v3  }
0x463: {  	v6 =	vld [tilespmem:s21+$0x60E0]  }
0x464: {  	v3 =	vadd.f32 v4, v3  }
0x465: {  	v4 =	vld [tilespmem:s14+$0x60E0]  }
0x466: {  	v3 =	vadd.f32 v5, v3  }
0x467: {  	v5 =	vld [tilespmem:s11+$0x68E0]  }
0x468: {  	v3 =	vadd.f32 v6, v3  }
0x469: {  	v6 =	vld [tilespmem:s15+$0x60E0]  }
0x46a: {  	v3 =	vadd.f32 v4, v3;
	_ =	sdelay $0x1  }
0x46b: {  	v3 =	vadd.f32 v5, v3;
	_ =	sdelay $0x1  }
0x46c: {  	v3 =	vadd.f32 v6, v3;
	_ =	sdelay $0x1  }
0x46d: {  	[tilespmem:s13+$0x60] =	vst v3  }
0x46e: {  	v4 =	vld [tilespmem:s11+$0x60F0]  }
0x46f: {  	v8 =	vld [tilespmem:s11+$0x6170]  }
0x470: {  	v7 =	vld [tilespmem:s16+$0x60F0]  }
0x471: {  	v6 =	vld [tilespmem:s17+$0x60F0]  }
0x472: {  	v5 =	vld [tilespmem:s18+$0x60F0]  }
0x473: {  	v3 =	vld [tilespmem:s19+$0x60F0]  }
0x474: {  	s17 =	simm.s32 $0xA00;
	s16 =	simm.s32 $0xB080;
	v8 =	vadd.f32 v8, v4;
	v4 =	vld [tilespmem:s21+$0x60F0]  }
.LBB2_7:
0x475: {  	v9 =	vld [tilespmem:s14+$0x60F0];
	s10 =	sadd.s32 $0x100, s10;
	s12 =	sadd.s32 $0x500, s12;
	s13 =	sadd.s32 $0x80, s13  }
0x476: {  	p0 =	sne.s32 s17, $0x4600;
	s24 =	smov.u32 s17;
	s17 =	sadd.s32 $0xA00, s17;
	v7 =	vadd.f32 v7, v8;
	v8 =	vld [tilespmem:s11+$0x68F0]  }
0x477: {  	v10 =	vld [tilespmem:s15+$0x60F0]  }
0x478: {  	v6 =	vadd.f32 v6, v7;
	_ =	sdelay $0x1  }
0x479: {  	v5 =	vadd.f32 v5, v6;
	_ =	sdelay $0x1  }
0x47a: {  	v3 =	vadd.f32 v3, v5;
	_ =	sdelay $0x1  }
0x47b: {  	v3 =	vadd.f32 v4, v3;
	_ =	sdelay $0x1  }
0x47c: {  	v3 =	vadd.f32 v9, v3;
	_ =	sdelay $0x1  }
0x47d: {  	v3 =	vadd.f32 v8, v3;
	_ =	sdelay $0x1  }
0x47e: {  	s11 =	sand.u32 $0x7800, s24;
	s14 =	sand.u32 $0x300, s10;
	v3 =	vadd.f32 v10, v3  }
0x47f: {  	s11 =	sor.u32 s14, s11  }
0x480: {  	s14 =	sadd.s32 $0x200, s24;
	s15 =	sadd.s32 $0xFFFFFC80, s12;
	[tilespmem:s16+$0x70] =	vst v3;
	s16 =	smov.u32 s13  }
0x481: {  	s14 =	sand.u32 $0xF800, s14;
	s15 =	sand.u32 $0x300, s15;
	v3 =	vld [tilespmem:s11+$0x5C80]  }
0x482: {  	s18 =	sor.u32 s15, s14;
	s14 =	sadd.s32 $0x300, s24;
	s15 =	sadd.s32 $0xFFFFFD00, s12;
	v4 =	vld [tilespmem:s11+$0x5D00]  }
0x483: {  	s14 =	sand.u32 $0xF800, s14;
	s15 =	sand.u32 $0x380, s15;
	v5 =	vld [tilespmem:s18+$0x5C80]  }
0x484: {  	s19 =	sor.u32 s15, s14;
	s14 =	sadd.s32 $0x400, s24;
	s15 =	sadd.s32 $0xFFFFFD80, s12  }
0x485: {  	s14 =	sand.u32 $0xF800, s14;
	s15 =	sand.u32 $0x300, s15;
	v6 =	vld [tilespmem:s19+$0x5C80]  }
0x486: {  	s21 =	sor.u32 s15, s14;
	s14 =	sadd.s32 $0x500, s24;
	s15 =	sadd.s32 $0xFFFFFE00, s12  }
0x487: {  	s14 =	sand.u32 $0xF800, s14;
	s15 =	sand.u32 $0x380, s15;
	v3 =	vadd.f32 v4, v3;
	v4 =	vld [tilespmem:s21+$0x5C80]  }
0x488: {  	s22 =	sor.u32 s15, s14;
	s14 =	sadd.s32 $0x600, s24;
	s15 =	sadd.s32 $0xFFFFFE80, s12  }
0x489: {  	s14 =	sand.u32 $0xF800, s14;
	s15 =	sand.u32 $0x300, s15;
	v3 =	vadd.f32 v5, v3;
	v5 =	vld [tilespmem:s22+$0x5C80]  }
0x48a: {  	s23 =	sor.u32 s15, s14;
	s14 =	sadd.s32 $0x700, s24;
	s15 =	sadd.s32 $0xFFFFFF00, s12  }
0x48b: {  	s14 =	sand.u32 $0xF800, s14;
	s15 =	sand.u32 $0x380, s15;
	v3 =	vadd.f32 v6, v3;
	v6 =	vld [tilespmem:s23+$0x5C80]  }
0x48c: {  	s14 =	sor.u32 s15, s14  }
0x48d: {  	v3 =	vadd.f32 v4, v3;
	v4 =	vld [tilespmem:s14+$0x5C80];
	_ =	sdelay $0x1  }
0x48e: {  	s15 =	sadd.s32 $0x900, s24;
	v3 =	vadd.f32 v5, v3  }
0x48f: {  	s24 =	sand.u32 $0x380, s12;
	s15 =	sand.u32 $0xF800, s15;
	v5 =	vld [tilespmem:s11+$0x6480]  }
0x490: {  	s15 =	sor.u32 s24, s15;
	v3 =	vadd.f32 v6, v3  }
0x491: {  	v6 =	vld [tilespmem:s15+$0x5C80]  }
0x492: {  	v3 =	vadd.f32 v4, v3;
	_ =	sdelay $0x1  }
0x493: {  	v3 =	vadd.f32 v5, v3;
	_ =	sdelay $0x1  }
0x494: {  	v3 =	vadd.f32 v6, v3;
	_ =	sdelay $0x1  }
0x495: {  	[tilespmem:s13+$0xFFFFFC00] =	vst v3  }
0x496: {  	v3 =	vld [tilespmem:s11+$0x5C90]  }
0x497: {  	v4 =	vld [tilespmem:s11+$0x5D10];
	_ =	sdelay $0x1  }
0x498: {  	v5 =	vld [tilespmem:s18+$0x5C90];
	_ =	sdelay $0x1  }
0x499: {  	v6 =	vld [tilespmem:s19+$0x5C90]  }
0x49a: {  	v3 =	vadd.f32 v4, v3  }
0x49b: {  	v4 =	vld [tilespmem:s21+$0x5C90]  }
0x49c: {  	v3 =	vadd.f32 v5, v3  }
0x49d: {  	v5 =	vld [tilespmem:s22+$0x5C90]  }
0x49e: {  	v3 =	vadd.f32 v6, v3  }
0x49f: {  	v6 =	vld [tilespmem:s23+$0x5C90]  }
0x4a0: {  	v3 =	vadd.f32 v4, v3  }
0x4a1: {  	v4 =	vld [tilespmem:s14+$0x5C90]  }
0x4a2: {  	v3 =	vadd.f32 v5, v3  }
0x4a3: {  	v5 =	vld [tilespmem:s11+$0x6490]  }
0x4a4: {  	v3 =	vadd.f32 v6, v3  }
0x4a5: {  	v6 =	vld [tilespmem:s15+$0x5C90]  }
0x4a6: {  	v3 =	vadd.f32 v4, v3;
	_ =	sdelay $0x1  }
0x4a7: {  	v3 =	vadd.f32 v5, v3;
	_ =	sdelay $0x1  }
0x4a8: {  	v3 =	vadd.f32 v6, v3;
	_ =	sdelay $0x1  }
0x4a9: {  	[tilespmem:s13+$0xFFFFFC10] =	vst v3  }
0x4aa: {  	v3 =	vld [tilespmem:s11+$0x5CA0]  }
0x4ab: {  	v4 =	vld [tilespmem:s11+$0x5D20];
	_ =	sdelay $0x1  }
0x4ac: {  	v5 =	vld [tilespmem:s18+$0x5CA0];
	_ =	sdelay $0x1  }
0x4ad: {  	v6 =	vld [tilespmem:s19+$0x5CA0]  }
0x4ae: {  	v3 =	vadd.f32 v4, v3  }
0x4af: {  	v4 =	vld [tilespmem:s21+$0x5CA0]  }
0x4b0: {  	v3 =	vadd.f32 v5, v3  }
0x4b1: {  	v5 =	vld [tilespmem:s22+$0x5CA0]  }
0x4b2: {  	v3 =	vadd.f32 v6, v3  }
0x4b3: {  	v6 =	vld [tilespmem:s23+$0x5CA0]  }
0x4b4: {  	v3 =	vadd.f32 v4, v3  }
0x4b5: {  	v4 =	vld [tilespmem:s14+$0x5CA0]  }
0x4b6: {  	v3 =	vadd.f32 v5, v3  }
0x4b7: {  	v5 =	vld [tilespmem:s11+$0x64A0]  }
0x4b8: {  	v3 =	vadd.f32 v6, v3  }
0x4b9: {  	v6 =	vld [tilespmem:s15+$0x5CA0]  }
0x4ba: {  	v3 =	vadd.f32 v4, v3;
	_ =	sdelay $0x1  }
0x4bb: {  	v3 =	vadd.f32 v5, v3;
	_ =	sdelay $0x1  }
0x4bc: {  	v3 =	vadd.f32 v6, v3;
	_ =	sdelay $0x1  }
0x4bd: {  	[tilespmem:s13+$0xFFFFFC20] =	vst v3  }
0x4be: {  	v3 =	vld [tilespmem:s11+$0x5CB0]  }
0x4bf: {  	v4 =	vld [tilespmem:s11+$0x5D30];
	_ =	sdelay $0x1  }
0x4c0: {  	v5 =	vld [tilespmem:s18+$0x5CB0];
	_ =	sdelay $0x1  }
0x4c1: {  	v6 =	vld [tilespmem:s19+$0x5CB0]  }
0x4c2: {  	v3 =	vadd.f32 v4, v3  }
0x4c3: {  	v4 =	vld [tilespmem:s21+$0x5CB0]  }
0x4c4: {  	v3 =	vadd.f32 v5, v3  }
0x4c5: {  	v5 =	vld [tilespmem:s22+$0x5CB0]  }
0x4c6: {  	v3 =	vadd.f32 v6, v3  }
0x4c7: {  	v6 =	vld [tilespmem:s23+$0x5CB0]  }
0x4c8: {  	v3 =	vadd.f32 v4, v3  }
0x4c9: {  	v4 =	vld [tilespmem:s14+$0x5CB0]  }
0x4ca: {  	v3 =	vadd.f32 v5, v3  }
0x4cb: {  	v5 =	vld [tilespmem:s11+$0x64B0]  }
0x4cc: {  	v3 =	vadd.f32 v6, v3  }
0x4cd: {  	v6 =	vld [tilespmem:s15+$0x5CB0]  }
0x4ce: {  	v3 =	vadd.f32 v4, v3;
	_ =	sdelay $0x1  }
0x4cf: {  	v3 =	vadd.f32 v5, v3;
	_ =	sdelay $0x1  }
0x4d0: {  	v3 =	vadd.f32 v6, v3;
	_ =	sdelay $0x1  }
0x4d1: {  	[tilespmem:s13+$0xFFFFFC30] =	vst v3  }
0x4d2: {  	v3 =	vld [tilespmem:s11+$0x5CC0]  }
0x4d3: {  	v4 =	vld [tilespmem:s11+$0x5D40];
	_ =	sdelay $0x1  }
0x4d4: {  	v5 =	vld [tilespmem:s18+$0x5CC0];
	_ =	sdelay $0x1  }
0x4d5: {  	v6 =	vld [tilespmem:s19+$0x5CC0]  }
0x4d6: {  	v3 =	vadd.f32 v4, v3  }
0x4d7: {  	v4 =	vld [tilespmem:s21+$0x5CC0]  }
0x4d8: {  	v3 =	vadd.f32 v5, v3  }
0x4d9: {  	v5 =	vld [tilespmem:s22+$0x5CC0]  }
0x4da: {  	v3 =	vadd.f32 v6, v3  }
0x4db: {  	v6 =	vld [tilespmem:s23+$0x5CC0]  }
0x4dc: {  	v3 =	vadd.f32 v4, v3  }
0x4dd: {  	v4 =	vld [tilespmem:s14+$0x5CC0]  }
0x4de: {  	v3 =	vadd.f32 v5, v3  }
0x4df: {  	v5 =	vld [tilespmem:s11+$0x64C0]  }
0x4e0: {  	v3 =	vadd.f32 v6, v3  }
0x4e1: {  	v6 =	vld [tilespmem:s15+$0x5CC0]  }
0x4e2: {  	v3 =	vadd.f32 v4, v3;
	_ =	sdelay $0x1  }
0x4e3: {  	v3 =	vadd.f32 v5, v3;
	_ =	sdelay $0x1  }
0x4e4: {  	v3 =	vadd.f32 v6, v3;
	_ =	sdelay $0x1  }
0x4e5: {  	[tilespmem:s13+$0xFFFFFC40] =	vst v3  }
0x4e6: {  	v3 =	vld [tilespmem:s11+$0x5CD0]  }
0x4e7: {  	v4 =	vld [tilespmem:s11+$0x5D50]  }
0x4e8: {  	v5 =	vld [tilespmem:s18+$0x5CD0]  }
0x4e9: {  	v6 =	vld [tilespmem:s21+$0x5CD0]  }
0x4ea: {  	v7 =	vld [tilespmem:s19+$0x5CD0];
	_ =	sdelay $0x1  }
0x4eb: {  	v3 =	vadd.f32 v4, v3;
	_ =	sdelay $0x1  }
0x4ec: {  	v3 =	vadd.f32 v5, v3  }
0x4ed: {  	v4 =	vld [tilespmem:s22+$0x5CD0]  }
0x4ee: {  	v3 =	vadd.f32 v7, v3  }
0x4ef: {  	v5 =	vld [tilespmem:s23+$0x5CD0]  }
0x4f0: {  	v3 =	vadd.f32 v6, v3  }
0x4f1: {  	v6 =	vld [tilespmem:s14+$0x5CD0]  }
0x4f2: {  	v3 =	vadd.f32 v4, v3  }
0x4f3: {  	v4 =	vld [tilespmem:s11+$0x64D0]  }
0x4f4: {  	v3 =	vadd.f32 v5, v3  }
0x4f5: {  	v5 =	vld [tilespmem:s15+$0x5CD0]  }
0x4f6: {  	v3 =	vadd.f32 v6, v3;
	_ =	sdelay $0x1  }
0x4f7: {  	v3 =	vadd.f32 v4, v3;
	_ =	sdelay $0x1  }
0x4f8: {  	v3 =	vadd.f32 v5, v3;
	_ =	sdelay $0x1  }
0x4f9: {  	[tilespmem:s13+$0xFFFFFC50] =	vst v3  }
0x4fa: {  	v3 =	vld [tilespmem:s11+$0x5CE0]  }
0x4fb: {  	v4 =	vld [tilespmem:s11+$0x5D60]  }
0x4fc: {  	v5 =	vld [tilespmem:s18+$0x5CE0];
	_ =	sdelay $0x2  }
0x4fd: {  	v6 =	vld [tilespmem:s19+$0x5CE0]  }
0x4fe: {  	v3 =	vadd.f32 v4, v3  }
0x4ff: {  	v4 =	vld [tilespmem:s21+$0x5CE0]  }
0x500: {  	v3 =	vadd.f32 v5, v3  }
0x501: {  	v5 =	vld [tilespmem:s22+$0x5CE0]  }
0x502: {  	v3 =	vadd.f32 v6, v3  }
0x503: {  	v6 =	vld [tilespmem:s23+$0x5CE0]  }
0x504: {  	v3 =	vadd.f32 v4, v3  }
0x505: {  	v4 =	vld [tilespmem:s14+$0x5CE0]  }
0x506: {  	v3 =	vadd.f32 v5, v3  }
0x507: {  	v5 =	vld [tilespmem:s11+$0x64E0]  }
0x508: {  	v3 =	vadd.f32 v6, v3  }
0x509: {  	v6 =	vld [tilespmem:s15+$0x5CE0]  }
0x50a: {  	v3 =	vadd.f32 v4, v3;
	_ =	sdelay $0x1  }
0x50b: {  	v3 =	vadd.f32 v5, v3;
	_ =	sdelay $0x1  }
0x50c: {  	v3 =	vadd.f32 v6, v3;
	_ =	sdelay $0x1  }
0x50d: {  	[tilespmem:s13+$0xFFFFFC60] =	vst v3  }
0x50e: {  	v3 =	vld [tilespmem:s11+$0x5CF0]  }
0x50f: {  	v4 =	vld [tilespmem:s11+$0x5D70]  }
0x510: {  	v5 =	vld [tilespmem:s19+$0x5CF0]  }
0x511: {  	v6 =	vld [tilespmem:s18+$0x5CF0];
	_ =	sdelay $0x2  }
0x512: {  	v3 =	vadd.f32 v4, v3  }
0x513: {  	v4 =	vld [tilespmem:s21+$0x5CF0]  }
0x514: {  	v3 =	vadd.f32 v6, v3  }
0x515: {  	v6 =	vld [tilespmem:s22+$0x5CF0]  }
0x516: {  	v3 =	vadd.f32 v5, v3  }
0x517: {  	v5 =	vld [tilespmem:s23+$0x5CF0]  }
0x518: {  	v3 =	vadd.f32 v4, v3  }
0x519: {  	v4 =	vld [tilespmem:s14+$0x5CF0]  }
0x51a: {  	v3 =	vadd.f32 v6, v3  }
0x51b: {  	v6 =	vld [tilespmem:s11+$0x64F0]  }
0x51c: {  	v3 =	vadd.f32 v5, v3  }
0x51d: {  	v5 =	vld [tilespmem:s15+$0x5CF0]  }
0x51e: {  	v3 =	vadd.f32 v4, v3;
	_ =	sdelay $0x1  }
0x51f: {  	v3 =	vadd.f32 v6, v3;
	_ =	sdelay $0x1  }
0x520: {  	v3 =	vadd.f32 v5, v3;
	_ =	sdelay $0x1  }
0x521: {  	[tilespmem:s13+$0xFFFFFC70] =	vst v3  }
0x522: {  	v3 =	vld [tilespmem:s11+$0x6080]  }
0x523: {  	v4 =	vld [tilespmem:s11+$0x6100]  }
0x524: {  	v5 =	vld [tilespmem:s18+$0x6080];
	_ =	sdelay $0x2  }
0x525: {  	v6 =	vld [tilespmem:s19+$0x6080]  }
0x526: {  	v3 =	vadd.f32 v4, v3  }
0x527: {  	v4 =	vld [tilespmem:s21+$0x6080]  }
0x528: {  	v3 =	vadd.f32 v5, v3  }
0x529: {  	v5 =	vld [tilespmem:s22+$0x6080]  }
0x52a: {  	v3 =	vadd.f32 v6, v3  }
0x52b: {  	v6 =	vld [tilespmem:s23+$0x6080]  }
0x52c: {  	v3 =	vadd.f32 v4, v3  }
0x52d: {  	v4 =	vld [tilespmem:s14+$0x6080]  }
0x52e: {  	v3 =	vadd.f32 v5, v3  }
0x52f: {  	v5 =	vld [tilespmem:s11+$0x6880]  }
0x530: {  	v3 =	vadd.f32 v6, v3  }
0x531: {  	v6 =	vld [tilespmem:s15+$0x6080]  }
0x532: {  	v3 =	vadd.f32 v4, v3;
	_ =	sdelay $0x1  }
0x533: {  	v3 =	vadd.f32 v5, v3;
	_ =	sdelay $0x1  }
0x534: {  	v3 =	vadd.f32 v6, v3;
	_ =	sdelay $0x1  }
0x535: {  	[tilespmem:s13+$0x0] =	vst v3  }
0x536: {  	v3 =	vld [tilespmem:s11+$0x6090]  }
0x537: {  	v4 =	vld [tilespmem:s11+$0x6110]  }
0x538: {  	v5 =	vld [tilespmem:s19+$0x6090]  }
0x539: {  	v6 =	vld [tilespmem:s18+$0x6090]  }
0x53a: {  	v7 =	vld [tilespmem:s21+$0x6090]  }
0x53b: {  	v8 =	vld [tilespmem:s22+$0x6090]  }
0x53c: {  	v3 =	vadd.f32 v4, v3;
	v4 =	vld [tilespmem:s23+$0x6090]  }
0x53d: {  	v9 =	vld [tilespmem:s14+$0x6090]  }
0x53e: {  	v3 =	vadd.f32 v6, v3;
	v6 =	vld [tilespmem:s11+$0x6890]  }
0x53f: {  	v10 =	vld [tilespmem:s15+$0x6090]  }
0x540: {  	v3 =	vadd.f32 v5, v3;
	_ =	sdelay $0x1  }
0x541: {  	v3 =	vadd.f32 v7, v3;
	_ =	sdelay $0x1  }
0x542: {  	v3 =	vadd.f32 v8, v3;
	_ =	sdelay $0x1  }
0x543: {  	v3 =	vadd.f32 v4, v3;
	_ =	sdelay $0x1  }
0x544: {  	v3 =	vadd.f32 v9, v3;
	_ =	sdelay $0x1  }
0x545: {  	v3 =	vadd.f32 v6, v3;
	_ =	sdelay $0x1  }
0x546: {  	v3 =	vadd.f32 v10, v3;
	_ =	sdelay $0x1  }
0x547: {  	[tilespmem:s13+$0x10] =	vst v3  }
0x548: {  	v3 =	vld [tilespmem:s11+$0x60A0]  }
0x549: {  	v4 =	vld [tilespmem:s11+$0x6120]  }
0x54a: {  	v5 =	vld [tilespmem:s19+$0x60A0]  }
0x54b: {  	v6 =	vld [tilespmem:s18+$0x60A0]  }
0x54c: {  	v7 =	vld [tilespmem:s21+$0x60A0]  }
0x54d: {  	v8 =	vld [tilespmem:s22+$0x60A0]  }
0x54e: {  	v3 =	vadd.f32 v4, v3;
	v4 =	vld [tilespmem:s23+$0x60A0]  }
0x54f: {  	v9 =	vld [tilespmem:s14+$0x60A0]  }
0x550: {  	v3 =	vadd.f32 v6, v3;
	v6 =	vld [tilespmem:s11+$0x68A0]  }
0x551: {  	v10 =	vld [tilespmem:s15+$0x60A0]  }
0x552: {  	v3 =	vadd.f32 v5, v3;
	_ =	sdelay $0x1  }
0x553: {  	v3 =	vadd.f32 v7, v3;
	_ =	sdelay $0x1  }
0x554: {  	v3 =	vadd.f32 v8, v3;
	_ =	sdelay $0x1  }
0x555: {  	v3 =	vadd.f32 v4, v3;
	_ =	sdelay $0x1  }
0x556: {  	v3 =	vadd.f32 v9, v3;
	_ =	sdelay $0x1  }
0x557: {  	v3 =	vadd.f32 v6, v3;
	_ =	sdelay $0x1  }
0x558: {  	v3 =	vadd.f32 v10, v3;
	_ =	sdelay $0x1  }
0x559: {  	[tilespmem:s13+$0x20] =	vst v3  }
0x55a: {  	v3 =	vld [tilespmem:s11+$0x60B0]  }
0x55b: {  	v4 =	vld [tilespmem:s11+$0x6130]  }
0x55c: {  	v5 =	vld [tilespmem:s18+$0x60B0]  }
0x55d: {  	v6 =	vld [tilespmem:s19+$0x60B0]  }
0x55e: {  	v7 =	vld [tilespmem:s21+$0x60B0]  }
0x55f: {  	v8 =	vld [tilespmem:s22+$0x60B0]  }
0x560: {  	v3 =	vadd.f32 v4, v3;
	v4 =	vld [tilespmem:s23+$0x60B0]  }
0x561: {  	v9 =	vld [tilespmem:s14+$0x60B0]  }
0x562: {  	v3 =	vadd.f32 v5, v3;
	v5 =	vld [tilespmem:s11+$0x68B0]  }
0x563: {  	v10 =	vld [tilespmem:s15+$0x60B0]  }
0x564: {  	v3 =	vadd.f32 v6, v3;
	_ =	sdelay $0x1  }
0x565: {  	v3 =	vadd.f32 v7, v3;
	_ =	sdelay $0x1  }
0x566: {  	v3 =	vadd.f32 v8, v3;
	_ =	sdelay $0x1  }
0x567: {  	v3 =	vadd.f32 v4, v3;
	_ =	sdelay $0x1  }
0x568: {  	v3 =	vadd.f32 v9, v3;
	_ =	sdelay $0x1  }
0x569: {  	v3 =	vadd.f32 v5, v3;
	_ =	sdelay $0x1  }
0x56a: {  	v3 =	vadd.f32 v10, v3;
	_ =	sdelay $0x1  }
0x56b: {  	[tilespmem:s13+$0x30] =	vst v3  }
0x56c: {  	v3 =	vld [tilespmem:s11+$0x60C0]  }
0x56d: {  	v4 =	vld [tilespmem:s11+$0x6140]  }
0x56e: {  	v5 =	vld [tilespmem:s18+$0x60C0]  }
0x56f: {  	v6 =	vld [tilespmem:s19+$0x60C0]  }
0x570: {  	v7 =	vld [tilespmem:s21+$0x60C0]  }
0x571: {  	v8 =	vld [tilespmem:s22+$0x60C0]  }
0x572: {  	v3 =	vadd.f32 v4, v3;
	v4 =	vld [tilespmem:s23+$0x60C0]  }
0x573: {  	v9 =	vld [tilespmem:s14+$0x60C0]  }
0x574: {  	v3 =	vadd.f32 v5, v3;
	v5 =	vld [tilespmem:s11+$0x68C0]  }
0x575: {  	v10 =	vld [tilespmem:s15+$0x60C0]  }
0x576: {  	v3 =	vadd.f32 v6, v3;
	_ =	sdelay $0x1  }
0x577: {  	v3 =	vadd.f32 v7, v3;
	_ =	sdelay $0x1  }
0x578: {  	v3 =	vadd.f32 v8, v3;
	_ =	sdelay $0x1  }
0x579: {  	v3 =	vadd.f32 v4, v3;
	_ =	sdelay $0x1  }
0x57a: {  	v3 =	vadd.f32 v9, v3;
	_ =	sdelay $0x1  }
0x57b: {  	v3 =	vadd.f32 v5, v3;
	_ =	sdelay $0x1  }
0x57c: {  	v3 =	vadd.f32 v10, v3;
	_ =	sdelay $0x1  }
0x57d: {  	[tilespmem:s13+$0x40] =	vst v3  }
0x57e: {  	v3 =	vld [tilespmem:s11+$0x60D0]  }
0x57f: {  	v4 =	vld [tilespmem:s11+$0x6150]  }
0x580: {  	v5 =	vld [tilespmem:s18+$0x60D0]  }
0x581: {  	v6 =	vld [tilespmem:s19+$0x60D0]  }
0x582: {  	v7 =	vld [tilespmem:s21+$0x60D0]  }
0x583: {  	v8 =	vld [tilespmem:s22+$0x60D0]  }
0x584: {  	v3 =	vadd.f32 v4, v3;
	v4 =	vld [tilespmem:s23+$0x60D0]  }
0x585: {  	v9 =	vld [tilespmem:s14+$0x60D0]  }
0x586: {  	v3 =	vadd.f32 v5, v3;
	v5 =	vld [tilespmem:s11+$0x68D0]  }
0x587: {  	v10 =	vld [tilespmem:s15+$0x60D0]  }
0x588: {  	v3 =	vadd.f32 v6, v3;
	_ =	sdelay $0x1  }
0x589: {  	v3 =	vadd.f32 v7, v3;
	_ =	sdelay $0x1  }
0x58a: {  	v3 =	vadd.f32 v8, v3;
	_ =	sdelay $0x1  }
0x58b: {  	v3 =	vadd.f32 v4, v3;
	_ =	sdelay $0x1  }
0x58c: {  	v3 =	vadd.f32 v9, v3;
	_ =	sdelay $0x1  }
0x58d: {  	v3 =	vadd.f32 v5, v3;
	_ =	sdelay $0x1  }
0x58e: {  	v3 =	vadd.f32 v10, v3;
	_ =	sdelay $0x1  }
0x58f: {  	[tilespmem:s13+$0x50] =	vst v3  }
0x590: {  	v3 =	vld [tilespmem:s11+$0x60E0]  }
0x591: {  	v4 =	vld [tilespmem:s11+$0x6160]  }
0x592: {  	v5 =	vld [tilespmem:s18+$0x60E0]  }
0x593: {  	v6 =	vld [tilespmem:s19+$0x60E0]  }
0x594: {  	v7 =	vld [tilespmem:s21+$0x60E0]  }
0x595: {  	v8 =	vld [tilespmem:s22+$0x60E0]  }
0x596: {  	v3 =	vadd.f32 v4, v3;
	v4 =	vld [tilespmem:s23+$0x60E0]  }
0x597: {  	v9 =	vld [tilespmem:s14+$0x60E0]  }
0x598: {  	v3 =	vadd.f32 v5, v3;
	v5 =	vld [tilespmem:s11+$0x68E0]  }
0x599: {  	v10 =	vld [tilespmem:s15+$0x60E0]  }
0x59a: {  	v3 =	vadd.f32 v6, v3;
	_ =	sdelay $0x1  }
0x59b: {  	v3 =	vadd.f32 v7, v3;
	_ =	sdelay $0x1  }
0x59c: {  	v3 =	vadd.f32 v8, v3;
	_ =	sdelay $0x1  }
0x59d: {  	v3 =	vadd.f32 v4, v3;
	_ =	sdelay $0x1  }
0x59e: {  	v3 =	vadd.f32 v9, v3;
	_ =	sdelay $0x1  }
0x59f: {  	v3 =	vadd.f32 v5, v3;
	_ =	sdelay $0x1  }
0x5a0: {  	v3 =	vadd.f32 v10, v3;
	_ =	sdelay $0x1  }
0x5a1: {  	[tilespmem:s13+$0x60] =	vst v3  }
0x5a2: {  	v4 =	vld [tilespmem:s11+$0x60F0]  }
0x5a3: {  	v8 =	vld [tilespmem:s11+$0x6170]  }
.Ltmp2:
0x5a4: {  	v7 =	vld [tilespmem:s18+$0x60F0];
	(pc) =	sbr.rel @p0 .LBB2_7-.Ltmp2, $4  }
0x5a5: {  	v6 =	vld [tilespmem:s19+$0x60F0]  }
0x5a6: {  	v5 =	vld [tilespmem:s21+$0x60F0]  }
0x5a7: {  	v3 =	vld [tilespmem:s22+$0x60F0]  }
0x5a8: {  	v8 =	vadd.f32 v8, v4;
	v4 =	vld [tilespmem:s23+$0x60F0]  }
0x5a9: {  	_ = 	snop  }
0x5aa: {  	v7 =	vadd.f32 v7, v8;
	_ =	sdelay $0x1  }
0x5ab: {  	v6 =	vadd.f32 v6, v7;
	_ =	sdelay $0x1  }
0x5ac: {  	v5 =	vadd.f32 v5, v6  }
0x5ad: {  	v61 =	vld [tilespmem:s14+$0x60F0]  }
0x5ae: {  	v3 =	vadd.f32 v3, v5  }
0x5af: {  	v62 =	vld [tilespmem:s11+$0x68F0]  }
0x5b0: {  	v3 =	vadd.f32 v4, v3  }
0x5b1: {  	v63 =	vld [tilespmem:s15+$0x60F0]  }
0x5b2: {  	v3 =	vadd.f32 v61, v3;
	_ =	sdelay $0x1  }
0x5b3: {  	v3 =	vadd.f32 v62, v3  }
0x5b4: {  	s5 =	sadd.s32 s7, s5  }
0x5b5: {  	s8 =	sadd.s32 $0x1, s8;
	s5 =	sshll.u32 s5, $0x8;
	v3 =	vadd.f32 v63, v3  }
0x5b6: {  	p0 =	sne.s32 s8, $0x14;
	s5 =	sand.u32 $0x1FFFFF00, s5  }
.Ltmp3:
0x5b7: {  	s5 =	sadd.s32 s4, s5;
	[tilespmem:s16+$0x70] =	vst v3;
	(pc) =	sbr.rel @p0 .LBB2_2-.Ltmp3, $4  }
0x5b8: {  	[hbm4b:s5+s3] =	stream.linear.scatter [tilespmem:s1], [sflag:$0x3], $0x800, $0x38;
	[tilespmem:$0xB480] =	vst v63  }
0x5b9: {  	_ =	swait.ge [sflag:s9], $0x800  }
0x5ba: {  	[sflag:s9] =	ssyncset.done $0x0  }
0x5bb: {  	[sflag:s9] =	ssyncadd.s32 $0xFFFFF800  }
0x5bc: {  	s8 =	rddreg [dreg:$0x5]  }
0x5bd: {  	s5 =	rddreg [dreg:$0x4];
	s8 =	sadd.s32 $0x1, s8  }
0x5be: {  	p0 =	sne.s32 s8, s5  }
.Ltmp4:
0x5bf: {  	_ = 	snop;
	(pc) =	sbr.rel @p0 .LBB2_1-.Ltmp4, $1  }
0x5c0: {  	_ =	sdelay $0x3  }
0x5c1: {  	_ =	sfence.sel $0x180000  }
0x5c2: {  	[bflag:$0x0] =	sbarrier.arrive $0xFFFF  }
0x5c3: {  	_ =	strace $0x90000047  }
0x5c4: {  	s0 =	stileid.u32;
	[bflag:$0x2] =	sbarrier.arrive $0xFFFF  }
0x5c5: {  	p0 =	sne.s32 s0, $0x0;
	s0 =	rddreg [dreg:$0x2]  }
0x5c6: {  	s0 =	sadd.s32 @!p0 $0x100000, s0  }
0x5c7: {  	[sflag:s0] =	ssyncadd.tile.s32 @!p0 $0x1;
	_ =	shalt  }
.Lfunc_end2:
_tile_overlayer_lowered:
.L_overlay_start_2:
0x5c8: {  	(tag) =	ssettag $0x2  }
0x5c9: {  	s0 =	rddreg [dreg:$0x0];
	s2 =	stileid.u32  }
0x5ca: {  	s1 =	rddreg [dreg:$0x1];
	p0 =	sne.s32 s2, $0x0  }
0x5cb: {  	s3 =	rddreg [dreg:$0x2];
	[bflag:$0x3] =	sbarrier.arrive $0xFFFF;
	s2 =	simm.s32 @!p0 $0x1C03  }
0x5cc: {  	[timem:s3], [sflag:s2] =	dma.local @!p0 [hbm:s0], s1  }
0x5cd: {  	s0 =	simm.s32 @!p0 $0x3  }
0x5ce: {  	_ =	swait.ge @!p0 [sflag:s0], s1  }
0x5cf: {  	s1 =	ssub.s32 @!p0 $0x0, s1;
	[sflag:s0] =	ssyncset.done @!p0 $0x0  }
0x5d0: {  	[sflag:s0] =	ssyncadd.s32 @!p0 s1  }
0x5d1: {  	[bflag:$0x3] =	sbarrier.arrive $0xFFFF  }
0x5d2: {  	_ =	shalt  }

</sc_bundles>
